<compile_context>
chip_gen: v7x
topology: tpu7x:2x2x1
jax: 0.10.2.dev20260603
libtpu: 0.0.44.dev20260713+nightly
codegen_flags: <defaults>
</compile_context>

<pallas_src>
import jax
import jax.numpy as jnp
from jax import lax
from jax.experimental import pallas as pl
from jax.experimental.pallas import tpu as pltpu
from jax.experimental.pallas import tpu_sc as plsc

N = 10000
NP = 10240
E = 320000
B = 128
C = 10
NC, NS = 2, 16
NW = NC * NS
RPW = 80
ER = NW * RPW
EP = ER * B
RPT = ER // NS
TRASH = 10200
STRIPE = NP // NS


def _mesh():
    return plsc.VectorSubcoreMesh(core_axis_name="c", subcore_axis_name="s",
                                  num_cores=NC, num_subcores=NS)


_PARAMS = pltpu.CompilerParams(use_tc_tiling_on_sc=False)


def _fill_rows(rows, nr, w, val):
    v16 = jnp.full((16,), val, jnp.float32)

    def frow(i, carry):
        for k in range(w // 16):
            rows[i, pl.ds(k * 16, 16)] = v16
        return carry

    lax.fori_loop(0, nr, frow, 0)


def _fill3(ref3, w, val):
    v16 = jnp.full((16,), val, jnp.float32)

    def frow(i, carry):
        for s in range(2):
            for k in range(w // 16):
                ref3[s, i, pl.ds(k * 16, 16)] = v16
        return carry

    lax.fori_loop(0, B, frow, 0)


def _agg_pipeline(tab, srcr, dstr, idx_s, idx_d, rows, agg, sem, base,
                  nchunks, cnt=None):

    def chunk(cc, carry):
        pltpu.sync_copy(srcr.at[pl.ds(base + cc * C, C)], idx_s)
        pltpu.sync_copy(dstr.at[pl.ds(base + cc * C, C)], idx_d)
        pltpu.async_copy(tab.at[idx_s.at[0]], rows.at[0], sem)

        def mbody(j, carry2):
            s = lax.rem(j, 2)
            ns = lax.rem(j + 1, 2)
            pltpu.make_async_copy(tab.at[idx_s.at[j]], rows.at[s],
                                  sem).wait()

            @pl.when(j < C - 1)
            def _():
                pltpu.async_copy(tab.at[idx_s.at[j + 1]], rows.at[ns], sem)

            pltpu.sync_copy(rows.at[s], agg.at[idx_d.at[j]], add=True)
            if cnt is not None:
                ones, cnt_sh = cnt
                pltpu.sync_copy(ones, cnt_sh.at[idx_d.at[j]], add=True)
            return carry2

        lax.fori_loop(0, C, mbody, 0)
        return carry

    lax.fori_loop(0, nchunks, chunk, 0)


def _sc_edge_agg(table, src_i, dst_i, w, with_counts):
    out_type = [jax.ShapeDtypeStruct((NP, w), jnp.float32) for _ in range(2)]
    scratch = [
        pltpu.VMEM((C, B), jnp.int32),
        pltpu.VMEM((C, B), jnp.int32),
        pltpu.VMEM((2, B, w), jnp.float32),
        pltpu.VMEM_SHARED((NP, w), jnp.float32),
        pltpu.SemaphoreType.DMA,
    ]
    if with_counts:
        out_type += [jax.ShapeDtypeStruct((NP, 16), jnp.float32)
                     for _ in range(2)]
        scratch += [
            pltpu.VMEM((B, 16), jnp.float32),
            pltpu.VMEM_SHARED((NP, 16), jnp.float32),
        ]

    def body(tab, srcr, dstr, *rest):
        if with_counts:
            (p0, p1, c0, c1, idx_s, idx_d, rows, agg, sem, ones,
             cnt_sh) = rest
        else:
            p0, p1, idx_s, idx_d, rows, agg, sem = rest
        cid = lax.axis_index("c")
        sid = lax.axis_index("s")
        wid = cid * NS + sid
        base = wid * RPW
        _fill3(rows, w, 0.0)
        for k in range(STRIPE // B):
            pltpu.sync_copy(rows.at[0],
                            agg.at[pl.ds(sid * STRIPE + k * B, B)])
        if with_counts:
            _fill_rows(ones, B, 16, 0.0)
            for k in range(STRIPE // B):
                pltpu.sync_copy(ones.at[pl.ds(0, B)],
                                cnt_sh.at[pl.ds(sid * STRIPE + k * B, B)])
            _fill_rows(ones, B, 16, 1.0)
        plsc.subcore_barrier()
        cnt = (ones, cnt_sh) if with_counts else None
        _agg_pipeline(tab, srcr, dstr, idx_s, idx_d, rows, agg, sem, base,
                      RPW // C, cnt)
        plsc.subcore_barrier()

        @pl.when(cid == 0)
        def _():
            pltpu.sync_copy(agg.at[pl.ds(sid * STRIPE, STRIPE)],
                            p0.at[pl.ds(sid * STRIPE, STRIPE)])
            if with_counts:
                pltpu.sync_copy(cnt_sh.at[pl.ds(sid * STRIPE, STRIPE)],
                                c0.at[pl.ds(sid * STRIPE, STRIPE)])

        @pl.when(cid == 1)
        def _():
            pltpu.sync_copy(agg.at[pl.ds(sid * STRIPE, STRIPE)],
                            p1.at[pl.ds(sid * STRIPE, STRIPE)])
            if with_counts:
                pltpu.sync_copy(cnt_sh.at[pl.ds(sid * STRIPE, STRIPE)],
                                c1.at[pl.ds(sid * STRIPE, STRIPE)])

    fn = pl.kernel(body, out_type=out_type, mesh=_mesh(),
                   scratch_types=scratch, compiler_params=_PARAMS)
    return fn(table, src_i, dst_i)


def _sc_feat_agg(h0a, h0b, src_i, dst_i):
    w = 128
    out_type = [jax.ShapeDtypeStruct((NP, w), jnp.float32) for _ in range(2)]
    scratch = [
        pltpu.VMEM((C, B), jnp.int32),
        pltpu.VMEM((C, B), jnp.int32),
        pltpu.VMEM((2, B, w), jnp.float32),
        pltpu.VMEM_SHARED((NP, w), jnp.float32),
        pltpu.SemaphoreType.DMA,
    ]

    def body(taba, tabb, srcr, dstr, q0, q1, idx_s, idx_d, rows, agg, sem):
        cid = lax.axis_index("c")
        sid = lax.axis_index("s")
        base = sid * RPT
        _fill3(rows, w, 0.0)
        for k in range(STRIPE // B):
            pltpu.sync_copy(rows.at[0],
                            agg.at[pl.ds(sid * STRIPE + k * B, B)])
        plsc.subcore_barrier()

        @pl.when(cid == 0)
        def _():
            _agg_pipeline(taba, srcr, dstr, idx_s, idx_d, rows, agg, sem,
                          base, RPT // C)

        @pl.when(cid == 1)
        def _():
            _agg_pipeline(tabb, srcr, dstr, idx_s, idx_d, rows, agg, sem,
                          base, RPT // C)

        plsc.subcore_barrier()

        @pl.when(cid == 0)
        def _():
            pltpu.sync_copy(agg.at[pl.ds(sid * STRIPE, STRIPE)],
                            q0.at[pl.ds(sid * STRIPE, STRIPE)])

        @pl.when(cid == 1)
        def _():
            pltpu.sync_copy(agg.at[pl.ds(sid * STRIPE, STRIPE)],
                            q1.at[pl.ds(sid * STRIPE, STRIPE)])

    fn = pl.kernel(body, out_type=out_type, mesh=_mesh(),
                   scratch_types=scratch, compiler_params=_PARAMS)
    return fn(h0a, h0b, src_i, dst_i)


TM = 256
GRID = NP // TM


def _tc_layer0(p0, p1, c0, c1, x, wl, wr, b):
    def body(p0r, p1r, c0r, c1r, xr, wlr, wrr, br, oa, ob, oi):
        cnt = c0r[...][:, :1] + c1r[...][:, :1]
        inv = 1.0 / jnp.maximum(cnt, 1.0)
        mean = (p0r[...] + p1r[...]) * inv
        h = (jnp.dot(mean, wlr[...], preferred_element_type=jnp.float32)
             + jnp.dot(xr[...], wrr[...], preferred_element_type=jnp.float32)
             + br[...])
        h = jnp.maximum(h, 0.0)
        oa[...] = h[:, :128]
        ob[...] = h[:, 128:]
        oi[...] = inv

    return pl.pallas_call(
        body,
        grid=(GRID,),
        in_specs=[
            pl.BlockSpec((TM, 128), lambda i: (i, 0)),
            pl.BlockSpec((TM, 128), lambda i: (i, 0)),
            pl.BlockSpec((TM, 16), lambda i: (i, 0)),
            pl.BlockSpec((TM, 16), lambda i: (i, 0)),
            pl.BlockSpec((TM, 128), lambda i: (i, 0)),
            pl.BlockSpec((128, 256), lambda i: (0, 0)),
            pl.BlockSpec((128, 256), lambda i: (0, 0)),
            pl.BlockSpec((1, 256), lambda i: (0, 0)),
        ],
        out_specs=[pl.BlockSpec((TM, 128), lambda i: (i, 0)),
                   pl.BlockSpec((TM, 128), lambda i: (i, 0)),
                   pl.BlockSpec((TM, 1), lambda i: (i, 0))],
        out_shape=[jax.ShapeDtypeStruct((NP, 128), jnp.float32),
                   jax.ShapeDtypeStruct((NP, 128), jnp.float32),
                   jax.ShapeDtypeStruct((NP, 1), jnp.float32)],
    )(p0, p1, c0, c1, x, wl, wr, b)


def _tc_mid(q0, q1, inv, h0a, h0b, wl1, wr1, b1, wl2, wr2, b2):
    def body(q0r, q1r, ivr, har, hbr, wl1r, wr1r, b1r, wl2r, wr2r, b2r,
             oy, oz):
        inv_ = ivr[...]
        mean = jnp.concatenate([q0r[...] * inv_, q1r[...] * inv_], axis=1)
        h0 = jnp.concatenate([har[...], hbr[...]], axis=1)
        h1 = (jnp.dot(mean, wl1r[...], preferred_element_type=jnp.float32)
              + jnp.dot(h0, wr1r[...], preferred_element_type=jnp.float32)
              + b1r[...])
        h1 = jnp.maximum(h1, 0.0)
        oy[...] = jnp.dot(h1, wl2r[...], preferred_element_type=jnp.float32)
        oz[...] = (jnp.dot(h1, wr2r[...], preferred_element_type=jnp.float32)
                   + b2r[...])

    return pl.pallas_call(
        body,
        grid=(GRID,),
        in_specs=[
            pl.BlockSpec((TM, 128), lambda i: (i, 0)),
            pl.BlockSpec((TM, 128), lambda i: (i, 0)),
            pl.BlockSpec((TM, 1), lambda i: (i, 0)),
            pl.BlockSpec((TM, 128), lambda i: (i, 0)),
            pl.BlockSpec((TM, 128), lambda i: (i, 0)),
            pl.BlockSpec((256, 256), lambda i: (0, 0)),
            pl.BlockSpec((256, 256), lambda i: (0, 0)),
            pl.BlockSpec((1, 256), lambda i: (0, 0)),
            pl.BlockSpec((256, 64), lambda i: (0, 0)),
            pl.BlockSpec((256, 64), lambda i: (0, 0)),
            pl.BlockSpec((1, 64), lambda i: (0, 0)),
        ],
        out_specs=[pl.BlockSpec((TM, 64), lambda i: (i, 0))] * 2,
        out_shape=[jax.ShapeDtypeStruct((NP, 64), jnp.float32)] * 2,
    )(q0, q1, inv, h0a, h0b, wl1, wr1, b1, wl2, wr2, b2)


def _tc_out(r0, r1, inv, z2):
    def body(r0r, r1r, ivr, zr, o):
        pre = (r0r[...] + r1r[...]) * ivr[...] + zr[...]
        col = lax.broadcasted_iota(jnp.int32, (TM, 64), 1)
        valid = col < 40
        prem = jnp.where(valid, pre, -jnp.inf)
        m = jnp.max(prem, axis=1, keepdims=True)
        e = jnp.where(valid, jnp.exp(prem - m), 0.0)
        s = jnp.sum(e, axis=1, keepdims=True)
        o[...] = prem - m - jnp.log(s)

    return pl.pallas_call(
        body,
        grid=(GRID,),
        in_specs=[
            pl.BlockSpec((TM, 64), lambda i: (i, 0)),
            pl.BlockSpec((TM, 64), lambda i: (i, 0)),
            pl.BlockSpec((TM, 1), lambda i: (i, 0)),
            pl.BlockSpec((TM, 64), lambda i: (i, 0)),
        ],
        out_specs=pl.BlockSpec((TM, 64), lambda i: (i, 0)),
        out_shape=jax.ShapeDtypeStruct((NP, 64), jnp.float32),
    )(r0, r1, inv, z2)


def kernel(x, edge_index, Wl0, Wr0, b0, Wl1, Wr1, b1, Wl2, Wr2, b2):
    src = edge_index[0].astype(jnp.int32)
    dst = edge_index[1].astype(jnp.int32)
    pad = EP - E
    pad_ids = lax.iota(jnp.int32, pad)
    src_i = jnp.concatenate([src, pad_ids % N]).reshape(ER, B)
    dst_i = jnp.concatenate([dst, N + pad_ids % (NP - N)]).reshape(ER, B)
    xp = jnp.pad(x, ((0, NP - N), (0, 0)))
    wl2p = jnp.pad(Wl2, ((0, 0), (0, 24)))
    wr2p = jnp.pad(Wr2, ((0, 0), (0, 24)))
    b2p = jnp.pad(b2, (0, 24)).reshape(1, 64)
    b0r = b0.reshape(1, -1)
    b1r = b1.reshape(1, -1)

    p0, p1, c0, c1 = _sc_edge_agg(xp, src_i, dst_i, 128, True)
    h0a, h0b, inv = _tc_layer0(p0, p1, c0, c1, xp, Wl0, Wr0, b0r)
    q0, q1 = _sc_feat_agg(h0a, h0b, src_i, dst_i)
    y2, z2 = _tc_mid(q0, q1, inv, h0a, h0b, Wl1, Wr1, b1r, wl2p, wr2p, b2p)
    r0, r1 = _sc_edge_agg(y2, src_i, dst_i, 64, False)
    outp = _tc_out(r0, r1, inv, z2)
    return outp[:N, :40]

# --- scband reference (transcript-rebuilt; emitter-appended) ---
"""Pipeline reference for scband-graph-sage-90950227460489 (READ-ONLY COPY).

The authoritative reference and input builder live on the scoring server;
editing this copy changes nothing except your own understanding.
"""

import jax, jax.numpy as jnp
import numpy as np

N_NODES = 10000
N_EDGES = 320000
D_IN = 128
D_HID = 256
D_OUT = 40


def _init_linear(key, fan_in, fan_out):
    k1, k2 = jax.random.split(key)
    bound = 1.0 / np.sqrt(fan_in)
    W = jax.random.uniform(k1, (fan_in, fan_out), minval=-bound, maxval=bound, dtype=jnp.float32)
    b = jax.random.uniform(k2, (fan_out,), minval=-bound, maxval=bound, dtype=jnp.float32)
    return W, b


def setup_inputs(seed: int = 0) -> dict:
    key = jax.random.key(seed)
    ks = jax.random.split(key, 8)
    x = jax.random.normal(ks[0], (N_NODES, D_IN), dtype=jnp.float32)
    edge_index = jax.random.randint(ks[1], (2, N_EDGES), 0, N_NODES, dtype=jnp.int64)
    # SAGEConv params: out = mean_agg(x_j) @ Wl + x @ Wr + b
    Wl0, b0 = _init_linear(ks[2], D_IN, D_HID)
    Wr0, _ = _init_linear(ks[3], D_IN, D_HID)
    Wl1, b1 = _init_linear(ks[4], D_HID, D_HID)
    Wr1, _ = _init_linear(ks[5], D_HID, D_HID)
    Wl2, b2 = _init_linear(ks[6], D_HID, D_OUT)
    Wr2, _ = _init_linear(ks[7], D_HID, D_OUT)
    return {"x": x, "edge_index": edge_index,
            "Wl0": Wl0, "Wr0": Wr0, "b0": b0,
            "Wl1": Wl1, "Wr1": Wr1, "b1": b1,
            "Wl2": Wl2, "Wr2": Wr2, "b2": b2}


def _sage_conv(x, edge_index, Wl, Wr, b):
    src = edge_index[0]
    dst = edge_index[1]
    msgs = jnp.take(x, src, axis=0)                       # gather (SparseCore)
    agg = jax.ops.segment_sum(msgs, dst, num_segments=x.shape[0])   # scatter-add
    cnt = jax.ops.segment_sum(jnp.ones((edge_index.shape[1],), dtype=x.dtype), dst,
                              num_segments=x.shape[0])
    mean = agg / jnp.clip(cnt, 1.0, None)[:, None]
    return mean @ Wl + x @ Wr + b


def reference(x, edge_index, Wl0, Wr0, b0, Wl1, Wr1, b1, Wl2, Wr2, b2):
    # SAGE forward (eval mode: dropout is identity)
    h = _sage_conv(x, edge_index, Wl0, Wr0, b0)
    h = jax.nn.relu(h)
    h = _sage_conv(h, edge_index, Wl1, Wr1, b1)
    h = jax.nn.relu(h)
    h = _sage_conv(h, edge_index, Wl2, Wr2, b2)
    return jax.nn.log_softmax(h, axis=-1)

if __name__ == "__main__":
    import jax
    _d = setup_inputs()
    print(jax.jit(kernel)(*tuple(_d.values())))

</pallas_src>

<mosaic_0001>
#map = affine_map<(d0, d1) -> (0, 0)>
module attributes {stable_mosaic.version = 14 : i64} {
  func.func @body(%arg0: i32, %arg1: i32, %arg2: memref<10240x64xf32, #tpu.memory_space<hbm>>, %arg3: memref<2560x128xi32, #tpu.memory_space<hbm>>, %arg4: memref<2560x128xi32, #tpu.memory_space<hbm>>, %arg5: memref<10240x64xf32, #tpu.memory_space<hbm>>, %arg6: memref<10240x64xf32, #tpu.memory_space<hbm>>, %arg7: memref<10x128xi32, #tpu.memory_space<vmem>>, %arg8: memref<10x128xi32, #tpu.memory_space<vmem>>, %arg9: memref<2x128x64xf32, #tpu.memory_space<vmem>>, %arg10: memref<10240x64xf32, #tpu.memory_space<vmem_shared>>, %arg11: memref<!tpu.dma_semaphore, #tpu.memory_space<semaphore_mem>>) attributes {dimension_semantics = [#tpu.dimension_semantics<core_parallel>, #tpu.dimension_semantics<subcore_parallel>], iteration_bounds = array<i64: 2, 16>, scalar_prefetch = 0 : i64, scratch_operands = 5 : i64, tpu.core_type = #tpu.core_type<sc_vector_subcore>, window_params = [{transform_indices = #map}, {transform_indices = #map}, {transform_indices = #map}, {transform_indices = #map}, {transform_indices = #map}]} {
    %mul3A = arith.constant 16 : i32
    %mul3A_0 = arith.muli %arg0, %mul3A : i32
    %add3A = arith.addi %mul3A_0, %arg1 : i32
    %mul3A_1 = arith.constant 80 : i32
    %mul3A_2 = arith.muli %add3A, %mul3A_1 : i32
    %broadcast_in_dim3A = arith.constant 0.000000e+00 : f32
    %broadcast_in_dim3A_3 = vector.broadcast %broadcast_in_dim3A : f32 to vector<16xf32>
    %scan3A = arith.constant 0 : i32
    %scan3A_4 = arith.constant 0 : i32
    %scan3A_5 = arith.constant 128 : i32
    %scan3A_6 = arith.addi %scan3A_4, %scan3A_5 : i32
    %scan3A_7 = arith.constant 1 : i32
    scf.for %scan3A_47 = %scan3A_4 to %scan3A_6 step %scan3A_7  : i32 {
      %swap3A = arith.constant 0 : i32
      %swap3A_48 = arith.index_cast %swap3A : i32 to index
      %swap3A_49 = arith.index_cast %scan3A_47 : i32 to index
      %swap3A_50 = arith.constant 0 : index
      %swap3A_51 = tpu.vector_load %arg9[%swap3A_48, %swap3A_49, %swap3A_50] {strides = array<i32>} : memref<2x128x64xf32, #tpu.memory_space<vmem>>, vector<1x1x16xf32>,
      %swap3A_52 = vector.shape_cast %swap3A_51 : vector<1x1x16xf32> to vector<16xf32>
      %swap3A_53 = vector.shape_cast %broadcast_in_dim3A_3 : vector<16xf32> to vector<1x1x16xf32>
      tpu.vector_store %arg9[%swap3A_48, %swap3A_49, %swap3A_50], %swap3A_53 {strides = array<i32>} : memref<2x128x64xf32, #tpu.memory_space<vmem>>, vector<1x1x16xf32>,
      %swap3A_54 = arith.constant 0 : i32
      %swap3A_55 = arith.index_cast %swap3A_54 : i32 to index
      %swap3A_56 = arith.index_cast %scan3A_47 : i32 to index
      %swap3A_57 = arith.constant 16 : index
      %swap3A_58 = tpu.vector_load %arg9[%swap3A_55, %swap3A_56, %swap3A_57] {strides = array<i32>} : memref<2x128x64xf32, #tpu.memory_space<vmem>>, vector<1x1x16xf32>,
      %swap3A_59 = vector.shape_cast %swap3A_58 : vector<1x1x16xf32> to vector<16xf32>
      %swap3A_60 = vector.shape_cast %broadcast_in_dim3A_3 : vector<16xf32> to vector<1x1x16xf32>
      tpu.vector_store %arg9[%swap3A_55, %swap3A_56, %swap3A_57], %swap3A_60 {strides = array<i32>} : memref<2x128x64xf32, #tpu.memory_space<vmem>>, vector<1x1x16xf32>,
      %swap3A_61 = arith.constant 0 : i32
      %swap3A_62 = arith.index_cast %swap3A_61 : i32 to index
      %swap3A_63 = arith.index_cast %scan3A_47 : i32 to index
      %swap3A_64 = arith.constant 32 : index
      %swap3A_65 = tpu.vector_load %arg9[%swap3A_62, %swap3A_63, %swap3A_64] {strides = array<i32>} : memref<2x128x64xf32, #tpu.memory_space<vmem>>, vector<1x1x16xf32>,
      %swap3A_66 = vector.shape_cast %swap3A_65 : vector<1x1x16xf32> to vector<16xf32>
      %swap3A_67 = vector.shape_cast %broadcast_in_dim3A_3 : vector<16xf32> to vector<1x1x16xf32>
      tpu.vector_store %arg9[%swap3A_62, %swap3A_63, %swap3A_64], %swap3A_67 {strides = array<i32>} : memref<2x128x64xf32, #tpu.memory_space<vmem>>, vector<1x1x16xf32>,
      %swap3A_68 = arith.constant 0 : i32
      %swap3A_69 = arith.index_cast %swap3A_68 : i32 to index
      %swap3A_70 = arith.index_cast %scan3A_47 : i32 to index
      %swap3A_71 = arith.constant 48 : index
      %swap3A_72 = tpu.vector_load %arg9[%swap3A_69, %swap3A_70, %swap3A_71] {strides = array<i32>} : memref<2x128x64xf32, #tpu.memory_space<vmem>>, vector<1x1x16xf32>,
      %swap3A_73 = vector.shape_cast %swap3A_72 : vector<1x1x16xf32> to vector<16xf32>
      %swap3A_74 = vector.shape_cast %broadcast_in_dim3A_3 : vector<16xf32> to vector<1x1x16xf32>
      tpu.vector_store %arg9[%swap3A_69, %swap3A_70, %swap3A_71], %swap3A_74 {strides = array<i32>} : memref<2x128x64xf32, #tpu.memory_space<vmem>>, vector<1x1x16xf32>,
      %swap3A_75 = arith.constant 1 : i32
      %swap3A_76 = arith.index_cast %swap3A_75 : i32 to index
      %swap3A_77 = arith.index_cast %scan3A_47 : i32 to index
      %swap3A_78 = arith.constant 0 : index
      %swap3A_79 = tpu.vector_load %arg9[%swap3A_76, %swap3A_77, %swap3A_78] {strides = array<i32>} : memref<2x128x64xf32, #tpu.memory_space<vmem>>, vector<1x1x16xf32>,
      %swap3A_80 = vector.shape_cast %swap3A_79 : vector<1x1x16xf32> to vector<16xf32>
      %swap3A_81 = vector.shape_cast %broadcast_in_dim3A_3 : vector<16xf32> to vector<1x1x16xf32>
      tpu.vector_store %arg9[%swap3A_76, %swap3A_77, %swap3A_78], %swap3A_81 {strides = array<i32>} : memref<2x128x64xf32, #tpu.memory_space<vmem>>, vector<1x1x16xf32>,
      %swap3A_82 = arith.constant 1 : i32
      %swap3A_83 = arith.index_cast %swap3A_82 : i32 to index
      %swap3A_84 = arith.index_cast %scan3A_47 : i32 to index
      %swap3A_85 = arith.constant 16 : index
      %swap3A_86 = tpu.vector_load %arg9[%swap3A_83, %swap3A_84, %swap3A_85] {strides = array<i32>} : memref<2x128x64xf32, #tpu.memory_space<vmem>>, vector<1x1x16xf32>,
      %swap3A_87 = vector.shape_cast %swap3A_86 : vector<1x1x16xf32> to vector<16xf32>
      %swap3A_88 = vector.shape_cast %broadcast_in_dim3A_3 : vector<16xf32> to vector<1x1x16xf32>
      tpu.vector_store %arg9[%swap3A_83, %swap3A_84, %swap3A_85], %swap3A_88 {strides = array<i32>} : memref<2x128x64xf32, #tpu.memory_space<vmem>>, vector<1x1x16xf32>,
      %swap3A_89 = arith.constant 1 : i32
      %swap3A_90 = arith.index_cast %swap3A_89 : i32 to index
      %swap3A_91 = arith.index_cast %scan3A_47 : i32 to index
      %swap3A_92 = arith.constant 32 : index
      %swap3A_93 = tpu.vector_load %arg9[%swap3A_90, %swap3A_91, %swap3A_92] {strides = array<i32>} : memref<2x128x64xf32, #tpu.memory_space<vmem>>, vector<1x1x16xf32>,
      %swap3A_94 = vector.shape_cast %swap3A_93 : vector<1x1x16xf32> to vector<16xf32>
      %swap3A_95 = vector.shape_cast %broadcast_in_dim3A_3 : vector<16xf32> to vector<1x1x16xf32>
      tpu.vector_store %arg9[%swap3A_90, %swap3A_91, %swap3A_92], %swap3A_95 {strides = array<i32>} : memref<2x128x64xf32, #tpu.memory_space<vmem>>, vector<1x1x16xf32>,
      %swap3A_96 = arith.constant 1 : i32
      %swap3A_97 = arith.index_cast %swap3A_96 : i32 to index
      %swap3A_98 = arith.index_cast %scan3A_47 : i32 to index
      %swap3A_99 = arith.constant 48 : index
      %swap3A_100 = tpu.vector_load %arg9[%swap3A_97, %swap3A_98, %swap3A_99] {strides = array<i32>} : memref<2x128x64xf32, #tpu.memory_space<vmem>>, vector<1x1x16xf32>,
      %swap3A_101 = vector.shape_cast %swap3A_100 : vector<1x1x16xf32> to vector<16xf32>
      %swap3A_102 = vector.shape_cast %broadcast_in_dim3A_3 : vector<16xf32> to vector<1x1x16xf32>
      tpu.vector_store %arg9[%swap3A_97, %swap3A_98, %swap3A_99], %swap3A_102 {strides = array<i32>} : memref<2x128x64xf32, #tpu.memory_space<vmem>>, vector<1x1x16xf32>,
    }
    %scan3A_8 = arith.constant 128 : i32
    %mul3A_9 = arith.constant 640 : i32
    %mul3A_10 = arith.muli %arg1, %mul3A_9 : i32
    %add3A_11 = arith.constant 0 : i32
    %add3A_12 = arith.addi %mul3A_10, %add3A_11 : i32
    %run_scoped3A = arith.constant 0 : i32
    "tpu.region"() ({
      %run_scoped3A_47 = tpu.sem_alloc : memref<!tpu.dma_semaphore, #tpu.memory_space<semaphore_mem>>
      %dma_start3A = arith.constant 0 : i32
      %dma_start3A_48 = arith.constant 0 : i32
      %dma_start3A_49 = tpu.memref_slice %arg9[%run_scoped3A, %dma_start3A, %dma_start3A_48] : memref<2x128x64xf32, #tpu.memory_space<vmem>> -> memref<1x128x64xf32, #tpu.memory_space<vmem>>
      %dma_start3A_50 = tpu.memref_squeeze %dma_start3A_49 : memref<1x128x64xf32, #tpu.memory_space<vmem>> -> memref<128x64xf32, #tpu.memory_space<vmem>>
      %dma_start3A_51 = arith.constant 0 : i32
      %dma_start3A_52 = tpu.memref_slice %arg10[%add3A_12, %dma_start3A_51] : memref<10240x64xf32, #tpu.memory_space<vmem_shared>> -> memref<128x64xf32, #tpu.memory_space<vmem_shared>>
      %dma_start3A_53 = arith.constant 0 : i32
      %dma_start3A_54 = tpu.memref_slice %arg10[%add3A_12, %dma_start3A_53] : memref<10240x64xf32, #tpu.memory_space<vmem_shared>> -> memref<128x64xf32, #tpu.memory_space<vmem_shared>>
      %dma_start3A_55 = arith.constant 0 : i32
      %dma_start3A_56 = arith.constant 0 : i32
      %dma_start3A_57 = tpu.memref_slice %arg9[%run_scoped3A, %dma_start3A_55, %dma_start3A_56] : memref<2x128x64xf32, #tpu.memory_space<vmem>> -> memref<1x128x64xf32, #tpu.memory_space<vmem>>
      %dma_start3A_58 = tpu.memref_squeeze %dma_start3A_57 : memref<1x128x64xf32, #tpu.memory_space<vmem>> -> memref<128x64xf32, #tpu.memory_space<vmem>>
      tpu.enqueue_dma source(%dma_start3A_58 : memref<128x64xf32, #tpu.memory_space<vmem>>) target(%dma_start3A_54 : memref<128x64xf32, #tpu.memory_space<vmem_shared>>) target_semaphore(%run_scoped3A_47 : memref<!tpu.dma_semaphore, #tpu.memory_space<semaphore_mem>>)
      %dma_wait3A = arith.constant 0 : i32
      %dma_wait3A_59 = arith.constant 0 : i32
      %dma_wait3A_60 = tpu.memref_slice %arg9[%run_scoped3A, %dma_wait3A, %dma_wait3A_59] : memref<2x128x64xf32, #tpu.memory_space<vmem>> -> memref<1x128x64xf32, #tpu.memory_space<vmem>>
      %dma_wait3A_61 = tpu.memref_squeeze %dma_wait3A_60 : memref<1x128x64xf32, #tpu.memory_space<vmem>> -> memref<128x64xf32, #tpu.memory_space<vmem>>
      %dma_wait3A_62 = arith.constant 0 : i32
      %dma_wait3A_63 = tpu.memref_slice %arg10[%add3A_12, %dma_wait3A_62] : memref<10240x64xf32, #tpu.memory_space<vmem_shared>> -> memref<128x64xf32, #tpu.memory_space<vmem_shared>>
      %dma_wait3A_64 = arith.constant 0 : i32
      %dma_wait3A_65 = tpu.memref_slice %arg10[%add3A_12, %dma_wait3A_64] : memref<10240x64xf32, #tpu.memory_space<vmem_shared>> -> memref<128x64xf32, #tpu.memory_space<vmem_shared>>
      %dma_wait3A_66 = arith.constant 0 : i32
      %dma_wait3A_67 = arith.constant 0 : i32
      %dma_wait3A_68 = tpu.memref_slice %arg9[%run_scoped3A, %dma_wait3A_66, %dma_wait3A_67] : memref<2x128x64xf32, #tpu.memory_space<vmem>> -> memref<1x128x64xf32, #tpu.memory_space<vmem>>
      %dma_wait3A_69 = tpu.memref_squeeze %dma_wait3A_68 : memref<1x128x64xf32, #tpu.memory_space<vmem>> -> memref<128x64xf32, #tpu.memory_space<vmem>>
      tpu.wait_dma2 semaphore(%run_scoped3A_47 : memref<!tpu.dma_semaphore, #tpu.memory_space<semaphore_mem>>) src(%dma_wait3A_69 : memref<128x64xf32, #tpu.memory_space<vmem>>) dst(%dma_wait3A_65 : memref<128x64xf32, #tpu.memory_space<vmem_shared>>)
      tpu.yield
    }) : () -> ()
    %mul3A_13 = arith.constant 640 : i32
    %mul3A_14 = arith.muli %arg1, %mul3A_13 : i32
    %add3A_15 = arith.constant 128 : i32
    %add3A_16 = arith.addi %mul3A_14, %add3A_15 : i32
    %run_scoped3A_17 = arith.constant 0 : i32
    "tpu.region"() ({
      %run_scoped3A_47 = tpu.sem_alloc : memref<!tpu.dma_semaphore, #tpu.memory_space<semaphore_mem>>
      %dma_start3A = arith.constant 0 : i32
      %dma_start3A_48 = arith.constant 0 : i32
      %dma_start3A_49 = tpu.memref_slice %arg9[%run_scoped3A_17, %dma_start3A, %dma_start3A_48] : memref<2x128x64xf32, #tpu.memory_space<vmem>> -> memref<1x128x64xf32, #tpu.memory_space<vmem>>
      %dma_start3A_50 = tpu.memref_squeeze %dma_start3A_49 : memref<1x128x64xf32, #tpu.memory_space<vmem>> -> memref<128x64xf32, #tpu.memory_space<vmem>>
      %dma_start3A_51 = arith.constant 0 : i32
      %dma_start3A_52 = tpu.memref_slice %arg10[%add3A_16, %dma_start3A_51] : memref<10240x64xf32, #tpu.memory_space<vmem_shared>> -> memref<128x64xf32, #tpu.memory_space<vmem_shared>>
      %dma_start3A_53 = arith.constant 0 : i32
      %dma_start3A_54 = tpu.memref_slice %arg10[%add3A_16, %dma_start3A_53] : memref<10240x64xf32, #tpu.memory_space<vmem_shared>> -> memref<128x64xf32, #tpu.memory_space<vmem_shared>>
      %dma_start3A_55 = arith.constant 0 : i32
      %dma_start3A_56 = arith.constant 0 : i32
      %dma_start3A_57 = tpu.memref_slice %arg9[%run_scoped3A_17, %dma_start3A_55, %dma_start3A_56] : memref<2x128x64xf32, #tpu.memory_space<vmem>> -> memref<1x128x64xf32, #tpu.memory_space<vmem>>
      %dma_start3A_58 = tpu.memref_squeeze %dma_start3A_57 : memref<1x128x64xf32, #tpu.memory_space<vmem>> -> memref<128x64xf32, #tpu.memory_space<vmem>>
      tpu.enqueue_dma source(%dma_start3A_58 : memref<128x64xf32, #tpu.memory_space<vmem>>) target(%dma_start3A_54 : memref<128x64xf32, #tpu.memory_space<vmem_shared>>) target_semaphore(%run_scoped3A_47 : memref<!tpu.dma_semaphore, #tpu.memory_space<semaphore_mem>>)
      %dma_wait3A = arith.constant 0 : i32
      %dma_wait3A_59 = arith.constant 0 : i32
      %dma_wait3A_60 = tpu.memref_slice %arg9[%run_scoped3A_17, %dma_wait3A, %dma_wait3A_59] : memref<2x128x64xf32, #tpu.memory_space<vmem>> -> memref<1x128x64xf32, #tpu.memory_space<vmem>>
      %dma_wait3A_61 = tpu.memref_squeeze %dma_wait3A_60 : memref<1x128x64xf32, #tpu.memory_space<vmem>> -> memref<128x64xf32, #tpu.memory_space<vmem>>
      %dma_wait3A_62 = arith.constant 0 : i32
      %dma_wait3A_63 = tpu.memref_slice %arg10[%add3A_16, %dma_wait3A_62] : memref<10240x64xf32, #tpu.memory_space<vmem_shared>> -> memref<128x64xf32, #tpu.memory_space<vmem_shared>>
      %dma_wait3A_64 = arith.constant 0 : i32
      %dma_wait3A_65 = tpu.memref_slice %arg10[%add3A_16, %dma_wait3A_64] : memref<10240x64xf32, #tpu.memory_space<vmem_shared>> -> memref<128x64xf32, #tpu.memory_space<vmem_shared>>
      %dma_wait3A_66 = arith.constant 0 : i32
      %dma_wait3A_67 = arith.constant 0 : i32
      %dma_wait3A_68 = tpu.memref_slice %arg9[%run_scoped3A_17, %dma_wait3A_66, %dma_wait3A_67] : memref<2x128x64xf32, #tpu.memory_space<vmem>> -> memref<1x128x64xf32, #tpu.memory_space<vmem>>
      %dma_wait3A_69 = tpu.memref_squeeze %dma_wait3A_68 : memref<1x128x64xf32, #tpu.memory_space<vmem>> -> memref<128x64xf32, #tpu.memory_space<vmem>>
      tpu.wait_dma2 semaphore(%run_scoped3A_47 : memref<!tpu.dma_semaphore, #tpu.memory_space<semaphore_mem>>) src(%dma_wait3A_69 : memref<128x64xf32, #tpu.memory_space<vmem>>) dst(%dma_wait3A_65 : memref<128x64xf32, #tpu.memory_space<vmem_shared>>)
      tpu.yield
    }) : () -> ()
    %mul3A_18 = arith.constant 640 : i32
    %mul3A_19 = arith.muli %arg1, %mul3A_18 : i32
    %add3A_20 = arith.constant 256 : i32
    %add3A_21 = arith.addi %mul3A_19, %add3A_20 : i32
    %run_scoped3A_22 = arith.constant 0 : i32
    "tpu.region"() ({
      %run_scoped3A_47 = tpu.sem_alloc : memref<!tpu.dma_semaphore, #tpu.memory_space<semaphore_mem>>
      %dma_start3A = arith.constant 0 : i32
      %dma_start3A_48 = arith.constant 0 : i32
      %dma_start3A_49 = tpu.memref_slice %arg9[%run_scoped3A_22, %dma_start3A, %dma_start3A_48] : memref<2x128x64xf32, #tpu.memory_space<vmem>> -> memref<1x128x64xf32, #tpu.memory_space<vmem>>
      %dma_start3A_50 = tpu.memref_squeeze %dma_start3A_49 : memref<1x128x64xf32, #tpu.memory_space<vmem>> -> memref<128x64xf32, #tpu.memory_space<vmem>>
      %dma_start3A_51 = arith.constant 0 : i32
      %dma_start3A_52 = tpu.memref_slice %arg10[%add3A_21, %dma_start3A_51] : memref<10240x64xf32, #tpu.memory_space<vmem_shared>> -> memref<128x64xf32, #tpu.memory_space<vmem_shared>>
      %dma_start3A_53 = arith.constant 0 : i32
      %dma_start3A_54 = tpu.memref_slice %arg10[%add3A_21, %dma_start3A_53] : memref<10240x64xf32, #tpu.memory_space<vmem_shared>> -> memref<128x64xf32, #tpu.memory_space<vmem_shared>>
      %dma_start3A_55 = arith.constant 0 : i32
      %dma_start3A_56 = arith.constant 0 : i32
      %dma_start3A_57 = tpu.memref_slice %arg9[%run_scoped3A_22, %dma_start3A_55, %dma_start3A_56] : memref<2x128x64xf32, #tpu.memory_space<vmem>> -> memref<1x128x64xf32, #tpu.memory_space<vmem>>
      %dma_start3A_58 = tpu.memref_squeeze %dma_start3A_57 : memref<1x128x64xf32, #tpu.memory_space<vmem>> -> memref<128x64xf32, #tpu.memory_space<vmem>>
      tpu.enqueue_dma source(%dma_start3A_58 : memref<128x64xf32, #tpu.memory_space<vmem>>) target(%dma_start3A_54 : memref<128x64xf32, #tpu.memory_space<vmem_shared>>) target_semaphore(%run_scoped3A_47 : memref<!tpu.dma_semaphore, #tpu.memory_space<semaphore_mem>>)
      %dma_wait3A = arith.constant 0 : i32
      %dma_wait3A_59 = arith.constant 0 : i32
      %dma_wait3A_60 = tpu.memref_slice %arg9[%run_scoped3A_22, %dma_wait3A, %dma_wait3A_59] : memref<2x128x64xf32, #tpu.memory_space<vmem>> -> memref<1x128x64xf32, #tpu.memory_space<vmem>>
      %dma_wait3A_61 = tpu.memref_squeeze %dma_wait3A_60 : memref<1x128x64xf32, #tpu.memory_space<vmem>> -> memref<128x64xf32, #tpu.memory_space<vmem>>
      %dma_wait3A_62 = arith.constant 0 : i32
      %dma_wait3A_63 = tpu.memref_slice %arg10[%add3A_21, %dma_wait3A_62] : memref<10240x64xf32, #tpu.memory_space<vmem_shared>> -> memref<128x64xf32, #tpu.memory_space<vmem_shared>>
      %dma_wait3A_64 = arith.constant 0 : i32
      %dma_wait3A_65 = tpu.memref_slice %arg10[%add3A_21, %dma_wait3A_64] : memref<10240x64xf32, #tpu.memory_space<vmem_shared>> -> memref<128x64xf32, #tpu.memory_space<vmem_shared>>
      %dma_wait3A_66 = arith.constant 0 : i32
      %dma_wait3A_67 = arith.constant 0 : i32
      %dma_wait3A_68 = tpu.memref_slice %arg9[%run_scoped3A_22, %dma_wait3A_66, %dma_wait3A_67] : memref<2x128x64xf32, #tpu.memory_space<vmem>> -> memref<1x128x64xf32, #tpu.memory_space<vmem>>
      %dma_wait3A_69 = tpu.memref_squeeze %dma_wait3A_68 : memref<1x128x64xf32, #tpu.memory_space<vmem>> -> memref<128x64xf32, #tpu.memory_space<vmem>>
      tpu.wait_dma2 semaphore(%run_scoped3A_47 : memref<!tpu.dma_semaphore, #tpu.memory_space<semaphore_mem>>) src(%dma_wait3A_69 : memref<128x64xf32, #tpu.memory_space<vmem>>) dst(%dma_wait3A_65 : memref<128x64xf32, #tpu.memory_space<vmem_shared>>)
      tpu.yield
    }) : () -> ()
    %mul3A_23 = arith.constant 640 : i32
    %mul3A_24 = arith.muli %arg1, %mul3A_23 : i32
    %add3A_25 = arith.constant 384 : i32
    %add3A_26 = arith.addi %mul3A_24, %add3A_25 : i32
    %run_scoped3A_27 = arith.constant 0 : i32
    "tpu.region"() ({
      %run_scoped3A_47 = tpu.sem_alloc : memref<!tpu.dma_semaphore, #tpu.memory_space<semaphore_mem>>
      %dma_start3A = arith.constant 0 : i32
      %dma_start3A_48 = arith.constant 0 : i32
      %dma_start3A_49 = tpu.memref_slice %arg9[%run_scoped3A_27, %dma_start3A, %dma_start3A_48] : memref<2x128x64xf32, #tpu.memory_space<vmem>> -> memref<1x128x64xf32, #tpu.memory_space<vmem>>
      %dma_start3A_50 = tpu.memref_squeeze %dma_start3A_49 : memref<1x128x64xf32, #tpu.memory_space<vmem>> -> memref<128x64xf32, #tpu.memory_space<vmem>>
      %dma_start3A_51 = arith.constant 0 : i32
      %dma_start3A_52 = tpu.memref_slice %arg10[%add3A_26, %dma_start3A_51] : memref<10240x64xf32, #tpu.memory_space<vmem_shared>> -> memref<128x64xf32, #tpu.memory_space<vmem_shared>>
      %dma_start3A_53 = arith.constant 0 : i32
      %dma_start3A_54 = tpu.memref_slice %arg10[%add3A_26, %dma_start3A_53] : memref<10240x64xf32, #tpu.memory_space<vmem_shared>> -> memref<128x64xf32, #tpu.memory_space<vmem_shared>>
      %dma_start3A_55 = arith.constant 0 : i32
      %dma_start3A_56 = arith.constant 0 : i32
      %dma_start3A_57 = tpu.memref_slice %arg9[%run_scoped3A_27, %dma_start3A_55, %dma_start3A_56] : memref<2x128x64xf32, #tpu.memory_space<vmem>> -> memref<1x128x64xf32, #tpu.memory_space<vmem>>
      %dma_start3A_58 = tpu.memref_squeeze %dma_start3A_57 : memref<1x128x64xf32, #tpu.memory_space<vmem>> -> memref<128x64xf32, #tpu.memory_space<vmem>>
      tpu.enqueue_dma source(%dma_start3A_58 : memref<128x64xf32, #tpu.memory_space<vmem>>) target(%dma_start3A_54 : memref<128x64xf32, #tpu.memory_space<vmem_shared>>) target_semaphore(%run_scoped3A_47 : memref<!tpu.dma_semaphore, #tpu.memory_space<semaphore_mem>>)
      %dma_wait3A = arith.constant 0 : i32
      %dma_wait3A_59 = arith.constant 0 : i32
      %dma_wait3A_60 = tpu.memref_slice %arg9[%run_scoped3A_27, %dma_wait3A, %dma_wait3A_59] : memref<2x128x64xf32, #tpu.memory_space<vmem>> -> memref<1x128x64xf32, #tpu.memory_space<vmem>>
      %dma_wait3A_61 = tpu.memref_squeeze %dma_wait3A_60 : memref<1x128x64xf32, #tpu.memory_space<vmem>> -> memref<128x64xf32, #tpu.memory_space<vmem>>
      %dma_wait3A_62 = arith.constant 0 : i32
      %dma_wait3A_63 = tpu.memref_slice %arg10[%add3A_26, %dma_wait3A_62] : memref<10240x64xf32, #tpu.memory_space<vmem_shared>> -> memref<128x64xf32, #tpu.memory_space<vmem_shared>>
      %dma_wait3A_64 = arith.constant 0 : i32
      %dma_wait3A_65 = tpu.memref_slice %arg10[%add3A_26, %dma_wait3A_64] : memref<10240x64xf32, #tpu.memory_space<vmem_shared>> -> memref<128x64xf32, #tpu.memory_space<vmem_shared>>
      %dma_wait3A_66 = arith.constant 0 : i32
      %dma_wait3A_67 = arith.constant 0 : i32
      %dma_wait3A_68 = tpu.memref_slice %arg9[%run_scoped3A_27, %dma_wait3A_66, %dma_wait3A_67] : memref<2x128x64xf32, #tpu.memory_space<vmem>> -> memref<1x128x64xf32, #tpu.memory_space<vmem>>
      %dma_wait3A_69 = tpu.memref_squeeze %dma_wait3A_68 : memref<1x128x64xf32, #tpu.memory_space<vmem>> -> memref<128x64xf32, #tpu.memory_space<vmem>>
      tpu.wait_dma2 semaphore(%run_scoped3A_47 : memref<!tpu.dma_semaphore, #tpu.memory_space<semaphore_mem>>) src(%dma_wait3A_69 : memref<128x64xf32, #tpu.memory_space<vmem>>) dst(%dma_wait3A_65 : memref<128x64xf32, #tpu.memory_space<vmem_shared>>)
      tpu.yield
    }) : () -> ()
    %mul3A_28 = arith.constant 640 : i32
    %mul3A_29 = arith.muli %arg1, %mul3A_28 : i32
    %add3A_30 = arith.constant 512 : i32
    %add3A_31 = arith.addi %mul3A_29, %add3A_30 : i32
    %run_scoped3A_32 = arith.constant 0 : i32
    "tpu.region"() ({
      %run_scoped3A_47 = tpu.sem_alloc : memref<!tpu.dma_semaphore, #tpu.memory_space<semaphore_mem>>
      %dma_start3A = arith.constant 0 : i32
      %dma_start3A_48 = arith.constant 0 : i32
      %dma_start3A_49 = tpu.memref_slice %arg9[%run_scoped3A_32, %dma_start3A, %dma_start3A_48] : memref<2x128x64xf32, #tpu.memory_space<vmem>> -> memref<1x128x64xf32, #tpu.memory_space<vmem>>
      %dma_start3A_50 = tpu.memref_squeeze %dma_start3A_49 : memref<1x128x64xf32, #tpu.memory_space<vmem>> -> memref<128x64xf32, #tpu.memory_space<vmem>>
      %dma_start3A_51 = arith.constant 0 : i32
      %dma_start3A_52 = tpu.memref_slice %arg10[%add3A_31, %dma_start3A_51] : memref<10240x64xf32, #tpu.memory_space<vmem_shared>> -> memref<128x64xf32, #tpu.memory_space<vmem_shared>>
      %dma_start3A_53 = arith.constant 0 : i32
      %dma_start3A_54 = tpu.memref_slice %arg10[%add3A_31, %dma_start3A_53] : memref<10240x64xf32, #tpu.memory_space<vmem_shared>> -> memref<128x64xf32, #tpu.memory_space<vmem_shared>>
      %dma_start3A_55 = arith.constant 0 : i32
      %dma_start3A_56 = arith.constant 0 : i32
      %dma_start3A_57 = tpu.memref_slice %arg9[%run_scoped3A_32, %dma_start3A_55, %dma_start3A_56] : memref<2x128x64xf32, #tpu.memory_space<vmem>> -> memref<1x128x64xf32, #tpu.memory_space<vmem>>
      %dma_start3A_58 = tpu.memref_squeeze %dma_start3A_57 : memref<1x128x64xf32, #tpu.memory_space<vmem>> -> memref<128x64xf32, #tpu.memory_space<vmem>>
      tpu.enqueue_dma source(%dma_start3A_58 : memref<128x64xf32, #tpu.memory_space<vmem>>) target(%dma_start3A_54 : memref<128x64xf32, #tpu.memory_space<vmem_shared>>) target_semaphore(%run_scoped3A_47 : memref<!tpu.dma_semaphore, #tpu.memory_space<semaphore_mem>>)
      %dma_wait3A = arith.constant 0 : i32
      %dma_wait3A_59 = arith.constant 0 : i32
      %dma_wait3A_60 = tpu.memref_slice %arg9[%run_scoped3A_32, %dma_wait3A, %dma_wait3A_59] : memref<2x128x64xf32, #tpu.memory_space<vmem>> -> memref<1x128x64xf32, #tpu.memory_space<vmem>>
      %dma_wait3A_61 = tpu.memref_squeeze %dma_wait3A_60 : memref<1x128x64xf32, #tpu.memory_space<vmem>> -> memref<128x64xf32, #tpu.memory_space<vmem>>
      %dma_wait3A_62 = arith.constant 0 : i32
      %dma_wait3A_63 = tpu.memref_slice %arg10[%add3A_31, %dma_wait3A_62] : memref<10240x64xf32, #tpu.memory_space<vmem_shared>> -> memref<128x64xf32, #tpu.memory_space<vmem_shared>>
      %dma_wait3A_64 = arith.constant 0 : i32
      %dma_wait3A_65 = tpu.memref_slice %arg10[%add3A_31, %dma_wait3A_64] : memref<10240x64xf32, #tpu.memory_space<vmem_shared>> -> memref<128x64xf32, #tpu.memory_space<vmem_shared>>
      %dma_wait3A_66 = arith.constant 0 : i32
      %dma_wait3A_67 = arith.constant 0 : i32
      %dma_wait3A_68 = tpu.memref_slice %arg9[%run_scoped3A_32, %dma_wait3A_66, %dma_wait3A_67] : memref<2x128x64xf32, #tpu.memory_space<vmem>> -> memref<1x128x64xf32, #tpu.memory_space<vmem>>
      %dma_wait3A_69 = tpu.memref_squeeze %dma_wait3A_68 : memref<1x128x64xf32, #tpu.memory_space<vmem>> -> memref<128x64xf32, #tpu.memory_space<vmem>>
      tpu.wait_dma2 semaphore(%run_scoped3A_47 : memref<!tpu.dma_semaphore, #tpu.memory_space<semaphore_mem>>) src(%dma_wait3A_69 : memref<128x64xf32, #tpu.memory_space<vmem>>) dst(%dma_wait3A_65 : memref<128x64xf32, #tpu.memory_space<vmem_shared>>)
      tpu.yield
    }) : () -> ()
    %barrier3A = arith.constant 0 : index
    tpu.barrier barrier_id(%barrier3A)
    %scan3A_33 = arith.constant 0 : i32
    %scan3A_34 = arith.constant 0 : i32
    %scan3A_35 = arith.constant 8 : i32
    %scan3A_36 = arith.addi %scan3A_34, %scan3A_35 : i32
    %scan3A_37 = arith.constant 1 : i32
    scf.for %scan3A_47 = %scan3A_34 to %scan3A_36 step %scan3A_37  : i32 {
      %mul3A_48 = arith.constant 10 : i32
      %mul3A_49 = arith.muli %scan3A_47, %mul3A_48 : i32
      %add3A_50 = arith.addi %mul3A_2, %mul3A_49 : i32
      "tpu.region"() ({
        %run_scoped3A_71 = tpu.sem_alloc : memref<!tpu.dma_semaphore, #tpu.memory_space<semaphore_mem>>
        %dma_start3A_72 = arith.constant 0 : i32
        %dma_start3A_73 = tpu.memref_slice %arg3[%add3A_50, %dma_start3A_72] : memref<2560x128xi32, #tpu.memory_space<hbm>> -> memref<10x128xi32, #tpu.memory_space<hbm>>
        %dma_start3A_74 = arith.constant 0 : i32
        %dma_start3A_75 = tpu.memref_slice %arg3[%add3A_50, %dma_start3A_74] : memref<2560x128xi32, #tpu.memory_space<hbm>> -> memref<10x128xi32, #tpu.memory_space<hbm>>
        tpu.enqueue_dma source(%dma_start3A_75 : memref<10x128xi32, #tpu.memory_space<hbm>>) target(%arg7 : memref<10x128xi32, #tpu.memory_space<vmem>>) target_semaphore(%run_scoped3A_71 : memref<!tpu.dma_semaphore, #tpu.memory_space<semaphore_mem>>)
        %dma_wait3A = arith.constant 0 : i32
        %dma_wait3A_76 = tpu.memref_slice %arg3[%add3A_50, %dma_wait3A] : memref<2560x128xi32, #tpu.memory_space<hbm>> -> memref<10x128xi32, #tpu.memory_space<hbm>>
        %dma_wait3A_77 = arith.constant 0 : i32
        %dma_wait3A_78 = tpu.memref_slice %arg3[%add3A_50, %dma_wait3A_77] : memref<2560x128xi32, #tpu.memory_space<hbm>> -> memref<10x128xi32, #tpu.memory_space<hbm>>
        tpu.wait_dma2 semaphore(%run_scoped3A_71 : memref<!tpu.dma_semaphore, #tpu.memory_space<semaphore_mem>>) src(%dma_wait3A_78 : memref<10x128xi32, #tpu.memory_space<hbm>>) dst(%arg7 : memref<10x128xi32, #tpu.memory_space<vmem>>)
        tpu.yield
      }) : () -> ()
      %mul3A_51 = arith.constant 10 : i32
      %mul3A_52 = arith.muli %scan3A_47, %mul3A_51 : i32
      %add3A_53 = arith.addi %mul3A_2, %mul3A_52 : i32
      "tpu.region"() ({
        %run_scoped3A_71 = tpu.sem_alloc : memref<!tpu.dma_semaphore, #tpu.memory_space<semaphore_mem>>
        %dma_start3A_72 = arith.constant 0 : i32
        %dma_start3A_73 = tpu.memref_slice %arg4[%add3A_53, %dma_start3A_72] : memref<2560x128xi32, #tpu.memory_space<hbm>> -> memref<10x128xi32, #tpu.memory_space<hbm>>
        %dma_start3A_74 = arith.constant 0 : i32
        %dma_start3A_75 = tpu.memref_slice %arg4[%add3A_53, %dma_start3A_74] : memref<2560x128xi32, #tpu.memory_space<hbm>> -> memref<10x128xi32, #tpu.memory_space<hbm>>
        tpu.enqueue_dma source(%dma_start3A_75 : memref<10x128xi32, #tpu.memory_space<hbm>>) target(%arg8 : memref<10x128xi32, #tpu.memory_space<vmem>>) target_semaphore(%run_scoped3A_71 : memref<!tpu.dma_semaphore, #tpu.memory_space<semaphore_mem>>)
        %dma_wait3A = arith.constant 0 : i32
        %dma_wait3A_76 = tpu.memref_slice %arg4[%add3A_53, %dma_wait3A] : memref<2560x128xi32, #tpu.memory_space<hbm>> -> memref<10x128xi32, #tpu.memory_space<hbm>>
        %dma_wait3A_77 = arith.constant 0 : i32
        %dma_wait3A_78 = tpu.memref_slice %arg4[%add3A_53, %dma_wait3A_77] : memref<2560x128xi32, #tpu.memory_space<hbm>> -> memref<10x128xi32, #tpu.memory_space<hbm>>
        tpu.wait_dma2 semaphore(%run_scoped3A_71 : memref<!tpu.dma_semaphore, #tpu.memory_space<semaphore_mem>>) src(%dma_wait3A_78 : memref<10x128xi32, #tpu.memory_space<hbm>>) dst(%arg8 : memref<10x128xi32, #tpu.memory_space<vmem>>)
        tpu.yield
      }) : () -> ()
      %dma_start3A = arith.constant 0 : i32
      %dma_start3A_54 = arith.constant 0 : i32
      %dma_start3A_55 = arith.constant 0 : i32
      %dma_start3A_56 = arith.constant 0 : i32
      %dma_start3A_57 = tpu.memref_slice %arg9[%dma_start3A_54, %dma_start3A_55, %dma_start3A_56] : memref<2x128x64xf32, #tpu.memory_space<vmem>> -> memref<1x128x64xf32, #tpu.memory_space<vmem>>
      %dma_start3A_58 = tpu.memref_squeeze %dma_start3A_57 : memref<1x128x64xf32, #tpu.memory_space<vmem>> -> memref<128x64xf32, #tpu.memory_space<vmem>>
      %dma_start3A_59 = arith.constant 0 : i32
      %dma_start3A_60 = tpu.memref_slice %arg7[%dma_start3A, %dma_start3A_59] : memref<10x128xi32, #tpu.memory_space<vmem>> -> memref<1x128xi32, #tpu.memory_space<vmem>>
      %dma_start3A_61 = tpu.memref_squeeze %dma_start3A_60 : memref<1x128xi32, #tpu.memory_space<vmem>> -> memref<128xi32, #tpu.memory_space<vmem>>
      %dma_start3A_62 = arith.constant 0 : i32
      %dma_start3A_63 = arith.constant 0 : i32
      %dma_start3A_64 = tpu.memref_slice %arg2[%dma_start3A_62, %dma_start3A_63] : memref<10240x64xf32, #tpu.memory_space<hbm>> -> memref<10240x64xf32, #tpu.memory_space<hbm>>
      tpu.enqueue_indirect_dma source(%dma_start3A_64 : memref<10240x64xf32, #tpu.memory_space<hbm>>) target(%dma_start3A_58 : memref<128x64xf32, #tpu.memory_space<vmem>>) offsets(%dma_start3A_61 : memref<128xi32, #tpu.memory_space<vmem>>) semaphore(%arg11 : memref<!tpu.dma_semaphore, #tpu.memory_space<semaphore_mem>>)
      %scan3A_65 = arith.constant 0 : i32
      %scan3A_66 = arith.constant 0 : i32
      %scan3A_67 = arith.constant 10 : i32
      %scan3A_68 = arith.addi %scan3A_66, %scan3A_67 : i32
      %scan3A_69 = arith.constant 1 : i32
      scf.for %scan3A_71 = %scan3A_66 to %scan3A_68 step %scan3A_69  : i32 {
        %rem3A = arith.constant 2 : i32
        %rem3A_72 = arith.remsi %scan3A_71, %rem3A : i32
        %add3A_73 = arith.constant 1 : i32
        %add3A_74 = arith.addi %scan3A_71, %add3A_73 : i32
        %rem3A_75 = arith.constant 2 : i32
        %rem3A_76 = arith.remsi %add3A_74, %rem3A_75 : i32
        %dma_wait3A = arith.constant 0 : i32
        %dma_wait3A_77 = arith.constant 0 : i32
        %dma_wait3A_78 = tpu.memref_slice %arg9[%rem3A_72, %dma_wait3A, %dma_wait3A_77] : memref<2x128x64xf32, #tpu.memory_space<vmem>> -> memref<1x128x64xf32, #tpu.memory_space<vmem>>
        %dma_wait3A_79 = tpu.memref_squeeze %dma_wait3A_78 : memref<1x128x64xf32, #tpu.memory_space<vmem>> -> memref<128x64xf32, #tpu.memory_space<vmem>>
        %dma_wait3A_80 = arith.constant 0 : i32
        %dma_wait3A_81 = tpu.memref_slice %arg7[%scan3A_71, %dma_wait3A_80] : memref<10x128xi32, #tpu.memory_space<vmem>> -> memref<1x128xi32, #tpu.memory_space<vmem>>
        %dma_wait3A_82 = tpu.memref_squeeze %dma_wait3A_81 : memref<1x128xi32, #tpu.memory_space<vmem>> -> memref<128xi32, #tpu.memory_space<vmem>>
        %dma_wait3A_83 = arith.constant 0 : i32
        %dma_wait3A_84 = arith.constant 0 : i32
        %dma_wait3A_85 = tpu.memref_slice %arg2[%dma_wait3A_83, %dma_wait3A_84] : memref<10240x64xf32, #tpu.memory_space<hbm>> -> memref<10240x64xf32, #tpu.memory_space<hbm>>
        tpu.wait_indirect_dma semaphore(%arg11 : memref<!tpu.dma_semaphore, #tpu.memory_space<semaphore_mem>>) src(%dma_wait3A_85 : memref<10240x64xf32, #tpu.memory_space<hbm>>) dst(%dma_wait3A_79 : memref<128x64xf32, #tpu.memory_space<vmem>>)
        %lt3A = arith.constant 9 : i32
        %lt3A_86 = arith.cmpi slt, %scan3A_71, %lt3A : i32
        %convert_element_type3A_87 = arith.extui %lt3A_86 : i1 to i32
        %cond3A_88 = arith.constant 0 : i32
        %cond3A_89 = arith.cmpi ne, %convert_element_type3A_87, %cond3A_88 : i32
        scf.if %cond3A_89 {
          %add3A_90 = arith.constant 1 : i32
          %add3A_91 = arith.addi %scan3A_71, %add3A_90 : i32
          %dma_start3A_92 = arith.constant 0 : i32
          %dma_start3A_93 = arith.constant 0 : i32
          %dma_start3A_94 = tpu.memref_slice %arg9[%rem3A_76, %dma_start3A_92, %dma_start3A_93] : memref<2x128x64xf32, #tpu.memory_space<vmem>> -> memref<1x128x64xf32, #tpu.memory_space<vmem>>
          %dma_start3A_95 = tpu.memref_squeeze %dma_start3A_94 : memref<1x128x64xf32, #tpu.memory_space<vmem>> -> memref<128x64xf32, #tpu.memory_space<vmem>>
          %dma_start3A_96 = arith.constant 0 : i32
          %dma_start3A_97 = tpu.memref_slice %arg7[%add3A_91, %dma_start3A_96] : memref<10x128xi32, #tpu.memory_space<vmem>> -> memref<1x128xi32, #tpu.memory_space<vmem>>
          %dma_start3A_98 = tpu.memref_squeeze %dma_start3A_97 : memref<1x128xi32, #tpu.memory_space<vmem>> -> memref<128xi32, #tpu.memory_space<vmem>>
          %dma_start3A_99 = arith.constant 0 : i32
          %dma_start3A_100 = arith.constant 0 : i32
          %dma_start3A_101 = tpu.memref_slice %arg2[%dma_start3A_99, %dma_start3A_100] : memref<10240x64xf32, #tpu.memory_space<hbm>> -> memref<10240x64xf32, #tpu.memory_space<hbm>>
          tpu.enqueue_indirect_dma source(%dma_start3A_101 : memref<10240x64xf32, #tpu.memory_space<hbm>>) target(%dma_start3A_95 : memref<128x64xf32, #tpu.memory_space<vmem>>) offsets(%dma_start3A_98 : memref<128xi32, #tpu.memory_space<vmem>>) semaphore(%arg11 : memref<!tpu.dma_semaphore, #tpu.memory_space<semaphore_mem>>)
        } else {
        }
        "tpu.region"() ({
          %run_scoped3A_90 = tpu.sem_alloc : memref<!tpu.dma_semaphore, #tpu.memory_space<semaphore_mem>>
          %dma_start3A_91 = arith.constant 0 : i32
          %dma_start3A_92 = arith.constant 0 : i32
          %dma_start3A_93 = tpu.memref_slice %arg9[%rem3A_72, %dma_start3A_91, %dma_start3A_92] : memref<2x128x64xf32, #tpu.memory_space<vmem>> -> memref<1x128x64xf32, #tpu.memory_space<vmem>>
          %dma_start3A_94 = tpu.memref_squeeze %dma_start3A_93 : memref<1x128x64xf32, #tpu.memory_space<vmem>> -> memref<128x64xf32, #tpu.memory_space<vmem>>
          %dma_start3A_95 = arith.constant 0 : i32
          %dma_start3A_96 = tpu.memref_slice %arg8[%scan3A_71, %dma_start3A_95] : memref<10x128xi32, #tpu.memory_space<vmem>> -> memref<1x128xi32, #tpu.memory_space<vmem>>
          %dma_start3A_97 = tpu.memref_squeeze %dma_start3A_96 : memref<1x128xi32, #tpu.memory_space<vmem>> -> memref<128xi32, #tpu.memory_space<vmem>>
          %dma_start3A_98 = arith.constant 0 : i32
          %dma_start3A_99 = arith.constant 0 : i32
          %dma_start3A_100 = tpu.memref_slice %arg10[%dma_start3A_98, %dma_start3A_99] : memref<10240x64xf32, #tpu.memory_space<vmem_shared>> -> memref<10240x64xf32, #tpu.memory_space<vmem_shared>>
          tpu.enqueue_indirect_dma source(%dma_start3A_94 : memref<128x64xf32, #tpu.memory_space<vmem>>) target(%dma_start3A_100 : memref<10240x64xf32, #tpu.memory_space<vmem_shared>>) offsets(%dma_start3A_97 : memref<128xi32, #tpu.memory_space<vmem>>) semaphore(%run_scoped3A_90 : memref<!tpu.dma_semaphore, #tpu.memory_space<semaphore_mem>>) {add = true}
          %dma_wait3A_101 = arith.constant 0 : i32
          %dma_wait3A_102 = arith.constant 0 : i32
          %dma_wait3A_103 = tpu.memref_slice %arg9[%rem3A_72, %dma_wait3A_101, %dma_wait3A_102] : memref<2x128x64xf32, #tpu.memory_space<vmem>> -> memref<1x128x64xf32, #tpu.memory_space<vmem>>
          %dma_wait3A_104 = tpu.memref_squeeze %dma_wait3A_103 : memref<1x128x64xf32, #tpu.memory_space<vmem>> -> memref<128x64xf32, #tpu.memory_space<vmem>>
          %dma_wait3A_105 = arith.constant 0 : i32
          %dma_wait3A_106 = tpu.memref_slice %arg8[%scan3A_71, %dma_wait3A_105] : memref<10x128xi32, #tpu.memory_space<vmem>> -> memref<1x128xi32, #tpu.memory_space<vmem>>
          %dma_wait3A_107 = tpu.memref_squeeze %dma_wait3A_106 : memref<1x128xi32, #tpu.memory_space<vmem>> -> memref<128xi32, #tpu.memory_space<vmem>>
          %dma_wait3A_108 = arith.constant 0 : i32
          %dma_wait3A_109 = arith.constant 0 : i32
          %dma_wait3A_110 = tpu.memref_slice %arg10[%dma_wait3A_108, %dma_wait3A_109] : memref<10240x64xf32, #tpu.memory_space<vmem_shared>> -> memref<10240x64xf32, #tpu.memory_space<vmem_shared>>
          tpu.wait_indirect_dma semaphore(%run_scoped3A_90 : memref<!tpu.dma_semaphore, #tpu.memory_space<semaphore_mem>>) src(%dma_wait3A_104 : memref<128x64xf32, #tpu.memory_space<vmem>>) dst(%dma_wait3A_110 : memref<10240x64xf32, #tpu.memory_space<vmem_shared>>)
          tpu.yield
        }) : () -> ()
      }
      %scan3A_70 = arith.constant 10 : i32
    }
    %scan3A_38 = arith.constant 8 : i32
    %barrier3A_39 = arith.constant 0 : index
    tpu.barrier barrier_id(%barrier3A_39)
    %eq3A = arith.constant 0 : i32
    %eq3A_40 = arith.cmpi eq, %arg0, %eq3A : i32
    %convert_element_type3A = arith.extui %eq3A_40 : i1 to i32
    %cond3A = arith.constant 0 : i32
    %cond3A_41 = arith.cmpi ne, %convert_element_type3A, %cond3A : i32
    scf.if %cond3A_41 {
      %mul3A_47 = arith.constant 640 : i32
      %mul3A_48 = arith.muli %arg1, %mul3A_47 : i32
      %mul3A_49 = arith.constant 640 : i32
      %mul3A_50 = arith.muli %arg1, %mul3A_49 : i32
      "tpu.region"() ({
        %run_scoped3A_51 = tpu.sem_alloc : memref<!tpu.dma_semaphore, #tpu.memory_space<semaphore_mem>>
        %dma_start3A = arith.constant 0 : i32
        %dma_start3A_52 = tpu.memref_slice %arg5[%mul3A_50, %dma_start3A] : memref<10240x64xf32, #tpu.memory_space<hbm>> -> memref<640x64xf32, #tpu.memory_space<hbm>>
        %dma_start3A_53 = arith.constant 0 : i32
        %dma_start3A_54 = tpu.memref_slice %arg10[%mul3A_48, %dma_start3A_53] : memref<10240x64xf32, #tpu.memory_space<vmem_shared>> -> memref<640x64xf32, #tpu.memory_space<vmem_shared>>
        tpu.enqueue_dma source(%dma_start3A_54 : memref<640x64xf32, #tpu.memory_space<vmem_shared>>) target(%dma_start3A_52 : memref<640x64xf32, #tpu.memory_space<hbm>>) target_semaphore(%run_scoped3A_51 : memref<!tpu.dma_semaphore, #tpu.memory_space<semaphore_mem>>)
        %dma_wait3A = arith.constant 0 : i32
        %dma_wait3A_55 = tpu.memref_slice %arg5[%mul3A_50, %dma_wait3A] : memref<10240x64xf32, #tpu.memory_space<hbm>> -> memref<640x64xf32, #tpu.memory_space<hbm>>
        %dma_wait3A_56 = arith.constant 0 : i32
        %dma_wait3A_57 = tpu.memref_slice %arg10[%mul3A_48, %dma_wait3A_56] : memref<10240x64xf32, #tpu.memory_space<vmem_shared>> -> memref<640x64xf32, #tpu.memory_space<vmem_shared>>
        tpu.wait_dma2 semaphore(%run_scoped3A_51 : memref<!tpu.dma_semaphore, #tpu.memory_space<semaphore_mem>>) src(%dma_wait3A_57 : memref<640x64xf32, #tpu.memory_space<vmem_shared>>) dst(%dma_wait3A_55 : memref<640x64xf32, #tpu.memory_space<hbm>>)
        tpu.yield
      }) : () -> ()
    } else {
    }
    %eq3A_42 = arith.constant 1 : i32
    %eq3A_43 = arith.cmpi eq, %arg0, %eq3A_42 : i32
    %convert_element_type3A_44 = arith.extui %eq3A_43 : i1 to i32
    %cond3A_45 = arith.constant 0 : i32
    %cond3A_46 = arith.cmpi ne, %convert_element_type3A_44, %cond3A_45 : i32
    scf.if %cond3A_46 {
      %mul3A_47 = arith.constant 640 : i32
      %mul3A_48 = arith.muli %arg1, %mul3A_47 : i32
      %mul3A_49 = arith.constant 640 : i32
      %mul3A_50 = arith.muli %arg1, %mul3A_49 : i32
      "tpu.region"() ({
        %run_scoped3A_51 = tpu.sem_alloc : memref<!tpu.dma_semaphore, #tpu.memory_space<semaphore_mem>>
        %dma_start3A = arith.constant 0 : i32
        %dma_start3A_52 = tpu.memref_slice %arg6[%mul3A_50, %dma_start3A] : memref<10240x64xf32, #tpu.memory_space<hbm>> -> memref<640x64xf32, #tpu.memory_space<hbm>>
        %dma_start3A_53 = arith.constant 0 : i32
        %dma_start3A_54 = tpu.memref_slice %arg10[%mul3A_48, %dma_start3A_53] : memref<10240x64xf32, #tpu.memory_space<vmem_shared>> -> memref<640x64xf32, #tpu.memory_space<vmem_shared>>
        tpu.enqueue_dma source(%dma_start3A_54 : memref<640x64xf32, #tpu.memory_space<vmem_shared>>) target(%dma_start3A_52 : memref<640x64xf32, #tpu.memory_space<hbm>>) target_semaphore(%run_scoped3A_51 : memref<!tpu.dma_semaphore, #tpu.memory_space<semaphore_mem>>)
        %dma_wait3A = arith.constant 0 : i32
        %dma_wait3A_55 = tpu.memref_slice %arg6[%mul3A_50, %dma_wait3A] : memref<10240x64xf32, #tpu.memory_space<hbm>> -> memref<640x64xf32, #tpu.memory_space<hbm>>
        %dma_wait3A_56 = arith.constant 0 : i32
        %dma_wait3A_57 = tpu.memref_slice %arg10[%mul3A_48, %dma_wait3A_56] : memref<10240x64xf32, #tpu.memory_space<vmem_shared>> -> memref<640x64xf32, #tpu.memory_space<vmem_shared>>
        tpu.wait_dma2 semaphore(%run_scoped3A_51 : memref<!tpu.dma_semaphore, #tpu.memory_space<semaphore_mem>>) src(%dma_wait3A_57 : memref<640x64xf32, #tpu.memory_space<vmem_shared>>) dst(%dma_wait3A_55 : memref<640x64xf32, #tpu.memory_space<hbm>>)
        tpu.yield
      }) : () -> ()
    } else {
    }
    return
  }
}

#map = affine_map<(d0, d1) -> (0, 0)>
module attributes {stable_mosaic.version = 14 : i64} {
  func.func @body(%arg0: i32, %arg1: i32, %arg2: memref<10240x128xf32, #tpu.memory_space<hbm>>, %arg3: memref<2560x128xi32, #tpu.memory_space<hbm>>, %arg4: memref<2560x128xi32, #tpu.memory_space<hbm>>, %arg5: memref<10240x128xf32, #tpu.memory_space<hbm>>, %arg6: memref<10240x128xf32, #tpu.memory_space<hbm>>, %arg7: memref<10240x16xf32, #tpu.memory_space<hbm>>, %arg8: memref<10240x16xf32, #tpu.memory_space<hbm>>, %arg9: memref<10x128xi32, #tpu.memory_space<vmem>>, %arg10: memref<10x128xi32, #tpu.memory_space<vmem>>, %arg11: memref<2x128x128xf32, #tpu.memory_space<vmem>>, %arg12: memref<10240x128xf32, #tpu.memory_space<vmem_shared>>, %arg13: memref<!tpu.dma_semaphore, #tpu.memory_space<semaphore_mem>>, %arg14: memref<128x16xf32, #tpu.memory_space<vmem>>, %arg15: memref<10240x16xf32, #tpu.memory_space<vmem_shared>>) attributes {dimension_semantics = [#tpu.dimension_semantics<core_parallel>, #tpu.dimension_semantics<subcore_parallel>], iteration_bounds = array<i64: 2, 16>, scalar_prefetch = 0 : i64, scratch_operands = 7 : i64, tpu.core_type = #tpu.core_type<sc_vector_subcore>, window_params = [{transform_indices = #map}, {transform_indices = #map}, {transform_indices = #map}, {transform_indices = #map}, {transform_indices = #map}, {transform_indices = #map}, {transform_indices = #map}]} {
    %mul3A = arith.constant 16 : i32
    %mul3A_0 = arith.muli %arg0, %mul3A : i32
    %add3A = arith.addi %mul3A_0, %arg1 : i32
    %mul3A_1 = arith.constant 80 : i32
    %mul3A_2 = arith.muli %add3A, %mul3A_1 : i32
    %broadcast_in_dim3A = arith.constant 0.000000e+00 : f32
    %broadcast_in_dim3A_3 = vector.broadcast %broadcast_in_dim3A : f32 to vector<16xf32>
    %scan3A = arith.constant 0 : i32
    %scan3A_4 = arith.constant 0 : i32
    %scan3A_5 = arith.constant 128 : i32
    %scan3A_6 = arith.addi %scan3A_4, %scan3A_5 : i32
    %scan3A_7 = arith.constant 1 : i32
    scf.for %scan3A_83 = %scan3A_4 to %scan3A_6 step %scan3A_7  : i32 {
      %swap3A = arith.constant 0 : i32
      %swap3A_84 = arith.index_cast %swap3A : i32 to index
      %swap3A_85 = arith.index_cast %scan3A_83 : i32 to index
      %swap3A_86 = arith.constant 0 : index
      %swap3A_87 = tpu.vector_load %arg11[%swap3A_84, %swap3A_85, %swap3A_86] {strides = array<i32>} : memref<2x128x128xf32, #tpu.memory_space<vmem>>, vector<1x1x16xf32>,
      %swap3A_88 = vector.shape_cast %swap3A_87 : vector<1x1x16xf32> to vector<16xf32>
      %swap3A_89 = vector.shape_cast %broadcast_in_dim3A_3 : vector<16xf32> to vector<1x1x16xf32>
      tpu.vector_store %arg11[%swap3A_84, %swap3A_85, %swap3A_86], %swap3A_89 {strides = array<i32>} : memref<2x128x128xf32, #tpu.memory_space<vmem>>, vector<1x1x16xf32>,
      %swap3A_90 = arith.constant 0 : i32
      %swap3A_91 = arith.index_cast %swap3A_90 : i32 to index
      %swap3A_92 = arith.index_cast %scan3A_83 : i32 to index
      %swap3A_93 = arith.constant 16 : index
      %swap3A_94 = tpu.vector_load %arg11[%swap3A_91, %swap3A_92, %swap3A_93] {strides = array<i32>} : memref<2x128x128xf32, #tpu.memory_space<vmem>>, vector<1x1x16xf32>,
      %swap3A_95 = vector.shape_cast %swap3A_94 : vector<1x1x16xf32> to vector<16xf32>
      %swap3A_96 = vector.shape_cast %broadcast_in_dim3A_3 : vector<16xf32> to vector<1x1x16xf32>
      tpu.vector_store %arg11[%swap3A_91, %swap3A_92, %swap3A_93], %swap3A_96 {strides = array<i32>} : memref<2x128x128xf32, #tpu.memory_space<vmem>>, vector<1x1x16xf32>,
      %swap3A_97 = arith.constant 0 : i32
      %swap3A_98 = arith.index_cast %swap3A_97 : i32 to index
      %swap3A_99 = arith.index_cast %scan3A_83 : i32 to index
      %swap3A_100 = arith.constant 32 : index
      %swap3A_101 = tpu.vector_load %arg11[%swap3A_98, %swap3A_99, %swap3A_100] {strides = array<i32>} : memref<2x128x128xf32, #tpu.memory_space<vmem>>, vector<1x1x16xf32>,
      %swap3A_102 = vector.shape_cast %swap3A_101 : vector<1x1x16xf32> to vector<16xf32>
      %swap3A_103 = vector.shape_cast %broadcast_in_dim3A_3 : vector<16xf32> to vector<1x1x16xf32>
      tpu.vector_store %arg11[%swap3A_98, %swap3A_99, %swap3A_100], %swap3A_103 {strides = array<i32>} : memref<2x128x128xf32, #tpu.memory_space<vmem>>, vector<1x1x16xf32>,
      %swap3A_104 = arith.constant 0 : i32
      %swap3A_105 = arith.index_cast %swap3A_104 : i32 to index
      %swap3A_106 = arith.index_cast %scan3A_83 : i32 to index
      %swap3A_107 = arith.constant 48 : index
      %swap3A_108 = tpu.vector_load %arg11[%swap3A_105, %swap3A_106, %swap3A_107] {strides = array<i32>} : memref<2x128x128xf32, #tpu.memory_space<vmem>>, vector<1x1x16xf32>,
      %swap3A_109 = vector.shape_cast %swap3A_108 : vector<1x1x16xf32> to vector<16xf32>
      %swap3A_110 = vector.shape_cast %broadcast_in_dim3A_3 : vector<16xf32> to vector<1x1x16xf32>
      tpu.vector_store %arg11[%swap3A_105, %swap3A_106, %swap3A_107], %swap3A_110 {strides = array<i32>} : memref<2x128x128xf32, #tpu.memory_space<vmem>>, vector<1x1x16xf32>,
      %swap3A_111 = arith.constant 0 : i32
      %swap3A_112 = arith.index_cast %swap3A_111 : i32 to index
      %swap3A_113 = arith.index_cast %scan3A_83 : i32 to index
      %swap3A_114 = arith.constant 64 : index
      %swap3A_115 = tpu.vector_load %arg11[%swap3A_112, %swap3A_113, %swap3A_114] {strides = array<i32>} : memref<2x128x128xf32, #tpu.memory_space<vmem>>, vector<1x1x16xf32>,
      %swap3A_116 = vector.shape_cast %swap3A_115 : vector<1x1x16xf32> to vector<16xf32>
      %swap3A_117 = vector.shape_cast %broadcast_in_dim3A_3 : vector<16xf32> to vector<1x1x16xf32>
      tpu.vector_store %arg11[%swap3A_112, %swap3A_113, %swap3A_114], %swap3A_117 {strides = array<i32>} : memref<2x128x128xf32, #tpu.memory_space<vmem>>, vector<1x1x16xf32>,
      %swap3A_118 = arith.constant 0 : i32
      %swap3A_119 = arith.index_cast %swap3A_118 : i32 to index
      %swap3A_120 = arith.index_cast %scan3A_83 : i32 to index
      %swap3A_121 = arith.constant 80 : index
      %swap3A_122 = tpu.vector_load %arg11[%swap3A_119, %swap3A_120, %swap3A_121] {strides = array<i32>} : memref<2x128x128xf32, #tpu.memory_space<vmem>>, vector<1x1x16xf32>,
      %swap3A_123 = vector.shape_cast %swap3A_122 : vector<1x1x16xf32> to vector<16xf32>
      %swap3A_124 = vector.shape_cast %broadcast_in_dim3A_3 : vector<16xf32> to vector<1x1x16xf32>
      tpu.vector_store %arg11[%swap3A_119, %swap3A_120, %swap3A_121], %swap3A_124 {strides = array<i32>} : memref<2x128x128xf32, #tpu.memory_space<vmem>>, vector<1x1x16xf32>,
      %swap3A_125 = arith.constant 0 : i32
      %swap3A_126 = arith.index_cast %swap3A_125 : i32 to index
      %swap3A_127 = arith.index_cast %scan3A_83 : i32 to index
      %swap3A_128 = arith.constant 96 : index
      %swap3A_129 = tpu.vector_load %arg11[%swap3A_126, %swap3A_127, %swap3A_128] {strides = array<i32>} : memref<2x128x128xf32, #tpu.memory_space<vmem>>, vector<1x1x16xf32>,
      %swap3A_130 = vector.shape_cast %swap3A_129 : vector<1x1x16xf32> to vector<16xf32>
      %swap3A_131 = vector.shape_cast %broadcast_in_dim3A_3 : vector<16xf32> to vector<1x1x16xf32>
      tpu.vector_store %arg11[%swap3A_126, %swap3A_127, %swap3A_128], %swap3A_131 {strides = array<i32>} : memref<2x128x128xf32, #tpu.memory_space<vmem>>, vector<1x1x16xf32>,
      %swap3A_132 = arith.constant 0 : i32
      %swap3A_133 = arith.index_cast %swap3A_132 : i32 to index
      %swap3A_134 = arith.index_cast %scan3A_83 : i32 to index
      %swap3A_135 = arith.constant 112 : index
      %swap3A_136 = tpu.vector_load %arg11[%swap3A_133, %swap3A_134, %swap3A_135] {strides = array<i32>} : memref<2x128x128xf32, #tpu.memory_space<vmem>>, vector<1x1x16xf32>,
      %swap3A_137 = vector.shape_cast %swap3A_136 : vector<1x1x16xf32> to vector<16xf32>
      %swap3A_138 = vector.shape_cast %broadcast_in_dim3A_3 : vector<16xf32> to vector<1x1x16xf32>
      tpu.vector_store %arg11[%swap3A_133, %swap3A_134, %swap3A_135], %swap3A_138 {strides = array<i32>} : memref<2x128x128xf32, #tpu.memory_space<vmem>>, vector<1x1x16xf32>,
      %swap3A_139 = arith.constant 1 : i32
      %swap3A_140 = arith.index_cast %swap3A_139 : i32 to index
      %swap3A_141 = arith.index_cast %scan3A_83 : i32 to index
      %swap3A_142 = arith.constant 0 : index
      %swap3A_143 = tpu.vector_load %arg11[%swap3A_140, %swap3A_141, %swap3A_142] {strides = array<i32>} : memref<2x128x128xf32, #tpu.memory_space<vmem>>, vector<1x1x16xf32>,
      %swap3A_144 = vector.shape_cast %swap3A_143 : vector<1x1x16xf32> to vector<16xf32>
      %swap3A_145 = vector.shape_cast %broadcast_in_dim3A_3 : vector<16xf32> to vector<1x1x16xf32>
      tpu.vector_store %arg11[%swap3A_140, %swap3A_141, %swap3A_142], %swap3A_145 {strides = array<i32>} : memref<2x128x128xf32, #tpu.memory_space<vmem>>, vector<1x1x16xf32>,
      %swap3A_146 = arith.constant 1 : i32
      %swap3A_147 = arith.index_cast %swap3A_146 : i32 to index
      %swap3A_148 = arith.index_cast %scan3A_83 : i32 to index
      %swap3A_149 = arith.constant 16 : index
      %swap3A_150 = tpu.vector_load %arg11[%swap3A_147, %swap3A_148, %swap3A_149] {strides = array<i32>} : memref<2x128x128xf32, #tpu.memory_space<vmem>>, vector<1x1x16xf32>,
      %swap3A_151 = vector.shape_cast %swap3A_150 : vector<1x1x16xf32> to vector<16xf32>
      %swap3A_152 = vector.shape_cast %broadcast_in_dim3A_3 : vector<16xf32> to vector<1x1x16xf32>
      tpu.vector_store %arg11[%swap3A_147, %swap3A_148, %swap3A_149], %swap3A_152 {strides = array<i32>} : memref<2x128x128xf32, #tpu.memory_space<vmem>>, vector<1x1x16xf32>,
      %swap3A_153 = arith.constant 1 : i32
      %swap3A_154 = arith.index_cast %swap3A_153 : i32 to index
      %swap3A_155 = arith.index_cast %scan3A_83 : i32 to index
      %swap3A_156 = arith.constant 32 : index
      %swap3A_157 = tpu.vector_load %arg11[%swap3A_154, %swap3A_155, %swap3A_156] {strides = array<i32>} : memref<2x128x128xf32, #tpu.memory_space<vmem>>, vector<1x1x16xf32>,
      %swap3A_158 = vector.shape_cast %swap3A_157 : vector<1x1x16xf32> to vector<16xf32>
      %swap3A_159 = vector.shape_cast %broadcast_in_dim3A_3 : vector<16xf32> to vector<1x1x16xf32>
      tpu.vector_store %arg11[%swap3A_154, %swap3A_155, %swap3A_156], %swap3A_159 {strides = array<i32>} : memref<2x128x128xf32, #tpu.memory_space<vmem>>, vector<1x1x16xf32>,
      %swap3A_160 = arith.constant 1 : i32
      %swap3A_161 = arith.index_cast %swap3A_160 : i32 to index
      %swap3A_162 = arith.index_cast %scan3A_83 : i32 to index
      %swap3A_163 = arith.constant 48 : index
      %swap3A_164 = tpu.vector_load %arg11[%swap3A_161, %swap3A_162, %swap3A_163] {strides = array<i32>} : memref<2x128x128xf32, #tpu.memory_space<vmem>>, vector<1x1x16xf32>,
      %swap3A_165 = vector.shape_cast %swap3A_164 : vector<1x1x16xf32> to vector<16xf32>
      %swap3A_166 = vector.shape_cast %broadcast_in_dim3A_3 : vector<16xf32> to vector<1x1x16xf32>
      tpu.vector_store %arg11[%swap3A_161, %swap3A_162, %swap3A_163], %swap3A_166 {strides = array<i32>} : memref<2x128x128xf32, #tpu.memory_space<vmem>>, vector<1x1x16xf32>,
      %swap3A_167 = arith.constant 1 : i32
      %swap3A_168 = arith.index_cast %swap3A_167 : i32 to index
      %swap3A_169 = arith.index_cast %scan3A_83 : i32 to index
      %swap3A_170 = arith.constant 64 : index
      %swap3A_171 = tpu.vector_load %arg11[%swap3A_168, %swap3A_169, %swap3A_170] {strides = array<i32>} : memref<2x128x128xf32, #tpu.memory_space<vmem>>, vector<1x1x16xf32>,
      %swap3A_172 = vector.shape_cast %swap3A_171 : vector<1x1x16xf32> to vector<16xf32>
      %swap3A_173 = vector.shape_cast %broadcast_in_dim3A_3 : vector<16xf32> to vector<1x1x16xf32>
      tpu.vector_store %arg11[%swap3A_168, %swap3A_169, %swap3A_170], %swap3A_173 {strides = array<i32>} : memref<2x128x128xf32, #tpu.memory_space<vmem>>, vector<1x1x16xf32>,
      %swap3A_174 = arith.constant 1 : i32
      %swap3A_175 = arith.index_cast %swap3A_174 : i32 to index
      %swap3A_176 = arith.index_cast %scan3A_83 : i32 to index
      %swap3A_177 = arith.constant 80 : index
      %swap3A_178 = tpu.vector_load %arg11[%swap3A_175, %swap3A_176, %swap3A_177] {strides = array<i32>} : memref<2x128x128xf32, #tpu.memory_space<vmem>>, vector<1x1x16xf32>,
      %swap3A_179 = vector.shape_cast %swap3A_178 : vector<1x1x16xf32> to vector<16xf32>
      %swap3A_180 = vector.shape_cast %broadcast_in_dim3A_3 : vector<16xf32> to vector<1x1x16xf32>
      tpu.vector_store %arg11[%swap3A_175, %swap3A_176, %swap3A_177], %swap3A_180 {strides = array<i32>} : memref<2x128x128xf32, #tpu.memory_space<vmem>>, vector<1x1x16xf32>,
      %swap3A_181 = arith.constant 1 : i32
      %swap3A_182 = arith.index_cast %swap3A_181 : i32 to index
      %swap3A_183 = arith.index_cast %scan3A_83 : i32 to index
      %swap3A_184 = arith.constant 96 : index
      %swap3A_185 = tpu.vector_load %arg11[%swap3A_182, %swap3A_183, %swap3A_184] {strides = array<i32>} : memref<2x128x128xf32, #tpu.memory_space<vmem>>, vector<1x1x16xf32>,
      %swap3A_186 = vector.shape_cast %swap3A_185 : vector<1x1x16xf32> to vector<16xf32>
      %swap3A_187 = vector.shape_cast %broadcast_in_dim3A_3 : vector<16xf32> to vector<1x1x16xf32>
      tpu.vector_store %arg11[%swap3A_182, %swap3A_183, %swap3A_184], %swap3A_187 {strides = array<i32>} : memref<2x128x128xf32, #tpu.memory_space<vmem>>, vector<1x1x16xf32>,
      %swap3A_188 = arith.constant 1 : i32
      %swap3A_189 = arith.index_cast %swap3A_188 : i32 to index
      %swap3A_190 = arith.index_cast %scan3A_83 : i32 to index
      %swap3A_191 = arith.constant 112 : index
      %swap3A_192 = tpu.vector_load %arg11[%swap3A_189, %swap3A_190, %swap3A_191] {strides = array<i32>} : memref<2x128x128xf32, #tpu.memory_space<vmem>>, vector<1x1x16xf32>,
      %swap3A_193 = vector.shape_cast %swap3A_192 : vector<1x1x16xf32> to vector<16xf32>
      %swap3A_194 = vector.shape_cast %broadcast_in_dim3A_3 : vector<16xf32> to vector<1x1x16xf32>
      tpu.vector_store %arg11[%swap3A_189, %swap3A_190, %swap3A_191], %swap3A_194 {strides = array<i32>} : memref<2x128x128xf32, #tpu.memory_space<vmem>>, vector<1x1x16xf32>,
    }
    %scan3A_8 = arith.constant 128 : i32
    %mul3A_9 = arith.constant 640 : i32
    %mul3A_10 = arith.muli %arg1, %mul3A_9 : i32
    %add3A_11 = arith.constant 0 : i32
    %add3A_12 = arith.addi %mul3A_10, %add3A_11 : i32
    %run_scoped3A = arith.constant 0 : i32
    "tpu.region"() ({
      %run_scoped3A_83 = tpu.sem_alloc : memref<!tpu.dma_semaphore, #tpu.memory_space<semaphore_mem>>
      %dma_start3A = arith.constant 0 : i32
      %dma_start3A_84 = arith.constant 0 : i32
      %dma_start3A_85 = tpu.memref_slice %arg11[%run_scoped3A, %dma_start3A, %dma_start3A_84] : memref<2x128x128xf32, #tpu.memory_space<vmem>> -> memref<1x128x128xf32, #tpu.memory_space<vmem>>
      %dma_start3A_86 = tpu.memref_squeeze %dma_start3A_85 : memref<1x128x128xf32, #tpu.memory_space<vmem>> -> memref<128x128xf32, #tpu.memory_space<vmem>>
      %dma_start3A_87 = arith.constant 0 : i32
      %dma_start3A_88 = tpu.memref_slice %arg12[%add3A_12, %dma_start3A_87] : memref<10240x128xf32, #tpu.memory_space<vmem_shared>> -> memref<128x128xf32, #tpu.memory_space<vmem_shared>>
      %dma_start3A_89 = arith.constant 0 : i32
      %dma_start3A_90 = tpu.memref_slice %arg12[%add3A_12, %dma_start3A_89] : memref<10240x128xf32, #tpu.memory_space<vmem_shared>> -> memref<128x128xf32, #tpu.memory_space<vmem_shared>>
      %dma_start3A_91 = arith.constant 0 : i32
      %dma_start3A_92 = arith.constant 0 : i32
      %dma_start3A_93 = tpu.memref_slice %arg11[%run_scoped3A, %dma_start3A_91, %dma_start3A_92] : memref<2x128x128xf32, #tpu.memory_space<vmem>> -> memref<1x128x128xf32, #tpu.memory_space<vmem>>
      %dma_start3A_94 = tpu.memref_squeeze %dma_start3A_93 : memref<1x128x128xf32, #tpu.memory_space<vmem>> -> memref<128x128xf32, #tpu.memory_space<vmem>>
      tpu.enqueue_dma source(%dma_start3A_94 : memref<128x128xf32, #tpu.memory_space<vmem>>) target(%dma_start3A_90 : memref<128x128xf32, #tpu.memory_space<vmem_shared>>) target_semaphore(%run_scoped3A_83 : memref<!tpu.dma_semaphore, #tpu.memory_space<semaphore_mem>>)
      %dma_wait3A = arith.constant 0 : i32
      %dma_wait3A_95 = arith.constant 0 : i32
      %dma_wait3A_96 = tpu.memref_slice %arg11[%run_scoped3A, %dma_wait3A, %dma_wait3A_95] : memref<2x128x128xf32, #tpu.memory_space<vmem>> -> memref<1x128x128xf32, #tpu.memory_space<vmem>>
      %dma_wait3A_97 = tpu.memref_squeeze %dma_wait3A_96 : memref<1x128x128xf32, #tpu.memory_space<vmem>> -> memref<128x128xf32, #tpu.memory_space<vmem>>
      %dma_wait3A_98 = arith.constant 0 : i32
      %dma_wait3A_99 = tpu.memref_slice %arg12[%add3A_12, %dma_wait3A_98] : memref<10240x128xf32, #tpu.memory_space<vmem_shared>> -> memref<128x128xf32, #tpu.memory_space<vmem_shared>>
      %dma_wait3A_100 = arith.constant 0 : i32
      %dma_wait3A_101 = tpu.memref_slice %arg12[%add3A_12, %dma_wait3A_100] : memref<10240x128xf32, #tpu.memory_space<vmem_shared>> -> memref<128x128xf32, #tpu.memory_space<vmem_shared>>
      %dma_wait3A_102 = arith.constant 0 : i32
      %dma_wait3A_103 = arith.constant 0 : i32
      %dma_wait3A_104 = tpu.memref_slice %arg11[%run_scoped3A, %dma_wait3A_102, %dma_wait3A_103] : memref<2x128x128xf32, #tpu.memory_space<vmem>> -> memref<1x128x128xf32, #tpu.memory_space<vmem>>
      %dma_wait3A_105 = tpu.memref_squeeze %dma_wait3A_104 : memref<1x128x128xf32, #tpu.memory_space<vmem>> -> memref<128x128xf32, #tpu.memory_space<vmem>>
      tpu.wait_dma2 semaphore(%run_scoped3A_83 : memref<!tpu.dma_semaphore, #tpu.memory_space<semaphore_mem>>) src(%dma_wait3A_105 : memref<128x128xf32, #tpu.memory_space<vmem>>) dst(%dma_wait3A_101 : memref<128x128xf32, #tpu.memory_space<vmem_shared>>)
      tpu.yield
    }) : () -> ()
    %mul3A_13 = arith.constant 640 : i32
    %mul3A_14 = arith.muli %arg1, %mul3A_13 : i32
    %add3A_15 = arith.constant 128 : i32
    %add3A_16 = arith.addi %mul3A_14, %add3A_15 : i32
    %run_scoped3A_17 = arith.constant 0 : i32
    "tpu.region"() ({
      %run_scoped3A_83 = tpu.sem_alloc : memref<!tpu.dma_semaphore, #tpu.memory_space<semaphore_mem>>
      %dma_start3A = arith.constant 0 : i32
      %dma_start3A_84 = arith.constant 0 : i32
      %dma_start3A_85 = tpu.memref_slice %arg11[%run_scoped3A_17, %dma_start3A, %dma_start3A_84] : memref<2x128x128xf32, #tpu.memory_space<vmem>> -> memref<1x128x128xf32, #tpu.memory_space<vmem>>
      %dma_start3A_86 = tpu.memref_squeeze %dma_start3A_85 : memref<1x128x128xf32, #tpu.memory_space<vmem>> -> memref<128x128xf32, #tpu.memory_space<vmem>>
      %dma_start3A_87 = arith.constant 0 : i32
      %dma_start3A_88 = tpu.memref_slice %arg12[%add3A_16, %dma_start3A_87] : memref<10240x128xf32, #tpu.memory_space<vmem_shared>> -> memref<128x128xf32, #tpu.memory_space<vmem_shared>>
      %dma_start3A_89 = arith.constant 0 : i32
      %dma_start3A_90 = tpu.memref_slice %arg12[%add3A_16, %dma_start3A_89] : memref<10240x128xf32, #tpu.memory_space<vmem_shared>> -> memref<128x128xf32, #tpu.memory_space<vmem_shared>>
      %dma_start3A_91 = arith.constant 0 : i32
      %dma_start3A_92 = arith.constant 0 : i32
      %dma_start3A_93 = tpu.memref_slice %arg11[%run_scoped3A_17, %dma_start3A_91, %dma_start3A_92] : memref<2x128x128xf32, #tpu.memory_space<vmem>> -> memref<1x128x128xf32, #tpu.memory_space<vmem>>
      %dma_start3A_94 = tpu.memref_squeeze %dma_start3A_93 : memref<1x128x128xf32, #tpu.memory_space<vmem>> -> memref<128x128xf32, #tpu.memory_space<vmem>>
      tpu.enqueue_dma source(%dma_start3A_94 : memref<128x128xf32, #tpu.memory_space<vmem>>) target(%dma_start3A_90 : memref<128x128xf32, #tpu.memory_space<vmem_shared>>) target_semaphore(%run_scoped3A_83 : memref<!tpu.dma_semaphore, #tpu.memory_space<semaphore_mem>>)
      %dma_wait3A = arith.constant 0 : i32
      %dma_wait3A_95 = arith.constant 0 : i32
      %dma_wait3A_96 = tpu.memref_slice %arg11[%run_scoped3A_17, %dma_wait3A, %dma_wait3A_95] : memref<2x128x128xf32, #tpu.memory_space<vmem>> -> memref<1x128x128xf32, #tpu.memory_space<vmem>>
      %dma_wait3A_97 = tpu.memref_squeeze %dma_wait3A_96 : memref<1x128x128xf32, #tpu.memory_space<vmem>> -> memref<128x128xf32, #tpu.memory_space<vmem>>
      %dma_wait3A_98 = arith.constant 0 : i32
      %dma_wait3A_99 = tpu.memref_slice %arg12[%add3A_16, %dma_wait3A_98] : memref<10240x128xf32, #tpu.memory_space<vmem_shared>> -> memref<128x128xf32, #tpu.memory_space<vmem_shared>>
      %dma_wait3A_100 = arith.constant 0 : i32
      %dma_wait3A_101 = tpu.memref_slice %arg12[%add3A_16, %dma_wait3A_100] : memref<10240x128xf32, #tpu.memory_space<vmem_shared>> -> memref<128x128xf32, #tpu.memory_space<vmem_shared>>
      %dma_wait3A_102 = arith.constant 0 : i32
      %dma_wait3A_103 = arith.constant 0 : i32
      %dma_wait3A_104 = tpu.memref_slice %arg11[%run_scoped3A_17, %dma_wait3A_102, %dma_wait3A_103] : memref<2x128x128xf32, #tpu.memory_space<vmem>> -> memref<1x128x128xf32, #tpu.memory_space<vmem>>
      %dma_wait3A_105 = tpu.memref_squeeze %dma_wait3A_104 : memref<1x128x128xf32, #tpu.memory_space<vmem>> -> memref<128x128xf32, #tpu.memory_space<vmem>>
      tpu.wait_dma2 semaphore(%run_scoped3A_83 : memref<!tpu.dma_semaphore, #tpu.memory_space<semaphore_mem>>) src(%dma_wait3A_105 : memref<128x128xf32, #tpu.memory_space<vmem>>) dst(%dma_wait3A_101 : memref<128x128xf32, #tpu.memory_space<vmem_shared>>)
      tpu.yield
    }) : () -> ()
    %mul3A_18 = arith.constant 640 : i32
    %mul3A_19 = arith.muli %arg1, %mul3A_18 : i32
    %add3A_20 = arith.constant 256 : i32
    %add3A_21 = arith.addi %mul3A_19, %add3A_20 : i32
    %run_scoped3A_22 = arith.constant 0 : i32
    "tpu.region"() ({
      %run_scoped3A_83 = tpu.sem_alloc : memref<!tpu.dma_semaphore, #tpu.memory_space<semaphore_mem>>
      %dma_start3A = arith.constant 0 : i32
      %dma_start3A_84 = arith.constant 0 : i32
      %dma_start3A_85 = tpu.memref_slice %arg11[%run_scoped3A_22, %dma_start3A, %dma_start3A_84] : memref<2x128x128xf32, #tpu.memory_space<vmem>> -> memref<1x128x128xf32, #tpu.memory_space<vmem>>
      %dma_start3A_86 = tpu.memref_squeeze %dma_start3A_85 : memref<1x128x128xf32, #tpu.memory_space<vmem>> -> memref<128x128xf32, #tpu.memory_space<vmem>>
      %dma_start3A_87 = arith.constant 0 : i32
      %dma_start3A_88 = tpu.memref_slice %arg12[%add3A_21, %dma_start3A_87] : memref<10240x128xf32, #tpu.memory_space<vmem_shared>> -> memref<128x128xf32, #tpu.memory_space<vmem_shared>>
      %dma_start3A_89 = arith.constant 0 : i32
      %dma_start3A_90 = tpu.memref_slice %arg12[%add3A_21, %dma_start3A_89] : memref<10240x128xf32, #tpu.memory_space<vmem_shared>> -> memref<128x128xf32, #tpu.memory_space<vmem_shared>>
      %dma_start3A_91 = arith.constant 0 : i32
      %dma_start3A_92 = arith.constant 0 : i32
      %dma_start3A_93 = tpu.memref_slice %arg11[%run_scoped3A_22, %dma_start3A_91, %dma_start3A_92] : memref<2x128x128xf32, #tpu.memory_space<vmem>> -> memref<1x128x128xf32, #tpu.memory_space<vmem>>
      %dma_start3A_94 = tpu.memref_squeeze %dma_start3A_93 : memref<1x128x128xf32, #tpu.memory_space<vmem>> -> memref<128x128xf32, #tpu.memory_space<vmem>>
      tpu.enqueue_dma source(%dma_start3A_94 : memref<128x128xf32, #tpu.memory_space<vmem>>) target(%dma_start3A_90 : memref<128x128xf32, #tpu.memory_space<vmem_shared>>) target_semaphore(%run_scoped3A_83 : memref<!tpu.dma_semaphore, #tpu.memory_space<semaphore_mem>>)
      %dma_wait3A = arith.constant 0 : i32
      %dma_wait3A_95 = arith.constant 0 : i32
      %dma_wait3A_96 = tpu.memref_slice %arg11[%run_scoped3A_22, %dma_wait3A, %dma_wait3A_95] : memref<2x128x128xf32, #tpu.memory_space<vmem>> -> memref<1x128x128xf32, #tpu.memory_space<vmem>>
      %dma_wait3A_97 = tpu.memref_squeeze %dma_wait3A_96 : memref<1x128x128xf32, #tpu.memory_space<vmem>> -> memref<128x128xf32, #tpu.memory_space<vmem>>
      %dma_wait3A_98 = arith.constant 0 : i32
      %dma_wait3A_99 = tpu.memref_slice %arg12[%add3A_21, %dma_wait3A_98] : memref<10240x128xf32, #tpu.memory_space<vmem_shared>> -> memref<128x128xf32, #tpu.memory_space<vmem_shared>>
      %dma_wait3A_100 = arith.constant 0 : i32
      %dma_wait3A_101 = tpu.memref_slice %arg12[%add3A_21, %dma_wait3A_100] : memref<10240x128xf32, #tpu.memory_space<vmem_shared>> -> memref<128x128xf32, #tpu.memory_space<vmem_shared>>
      %dma_wait3A_102 = arith.constant 0 : i32
      %dma_wait3A_103 = arith.constant 0 : i32
      %dma_wait3A_104 = tpu.memref_slice %arg11[%run_scoped3A_22, %dma_wait3A_102, %dma_wait3A_103] : memref<2x128x128xf32, #tpu.memory_space<vmem>> -> memref<1x128x128xf32, #tpu.memory_space<vmem>>
      %dma_wait3A_105 = tpu.memref_squeeze %dma_wait3A_104 : memref<1x128x128xf32, #tpu.memory_space<vmem>> -> memref<128x128xf32, #tpu.memory_space<vmem>>
      tpu.wait_dma2 semaphore(%run_scoped3A_83 : memref<!tpu.dma_semaphore, #tpu.memory_space<semaphore_mem>>) src(%dma_wait3A_105 : memref<128x128xf32, #tpu.memory_space<vmem>>) dst(%dma_wait3A_101 : memref<128x128xf32, #tpu.memory_space<vmem_shared>>)
      tpu.yield
    }) : () -> ()
    %mul3A_23 = arith.constant 640 : i32
    %mul3A_24 = arith.muli %arg1, %mul3A_23 : i32
    %add3A_25 = arith.constant 384 : i32
    %add3A_26 = arith.addi %mul3A_24, %add3A_25 : i32
    %run_scoped3A_27 = arith.constant 0 : i32
    "tpu.region"() ({
      %run_scoped3A_83 = tpu.sem_alloc : memref<!tpu.dma_semaphore, #tpu.memory_space<semaphore_mem>>
      %dma_start3A = arith.constant 0 : i32
      %dma_start3A_84 = arith.constant 0 : i32
      %dma_start3A_85 = tpu.memref_slice %arg11[%run_scoped3A_27, %dma_start3A, %dma_start3A_84] : memref<2x128x128xf32, #tpu.memory_space<vmem>> -> memref<1x128x128xf32, #tpu.memory_space<vmem>>
      %dma_start3A_86 = tpu.memref_squeeze %dma_start3A_85 : memref<1x128x128xf32, #tpu.memory_space<vmem>> -> memref<128x128xf32, #tpu.memory_space<vmem>>
      %dma_start3A_87 = arith.constant 0 : i32
      %dma_start3A_88 = tpu.memref_slice %arg12[%add3A_26, %dma_start3A_87] : memref<10240x128xf32, #tpu.memory_space<vmem_shared>> -> memref<128x128xf32, #tpu.memory_space<vmem_shared>>
      %dma_start3A_89 = arith.constant 0 : i32
      %dma_start3A_90 = tpu.memref_slice %arg12[%add3A_26, %dma_start3A_89] : memref<10240x128xf32, #tpu.memory_space<vmem_shared>> -> memref<128x128xf32, #tpu.memory_space<vmem_shared>>
      %dma_start3A_91 = arith.constant 0 : i32
      %dma_start3A_92 = arith.constant 0 : i32
      %dma_start3A_93 = tpu.memref_slice %arg11[%run_scoped3A_27, %dma_start3A_91, %dma_start3A_92] : memref<2x128x128xf32, #tpu.memory_space<vmem>> -> memref<1x128x128xf32, #tpu.memory_space<vmem>>
      %dma_start3A_94 = tpu.memref_squeeze %dma_start3A_93 : memref<1x128x128xf32, #tpu.memory_space<vmem>> -> memref<128x128xf32, #tpu.memory_space<vmem>>
      tpu.enqueue_dma source(%dma_start3A_94 : memref<128x128xf32, #tpu.memory_space<vmem>>) target(%dma_start3A_90 : memref<128x128xf32, #tpu.memory_space<vmem_shared>>) target_semaphore(%run_scoped3A_83 : memref<!tpu.dma_semaphore, #tpu.memory_space<semaphore_mem>>)
      %dma_wait3A = arith.constant 0 : i32
      %dma_wait3A_95 = arith.constant 0 : i32
      %dma_wait3A_96 = tpu.memref_slice %arg11[%run_scoped3A_27, %dma_wait3A, %dma_wait3A_95] : memref<2x128x128xf32, #tpu.memory_space<vmem>> -> memref<1x128x128xf32, #tpu.memory_space<vmem>>
      %dma_wait3A_97 = tpu.memref_squeeze %dma_wait3A_96 : memref<1x128x128xf32, #tpu.memory_space<vmem>> -> memref<128x128xf32, #tpu.memory_space<vmem>>
      %dma_wait3A_98 = arith.constant 0 : i32
      %dma_wait3A_99 = tpu.memref_slice %arg12[%add3A_26, %dma_wait3A_98] : memref<10240x128xf32, #tpu.memory_space<vmem_shared>> -> memref<128x128xf32, #tpu.memory_space<vmem_shared>>
      %dma_wait3A_100 = arith.constant 0 : i32
      %dma_wait3A_101 = tpu.memref_slice %arg12[%add3A_26, %dma_wait3A_100] : memref<10240x128xf32, #tpu.memory_space<vmem_shared>> -> memref<128x128xf32, #tpu.memory_space<vmem_shared>>
      %dma_wait3A_102 = arith.constant 0 : i32
      %dma_wait3A_103 = arith.constant 0 : i32
      %dma_wait3A_104 = tpu.memref_slice %arg11[%run_scoped3A_27, %dma_wait3A_102, %dma_wait3A_103] : memref<2x128x128xf32, #tpu.memory_space<vmem>> -> memref<1x128x128xf32, #tpu.memory_space<vmem>>
      %dma_wait3A_105 = tpu.memref_squeeze %dma_wait3A_104 : memref<1x128x128xf32, #tpu.memory_space<vmem>> -> memref<128x128xf32, #tpu.memory_space<vmem>>
      tpu.wait_dma2 semaphore(%run_scoped3A_83 : memref<!tpu.dma_semaphore, #tpu.memory_space<semaphore_mem>>) src(%dma_wait3A_105 : memref<128x128xf32, #tpu.memory_space<vmem>>) dst(%dma_wait3A_101 : memref<128x128xf32, #tpu.memory_space<vmem_shared>>)
      tpu.yield
    }) : () -> ()
    %mul3A_28 = arith.constant 640 : i32
    %mul3A_29 = arith.muli %arg1, %mul3A_28 : i32
    %add3A_30 = arith.constant 512 : i32
    %add3A_31 = arith.addi %mul3A_29, %add3A_30 : i32
    %run_scoped3A_32 = arith.constant 0 : i32
    "tpu.region"() ({
      %run_scoped3A_83 = tpu.sem_alloc : memref<!tpu.dma_semaphore, #tpu.memory_space<semaphore_mem>>
      %dma_start3A = arith.constant 0 : i32
      %dma_start3A_84 = arith.constant 0 : i32
      %dma_start3A_85 = tpu.memref_slice %arg11[%run_scoped3A_32, %dma_start3A, %dma_start3A_84] : memref<2x128x128xf32, #tpu.memory_space<vmem>> -> memref<1x128x128xf32, #tpu.memory_space<vmem>>
      %dma_start3A_86 = tpu.memref_squeeze %dma_start3A_85 : memref<1x128x128xf32, #tpu.memory_space<vmem>> -> memref<128x128xf32, #tpu.memory_space<vmem>>
      %dma_start3A_87 = arith.constant 0 : i32
      %dma_start3A_88 = tpu.memref_slice %arg12[%add3A_31, %dma_start3A_87] : memref<10240x128xf32, #tpu.memory_space<vmem_shared>> -> memref<128x128xf32, #tpu.memory_space<vmem_shared>>
      %dma_start3A_89 = arith.constant 0 : i32
      %dma_start3A_90 = tpu.memref_slice %arg12[%add3A_31, %dma_start3A_89] : memref<10240x128xf32, #tpu.memory_space<vmem_shared>> -> memref<128x128xf32, #tpu.memory_space<vmem_shared>>
      %dma_start3A_91 = arith.constant 0 : i32
      %dma_start3A_92 = arith.constant 0 : i32
      %dma_start3A_93 = tpu.memref_slice %arg11[%run_scoped3A_32, %dma_start3A_91, %dma_start3A_92] : memref<2x128x128xf32, #tpu.memory_space<vmem>> -> memref<1x128x128xf32, #tpu.memory_space<vmem>>
      %dma_start3A_94 = tpu.memref_squeeze %dma_start3A_93 : memref<1x128x128xf32, #tpu.memory_space<vmem>> -> memref<128x128xf32, #tpu.memory_space<vmem>>
      tpu.enqueue_dma source(%dma_start3A_94 : memref<128x128xf32, #tpu.memory_space<vmem>>) target(%dma_start3A_90 : memref<128x128xf32, #tpu.memory_space<vmem_shared>>) target_semaphore(%run_scoped3A_83 : memref<!tpu.dma_semaphore, #tpu.memory_space<semaphore_mem>>)
      %dma_wait3A = arith.constant 0 : i32
      %dma_wait3A_95 = arith.constant 0 : i32
      %dma_wait3A_96 = tpu.memref_slice %arg11[%run_scoped3A_32, %dma_wait3A, %dma_wait3A_95] : memref<2x128x128xf32, #tpu.memory_space<vmem>> -> memref<1x128x128xf32, #tpu.memory_space<vmem>>
      %dma_wait3A_97 = tpu.memref_squeeze %dma_wait3A_96 : memref<1x128x128xf32, #tpu.memory_space<vmem>> -> memref<128x128xf32, #tpu.memory_space<vmem>>
      %dma_wait3A_98 = arith.constant 0 : i32
      %dma_wait3A_99 = tpu.memref_slice %arg12[%add3A_31, %dma_wait3A_98] : memref<10240x128xf32, #tpu.memory_space<vmem_shared>> -> memref<128x128xf32, #tpu.memory_space<vmem_shared>>
      %dma_wait3A_100 = arith.constant 0 : i32
      %dma_wait3A_101 = tpu.memref_slice %arg12[%add3A_31, %dma_wait3A_100] : memref<10240x128xf32, #tpu.memory_space<vmem_shared>> -> memref<128x128xf32, #tpu.memory_space<vmem_shared>>
      %dma_wait3A_102 = arith.constant 0 : i32
      %dma_wait3A_103 = arith.constant 0 : i32
      %dma_wait3A_104 = tpu.memref_slice %arg11[%run_scoped3A_32, %dma_wait3A_102, %dma_wait3A_103] : memref<2x128x128xf32, #tpu.memory_space<vmem>> -> memref<1x128x128xf32, #tpu.memory_space<vmem>>
      %dma_wait3A_105 = tpu.memref_squeeze %dma_wait3A_104 : memref<1x128x128xf32, #tpu.memory_space<vmem>> -> memref<128x128xf32, #tpu.memory_space<vmem>>
      tpu.wait_dma2 semaphore(%run_scoped3A_83 : memref<!tpu.dma_semaphore, #tpu.memory_space<semaphore_mem>>) src(%dma_wait3A_105 : memref<128x128xf32, #tpu.memory_space<vmem>>) dst(%dma_wait3A_101 : memref<128x128xf32, #tpu.memory_space<vmem_shared>>)
      tpu.yield
    }) : () -> ()
    %broadcast_in_dim3A_33 = arith.constant 0.000000e+00 : f32
    %broadcast_in_dim3A_34 = vector.broadcast %broadcast_in_dim3A_33 : f32 to vector<16xf32>
    %scan3A_35 = arith.constant 0 : i32
    %scan3A_36 = arith.constant 0 : i32
    %scan3A_37 = arith.constant 128 : i32
    %scan3A_38 = arith.addi %scan3A_36, %scan3A_37 : i32
    %scan3A_39 = arith.constant 1 : i32
    scf.for %scan3A_83 = %scan3A_36 to %scan3A_38 step %scan3A_39  : i32 {
      %swap3A = arith.index_cast %scan3A_83 : i32 to index
      %swap3A_84 = arith.constant 0 : index
      %swap3A_85 = tpu.vector_load %arg14[%swap3A, %swap3A_84] {strides = array<i32>} : memref<128x16xf32, #tpu.memory_space<vmem>>, vector<1x16xf32>,
      %swap3A_86 = vector.shape_cast %swap3A_85 : vector<1x16xf32> to vector<16xf32>
      %swap3A_87 = vector.shape_cast %broadcast_in_dim3A_34 : vector<16xf32> to vector<1x16xf32>
      tpu.vector_store %arg14[%swap3A, %swap3A_84], %swap3A_87 {strides = array<i32>} : memref<128x16xf32, #tpu.memory_space<vmem>>, vector<1x16xf32>,
    }
    %scan3A_40 = arith.constant 128 : i32
    %mul3A_41 = arith.constant 640 : i32
    %mul3A_42 = arith.muli %arg1, %mul3A_41 : i32
    %add3A_43 = arith.constant 0 : i32
    %add3A_44 = arith.addi %mul3A_42, %add3A_43 : i32
    "tpu.region"() ({
      %run_scoped3A_83 = tpu.sem_alloc : memref<!tpu.dma_semaphore, #tpu.memory_space<semaphore_mem>>
      %dma_start3A = arith.constant 0 : i32
      %dma_start3A_84 = arith.constant 0 : i32
      %dma_start3A_85 = tpu.memref_slice %arg14[%dma_start3A, %dma_start3A_84] : memref<128x16xf32, #tpu.memory_space<vmem>> -> memref<128x16xf32, #tpu.memory_space<vmem>>
      %dma_start3A_86 = arith.constant 0 : i32
      %dma_start3A_87 = tpu.memref_slice %arg15[%add3A_44, %dma_start3A_86] : memref<10240x16xf32, #tpu.memory_space<vmem_shared>> -> memref<128x16xf32, #tpu.memory_space<vmem_shared>>
      %dma_start3A_88 = arith.constant 0 : i32
      %dma_start3A_89 = tpu.memref_slice %arg15[%add3A_44, %dma_start3A_88] : memref<10240x16xf32, #tpu.memory_space<vmem_shared>> -> memref<128x16xf32, #tpu.memory_space<vmem_shared>>
      %dma_start3A_90 = arith.constant 0 : i32
      %dma_start3A_91 = arith.constant 0 : i32
      %dma_start3A_92 = tpu.memref_slice %arg14[%dma_start3A_90, %dma_start3A_91] : memref<128x16xf32, #tpu.memory_space<vmem>> -> memref<128x16xf32, #tpu.memory_space<vmem>>
      tpu.enqueue_dma source(%dma_start3A_92 : memref<128x16xf32, #tpu.memory_space<vmem>>) target(%dma_start3A_89 : memref<128x16xf32, #tpu.memory_space<vmem_shared>>) target_semaphore(%run_scoped3A_83 : memref<!tpu.dma_semaphore, #tpu.memory_space<semaphore_mem>>)
      %dma_wait3A = arith.constant 0 : i32
      %dma_wait3A_93 = arith.constant 0 : i32
      %dma_wait3A_94 = tpu.memref_slice %arg14[%dma_wait3A, %dma_wait3A_93] : memref<128x16xf32, #tpu.memory_space<vmem>> -> memref<128x16xf32, #tpu.memory_space<vmem>>
      %dma_wait3A_95 = arith.constant 0 : i32
      %dma_wait3A_96 = tpu.memref_slice %arg15[%add3A_44, %dma_wait3A_95] : memref<10240x16xf32, #tpu.memory_space<vmem_shared>> -> memref<128x16xf32, #tpu.memory_space<vmem_shared>>
      %dma_wait3A_97 = arith.constant 0 : i32
      %dma_wait3A_98 = tpu.memref_slice %arg15[%add3A_44, %dma_wait3A_97] : memref<10240x16xf32, #tpu.memory_space<vmem_shared>> -> memref<128x16xf32, #tpu.memory_space<vmem_shared>>
      %dma_wait3A_99 = arith.constant 0 : i32
      %dma_wait3A_100 = arith.constant 0 : i32
      %dma_wait3A_101 = tpu.memref_slice %arg14[%dma_wait3A_99, %dma_wait3A_100] : memref<128x16xf32, #tpu.memory_space<vmem>> -> memref<128x16xf32, #tpu.memory_space<vmem>>
      tpu.wait_dma2 semaphore(%run_scoped3A_83 : memref<!tpu.dma_semaphore, #tpu.memory_space<semaphore_mem>>) src(%dma_wait3A_101 : memref<128x16xf32, #tpu.memory_space<vmem>>) dst(%dma_wait3A_98 : memref<128x16xf32, #tpu.memory_space<vmem_shared>>)
      tpu.yield
    }) : () -> ()
    %mul3A_45 = arith.constant 640 : i32
    %mul3A_46 = arith.muli %arg1, %mul3A_45 : i32
    %add3A_47 = arith.constant 128 : i32
    %add3A_48 = arith.addi %mul3A_46, %add3A_47 : i32
    "tpu.region"() ({
      %run_scoped3A_83 = tpu.sem_alloc : memref<!tpu.dma_semaphore, #tpu.memory_space<semaphore_mem>>
      %dma_start3A = arith.constant 0 : i32
      %dma_start3A_84 = arith.constant 0 : i32
      %dma_start3A_85 = tpu.memref_slice %arg14[%dma_start3A, %dma_start3A_84] : memref<128x16xf32, #tpu.memory_space<vmem>> -> memref<128x16xf32, #tpu.memory_space<vmem>>
      %dma_start3A_86 = arith.constant 0 : i32
      %dma_start3A_87 = tpu.memref_slice %arg15[%add3A_48, %dma_start3A_86] : memref<10240x16xf32, #tpu.memory_space<vmem_shared>> -> memref<128x16xf32, #tpu.memory_space<vmem_shared>>
      %dma_start3A_88 = arith.constant 0 : i32
      %dma_start3A_89 = tpu.memref_slice %arg15[%add3A_48, %dma_start3A_88] : memref<10240x16xf32, #tpu.memory_space<vmem_shared>> -> memref<128x16xf32, #tpu.memory_space<vmem_shared>>
      %dma_start3A_90 = arith.constant 0 : i32
      %dma_start3A_91 = arith.constant 0 : i32
      %dma_start3A_92 = tpu.memref_slice %arg14[%dma_start3A_90, %dma_start3A_91] : memref<128x16xf32, #tpu.memory_space<vmem>> -> memref<128x16xf32, #tpu.memory_space<vmem>>
      tpu.enqueue_dma source(%dma_start3A_92 : memref<128x16xf32, #tpu.memory_space<vmem>>) target(%dma_start3A_89 : memref<128x16xf32, #tpu.memory_space<vmem_shared>>) target_semaphore(%run_scoped3A_83 : memref<!tpu.dma_semaphore, #tpu.memory_space<semaphore_mem>>)
      %dma_wait3A = arith.constant 0 : i32
      %dma_wait3A_93 = arith.constant 0 : i32
      %dma_wait3A_94 = tpu.memref_slice %arg14[%dma_wait3A, %dma_wait3A_93] : memref<128x16xf32, #tpu.memory_space<vmem>> -> memref<128x16xf32, #tpu.memory_space<vmem>>
      %dma_wait3A_95 = arith.constant 0 : i32
      %dma_wait3A_96 = tpu.memref_slice %arg15[%add3A_48, %dma_wait3A_95] : memref<10240x16xf32, #tpu.memory_space<vmem_shared>> -> memref<128x16xf32, #tpu.memory_space<vmem_shared>>
      %dma_wait3A_97 = arith.constant 0 : i32
      %dma_wait3A_98 = tpu.memref_slice %arg15[%add3A_48, %dma_wait3A_97] : memref<10240x16xf32, #tpu.memory_space<vmem_shared>> -> memref<128x16xf32, #tpu.memory_space<vmem_shared>>
      %dma_wait3A_99 = arith.constant 0 : i32
      %dma_wait3A_100 = arith.constant 0 : i32
      %dma_wait3A_101 = tpu.memref_slice %arg14[%dma_wait3A_99, %dma_wait3A_100] : memref<128x16xf32, #tpu.memory_space<vmem>> -> memref<128x16xf32, #tpu.memory_space<vmem>>
      tpu.wait_dma2 semaphore(%run_scoped3A_83 : memref<!tpu.dma_semaphore, #tpu.memory_space<semaphore_mem>>) src(%dma_wait3A_101 : memref<128x16xf32, #tpu.memory_space<vmem>>) dst(%dma_wait3A_98 : memref<128x16xf32, #tpu.memory_space<vmem_shared>>)
      tpu.yield
    }) : () -> ()
    %mul3A_49 = arith.constant 640 : i32
    %mul3A_50 = arith.muli %arg1, %mul3A_49 : i32
    %add3A_51 = arith.constant 256 : i32
    %add3A_52 = arith.addi %mul3A_50, %add3A_51 : i32
    "tpu.region"() ({
      %run_scoped3A_83 = tpu.sem_alloc : memref<!tpu.dma_semaphore, #tpu.memory_space<semaphore_mem>>
      %dma_start3A = arith.constant 0 : i32
      %dma_start3A_84 = arith.constant 0 : i32
      %dma_start3A_85 = tpu.memref_slice %arg14[%dma_start3A, %dma_start3A_84] : memref<128x16xf32, #tpu.memory_space<vmem>> -> memref<128x16xf32, #tpu.memory_space<vmem>>
      %dma_start3A_86 = arith.constant 0 : i32
      %dma_start3A_87 = tpu.memref_slice %arg15[%add3A_52, %dma_start3A_86] : memref<10240x16xf32, #tpu.memory_space<vmem_shared>> -> memref<128x16xf32, #tpu.memory_space<vmem_shared>>
      %dma_start3A_88 = arith.constant 0 : i32
      %dma_start3A_89 = tpu.memref_slice %arg15[%add3A_52, %dma_start3A_88] : memref<10240x16xf32, #tpu.memory_space<vmem_shared>> -> memref<128x16xf32, #tpu.memory_space<vmem_shared>>
      %dma_start3A_90 = arith.constant 0 : i32
      %dma_start3A_91 = arith.constant 0 : i32
      %dma_start3A_92 = tpu.memref_slice %arg14[%dma_start3A_90, %dma_start3A_91] : memref<128x16xf32, #tpu.memory_space<vmem>> -> memref<128x16xf32, #tpu.memory_space<vmem>>
      tpu.enqueue_dma source(%dma_start3A_92 : memref<128x16xf32, #tpu.memory_space<vmem>>) target(%dma_start3A_89 : memref<128x16xf32, #tpu.memory_space<vmem_shared>>) target_semaphore(%run_scoped3A_83 : memref<!tpu.dma_semaphore, #tpu.memory_space<semaphore_mem>>)
      %dma_wait3A = arith.constant 0 : i32
      %dma_wait3A_93 = arith.constant 0 : i32
      %dma_wait3A_94 = tpu.memref_slice %arg14[%dma_wait3A, %dma_wait3A_93] : memref<128x16xf32, #tpu.memory_space<vmem>> -> memref<128x16xf32, #tpu.memory_space<vmem>>
      %dma_wait3A_95 = arith.constant 0 : i32
      %dma_wait3A_96 = tpu.memref_slice %arg15[%add3A_52, %dma_wait3A_95] : memref<10240x16xf32, #tpu.memory_space<vmem_shared>> -> memref<128x16xf32, #tpu.memory_space<vmem_shared>>
      %dma_wait3A_97 = arith.constant 0 : i32
      %dma_wait3A_98 = tpu.memref_slice %arg15[%add3A_52, %dma_wait3A_97] : memref<10240x16xf32, #tpu.memory_space<vmem_shared>> -> memref<128x16xf32, #tpu.memory_space<vmem_shared>>
      %dma_wait3A_99 = arith.constant 0 : i32
      %dma_wait3A_100 = arith.constant 0 : i32
      %dma_wait3A_101 = tpu.memref_slice %arg14[%dma_wait3A_99, %dma_wait3A_100] : memref<128x16xf32, #tpu.memory_space<vmem>> -> memref<128x16xf32, #tpu.memory_space<vmem>>
      tpu.wait_dma2 semaphore(%run_scoped3A_83 : memref<!tpu.dma_semaphore, #tpu.memory_space<semaphore_mem>>) src(%dma_wait3A_101 : memref<128x16xf32, #tpu.memory_space<vmem>>) dst(%dma_wait3A_98 : memref<128x16xf32, #tpu.memory_space<vmem_shared>>)
      tpu.yield
    }) : () -> ()
    %mul3A_53 = arith.constant 640 : i32
    %mul3A_54 = arith.muli %arg1, %mul3A_53 : i32
    %add3A_55 = arith.constant 384 : i32
    %add3A_56 = arith.addi %mul3A_54, %add3A_55 : i32
    "tpu.region"() ({
      %run_scoped3A_83 = tpu.sem_alloc : memref<!tpu.dma_semaphore, #tpu.memory_space<semaphore_mem>>
      %dma_start3A = arith.constant 0 : i32
      %dma_start3A_84 = arith.constant 0 : i32
      %dma_start3A_85 = tpu.memref_slice %arg14[%dma_start3A, %dma_start3A_84] : memref<128x16xf32, #tpu.memory_space<vmem>> -> memref<128x16xf32, #tpu.memory_space<vmem>>
      %dma_start3A_86 = arith.constant 0 : i32
      %dma_start3A_87 = tpu.memref_slice %arg15[%add3A_56, %dma_start3A_86] : memref<10240x16xf32, #tpu.memory_space<vmem_shared>> -> memref<128x16xf32, #tpu.memory_space<vmem_shared>>
      %dma_start3A_88 = arith.constant 0 : i32
      %dma_start3A_89 = tpu.memref_slice %arg15[%add3A_56, %dma_start3A_88] : memref<10240x16xf32, #tpu.memory_space<vmem_shared>> -> memref<128x16xf32, #tpu.memory_space<vmem_shared>>
      %dma_start3A_90 = arith.constant 0 : i32
      %dma_start3A_91 = arith.constant 0 : i32
      %dma_start3A_92 = tpu.memref_slice %arg14[%dma_start3A_90, %dma_start3A_91] : memref<128x16xf32, #tpu.memory_space<vmem>> -> memref<128x16xf32, #tpu.memory_space<vmem>>
      tpu.enqueue_dma source(%dma_start3A_92 : memref<128x16xf32, #tpu.memory_space<vmem>>) target(%dma_start3A_89 : memref<128x16xf32, #tpu.memory_space<vmem_shared>>) target_semaphore(%run_scoped3A_83 : memref<!tpu.dma_semaphore, #tpu.memory_space<semaphore_mem>>)
      %dma_wait3A = arith.constant 0 : i32
      %dma_wait3A_93 = arith.constant 0 : i32
      %dma_wait3A_94 = tpu.memref_slice %arg14[%dma_wait3A, %dma_wait3A_93] : memref<128x16xf32, #tpu.memory_space<vmem>> -> memref<128x16xf32, #tpu.memory_space<vmem>>
      %dma_wait3A_95 = arith.constant 0 : i32
      %dma_wait3A_96 = tpu.memref_slice %arg15[%add3A_56, %dma_wait3A_95] : memref<10240x16xf32, #tpu.memory_space<vmem_shared>> -> memref<128x16xf32, #tpu.memory_space<vmem_shared>>
      %dma_wait3A_97 = arith.constant 0 : i32
      %dma_wait3A_98 = tpu.memref_slice %arg15[%add3A_56, %dma_wait3A_97] : memref<10240x16xf32, #tpu.memory_space<vmem_shared>> -> memref<128x16xf32, #tpu.memory_space<vmem_shared>>
      %dma_wait3A_99 = arith.constant 0 : i32
      %dma_wait3A_100 = arith.constant 0 : i32
      %dma_wait3A_101 = tpu.memref_slice %arg14[%dma_wait3A_99, %dma_wait3A_100] : memref<128x16xf32, #tpu.memory_space<vmem>> -> memref<128x16xf32, #tpu.memory_space<vmem>>
      tpu.wait_dma2 semaphore(%run_scoped3A_83 : memref<!tpu.dma_semaphore, #tpu.memory_space<semaphore_mem>>) src(%dma_wait3A_101 : memref<128x16xf32, #tpu.memory_space<vmem>>) dst(%dma_wait3A_98 : memref<128x16xf32, #tpu.memory_space<vmem_shared>>)
      tpu.yield
    }) : () -> ()
    %mul3A_57 = arith.constant 640 : i32
    %mul3A_58 = arith.muli %arg1, %mul3A_57 : i32
    %add3A_59 = arith.constant 512 : i32
    %add3A_60 = arith.addi %mul3A_58, %add3A_59 : i32
    "tpu.region"() ({
      %run_scoped3A_83 = tpu.sem_alloc : memref<!tpu.dma_semaphore, #tpu.memory_space<semaphore_mem>>
      %dma_start3A = arith.constant 0 : i32
      %dma_start3A_84 = arith.constant 0 : i32
      %dma_start3A_85 = tpu.memref_slice %arg14[%dma_start3A, %dma_start3A_84] : memref<128x16xf32, #tpu.memory_space<vmem>> -> memref<128x16xf32, #tpu.memory_space<vmem>>
      %dma_start3A_86 = arith.constant 0 : i32
      %dma_start3A_87 = tpu.memref_slice %arg15[%add3A_60, %dma_start3A_86] : memref<10240x16xf32, #tpu.memory_space<vmem_shared>> -> memref<128x16xf32, #tpu.memory_space<vmem_shared>>
      %dma_start3A_88 = arith.constant 0 : i32
      %dma_start3A_89 = tpu.memref_slice %arg15[%add3A_60, %dma_start3A_88] : memref<10240x16xf32, #tpu.memory_space<vmem_shared>> -> memref<128x16xf32, #tpu.memory_space<vmem_shared>>
      %dma_start3A_90 = arith.constant 0 : i32
      %dma_start3A_91 = arith.constant 0 : i32
      %dma_start3A_92 = tpu.memref_slice %arg14[%dma_start3A_90, %dma_start3A_91] : memref<128x16xf32, #tpu.memory_space<vmem>> -> memref<128x16xf32, #tpu.memory_space<vmem>>
      tpu.enqueue_dma source(%dma_start3A_92 : memref<128x16xf32, #tpu.memory_space<vmem>>) target(%dma_start3A_89 : memref<128x16xf32, #tpu.memory_space<vmem_shared>>) target_semaphore(%run_scoped3A_83 : memref<!tpu.dma_semaphore, #tpu.memory_space<semaphore_mem>>)
      %dma_wait3A = arith.constant 0 : i32
      %dma_wait3A_93 = arith.constant 0 : i32
      %dma_wait3A_94 = tpu.memref_slice %arg14[%dma_wait3A, %dma_wait3A_93] : memref<128x16xf32, #tpu.memory_space<vmem>> -> memref<128x16xf32, #tpu.memory_space<vmem>>
      %dma_wait3A_95 = arith.constant 0 : i32
      %dma_wait3A_96 = tpu.memref_slice %arg15[%add3A_60, %dma_wait3A_95] : memref<10240x16xf32, #tpu.memory_space<vmem_shared>> -> memref<128x16xf32, #tpu.memory_space<vmem_shared>>
      %dma_wait3A_97 = arith.constant 0 : i32
      %dma_wait3A_98 = tpu.memref_slice %arg15[%add3A_60, %dma_wait3A_97] : memref<10240x16xf32, #tpu.memory_space<vmem_shared>> -> memref<128x16xf32, #tpu.memory_space<vmem_shared>>
      %dma_wait3A_99 = arith.constant 0 : i32
      %dma_wait3A_100 = arith.constant 0 : i32
      %dma_wait3A_101 = tpu.memref_slice %arg14[%dma_wait3A_99, %dma_wait3A_100] : memref<128x16xf32, #tpu.memory_space<vmem>> -> memref<128x16xf32, #tpu.memory_space<vmem>>
      tpu.wait_dma2 semaphore(%run_scoped3A_83 : memref<!tpu.dma_semaphore, #tpu.memory_space<semaphore_mem>>) src(%dma_wait3A_101 : memref<128x16xf32, #tpu.memory_space<vmem>>) dst(%dma_wait3A_98 : memref<128x16xf32, #tpu.memory_space<vmem_shared>>)
      tpu.yield
    }) : () -> ()
    %broadcast_in_dim3A_61 = arith.constant 1.000000e+00 : f32
    %broadcast_in_dim3A_62 = vector.broadcast %broadcast_in_dim3A_61 : f32 to vector<16xf32>
    %scan3A_63 = arith.constant 0 : i32
    %scan3A_64 = arith.constant 0 : i32
    %scan3A_65 = arith.constant 128 : i32
    %scan3A_66 = arith.addi %scan3A_64, %scan3A_65 : i32
    %scan3A_67 = arith.constant 1 : i32
    scf.for %scan3A_83 = %scan3A_64 to %scan3A_66 step %scan3A_67  : i32 {
      %swap3A = arith.index_cast %scan3A_83 : i32 to index
      %swap3A_84 = arith.constant 0 : index
      %swap3A_85 = tpu.vector_load %arg14[%swap3A, %swap3A_84] {strides = array<i32>} : memref<128x16xf32, #tpu.memory_space<vmem>>, vector<1x16xf32>,
      %swap3A_86 = vector.shape_cast %swap3A_85 : vector<1x16xf32> to vector<16xf32>
      %swap3A_87 = vector.shape_cast %broadcast_in_dim3A_62 : vector<16xf32> to vector<1x16xf32>
      tpu.vector_store %arg14[%swap3A, %swap3A_84], %swap3A_87 {strides = array<i32>} : memref<128x16xf32, #tpu.memory_space<vmem>>, vector<1x16xf32>,
    }
    %scan3A_68 = arith.constant 128 : i32
    %barrier3A = arith.constant 0 : index
    tpu.barrier barrier_id(%barrier3A)
    %scan3A_69 = arith.constant 0 : i32
    %scan3A_70 = arith.constant 0 : i32
    %scan3A_71 = arith.constant 8 : i32
    %scan3A_72 = arith.addi %scan3A_70, %scan3A_71 : i32
    %scan3A_73 = arith.constant 1 : i32
    scf.for %scan3A_83 = %scan3A_70 to %scan3A_72 step %scan3A_73  : i32 {
      %mul3A_84 = arith.constant 10 : i32
      %mul3A_85 = arith.muli %scan3A_83, %mul3A_84 : i32
      %add3A_86 = arith.addi %mul3A_2, %mul3A_85 : i32
      "tpu.region"() ({
        %run_scoped3A_107 = tpu.sem_alloc : memref<!tpu.dma_semaphore, #tpu.memory_space<semaphore_mem>>
        %dma_start3A_108 = arith.constant 0 : i32
        %dma_start3A_109 = tpu.memref_slice %arg3[%add3A_86, %dma_start3A_108] : memref<2560x128xi32, #tpu.memory_space<hbm>> -> memref<10x128xi32, #tpu.memory_space<hbm>>
        %dma_start3A_110 = arith.constant 0 : i32
        %dma_start3A_111 = tpu.memref_slice %arg3[%add3A_86, %dma_start3A_110] : memref<2560x128xi32, #tpu.memory_space<hbm>> -> memref<10x128xi32, #tpu.memory_space<hbm>>
        tpu.enqueue_dma source(%dma_start3A_111 : memref<10x128xi32, #tpu.memory_space<hbm>>) target(%arg9 : memref<10x128xi32, #tpu.memory_space<vmem>>) target_semaphore(%run_scoped3A_107 : memref<!tpu.dma_semaphore, #tpu.memory_space<semaphore_mem>>)
        %dma_wait3A = arith.constant 0 : i32
        %dma_wait3A_112 = tpu.memref_slice %arg3[%add3A_86, %dma_wait3A] : memref<2560x128xi32, #tpu.memory_space<hbm>> -> memref<10x128xi32, #tpu.memory_space<hbm>>
        %dma_wait3A_113 = arith.constant 0 : i32
        %dma_wait3A_114 = tpu.memref_slice %arg3[%add3A_86, %dma_wait3A_113] : memref<2560x128xi32, #tpu.memory_space<hbm>> -> memref<10x128xi32, #tpu.memory_space<hbm>>
        tpu.wait_dma2 semaphore(%run_scoped3A_107 : memref<!tpu.dma_semaphore, #tpu.memory_space<semaphore_mem>>) src(%dma_wait3A_114 : memref<10x128xi32, #tpu.memory_space<hbm>>) dst(%arg9 : memref<10x128xi32, #tpu.memory_space<vmem>>)
        tpu.yield
      }) : () -> ()
      %mul3A_87 = arith.constant 10 : i32
      %mul3A_88 = arith.muli %scan3A_83, %mul3A_87 : i32
      %add3A_89 = arith.addi %mul3A_2, %mul3A_88 : i32
      "tpu.region"() ({
        %run_scoped3A_107 = tpu.sem_alloc : memref<!tpu.dma_semaphore, #tpu.memory_space<semaphore_mem>>
        %dma_start3A_108 = arith.constant 0 : i32
        %dma_start3A_109 = tpu.memref_slice %arg4[%add3A_89, %dma_start3A_108] : memref<2560x128xi32, #tpu.memory_space<hbm>> -> memref<10x128xi32, #tpu.memory_space<hbm>>
        %dma_start3A_110 = arith.constant 0 : i32
        %dma_start3A_111 = tpu.memref_slice %arg4[%add3A_89, %dma_start3A_110] : memref<2560x128xi32, #tpu.memory_space<hbm>> -> memref<10x128xi32, #tpu.memory_space<hbm>>
        tpu.enqueue_dma source(%dma_start3A_111 : memref<10x128xi32, #tpu.memory_space<hbm>>) target(%arg10 : memref<10x128xi32, #tpu.memory_space<vmem>>) target_semaphore(%run_scoped3A_107 : memref<!tpu.dma_semaphore, #tpu.memory_space<semaphore_mem>>)
        %dma_wait3A = arith.constant 0 : i32
        %dma_wait3A_112 = tpu.memref_slice %arg4[%add3A_89, %dma_wait3A] : memref<2560x128xi32, #tpu.memory_space<hbm>> -> memref<10x128xi32, #tpu.memory_space<hbm>>
        %dma_wait3A_113 = arith.constant 0 : i32
        %dma_wait3A_114 = tpu.memref_slice %arg4[%add3A_89, %dma_wait3A_113] : memref<2560x128xi32, #tpu.memory_space<hbm>> -> memref<10x128xi32, #tpu.memory_space<hbm>>
        tpu.wait_dma2 semaphore(%run_scoped3A_107 : memref<!tpu.dma_semaphore, #tpu.memory_space<semaphore_mem>>) src(%dma_wait3A_114 : memref<10x128xi32, #tpu.memory_space<hbm>>) dst(%arg10 : memref<10x128xi32, #tpu.memory_space<vmem>>)
        tpu.yield
      }) : () -> ()
      %dma_start3A = arith.constant 0 : i32
      %dma_start3A_90 = arith.constant 0 : i32
      %dma_start3A_91 = arith.constant 0 : i32
      %dma_start3A_92 = arith.constant 0 : i32
      %dma_start3A_93 = tpu.memref_slice %arg11[%dma_start3A_90, %dma_start3A_91, %dma_start3A_92] : memref<2x128x128xf32, #tpu.memory_space<vmem>> -> memref<1x128x128xf32, #tpu.memory_space<vmem>>
      %dma_start3A_94 = tpu.memref_squeeze %dma_start3A_93 : memref<1x128x128xf32, #tpu.memory_space<vmem>> -> memref<128x128xf32, #tpu.memory_space<vmem>>
      %dma_start3A_95 = arith.constant 0 : i32
      %dma_start3A_96 = tpu.memref_slice %arg9[%dma_start3A, %dma_start3A_95] : memref<10x128xi32, #tpu.memory_space<vmem>> -> memref<1x128xi32, #tpu.memory_space<vmem>>
      %dma_start3A_97 = tpu.memref_squeeze %dma_start3A_96 : memref<1x128xi32, #tpu.memory_space<vmem>> -> memref<128xi32, #tpu.memory_space<vmem>>
      %dma_start3A_98 = arith.constant 0 : i32
      %dma_start3A_99 = arith.constant 0 : i32
      %dma_start3A_100 = tpu.memref_slice %arg2[%dma_start3A_98, %dma_start3A_99] : memref<10240x128xf32, #tpu.memory_space<hbm>> -> memref<10240x128xf32, #tpu.memory_space<hbm>>
      tpu.enqueue_indirect_dma source(%dma_start3A_100 : memref<10240x128xf32, #tpu.memory_space<hbm>>) target(%dma_start3A_94 : memref<128x128xf32, #tpu.memory_space<vmem>>) offsets(%dma_start3A_97 : memref<128xi32, #tpu.memory_space<vmem>>) semaphore(%arg13 : memref<!tpu.dma_semaphore, #tpu.memory_space<semaphore_mem>>)
      %scan3A_101 = arith.constant 0 : i32
      %scan3A_102 = arith.constant 0 : i32
      %scan3A_103 = arith.constant 10 : i32
      %scan3A_104 = arith.addi %scan3A_102, %scan3A_103 : i32
      %scan3A_105 = arith.constant 1 : i32
      scf.for %scan3A_107 = %scan3A_102 to %scan3A_104 step %scan3A_105  : i32 {
        %rem3A = arith.constant 2 : i32
        %rem3A_108 = arith.remsi %scan3A_107, %rem3A : i32
        %add3A_109 = arith.constant 1 : i32
        %add3A_110 = arith.addi %scan3A_107, %add3A_109 : i32
        %rem3A_111 = arith.constant 2 : i32
        %rem3A_112 = arith.remsi %add3A_110, %rem3A_111 : i32
        %dma_wait3A = arith.constant 0 : i32
        %dma_wait3A_113 = arith.constant 0 : i32
        %dma_wait3A_114 = tpu.memref_slice %arg11[%rem3A_108, %dma_wait3A, %dma_wait3A_113] : memref<2x128x128xf32, #tpu.memory_space<vmem>> -> memref<1x128x128xf32, #tpu.memory_space<vmem>>
        %dma_wait3A_115 = tpu.memref_squeeze %dma_wait3A_114 : memref<1x128x128xf32, #tpu.memory_space<vmem>> -> memref<128x128xf32, #tpu.memory_space<vmem>>
        %dma_wait3A_116 = arith.constant 0 : i32
        %dma_wait3A_117 = tpu.memref_slice %arg9[%scan3A_107, %dma_wait3A_116] : memref<10x128xi32, #tpu.memory_space<vmem>> -> memref<1x128xi32, #tpu.memory_space<vmem>>
        %dma_wait3A_118 = tpu.memref_squeeze %dma_wait3A_117 : memref<1x128xi32, #tpu.memory_space<vmem>> -> memref<128xi32, #tpu.memory_space<vmem>>
        %dma_wait3A_119 = arith.constant 0 : i32
        %dma_wait3A_120 = arith.constant 0 : i32
        %dma_wait3A_121 = tpu.memref_slice %arg2[%dma_wait3A_119, %dma_wait3A_120] : memref<10240x128xf32, #tpu.memory_space<hbm>> -> memref<10240x128xf32, #tpu.memory_space<hbm>>
        tpu.wait_indirect_dma semaphore(%arg13 : memref<!tpu.dma_semaphore, #tpu.memory_space<semaphore_mem>>) src(%dma_wait3A_121 : memref<10240x128xf32, #tpu.memory_space<hbm>>) dst(%dma_wait3A_115 : memref<128x128xf32, #tpu.memory_space<vmem>>)
        %lt3A = arith.constant 9 : i32
        %lt3A_122 = arith.cmpi slt, %scan3A_107, %lt3A : i32
        %convert_element_type3A_123 = arith.extui %lt3A_122 : i1 to i32
        %cond3A_124 = arith.constant 0 : i32
        %cond3A_125 = arith.cmpi ne, %convert_element_type3A_123, %cond3A_124 : i32
        scf.if %cond3A_125 {
          %add3A_126 = arith.constant 1 : i32
          %add3A_127 = arith.addi %scan3A_107, %add3A_126 : i32
          %dma_start3A_128 = arith.constant 0 : i32
          %dma_start3A_129 = arith.constant 0 : i32
          %dma_start3A_130 = tpu.memref_slice %arg11[%rem3A_112, %dma_start3A_128, %dma_start3A_129] : memref<2x128x128xf32, #tpu.memory_space<vmem>> -> memref<1x128x128xf32, #tpu.memory_space<vmem>>
          %dma_start3A_131 = tpu.memref_squeeze %dma_start3A_130 : memref<1x128x128xf32, #tpu.memory_space<vmem>> -> memref<128x128xf32, #tpu.memory_space<vmem>>
          %dma_start3A_132 = arith.constant 0 : i32
          %dma_start3A_133 = tpu.memref_slice %arg9[%add3A_127, %dma_start3A_132] : memref<10x128xi32, #tpu.memory_space<vmem>> -> memref<1x128xi32, #tpu.memory_space<vmem>>
          %dma_start3A_134 = tpu.memref_squeeze %dma_start3A_133 : memref<1x128xi32, #tpu.memory_space<vmem>> -> memref<128xi32, #tpu.memory_space<vmem>>
          %dma_start3A_135 = arith.constant 0 : i32
          %dma_start3A_136 = arith.constant 0 : i32
          %dma_start3A_137 = tpu.memref_slice %arg2[%dma_start3A_135, %dma_start3A_136] : memref<10240x128xf32, #tpu.memory_space<hbm>> -> memref<10240x128xf32, #tpu.memory_space<hbm>>
          tpu.enqueue_indirect_dma source(%dma_start3A_137 : memref<10240x128xf32, #tpu.memory_space<hbm>>) target(%dma_start3A_131 : memref<128x128xf32, #tpu.memory_space<vmem>>) offsets(%dma_start3A_134 : memref<128xi32, #tpu.memory_space<vmem>>) semaphore(%arg13 : memref<!tpu.dma_semaphore, #tpu.memory_space<semaphore_mem>>)
        } else {
        }
        "tpu.region"() ({
          %run_scoped3A_126 = tpu.sem_alloc : memref<!tpu.dma_semaphore, #tpu.memory_space<semaphore_mem>>
          %dma_start3A_127 = arith.constant 0 : i32
          %dma_start3A_128 = arith.constant 0 : i32
          %dma_start3A_129 = tpu.memref_slice %arg11[%rem3A_108, %dma_start3A_127, %dma_start3A_128] : memref<2x128x128xf32, #tpu.memory_space<vmem>> -> memref<1x128x128xf32, #tpu.memory_space<vmem>>
          %dma_start3A_130 = tpu.memref_squeeze %dma_start3A_129 : memref<1x128x128xf32, #tpu.memory_space<vmem>> -> memref<128x128xf32, #tpu.memory_space<vmem>>
          %dma_start3A_131 = arith.constant 0 : i32
          %dma_start3A_132 = tpu.memref_slice %arg10[%scan3A_107, %dma_start3A_131] : memref<10x128xi32, #tpu.memory_space<vmem>> -> memref<1x128xi32, #tpu.memory_space<vmem>>
          %dma_start3A_133 = tpu.memref_squeeze %dma_start3A_132 : memref<1x128xi32, #tpu.memory_space<vmem>> -> memref<128xi32, #tpu.memory_space<vmem>>
          %dma_start3A_134 = arith.constant 0 : i32
          %dma_start3A_135 = arith.constant 0 : i32
          %dma_start3A_136 = tpu.memref_slice %arg12[%dma_start3A_134, %dma_start3A_135] : memref<10240x128xf32, #tpu.memory_space<vmem_shared>> -> memref<10240x128xf32, #tpu.memory_space<vmem_shared>>
          tpu.enqueue_indirect_dma source(%dma_start3A_130 : memref<128x128xf32, #tpu.memory_space<vmem>>) target(%dma_start3A_136 : memref<10240x128xf32, #tpu.memory_space<vmem_shared>>) offsets(%dma_start3A_133 : memref<128xi32, #tpu.memory_space<vmem>>) semaphore(%run_scoped3A_126 : memref<!tpu.dma_semaphore, #tpu.memory_space<semaphore_mem>>) {add = true}
          %dma_wait3A_137 = arith.constant 0 : i32
          %dma_wait3A_138 = arith.constant 0 : i32
          %dma_wait3A_139 = tpu.memref_slice %arg11[%rem3A_108, %dma_wait3A_137, %dma_wait3A_138] : memref<2x128x128xf32, #tpu.memory_space<vmem>> -> memref<1x128x128xf32, #tpu.memory_space<vmem>>
          %dma_wait3A_140 = tpu.memref_squeeze %dma_wait3A_139 : memref<1x128x128xf32, #tpu.memory_space<vmem>> -> memref<128x128xf32, #tpu.memory_space<vmem>>
          %dma_wait3A_141 = arith.constant 0 : i32
          %dma_wait3A_142 = tpu.memref_slice %arg10[%scan3A_107, %dma_wait3A_141] : memref<10x128xi32, #tpu.memory_space<vmem>> -> memref<1x128xi32, #tpu.memory_space<vmem>>
          %dma_wait3A_143 = tpu.memref_squeeze %dma_wait3A_142 : memref<1x128xi32, #tpu.memory_space<vmem>> -> memref<128xi32, #tpu.memory_space<vmem>>
          %dma_wait3A_144 = arith.constant 0 : i32
          %dma_wait3A_145 = arith.constant 0 : i32
          %dma_wait3A_146 = tpu.memref_slice %arg12[%dma_wait3A_144, %dma_wait3A_145] : memref<10240x128xf32, #tpu.memory_space<vmem_shared>> -> memref<10240x128xf32, #tpu.memory_space<vmem_shared>>
          tpu.wait_indirect_dma semaphore(%run_scoped3A_126 : memref<!tpu.dma_semaphore, #tpu.memory_space<semaphore_mem>>) src(%dma_wait3A_140 : memref<128x128xf32, #tpu.memory_space<vmem>>) dst(%dma_wait3A_146 : memref<10240x128xf32, #tpu.memory_space<vmem_shared>>)
          tpu.yield
        }) : () -> ()
        "tpu.region"() ({
          %run_scoped3A_126 = tpu.sem_alloc : memref<!tpu.dma_semaphore, #tpu.memory_space<semaphore_mem>>
          %dma_start3A_127 = arith.constant 0 : i32
          %dma_start3A_128 = tpu.memref_slice %arg10[%scan3A_107, %dma_start3A_127] : memref<10x128xi32, #tpu.memory_space<vmem>> -> memref<1x128xi32, #tpu.memory_space<vmem>>
          %dma_start3A_129 = tpu.memref_squeeze %dma_start3A_128 : memref<1x128xi32, #tpu.memory_space<vmem>> -> memref<128xi32, #tpu.memory_space<vmem>>
          %dma_start3A_130 = arith.constant 0 : i32
          %dma_start3A_131 = arith.constant 0 : i32
          %dma_start3A_132 = tpu.memref_slice %arg15[%dma_start3A_130, %dma_start3A_131] : memref<10240x16xf32, #tpu.memory_space<vmem_shared>> -> memref<10240x16xf32, #tpu.memory_space<vmem_shared>>
          tpu.enqueue_indirect_dma source(%arg14 : memref<128x16xf32, #tpu.memory_space<vmem>>) target(%dma_start3A_132 : memref<10240x16xf32, #tpu.memory_space<vmem_shared>>) offsets(%dma_start3A_129 : memref<128xi32, #tpu.memory_space<vmem>>) semaphore(%run_scoped3A_126 : memref<!tpu.dma_semaphore, #tpu.memory_space<semaphore_mem>>) {add = true}
          %dma_wait3A_133 = arith.constant 0 : i32
          %dma_wait3A_134 = tpu.memref_slice %arg10[%scan3A_107, %dma_wait3A_133] : memref<10x128xi32, #tpu.memory_space<vmem>> -> memref<1x128xi32, #tpu.memory_space<vmem>>
          %dma_wait3A_135 = tpu.memref_squeeze %dma_wait3A_134 : memref<1x128xi32, #tpu.memory_space<vmem>> -> memref<128xi32, #tpu.memory_space<vmem>>
          %dma_wait3A_136 = arith.constant 0 : i32
          %dma_wait3A_137 = arith.constant 0 : i32
          %dma_wait3A_138 = tpu.memref_slice %arg15[%dma_wait3A_136, %dma_wait3A_137] : memref<10240x16xf32, #tpu.memory_space<vmem_shared>> -> memref<10240x16xf32, #tpu.memory_space<vmem_shared>>
          tpu.wait_indirect_dma semaphore(%run_scoped3A_126 : memref<!tpu.dma_semaphore, #tpu.memory_space<semaphore_mem>>) src(%arg14 : memref<128x16xf32, #tpu.memory_space<vmem>>) dst(%dma_wait3A_138 : memref<10240x16xf32, #tpu.memory_space<vmem_shared>>)
          tpu.yield
        }) : () -> ()
      }
      %scan3A_106 = arith.constant 10 : i32
    }
    %scan3A_74 = arith.constant 8 : i32
    %barrier3A_75 = arith.constant 0 : index
    tpu.barrier barrier_id(%barrier3A_75)
    %eq3A = arith.constant 0 : i32
    %eq3A_76 = arith.cmpi eq, %arg0, %eq3A : i32
    %convert_element_type3A = arith.extui %eq3A_76 : i1 to i32
    %cond3A = arith.constant 0 : i32
    %cond3A_77 = arith.cmpi ne, %convert_element_type3A, %cond3A : i32
    scf.if %cond3A_77 {
      %mul3A_83 = arith.constant 640 : i32
      %mul3A_84 = arith.muli %arg1, %mul3A_83 : i32
      %mul3A_85 = arith.constant 640 : i32
      %mul3A_86 = arith.muli %arg1, %mul3A_85 : i32
      "tpu.region"() ({
        %run_scoped3A_91 = tpu.sem_alloc : memref<!tpu.dma_semaphore, #tpu.memory_space<semaphore_mem>>
        %dma_start3A = arith.constant 0 : i32
        %dma_start3A_92 = tpu.memref_slice %arg5[%mul3A_86, %dma_start3A] : memref<10240x128xf32, #tpu.memory_space<hbm>> -> memref<640x128xf32, #tpu.memory_space<hbm>>
        %dma_start3A_93 = arith.constant 0 : i32
        %dma_start3A_94 = tpu.memref_slice %arg12[%mul3A_84, %dma_start3A_93] : memref<10240x128xf32, #tpu.memory_space<vmem_shared>> -> memref<640x128xf32, #tpu.memory_space<vmem_shared>>
        tpu.enqueue_dma source(%dma_start3A_94 : memref<640x128xf32, #tpu.memory_space<vmem_shared>>) target(%dma_start3A_92 : memref<640x128xf32, #tpu.memory_space<hbm>>) target_semaphore(%run_scoped3A_91 : memref<!tpu.dma_semaphore, #tpu.memory_space<semaphore_mem>>)
        %dma_wait3A = arith.constant 0 : i32
        %dma_wait3A_95 = tpu.memref_slice %arg5[%mul3A_86, %dma_wait3A] : memref<10240x128xf32, #tpu.memory_space<hbm>> -> memref<640x128xf32, #tpu.memory_space<hbm>>
        %dma_wait3A_96 = arith.constant 0 : i32
        %dma_wait3A_97 = tpu.memref_slice %arg12[%mul3A_84, %dma_wait3A_96] : memref<10240x128xf32, #tpu.memory_space<vmem_shared>> -> memref<640x128xf32, #tpu.memory_space<vmem_shared>>
        tpu.wait_dma2 semaphore(%run_scoped3A_91 : memref<!tpu.dma_semaphore, #tpu.memory_space<semaphore_mem>>) src(%dma_wait3A_97 : memref<640x128xf32, #tpu.memory_space<vmem_shared>>) dst(%dma_wait3A_95 : memref<640x128xf32, #tpu.memory_space<hbm>>)
        tpu.yield
      }) : () -> ()
      %mul3A_87 = arith.constant 640 : i32
      %mul3A_88 = arith.muli %arg1, %mul3A_87 : i32
      %mul3A_89 = arith.constant 640 : i32
      %mul3A_90 = arith.muli %arg1, %mul3A_89 : i32
      "tpu.region"() ({
        %run_scoped3A_91 = tpu.sem_alloc : memref<!tpu.dma_semaphore, #tpu.memory_space<semaphore_mem>>
        %dma_start3A = arith.constant 0 : i32
        %dma_start3A_92 = tpu.memref_slice %arg7[%mul3A_90, %dma_start3A] : memref<10240x16xf32, #tpu.memory_space<hbm>> -> memref<640x16xf32, #tpu.memory_space<hbm>>
        %dma_start3A_93 = arith.constant 0 : i32
        %dma_start3A_94 = tpu.memref_slice %arg15[%mul3A_88, %dma_start3A_93] : memref<10240x16xf32, #tpu.memory_space<vmem_shared>> -> memref<640x16xf32, #tpu.memory_space<vmem_shared>>
        tpu.enqueue_dma source(%dma_start3A_94 : memref<640x16xf32, #tpu.memory_space<vmem_shared>>) target(%dma_start3A_92 : memref<640x16xf32, #tpu.memory_space<hbm>>) target_semaphore(%run_scoped3A_91 : memref<!tpu.dma_semaphore, #tpu.memory_space<semaphore_mem>>)
        %dma_wait3A = arith.constant 0 : i32
        %dma_wait3A_95 = tpu.memref_slice %arg7[%mul3A_90, %dma_wait3A] : memref<10240x16xf32, #tpu.memory_space<hbm>> -> memref<640x16xf32, #tpu.memory_space<hbm>>
        %dma_wait3A_96 = arith.constant 0 : i32
        %dma_wait3A_97 = tpu.memref_slice %arg15[%mul3A_88, %dma_wait3A_96] : memref<10240x16xf32, #tpu.memory_space<vmem_shared>> -> memref<640x16xf32, #tpu.memory_space<vmem_shared>>
        tpu.wait_dma2 semaphore(%run_scoped3A_91 : memref<!tpu.dma_semaphore, #tpu.memory_space<semaphore_mem>>) src(%dma_wait3A_97 : memref<640x16xf32, #tpu.memory_space<vmem_shared>>) dst(%dma_wait3A_95 : memref<640x16xf32, #tpu.memory_space<hbm>>)
        tpu.yield
      }) : () -> ()
    } else {
    }
    %eq3A_78 = arith.constant 1 : i32
    %eq3A_79 = arith.cmpi eq, %arg0, %eq3A_78 : i32
    %convert_element_type3A_80 = arith.extui %eq3A_79 : i1 to i32
    %cond3A_81 = arith.constant 0 : i32
    %cond3A_82 = arith.cmpi ne, %convert_element_type3A_80, %cond3A_81 : i32
    scf.if %cond3A_82 {
      %mul3A_83 = arith.constant 640 : i32
      %mul3A_84 = arith.muli %arg1, %mul3A_83 : i32
      %mul3A_85 = arith.constant 640 : i32
      %mul3A_86 = arith.muli %arg1, %mul3A_85 : i32
      "tpu.region"() ({
        %run_scoped3A_91 = tpu.sem_alloc : memref<!tpu.dma_semaphore, #tpu.memory_space<semaphore_mem>>
        %dma_start3A = arith.constant 0 : i32
        %dma_start3A_92 = tpu.memref_slice %arg6[%mul3A_86, %dma_start3A] : memref<10240x128xf32, #tpu.memory_space<hbm>> -> memref<640x128xf32, #tpu.memory_space<hbm>>
        %dma_start3A_93 = arith.constant 0 : i32
        %dma_start3A_94 = tpu.memref_slice %arg12[%mul3A_84, %dma_start3A_93] : memref<10240x128xf32, #tpu.memory_space<vmem_shared>> -> memref<640x128xf32, #tpu.memory_space<vmem_shared>>
        tpu.enqueue_dma source(%dma_start3A_94 : memref<640x128xf32, #tpu.memory_space<vmem_shared>>) target(%dma_start3A_92 : memref<640x128xf32, #tpu.memory_space<hbm>>) target_semaphore(%run_scoped3A_91 : memref<!tpu.dma_semaphore, #tpu.memory_space<semaphore_mem>>)
        %dma_wait3A = arith.constant 0 : i32
        %dma_wait3A_95 = tpu.memref_slice %arg6[%mul3A_86, %dma_wait3A] : memref<10240x128xf32, #tpu.memory_space<hbm>> -> memref<640x128xf32, #tpu.memory_space<hbm>>
        %dma_wait3A_96 = arith.constant 0 : i32
        %dma_wait3A_97 = tpu.memref_slice %arg12[%mul3A_84, %dma_wait3A_96] : memref<10240x128xf32, #tpu.memory_space<vmem_shared>> -> memref<640x128xf32, #tpu.memory_space<vmem_shared>>
        tpu.wait_dma2 semaphore(%run_scoped3A_91 : memref<!tpu.dma_semaphore, #tpu.memory_space<semaphore_mem>>) src(%dma_wait3A_97 : memref<640x128xf32, #tpu.memory_space<vmem_shared>>) dst(%dma_wait3A_95 : memref<640x128xf32, #tpu.memory_space<hbm>>)
        tpu.yield
      }) : () -> ()
      %mul3A_87 = arith.constant 640 : i32
      %mul3A_88 = arith.muli %arg1, %mul3A_87 : i32
      %mul3A_89 = arith.constant 640 : i32
      %mul3A_90 = arith.muli %arg1, %mul3A_89 : i32
      "tpu.region"() ({
        %run_scoped3A_91 = tpu.sem_alloc : memref<!tpu.dma_semaphore, #tpu.memory_space<semaphore_mem>>
        %dma_start3A = arith.constant 0 : i32
        %dma_start3A_92 = tpu.memref_slice %arg8[%mul3A_90, %dma_start3A] : memref<10240x16xf32, #tpu.memory_space<hbm>> -> memref<640x16xf32, #tpu.memory_space<hbm>>
        %dma_start3A_93 = arith.constant 0 : i32
        %dma_start3A_94 = tpu.memref_slice %arg15[%mul3A_88, %dma_start3A_93] : memref<10240x16xf32, #tpu.memory_space<vmem_shared>> -> memref<640x16xf32, #tpu.memory_space<vmem_shared>>
        tpu.enqueue_dma source(%dma_start3A_94 : memref<640x16xf32, #tpu.memory_space<vmem_shared>>) target(%dma_start3A_92 : memref<640x16xf32, #tpu.memory_space<hbm>>) target_semaphore(%run_scoped3A_91 : memref<!tpu.dma_semaphore, #tpu.memory_space<semaphore_mem>>)
        %dma_wait3A = arith.constant 0 : i32
        %dma_wait3A_95 = tpu.memref_slice %arg8[%mul3A_90, %dma_wait3A] : memref<10240x16xf32, #tpu.memory_space<hbm>> -> memref<640x16xf32, #tpu.memory_space<hbm>>
        %dma_wait3A_96 = arith.constant 0 : i32
        %dma_wait3A_97 = tpu.memref_slice %arg15[%mul3A_88, %dma_wait3A_96] : memref<10240x16xf32, #tpu.memory_space<vmem_shared>> -> memref<640x16xf32, #tpu.memory_space<vmem_shared>>
        tpu.wait_dma2 semaphore(%run_scoped3A_91 : memref<!tpu.dma_semaphore, #tpu.memory_space<semaphore_mem>>) src(%dma_wait3A_97 : memref<640x16xf32, #tpu.memory_space<vmem_shared>>) dst(%dma_wait3A_95 : memref<640x16xf32, #tpu.memory_space<hbm>>)
        tpu.yield
      }) : () -> ()
    } else {
    }
    return
  }
}

#map = affine_map<(d0, d1) -> (0, 0)>
module attributes {stable_mosaic.version = 14 : i64} {
  func.func @body(%arg0: i32, %arg1: i32, %arg2: memref<10240x128xf32, #tpu.memory_space<hbm>>, %arg3: memref<10240x128xf32, #tpu.memory_space<hbm>>, %arg4: memref<2560x128xi32, #tpu.memory_space<hbm>>, %arg5: memref<2560x128xi32, #tpu.memory_space<hbm>>, %arg6: memref<10240x128xf32, #tpu.memory_space<hbm>>, %arg7: memref<10240x128xf32, #tpu.memory_space<hbm>>, %arg8: memref<10x128xi32, #tpu.memory_space<vmem>>, %arg9: memref<10x128xi32, #tpu.memory_space<vmem>>, %arg10: memref<2x128x128xf32, #tpu.memory_space<vmem>>, %arg11: memref<10240x128xf32, #tpu.memory_space<vmem_shared>>, %arg12: memref<!tpu.dma_semaphore, #tpu.memory_space<semaphore_mem>>) attributes {dimension_semantics = [#tpu.dimension_semantics<core_parallel>, #tpu.dimension_semantics<subcore_parallel>], iteration_bounds = array<i64: 2, 16>, scalar_prefetch = 0 : i64, scratch_operands = 5 : i64, tpu.core_type = #tpu.core_type<sc_vector_subcore>, window_params = [{transform_indices = #map}, {transform_indices = #map}, {transform_indices = #map}, {transform_indices = #map}, {transform_indices = #map}, {transform_indices = #map}]} {
    %mul3A = arith.constant 160 : i32
    %mul3A_0 = arith.muli %arg1, %mul3A : i32
    %broadcast_in_dim3A = arith.constant 0.000000e+00 : f32
    %broadcast_in_dim3A_1 = vector.broadcast %broadcast_in_dim3A : f32 to vector<16xf32>
    %scan3A = arith.constant 0 : i32
    %scan3A_2 = arith.constant 0 : i32
    %scan3A_3 = arith.constant 128 : i32
    %scan3A_4 = arith.addi %scan3A_2, %scan3A_3 : i32
    %scan3A_5 = arith.constant 1 : i32
    scf.for %scan3A_48 = %scan3A_2 to %scan3A_4 step %scan3A_5  : i32 {
      %swap3A = arith.constant 0 : i32
      %swap3A_49 = arith.index_cast %swap3A : i32 to index
      %swap3A_50 = arith.index_cast %scan3A_48 : i32 to index
      %swap3A_51 = arith.constant 0 : index
      %swap3A_52 = tpu.vector_load %arg10[%swap3A_49, %swap3A_50, %swap3A_51] {strides = array<i32>} : memref<2x128x128xf32, #tpu.memory_space<vmem>>, vector<1x1x16xf32>,
      %swap3A_53 = vector.shape_cast %swap3A_52 : vector<1x1x16xf32> to vector<16xf32>
      %swap3A_54 = vector.shape_cast %broadcast_in_dim3A_1 : vector<16xf32> to vector<1x1x16xf32>
      tpu.vector_store %arg10[%swap3A_49, %swap3A_50, %swap3A_51], %swap3A_54 {strides = array<i32>} : memref<2x128x128xf32, #tpu.memory_space<vmem>>, vector<1x1x16xf32>,
      %swap3A_55 = arith.constant 0 : i32
      %swap3A_56 = arith.index_cast %swap3A_55 : i32 to index
      %swap3A_57 = arith.index_cast %scan3A_48 : i32 to index
      %swap3A_58 = arith.constant 16 : index
      %swap3A_59 = tpu.vector_load %arg10[%swap3A_56, %swap3A_57, %swap3A_58] {strides = array<i32>} : memref<2x128x128xf32, #tpu.memory_space<vmem>>, vector<1x1x16xf32>,
      %swap3A_60 = vector.shape_cast %swap3A_59 : vector<1x1x16xf32> to vector<16xf32>
      %swap3A_61 = vector.shape_cast %broadcast_in_dim3A_1 : vector<16xf32> to vector<1x1x16xf32>
      tpu.vector_store %arg10[%swap3A_56, %swap3A_57, %swap3A_58], %swap3A_61 {strides = array<i32>} : memref<2x128x128xf32, #tpu.memory_space<vmem>>, vector<1x1x16xf32>,
      %swap3A_62 = arith.constant 0 : i32
      %swap3A_63 = arith.index_cast %swap3A_62 : i32 to index
      %swap3A_64 = arith.index_cast %scan3A_48 : i32 to index
      %swap3A_65 = arith.constant 32 : index
      %swap3A_66 = tpu.vector_load %arg10[%swap3A_63, %swap3A_64, %swap3A_65] {strides = array<i32>} : memref<2x128x128xf32, #tpu.memory_space<vmem>>, vector<1x1x16xf32>,
      %swap3A_67 = vector.shape_cast %swap3A_66 : vector<1x1x16xf32> to vector<16xf32>
      %swap3A_68 = vector.shape_cast %broadcast_in_dim3A_1 : vector<16xf32> to vector<1x1x16xf32>
      tpu.vector_store %arg10[%swap3A_63, %swap3A_64, %swap3A_65], %swap3A_68 {strides = array<i32>} : memref<2x128x128xf32, #tpu.memory_space<vmem>>, vector<1x1x16xf32>,
      %swap3A_69 = arith.constant 0 : i32
      %swap3A_70 = arith.index_cast %swap3A_69 : i32 to index
      %swap3A_71 = arith.index_cast %scan3A_48 : i32 to index
      %swap3A_72 = arith.constant 48 : index
      %swap3A_73 = tpu.vector_load %arg10[%swap3A_70, %swap3A_71, %swap3A_72] {strides = array<i32>} : memref<2x128x128xf32, #tpu.memory_space<vmem>>, vector<1x1x16xf32>,
      %swap3A_74 = vector.shape_cast %swap3A_73 : vector<1x1x16xf32> to vector<16xf32>
      %swap3A_75 = vector.shape_cast %broadcast_in_dim3A_1 : vector<16xf32> to vector<1x1x16xf32>
      tpu.vector_store %arg10[%swap3A_70, %swap3A_71, %swap3A_72], %swap3A_75 {strides = array<i32>} : memref<2x128x128xf32, #tpu.memory_space<vmem>>, vector<1x1x16xf32>,
      %swap3A_76 = arith.constant 0 : i32
      %swap3A_77 = arith.index_cast %swap3A_76 : i32 to index
      %swap3A_78 = arith.index_cast %scan3A_48 : i32 to index
      %swap3A_79 = arith.constant 64 : index
      %swap3A_80 = tpu.vector_load %arg10[%swap3A_77, %swap3A_78, %swap3A_79] {strides = array<i32>} : memref<2x128x128xf32, #tpu.memory_space<vmem>>, vector<1x1x16xf32>,
      %swap3A_81 = vector.shape_cast %swap3A_80 : vector<1x1x16xf32> to vector<16xf32>
      %swap3A_82 = vector.shape_cast %broadcast_in_dim3A_1 : vector<16xf32> to vector<1x1x16xf32>
      tpu.vector_store %arg10[%swap3A_77, %swap3A_78, %swap3A_79], %swap3A_82 {strides = array<i32>} : memref<2x128x128xf32, #tpu.memory_space<vmem>>, vector<1x1x16xf32>,
      %swap3A_83 = arith.constant 0 : i32
      %swap3A_84 = arith.index_cast %swap3A_83 : i32 to index
      %swap3A_85 = arith.index_cast %scan3A_48 : i32 to index
      %swap3A_86 = arith.constant 80 : index
      %swap3A_87 = tpu.vector_load %arg10[%swap3A_84, %swap3A_85, %swap3A_86] {strides = array<i32>} : memref<2x128x128xf32, #tpu.memory_space<vmem>>, vector<1x1x16xf32>,
      %swap3A_88 = vector.shape_cast %swap3A_87 : vector<1x1x16xf32> to vector<16xf32>
      %swap3A_89 = vector.shape_cast %broadcast_in_dim3A_1 : vector<16xf32> to vector<1x1x16xf32>
      tpu.vector_store %arg10[%swap3A_84, %swap3A_85, %swap3A_86], %swap3A_89 {strides = array<i32>} : memref<2x128x128xf32, #tpu.memory_space<vmem>>, vector<1x1x16xf32>,
      %swap3A_90 = arith.constant 0 : i32
      %swap3A_91 = arith.index_cast %swap3A_90 : i32 to index
      %swap3A_92 = arith.index_cast %scan3A_48 : i32 to index
      %swap3A_93 = arith.constant 96 : index
      %swap3A_94 = tpu.vector_load %arg10[%swap3A_91, %swap3A_92, %swap3A_93] {strides = array<i32>} : memref<2x128x128xf32, #tpu.memory_space<vmem>>, vector<1x1x16xf32>,
      %swap3A_95 = vector.shape_cast %swap3A_94 : vector<1x1x16xf32> to vector<16xf32>
      %swap3A_96 = vector.shape_cast %broadcast_in_dim3A_1 : vector<16xf32> to vector<1x1x16xf32>
      tpu.vector_store %arg10[%swap3A_91, %swap3A_92, %swap3A_93], %swap3A_96 {strides = array<i32>} : memref<2x128x128xf32, #tpu.memory_space<vmem>>, vector<1x1x16xf32>,
      %swap3A_97 = arith.constant 0 : i32
      %swap3A_98 = arith.index_cast %swap3A_97 : i32 to index
      %swap3A_99 = arith.index_cast %scan3A_48 : i32 to index
      %swap3A_100 = arith.constant 112 : index
      %swap3A_101 = tpu.vector_load %arg10[%swap3A_98, %swap3A_99, %swap3A_100] {strides = array<i32>} : memref<2x128x128xf32, #tpu.memory_space<vmem>>, vector<1x1x16xf32>,
      %swap3A_102 = vector.shape_cast %swap3A_101 : vector<1x1x16xf32> to vector<16xf32>
      %swap3A_103 = vector.shape_cast %broadcast_in_dim3A_1 : vector<16xf32> to vector<1x1x16xf32>
      tpu.vector_store %arg10[%swap3A_98, %swap3A_99, %swap3A_100], %swap3A_103 {strides = array<i32>} : memref<2x128x128xf32, #tpu.memory_space<vmem>>, vector<1x1x16xf32>,
      %swap3A_104 = arith.constant 1 : i32
      %swap3A_105 = arith.index_cast %swap3A_104 : i32 to index
      %swap3A_106 = arith.index_cast %scan3A_48 : i32 to index
      %swap3A_107 = arith.constant 0 : index
      %swap3A_108 = tpu.vector_load %arg10[%swap3A_105, %swap3A_106, %swap3A_107] {strides = array<i32>} : memref<2x128x128xf32, #tpu.memory_space<vmem>>, vector<1x1x16xf32>,
      %swap3A_109 = vector.shape_cast %swap3A_108 : vector<1x1x16xf32> to vector<16xf32>
      %swap3A_110 = vector.shape_cast %broadcast_in_dim3A_1 : vector<16xf32> to vector<1x1x16xf32>
      tpu.vector_store %arg10[%swap3A_105, %swap3A_106, %swap3A_107], %swap3A_110 {strides = array<i32>} : memref<2x128x128xf32, #tpu.memory_space<vmem>>, vector<1x1x16xf32>,
      %swap3A_111 = arith.constant 1 : i32
      %swap3A_112 = arith.index_cast %swap3A_111 : i32 to index
      %swap3A_113 = arith.index_cast %scan3A_48 : i32 to index
      %swap3A_114 = arith.constant 16 : index
      %swap3A_115 = tpu.vector_load %arg10[%swap3A_112, %swap3A_113, %swap3A_114] {strides = array<i32>} : memref<2x128x128xf32, #tpu.memory_space<vmem>>, vector<1x1x16xf32>,
      %swap3A_116 = vector.shape_cast %swap3A_115 : vector<1x1x16xf32> to vector<16xf32>
      %swap3A_117 = vector.shape_cast %broadcast_in_dim3A_1 : vector<16xf32> to vector<1x1x16xf32>
      tpu.vector_store %arg10[%swap3A_112, %swap3A_113, %swap3A_114], %swap3A_117 {strides = array<i32>} : memref<2x128x128xf32, #tpu.memory_space<vmem>>, vector<1x1x16xf32>,
      %swap3A_118 = arith.constant 1 : i32
      %swap3A_119 = arith.index_cast %swap3A_118 : i32 to index
      %swap3A_120 = arith.index_cast %scan3A_48 : i32 to index
      %swap3A_121 = arith.constant 32 : index
      %swap3A_122 = tpu.vector_load %arg10[%swap3A_119, %swap3A_120, %swap3A_121] {strides = array<i32>} : memref<2x128x128xf32, #tpu.memory_space<vmem>>, vector<1x1x16xf32>,
      %swap3A_123 = vector.shape_cast %swap3A_122 : vector<1x1x16xf32> to vector<16xf32>
      %swap3A_124 = vector.shape_cast %broadcast_in_dim3A_1 : vector<16xf32> to vector<1x1x16xf32>
      tpu.vector_store %arg10[%swap3A_119, %swap3A_120, %swap3A_121], %swap3A_124 {strides = array<i32>} : memref<2x128x128xf32, #tpu.memory_space<vmem>>, vector<1x1x16xf32>,
      %swap3A_125 = arith.constant 1 : i32
      %swap3A_126 = arith.index_cast %swap3A_125 : i32 to index
      %swap3A_127 = arith.index_cast %scan3A_48 : i32 to index
      %swap3A_128 = arith.constant 48 : index
      %swap3A_129 = tpu.vector_load %arg10[%swap3A_126, %swap3A_127, %swap3A_128] {strides = array<i32>} : memref<2x128x128xf32, #tpu.memory_space<vmem>>, vector<1x1x16xf32>,
      %swap3A_130 = vector.shape_cast %swap3A_129 : vector<1x1x16xf32> to vector<16xf32>
      %swap3A_131 = vector.shape_cast %broadcast_in_dim3A_1 : vector<16xf32> to vector<1x1x16xf32>
      tpu.vector_store %arg10[%swap3A_126, %swap3A_127, %swap3A_128], %swap3A_131 {strides = array<i32>} : memref<2x128x128xf32, #tpu.memory_space<vmem>>, vector<1x1x16xf32>,
      %swap3A_132 = arith.constant 1 : i32
      %swap3A_133 = arith.index_cast %swap3A_132 : i32 to index
      %swap3A_134 = arith.index_cast %scan3A_48 : i32 to index
      %swap3A_135 = arith.constant 64 : index
      %swap3A_136 = tpu.vector_load %arg10[%swap3A_133, %swap3A_134, %swap3A_135] {strides = array<i32>} : memref<2x128x128xf32, #tpu.memory_space<vmem>>, vector<1x1x16xf32>,
      %swap3A_137 = vector.shape_cast %swap3A_136 : vector<1x1x16xf32> to vector<16xf32>
      %swap3A_138 = vector.shape_cast %broadcast_in_dim3A_1 : vector<16xf32> to vector<1x1x16xf32>
      tpu.vector_store %arg10[%swap3A_133, %swap3A_134, %swap3A_135], %swap3A_138 {strides = array<i32>} : memref<2x128x128xf32, #tpu.memory_space<vmem>>, vector<1x1x16xf32>,
      %swap3A_139 = arith.constant 1 : i32
      %swap3A_140 = arith.index_cast %swap3A_139 : i32 to index
      %swap3A_141 = arith.index_cast %scan3A_48 : i32 to index
      %swap3A_142 = arith.constant 80 : index
      %swap3A_143 = tpu.vector_load %arg10[%swap3A_140, %swap3A_141, %swap3A_142] {strides = array<i32>} : memref<2x128x128xf32, #tpu.memory_space<vmem>>, vector<1x1x16xf32>,
      %swap3A_144 = vector.shape_cast %swap3A_143 : vector<1x1x16xf32> to vector<16xf32>
      %swap3A_145 = vector.shape_cast %broadcast_in_dim3A_1 : vector<16xf32> to vector<1x1x16xf32>
      tpu.vector_store %arg10[%swap3A_140, %swap3A_141, %swap3A_142], %swap3A_145 {strides = array<i32>} : memref<2x128x128xf32, #tpu.memory_space<vmem>>, vector<1x1x16xf32>,
      %swap3A_146 = arith.constant 1 : i32
      %swap3A_147 = arith.index_cast %swap3A_146 : i32 to index
      %swap3A_148 = arith.index_cast %scan3A_48 : i32 to index
      %swap3A_149 = arith.constant 96 : index
      %swap3A_150 = tpu.vector_load %arg10[%swap3A_147, %swap3A_148, %swap3A_149] {strides = array<i32>} : memref<2x128x128xf32, #tpu.memory_space<vmem>>, vector<1x1x16xf32>,
      %swap3A_151 = vector.shape_cast %swap3A_150 : vector<1x1x16xf32> to vector<16xf32>
      %swap3A_152 = vector.shape_cast %broadcast_in_dim3A_1 : vector<16xf32> to vector<1x1x16xf32>
      tpu.vector_store %arg10[%swap3A_147, %swap3A_148, %swap3A_149], %swap3A_152 {strides = array<i32>} : memref<2x128x128xf32, #tpu.memory_space<vmem>>, vector<1x1x16xf32>,
      %swap3A_153 = arith.constant 1 : i32
      %swap3A_154 = arith.index_cast %swap3A_153 : i32 to index
      %swap3A_155 = arith.index_cast %scan3A_48 : i32 to index
      %swap3A_156 = arith.constant 112 : index
      %swap3A_157 = tpu.vector_load %arg10[%swap3A_154, %swap3A_155, %swap3A_156] {strides = array<i32>} : memref<2x128x128xf32, #tpu.memory_space<vmem>>, vector<1x1x16xf32>,
      %swap3A_158 = vector.shape_cast %swap3A_157 : vector<1x1x16xf32> to vector<16xf32>
      %swap3A_159 = vector.shape_cast %broadcast_in_dim3A_1 : vector<16xf32> to vector<1x1x16xf32>
      tpu.vector_store %arg10[%swap3A_154, %swap3A_155, %swap3A_156], %swap3A_159 {strides = array<i32>} : memref<2x128x128xf32, #tpu.memory_space<vmem>>, vector<1x1x16xf32>,
    }
    %scan3A_6 = arith.constant 128 : i32
    %mul3A_7 = arith.constant 640 : i32
    %mul3A_8 = arith.muli %arg1, %mul3A_7 : i32
    %add3A = arith.constant 0 : i32
    %add3A_9 = arith.addi %mul3A_8, %add3A : i32
    %run_scoped3A = arith.constant 0 : i32
    "tpu.region"() ({
      %run_scoped3A_48 = tpu.sem_alloc : memref<!tpu.dma_semaphore, #tpu.memory_space<semaphore_mem>>
      %dma_start3A = arith.constant 0 : i32
      %dma_start3A_49 = arith.constant 0 : i32
      %dma_start3A_50 = tpu.memref_slice %arg10[%run_scoped3A, %dma_start3A, %dma_start3A_49] : memref<2x128x128xf32, #tpu.memory_space<vmem>> -> memref<1x128x128xf32, #tpu.memory_space<vmem>>
      %dma_start3A_51 = tpu.memref_squeeze %dma_start3A_50 : memref<1x128x128xf32, #tpu.memory_space<vmem>> -> memref<128x128xf32, #tpu.memory_space<vmem>>
      %dma_start3A_52 = arith.constant 0 : i32
      %dma_start3A_53 = tpu.memref_slice %arg11[%add3A_9, %dma_start3A_52] : memref<10240x128xf32, #tpu.memory_space<vmem_shared>> -> memref<128x128xf32, #tpu.memory_space<vmem_shared>>
      %dma_start3A_54 = arith.constant 0 : i32
      %dma_start3A_55 = tpu.memref_slice %arg11[%add3A_9, %dma_start3A_54] : memref<10240x128xf32, #tpu.memory_space<vmem_shared>> -> memref<128x128xf32, #tpu.memory_space<vmem_shared>>
      %dma_start3A_56 = arith.constant 0 : i32
      %dma_start3A_57 = arith.constant 0 : i32
      %dma_start3A_58 = tpu.memref_slice %arg10[%run_scoped3A, %dma_start3A_56, %dma_start3A_57] : memref<2x128x128xf32, #tpu.memory_space<vmem>> -> memref<1x128x128xf32, #tpu.memory_space<vmem>>
      %dma_start3A_59 = tpu.memref_squeeze %dma_start3A_58 : memref<1x128x128xf32, #tpu.memory_space<vmem>> -> memref<128x128xf32, #tpu.memory_space<vmem>>
      tpu.enqueue_dma source(%dma_start3A_59 : memref<128x128xf32, #tpu.memory_space<vmem>>) target(%dma_start3A_55 : memref<128x128xf32, #tpu.memory_space<vmem_shared>>) target_semaphore(%run_scoped3A_48 : memref<!tpu.dma_semaphore, #tpu.memory_space<semaphore_mem>>)
      %dma_wait3A = arith.constant 0 : i32
      %dma_wait3A_60 = arith.constant 0 : i32
      %dma_wait3A_61 = tpu.memref_slice %arg10[%run_scoped3A, %dma_wait3A, %dma_wait3A_60] : memref<2x128x128xf32, #tpu.memory_space<vmem>> -> memref<1x128x128xf32, #tpu.memory_space<vmem>>
      %dma_wait3A_62 = tpu.memref_squeeze %dma_wait3A_61 : memref<1x128x128xf32, #tpu.memory_space<vmem>> -> memref<128x128xf32, #tpu.memory_space<vmem>>
      %dma_wait3A_63 = arith.constant 0 : i32
      %dma_wait3A_64 = tpu.memref_slice %arg11[%add3A_9, %dma_wait3A_63] : memref<10240x128xf32, #tpu.memory_space<vmem_shared>> -> memref<128x128xf32, #tpu.memory_space<vmem_shared>>
      %dma_wait3A_65 = arith.constant 0 : i32
      %dma_wait3A_66 = tpu.memref_slice %arg11[%add3A_9, %dma_wait3A_65] : memref<10240x128xf32, #tpu.memory_space<vmem_shared>> -> memref<128x128xf32, #tpu.memory_space<vmem_shared>>
      %dma_wait3A_67 = arith.constant 0 : i32
      %dma_wait3A_68 = arith.constant 0 : i32
      %dma_wait3A_69 = tpu.memref_slice %arg10[%run_scoped3A, %dma_wait3A_67, %dma_wait3A_68] : memref<2x128x128xf32, #tpu.memory_space<vmem>> -> memref<1x128x128xf32, #tpu.memory_space<vmem>>
      %dma_wait3A_70 = tpu.memref_squeeze %dma_wait3A_69 : memref<1x128x128xf32, #tpu.memory_space<vmem>> -> memref<128x128xf32, #tpu.memory_space<vmem>>
      tpu.wait_dma2 semaphore(%run_scoped3A_48 : memref<!tpu.dma_semaphore, #tpu.memory_space<semaphore_mem>>) src(%dma_wait3A_70 : memref<128x128xf32, #tpu.memory_space<vmem>>) dst(%dma_wait3A_66 : memref<128x128xf32, #tpu.memory_space<vmem_shared>>)
      tpu.yield
    }) : () -> ()
    %mul3A_10 = arith.constant 640 : i32
    %mul3A_11 = arith.muli %arg1, %mul3A_10 : i32
    %add3A_12 = arith.constant 128 : i32
    %add3A_13 = arith.addi %mul3A_11, %add3A_12 : i32
    %run_scoped3A_14 = arith.constant 0 : i32
    "tpu.region"() ({
      %run_scoped3A_48 = tpu.sem_alloc : memref<!tpu.dma_semaphore, #tpu.memory_space<semaphore_mem>>
      %dma_start3A = arith.constant 0 : i32
      %dma_start3A_49 = arith.constant 0 : i32
      %dma_start3A_50 = tpu.memref_slice %arg10[%run_scoped3A_14, %dma_start3A, %dma_start3A_49] : memref<2x128x128xf32, #tpu.memory_space<vmem>> -> memref<1x128x128xf32, #tpu.memory_space<vmem>>
      %dma_start3A_51 = tpu.memref_squeeze %dma_start3A_50 : memref<1x128x128xf32, #tpu.memory_space<vmem>> -> memref<128x128xf32, #tpu.memory_space<vmem>>
      %dma_start3A_52 = arith.constant 0 : i32
      %dma_start3A_53 = tpu.memref_slice %arg11[%add3A_13, %dma_start3A_52] : memref<10240x128xf32, #tpu.memory_space<vmem_shared>> -> memref<128x128xf32, #tpu.memory_space<vmem_shared>>
      %dma_start3A_54 = arith.constant 0 : i32
      %dma_start3A_55 = tpu.memref_slice %arg11[%add3A_13, %dma_start3A_54] : memref<10240x128xf32, #tpu.memory_space<vmem_shared>> -> memref<128x128xf32, #tpu.memory_space<vmem_shared>>
      %dma_start3A_56 = arith.constant 0 : i32
      %dma_start3A_57 = arith.constant 0 : i32
      %dma_start3A_58 = tpu.memref_slice %arg10[%run_scoped3A_14, %dma_start3A_56, %dma_start3A_57] : memref<2x128x128xf32, #tpu.memory_space<vmem>> -> memref<1x128x128xf32, #tpu.memory_space<vmem>>
      %dma_start3A_59 = tpu.memref_squeeze %dma_start3A_58 : memref<1x128x128xf32, #tpu.memory_space<vmem>> -> memref<128x128xf32, #tpu.memory_space<vmem>>
      tpu.enqueue_dma source(%dma_start3A_59 : memref<128x128xf32, #tpu.memory_space<vmem>>) target(%dma_start3A_55 : memref<128x128xf32, #tpu.memory_space<vmem_shared>>) target_semaphore(%run_scoped3A_48 : memref<!tpu.dma_semaphore, #tpu.memory_space<semaphore_mem>>)
      %dma_wait3A = arith.constant 0 : i32
      %dma_wait3A_60 = arith.constant 0 : i32
      %dma_wait3A_61 = tpu.memref_slice %arg10[%run_scoped3A_14, %dma_wait3A, %dma_wait3A_60] : memref<2x128x128xf32, #tpu.memory_space<vmem>> -> memref<1x128x128xf32, #tpu.memory_space<vmem>>
      %dma_wait3A_62 = tpu.memref_squeeze %dma_wait3A_61 : memref<1x128x128xf32, #tpu.memory_space<vmem>> -> memref<128x128xf32, #tpu.memory_space<vmem>>
      %dma_wait3A_63 = arith.constant 0 : i32
      %dma_wait3A_64 = tpu.memref_slice %arg11[%add3A_13, %dma_wait3A_63] : memref<10240x128xf32, #tpu.memory_space<vmem_shared>> -> memref<128x128xf32, #tpu.memory_space<vmem_shared>>
      %dma_wait3A_65 = arith.constant 0 : i32
      %dma_wait3A_66 = tpu.memref_slice %arg11[%add3A_13, %dma_wait3A_65] : memref<10240x128xf32, #tpu.memory_space<vmem_shared>> -> memref<128x128xf32, #tpu.memory_space<vmem_shared>>
      %dma_wait3A_67 = arith.constant 0 : i32
      %dma_wait3A_68 = arith.constant 0 : i32
      %dma_wait3A_69 = tpu.memref_slice %arg10[%run_scoped3A_14, %dma_wait3A_67, %dma_wait3A_68] : memref<2x128x128xf32, #tpu.memory_space<vmem>> -> memref<1x128x128xf32, #tpu.memory_space<vmem>>
      %dma_wait3A_70 = tpu.memref_squeeze %dma_wait3A_69 : memref<1x128x128xf32, #tpu.memory_space<vmem>> -> memref<128x128xf32, #tpu.memory_space<vmem>>
      tpu.wait_dma2 semaphore(%run_scoped3A_48 : memref<!tpu.dma_semaphore, #tpu.memory_space<semaphore_mem>>) src(%dma_wait3A_70 : memref<128x128xf32, #tpu.memory_space<vmem>>) dst(%dma_wait3A_66 : memref<128x128xf32, #tpu.memory_space<vmem_shared>>)
      tpu.yield
    }) : () -> ()
    %mul3A_15 = arith.constant 640 : i32
    %mul3A_16 = arith.muli %arg1, %mul3A_15 : i32
    %add3A_17 = arith.constant 256 : i32
    %add3A_18 = arith.addi %mul3A_16, %add3A_17 : i32
    %run_scoped3A_19 = arith.constant 0 : i32
    "tpu.region"() ({
      %run_scoped3A_48 = tpu.sem_alloc : memref<!tpu.dma_semaphore, #tpu.memory_space<semaphore_mem>>
      %dma_start3A = arith.constant 0 : i32
      %dma_start3A_49 = arith.constant 0 : i32
      %dma_start3A_50 = tpu.memref_slice %arg10[%run_scoped3A_19, %dma_start3A, %dma_start3A_49] : memref<2x128x128xf32, #tpu.memory_space<vmem>> -> memref<1x128x128xf32, #tpu.memory_space<vmem>>
      %dma_start3A_51 = tpu.memref_squeeze %dma_start3A_50 : memref<1x128x128xf32, #tpu.memory_space<vmem>> -> memref<128x128xf32, #tpu.memory_space<vmem>>
      %dma_start3A_52 = arith.constant 0 : i32
      %dma_start3A_53 = tpu.memref_slice %arg11[%add3A_18, %dma_start3A_52] : memref<10240x128xf32, #tpu.memory_space<vmem_shared>> -> memref<128x128xf32, #tpu.memory_space<vmem_shared>>
      %dma_start3A_54 = arith.constant 0 : i32
      %dma_start3A_55 = tpu.memref_slice %arg11[%add3A_18, %dma_start3A_54] : memref<10240x128xf32, #tpu.memory_space<vmem_shared>> -> memref<128x128xf32, #tpu.memory_space<vmem_shared>>
      %dma_start3A_56 = arith.constant 0 : i32
      %dma_start3A_57 = arith.constant 0 : i32
      %dma_start3A_58 = tpu.memref_slice %arg10[%run_scoped3A_19, %dma_start3A_56, %dma_start3A_57] : memref<2x128x128xf32, #tpu.memory_space<vmem>> -> memref<1x128x128xf32, #tpu.memory_space<vmem>>
      %dma_start3A_59 = tpu.memref_squeeze %dma_start3A_58 : memref<1x128x128xf32, #tpu.memory_space<vmem>> -> memref<128x128xf32, #tpu.memory_space<vmem>>
      tpu.enqueue_dma source(%dma_start3A_59 : memref<128x128xf32, #tpu.memory_space<vmem>>) target(%dma_start3A_55 : memref<128x128xf32, #tpu.memory_space<vmem_shared>>) target_semaphore(%run_scoped3A_48 : memref<!tpu.dma_semaphore, #tpu.memory_space<semaphore_mem>>)
      %dma_wait3A = arith.constant 0 : i32
      %dma_wait3A_60 = arith.constant 0 : i32
      %dma_wait3A_61 = tpu.memref_slice %arg10[%run_scoped3A_19, %dma_wait3A, %dma_wait3A_60] : memref<2x128x128xf32, #tpu.memory_space<vmem>> -> memref<1x128x128xf32, #tpu.memory_space<vmem>>
      %dma_wait3A_62 = tpu.memref_squeeze %dma_wait3A_61 : memref<1x128x128xf32, #tpu.memory_space<vmem>> -> memref<128x128xf32, #tpu.memory_space<vmem>>
      %dma_wait3A_63 = arith.constant 0 : i32
      %dma_wait3A_64 = tpu.memref_slice %arg11[%add3A_18, %dma_wait3A_63] : memref<10240x128xf32, #tpu.memory_space<vmem_shared>> -> memref<128x128xf32, #tpu.memory_space<vmem_shared>>
      %dma_wait3A_65 = arith.constant 0 : i32
      %dma_wait3A_66 = tpu.memref_slice %arg11[%add3A_18, %dma_wait3A_65] : memref<10240x128xf32, #tpu.memory_space<vmem_shared>> -> memref<128x128xf32, #tpu.memory_space<vmem_shared>>
      %dma_wait3A_67 = arith.constant 0 : i32
      %dma_wait3A_68 = arith.constant 0 : i32
      %dma_wait3A_69 = tpu.memref_slice %arg10[%run_scoped3A_19, %dma_wait3A_67, %dma_wait3A_68] : memref<2x128x128xf32, #tpu.memory_space<vmem>> -> memref<1x128x128xf32, #tpu.memory_space<vmem>>
      %dma_wait3A_70 = tpu.memref_squeeze %dma_wait3A_69 : memref<1x128x128xf32, #tpu.memory_space<vmem>> -> memref<128x128xf32, #tpu.memory_space<vmem>>
      tpu.wait_dma2 semaphore(%run_scoped3A_48 : memref<!tpu.dma_semaphore, #tpu.memory_space<semaphore_mem>>) src(%dma_wait3A_70 : memref<128x128xf32, #tpu.memory_space<vmem>>) dst(%dma_wait3A_66 : memref<128x128xf32, #tpu.memory_space<vmem_shared>>)
      tpu.yield
    }) : () -> ()
    %mul3A_20 = arith.constant 640 : i32
    %mul3A_21 = arith.muli %arg1, %mul3A_20 : i32
    %add3A_22 = arith.constant 384 : i32
    %add3A_23 = arith.addi %mul3A_21, %add3A_22 : i32
    %run_scoped3A_24 = arith.constant 0 : i32
    "tpu.region"() ({
      %run_scoped3A_48 = tpu.sem_alloc : memref<!tpu.dma_semaphore, #tpu.memory_space<semaphore_mem>>
      %dma_start3A = arith.constant 0 : i32
      %dma_start3A_49 = arith.constant 0 : i32
      %dma_start3A_50 = tpu.memref_slice %arg10[%run_scoped3A_24, %dma_start3A, %dma_start3A_49] : memref<2x128x128xf32, #tpu.memory_space<vmem>> -> memref<1x128x128xf32, #tpu.memory_space<vmem>>
      %dma_start3A_51 = tpu.memref_squeeze %dma_start3A_50 : memref<1x128x128xf32, #tpu.memory_space<vmem>> -> memref<128x128xf32, #tpu.memory_space<vmem>>
      %dma_start3A_52 = arith.constant 0 : i32
      %dma_start3A_53 = tpu.memref_slice %arg11[%add3A_23, %dma_start3A_52] : memref<10240x128xf32, #tpu.memory_space<vmem_shared>> -> memref<128x128xf32, #tpu.memory_space<vmem_shared>>
      %dma_start3A_54 = arith.constant 0 : i32
      %dma_start3A_55 = tpu.memref_slice %arg11[%add3A_23, %dma_start3A_54] : memref<10240x128xf32, #tpu.memory_space<vmem_shared>> -> memref<128x128xf32, #tpu.memory_space<vmem_shared>>
      %dma_start3A_56 = arith.constant 0 : i32
      %dma_start3A_57 = arith.constant 0 : i32
      %dma_start3A_58 = tpu.memref_slice %arg10[%run_scoped3A_24, %dma_start3A_56, %dma_start3A_57] : memref<2x128x128xf32, #tpu.memory_space<vmem>> -> memref<1x128x128xf32, #tpu.memory_space<vmem>>
      %dma_start3A_59 = tpu.memref_squeeze %dma_start3A_58 : memref<1x128x128xf32, #tpu.memory_space<vmem>> -> memref<128x128xf32, #tpu.memory_space<vmem>>
      tpu.enqueue_dma source(%dma_start3A_59 : memref<128x128xf32, #tpu.memory_space<vmem>>) target(%dma_start3A_55 : memref<128x128xf32, #tpu.memory_space<vmem_shared>>) target_semaphore(%run_scoped3A_48 : memref<!tpu.dma_semaphore, #tpu.memory_space<semaphore_mem>>)
      %dma_wait3A = arith.constant 0 : i32
      %dma_wait3A_60 = arith.constant 0 : i32
      %dma_wait3A_61 = tpu.memref_slice %arg10[%run_scoped3A_24, %dma_wait3A, %dma_wait3A_60] : memref<2x128x128xf32, #tpu.memory_space<vmem>> -> memref<1x128x128xf32, #tpu.memory_space<vmem>>
      %dma_wait3A_62 = tpu.memref_squeeze %dma_wait3A_61 : memref<1x128x128xf32, #tpu.memory_space<vmem>> -> memref<128x128xf32, #tpu.memory_space<vmem>>
      %dma_wait3A_63 = arith.constant 0 : i32
      %dma_wait3A_64 = tpu.memref_slice %arg11[%add3A_23, %dma_wait3A_63] : memref<10240x128xf32, #tpu.memory_space<vmem_shared>> -> memref<128x128xf32, #tpu.memory_space<vmem_shared>>
      %dma_wait3A_65 = arith.constant 0 : i32
      %dma_wait3A_66 = tpu.memref_slice %arg11[%add3A_23, %dma_wait3A_65] : memref<10240x128xf32, #tpu.memory_space<vmem_shared>> -> memref<128x128xf32, #tpu.memory_space<vmem_shared>>
      %dma_wait3A_67 = arith.constant 0 : i32
      %dma_wait3A_68 = arith.constant 0 : i32
      %dma_wait3A_69 = tpu.memref_slice %arg10[%run_scoped3A_24, %dma_wait3A_67, %dma_wait3A_68] : memref<2x128x128xf32, #tpu.memory_space<vmem>> -> memref<1x128x128xf32, #tpu.memory_space<vmem>>
      %dma_wait3A_70 = tpu.memref_squeeze %dma_wait3A_69 : memref<1x128x128xf32, #tpu.memory_space<vmem>> -> memref<128x128xf32, #tpu.memory_space<vmem>>
      tpu.wait_dma2 semaphore(%run_scoped3A_48 : memref<!tpu.dma_semaphore, #tpu.memory_space<semaphore_mem>>) src(%dma_wait3A_70 : memref<128x128xf32, #tpu.memory_space<vmem>>) dst(%dma_wait3A_66 : memref<128x128xf32, #tpu.memory_space<vmem_shared>>)
      tpu.yield
    }) : () -> ()
    %mul3A_25 = arith.constant 640 : i32
    %mul3A_26 = arith.muli %arg1, %mul3A_25 : i32
    %add3A_27 = arith.constant 512 : i32
    %add3A_28 = arith.addi %mul3A_26, %add3A_27 : i32
    %run_scoped3A_29 = arith.constant 0 : i32
    "tpu.region"() ({
      %run_scoped3A_48 = tpu.sem_alloc : memref<!tpu.dma_semaphore, #tpu.memory_space<semaphore_mem>>
      %dma_start3A = arith.constant 0 : i32
      %dma_start3A_49 = arith.constant 0 : i32
      %dma_start3A_50 = tpu.memref_slice %arg10[%run_scoped3A_29, %dma_start3A, %dma_start3A_49] : memref<2x128x128xf32, #tpu.memory_space<vmem>> -> memref<1x128x128xf32, #tpu.memory_space<vmem>>
      %dma_start3A_51 = tpu.memref_squeeze %dma_start3A_50 : memref<1x128x128xf32, #tpu.memory_space<vmem>> -> memref<128x128xf32, #tpu.memory_space<vmem>>
      %dma_start3A_52 = arith.constant 0 : i32
      %dma_start3A_53 = tpu.memref_slice %arg11[%add3A_28, %dma_start3A_52] : memref<10240x128xf32, #tpu.memory_space<vmem_shared>> -> memref<128x128xf32, #tpu.memory_space<vmem_shared>>
      %dma_start3A_54 = arith.constant 0 : i32
      %dma_start3A_55 = tpu.memref_slice %arg11[%add3A_28, %dma_start3A_54] : memref<10240x128xf32, #tpu.memory_space<vmem_shared>> -> memref<128x128xf32, #tpu.memory_space<vmem_shared>>
      %dma_start3A_56 = arith.constant 0 : i32
      %dma_start3A_57 = arith.constant 0 : i32
      %dma_start3A_58 = tpu.memref_slice %arg10[%run_scoped3A_29, %dma_start3A_56, %dma_start3A_57] : memref<2x128x128xf32, #tpu.memory_space<vmem>> -> memref<1x128x128xf32, #tpu.memory_space<vmem>>
      %dma_start3A_59 = tpu.memref_squeeze %dma_start3A_58 : memref<1x128x128xf32, #tpu.memory_space<vmem>> -> memref<128x128xf32, #tpu.memory_space<vmem>>
      tpu.enqueue_dma source(%dma_start3A_59 : memref<128x128xf32, #tpu.memory_space<vmem>>) target(%dma_start3A_55 : memref<128x128xf32, #tpu.memory_space<vmem_shared>>) target_semaphore(%run_scoped3A_48 : memref<!tpu.dma_semaphore, #tpu.memory_space<semaphore_mem>>)
      %dma_wait3A = arith.constant 0 : i32
      %dma_wait3A_60 = arith.constant 0 : i32
      %dma_wait3A_61 = tpu.memref_slice %arg10[%run_scoped3A_29, %dma_wait3A, %dma_wait3A_60] : memref<2x128x128xf32, #tpu.memory_space<vmem>> -> memref<1x128x128xf32, #tpu.memory_space<vmem>>
      %dma_wait3A_62 = tpu.memref_squeeze %dma_wait3A_61 : memref<1x128x128xf32, #tpu.memory_space<vmem>> -> memref<128x128xf32, #tpu.memory_space<vmem>>
      %dma_wait3A_63 = arith.constant 0 : i32
      %dma_wait3A_64 = tpu.memref_slice %arg11[%add3A_28, %dma_wait3A_63] : memref<10240x128xf32, #tpu.memory_space<vmem_shared>> -> memref<128x128xf32, #tpu.memory_space<vmem_shared>>
      %dma_wait3A_65 = arith.constant 0 : i32
      %dma_wait3A_66 = tpu.memref_slice %arg11[%add3A_28, %dma_wait3A_65] : memref<10240x128xf32, #tpu.memory_space<vmem_shared>> -> memref<128x128xf32, #tpu.memory_space<vmem_shared>>
      %dma_wait3A_67 = arith.constant 0 : i32
      %dma_wait3A_68 = arith.constant 0 : i32
      %dma_wait3A_69 = tpu.memref_slice %arg10[%run_scoped3A_29, %dma_wait3A_67, %dma_wait3A_68] : memref<2x128x128xf32, #tpu.memory_space<vmem>> -> memref<1x128x128xf32, #tpu.memory_space<vmem>>
      %dma_wait3A_70 = tpu.memref_squeeze %dma_wait3A_69 : memref<1x128x128xf32, #tpu.memory_space<vmem>> -> memref<128x128xf32, #tpu.memory_space<vmem>>
      tpu.wait_dma2 semaphore(%run_scoped3A_48 : memref<!tpu.dma_semaphore, #tpu.memory_space<semaphore_mem>>) src(%dma_wait3A_70 : memref<128x128xf32, #tpu.memory_space<vmem>>) dst(%dma_wait3A_66 : memref<128x128xf32, #tpu.memory_space<vmem_shared>>)
      tpu.yield
    }) : () -> ()
    %barrier3A = arith.constant 0 : index
    tpu.barrier barrier_id(%barrier3A)
    %eq3A = arith.constant 0 : i32
    %eq3A_30 = arith.cmpi eq, %arg0, %eq3A : i32
    %convert_element_type3A = arith.extui %eq3A_30 : i1 to i32
    %cond3A = arith.constant 0 : i32
    %cond3A_31 = arith.cmpi ne, %convert_element_type3A, %cond3A : i32
    scf.if %cond3A_31 {
      %scan3A_48 = arith.constant 0 : i32
      %scan3A_49 = arith.constant 0 : i32
      %scan3A_50 = arith.constant 16 : i32
      %scan3A_51 = arith.addi %scan3A_49, %scan3A_50 : i32
      %scan3A_52 = arith.constant 1 : i32
      scf.for %scan3A_54 = %scan3A_49 to %scan3A_51 step %scan3A_52  : i32 {
        %mul3A_55 = arith.constant 10 : i32
        %mul3A_56 = arith.muli %scan3A_54, %mul3A_55 : i32
        %add3A_57 = arith.addi %mul3A_0, %mul3A_56 : i32
        "tpu.region"() ({
          %run_scoped3A_78 = tpu.sem_alloc : memref<!tpu.dma_semaphore, #tpu.memory_space<semaphore_mem>>
          %dma_start3A_79 = arith.constant 0 : i32
          %dma_start3A_80 = tpu.memref_slice %arg4[%add3A_57, %dma_start3A_79] : memref<2560x128xi32, #tpu.memory_space<hbm>> -> memref<10x128xi32, #tpu.memory_space<hbm>>
          %dma_start3A_81 = arith.constant 0 : i32
          %dma_start3A_82 = tpu.memref_slice %arg4[%add3A_57, %dma_start3A_81] : memref<2560x128xi32, #tpu.memory_space<hbm>> -> memref<10x128xi32, #tpu.memory_space<hbm>>
          tpu.enqueue_dma source(%dma_start3A_82 : memref<10x128xi32, #tpu.memory_space<hbm>>) target(%arg8 : memref<10x128xi32, #tpu.memory_space<vmem>>) target_semaphore(%run_scoped3A_78 : memref<!tpu.dma_semaphore, #tpu.memory_space<semaphore_mem>>)
          %dma_wait3A = arith.constant 0 : i32
          %dma_wait3A_83 = tpu.memref_slice %arg4[%add3A_57, %dma_wait3A] : memref<2560x128xi32, #tpu.memory_space<hbm>> -> memref<10x128xi32, #tpu.memory_space<hbm>>
          %dma_wait3A_84 = arith.constant 0 : i32
          %dma_wait3A_85 = tpu.memref_slice %arg4[%add3A_57, %dma_wait3A_84] : memref<2560x128xi32, #tpu.memory_space<hbm>> -> memref<10x128xi32, #tpu.memory_space<hbm>>
          tpu.wait_dma2 semaphore(%run_scoped3A_78 : memref<!tpu.dma_semaphore, #tpu.memory_space<semaphore_mem>>) src(%dma_wait3A_85 : memref<10x128xi32, #tpu.memory_space<hbm>>) dst(%arg8 : memref<10x128xi32, #tpu.memory_space<vmem>>)
          tpu.yield
        }) : () -> ()
        %mul3A_58 = arith.constant 10 : i32
        %mul3A_59 = arith.muli %scan3A_54, %mul3A_58 : i32
        %add3A_60 = arith.addi %mul3A_0, %mul3A_59 : i32
        "tpu.region"() ({
          %run_scoped3A_78 = tpu.sem_alloc : memref<!tpu.dma_semaphore, #tpu.memory_space<semaphore_mem>>
          %dma_start3A_79 = arith.constant 0 : i32
          %dma_start3A_80 = tpu.memref_slice %arg5[%add3A_60, %dma_start3A_79] : memref<2560x128xi32, #tpu.memory_space<hbm>> -> memref<10x128xi32, #tpu.memory_space<hbm>>
          %dma_start3A_81 = arith.constant 0 : i32
          %dma_start3A_82 = tpu.memref_slice %arg5[%add3A_60, %dma_start3A_81] : memref<2560x128xi32, #tpu.memory_space<hbm>> -> memref<10x128xi32, #tpu.memory_space<hbm>>
          tpu.enqueue_dma source(%dma_start3A_82 : memref<10x128xi32, #tpu.memory_space<hbm>>) target(%arg9 : memref<10x128xi32, #tpu.memory_space<vmem>>) target_semaphore(%run_scoped3A_78 : memref<!tpu.dma_semaphore, #tpu.memory_space<semaphore_mem>>)
          %dma_wait3A = arith.constant 0 : i32
          %dma_wait3A_83 = tpu.memref_slice %arg5[%add3A_60, %dma_wait3A] : memref<2560x128xi32, #tpu.memory_space<hbm>> -> memref<10x128xi32, #tpu.memory_space<hbm>>
          %dma_wait3A_84 = arith.constant 0 : i32
          %dma_wait3A_85 = tpu.memref_slice %arg5[%add3A_60, %dma_wait3A_84] : memref<2560x128xi32, #tpu.memory_space<hbm>> -> memref<10x128xi32, #tpu.memory_space<hbm>>
          tpu.wait_dma2 semaphore(%run_scoped3A_78 : memref<!tpu.dma_semaphore, #tpu.memory_space<semaphore_mem>>) src(%dma_wait3A_85 : memref<10x128xi32, #tpu.memory_space<hbm>>) dst(%arg9 : memref<10x128xi32, #tpu.memory_space<vmem>>)
          tpu.yield
        }) : () -> ()
        %dma_start3A = arith.constant 0 : i32
        %dma_start3A_61 = arith.constant 0 : i32
        %dma_start3A_62 = arith.constant 0 : i32
        %dma_start3A_63 = arith.constant 0 : i32
        %dma_start3A_64 = tpu.memref_slice %arg10[%dma_start3A_61, %dma_start3A_62, %dma_start3A_63] : memref<2x128x128xf32, #tpu.memory_space<vmem>> -> memref<1x128x128xf32, #tpu.memory_space<vmem>>
        %dma_start3A_65 = tpu.memref_squeeze %dma_start3A_64 : memref<1x128x128xf32, #tpu.memory_space<vmem>> -> memref<128x128xf32, #tpu.memory_space<vmem>>
        %dma_start3A_66 = arith.constant 0 : i32
        %dma_start3A_67 = tpu.memref_slice %arg8[%dma_start3A, %dma_start3A_66] : memref<10x128xi32, #tpu.memory_space<vmem>> -> memref<1x128xi32, #tpu.memory_space<vmem>>
        %dma_start3A_68 = tpu.memref_squeeze %dma_start3A_67 : memref<1x128xi32, #tpu.memory_space<vmem>> -> memref<128xi32, #tpu.memory_space<vmem>>
        %dma_start3A_69 = arith.constant 0 : i32
        %dma_start3A_70 = arith.constant 0 : i32
        %dma_start3A_71 = tpu.memref_slice %arg2[%dma_start3A_69, %dma_start3A_70] : memref<10240x128xf32, #tpu.memory_space<hbm>> -> memref<10240x128xf32, #tpu.memory_space<hbm>>
        tpu.enqueue_indirect_dma source(%dma_start3A_71 : memref<10240x128xf32, #tpu.memory_space<hbm>>) target(%dma_start3A_65 : memref<128x128xf32, #tpu.memory_space<vmem>>) offsets(%dma_start3A_68 : memref<128xi32, #tpu.memory_space<vmem>>) semaphore(%arg12 : memref<!tpu.dma_semaphore, #tpu.memory_space<semaphore_mem>>)
        %scan3A_72 = arith.constant 0 : i32
        %scan3A_73 = arith.constant 0 : i32
        %scan3A_74 = arith.constant 10 : i32
        %scan3A_75 = arith.addi %scan3A_73, %scan3A_74 : i32
        %scan3A_76 = arith.constant 1 : i32
        scf.for %scan3A_78 = %scan3A_73 to %scan3A_75 step %scan3A_76  : i32 {
          %rem3A = arith.constant 2 : i32
          %rem3A_79 = arith.remsi %scan3A_78, %rem3A : i32
          %add3A_80 = arith.constant 1 : i32
          %add3A_81 = arith.addi %scan3A_78, %add3A_80 : i32
          %rem3A_82 = arith.constant 2 : i32
          %rem3A_83 = arith.remsi %add3A_81, %rem3A_82 : i32
          %dma_wait3A = arith.constant 0 : i32
          %dma_wait3A_84 = arith.constant 0 : i32
          %dma_wait3A_85 = tpu.memref_slice %arg10[%rem3A_79, %dma_wait3A, %dma_wait3A_84] : memref<2x128x128xf32, #tpu.memory_space<vmem>> -> memref<1x128x128xf32, #tpu.memory_space<vmem>>
          %dma_wait3A_86 = tpu.memref_squeeze %dma_wait3A_85 : memref<1x128x128xf32, #tpu.memory_space<vmem>> -> memref<128x128xf32, #tpu.memory_space<vmem>>
          %dma_wait3A_87 = arith.constant 0 : i32
          %dma_wait3A_88 = tpu.memref_slice %arg8[%scan3A_78, %dma_wait3A_87] : memref<10x128xi32, #tpu.memory_space<vmem>> -> memref<1x128xi32, #tpu.memory_space<vmem>>
          %dma_wait3A_89 = tpu.memref_squeeze %dma_wait3A_88 : memref<1x128xi32, #tpu.memory_space<vmem>> -> memref<128xi32, #tpu.memory_space<vmem>>
          %dma_wait3A_90 = arith.constant 0 : i32
          %dma_wait3A_91 = arith.constant 0 : i32
          %dma_wait3A_92 = tpu.memref_slice %arg2[%dma_wait3A_90, %dma_wait3A_91] : memref<10240x128xf32, #tpu.memory_space<hbm>> -> memref<10240x128xf32, #tpu.memory_space<hbm>>
          tpu.wait_indirect_dma semaphore(%arg12 : memref<!tpu.dma_semaphore, #tpu.memory_space<semaphore_mem>>) src(%dma_wait3A_92 : memref<10240x128xf32, #tpu.memory_space<hbm>>) dst(%dma_wait3A_86 : memref<128x128xf32, #tpu.memory_space<vmem>>)
          %lt3A = arith.constant 9 : i32
          %lt3A_93 = arith.cmpi slt, %scan3A_78, %lt3A : i32
          %convert_element_type3A_94 = arith.extui %lt3A_93 : i1 to i32
          %cond3A_95 = arith.constant 0 : i32
          %cond3A_96 = arith.cmpi ne, %convert_element_type3A_94, %cond3A_95 : i32
          scf.if %cond3A_96 {
            %add3A_97 = arith.constant 1 : i32
            %add3A_98 = arith.addi %scan3A_78, %add3A_97 : i32
            %dma_start3A_99 = arith.constant 0 : i32
            %dma_start3A_100 = arith.constant 0 : i32
            %dma_start3A_101 = tpu.memref_slice %arg10[%rem3A_83, %dma_start3A_99, %dma_start3A_100] : memref<2x128x128xf32, #tpu.memory_space<vmem>> -> memref<1x128x128xf32, #tpu.memory_space<vmem>>
            %dma_start3A_102 = tpu.memref_squeeze %dma_start3A_101 : memref<1x128x128xf32, #tpu.memory_space<vmem>> -> memref<128x128xf32, #tpu.memory_space<vmem>>
            %dma_start3A_103 = arith.constant 0 : i32
            %dma_start3A_104 = tpu.memref_slice %arg8[%add3A_98, %dma_start3A_103] : memref<10x128xi32, #tpu.memory_space<vmem>> -> memref<1x128xi32, #tpu.memory_space<vmem>>
            %dma_start3A_105 = tpu.memref_squeeze %dma_start3A_104 : memref<1x128xi32, #tpu.memory_space<vmem>> -> memref<128xi32, #tpu.memory_space<vmem>>
            %dma_start3A_106 = arith.constant 0 : i32
            %dma_start3A_107 = arith.constant 0 : i32
            %dma_start3A_108 = tpu.memref_slice %arg2[%dma_start3A_106, %dma_start3A_107] : memref<10240x128xf32, #tpu.memory_space<hbm>> -> memref<10240x128xf32, #tpu.memory_space<hbm>>
            tpu.enqueue_indirect_dma source(%dma_start3A_108 : memref<10240x128xf32, #tpu.memory_space<hbm>>) target(%dma_start3A_102 : memref<128x128xf32, #tpu.memory_space<vmem>>) offsets(%dma_start3A_105 : memref<128xi32, #tpu.memory_space<vmem>>) semaphore(%arg12 : memref<!tpu.dma_semaphore, #tpu.memory_space<semaphore_mem>>)
          } else {
          }
          "tpu.region"() ({
            %run_scoped3A_97 = tpu.sem_alloc : memref<!tpu.dma_semaphore, #tpu.memory_space<semaphore_mem>>
            %dma_start3A_98 = arith.constant 0 : i32
            %dma_start3A_99 = arith.constant 0 : i32
            %dma_start3A_100 = tpu.memref_slice %arg10[%rem3A_79, %dma_start3A_98, %dma_start3A_99] : memref<2x128x128xf32, #tpu.memory_space<vmem>> -> memref<1x128x128xf32, #tpu.memory_space<vmem>>
            %dma_start3A_101 = tpu.memref_squeeze %dma_start3A_100 : memref<1x128x128xf32, #tpu.memory_space<vmem>> -> memref<128x128xf32, #tpu.memory_space<vmem>>
            %dma_start3A_102 = arith.constant 0 : i32
            %dma_start3A_103 = tpu.memref_slice %arg9[%scan3A_78, %dma_start3A_102] : memref<10x128xi32, #tpu.memory_space<vmem>> -> memref<1x128xi32, #tpu.memory_space<vmem>>
            %dma_start3A_104 = tpu.memref_squeeze %dma_start3A_103 : memref<1x128xi32, #tpu.memory_space<vmem>> -> memref<128xi32, #tpu.memory_space<vmem>>
            %dma_start3A_105 = arith.constant 0 : i32
            %dma_start3A_106 = arith.constant 0 : i32
            %dma_start3A_107 = tpu.memref_slice %arg11[%dma_start3A_105, %dma_start3A_106] : memref<10240x128xf32, #tpu.memory_space<vmem_shared>> -> memref<10240x128xf32, #tpu.memory_space<vmem_shared>>
            tpu.enqueue_indirect_dma source(%dma_start3A_101 : memref<128x128xf32, #tpu.memory_space<vmem>>) target(%dma_start3A_107 : memref<10240x128xf32, #tpu.memory_space<vmem_shared>>) offsets(%dma_start3A_104 : memref<128xi32, #tpu.memory_space<vmem>>) semaphore(%run_scoped3A_97 : memref<!tpu.dma_semaphore, #tpu.memory_space<semaphore_mem>>) {add = true}
            %dma_wait3A_108 = arith.constant 0 : i32
            %dma_wait3A_109 = arith.constant 0 : i32
            %dma_wait3A_110 = tpu.memref_slice %arg10[%rem3A_79, %dma_wait3A_108, %dma_wait3A_109] : memref<2x128x128xf32, #tpu.memory_space<vmem>> -> memref<1x128x128xf32, #tpu.memory_space<vmem>>
            %dma_wait3A_111 = tpu.memref_squeeze %dma_wait3A_110 : memref<1x128x128xf32, #tpu.memory_space<vmem>> -> memref<128x128xf32, #tpu.memory_space<vmem>>
            %dma_wait3A_112 = arith.constant 0 : i32
            %dma_wait3A_113 = tpu.memref_slice %arg9[%scan3A_78, %dma_wait3A_112] : memref<10x128xi32, #tpu.memory_space<vmem>> -> memref<1x128xi32, #tpu.memory_space<vmem>>
            %dma_wait3A_114 = tpu.memref_squeeze %dma_wait3A_113 : memref<1x128xi32, #tpu.memory_space<vmem>> -> memref<128xi32, #tpu.memory_space<vmem>>
            %dma_wait3A_115 = arith.constant 0 : i32
            %dma_wait3A_116 = arith.constant 0 : i32
            %dma_wait3A_117 = tpu.memref_slice %arg11[%dma_wait3A_115, %dma_wait3A_116] : memref<10240x128xf32, #tpu.memory_space<vmem_shared>> -> memref<10240x128xf32, #tpu.memory_space<vmem_shared>>
            tpu.wait_indirect_dma semaphore(%run_scoped3A_97 : memref<!tpu.dma_semaphore, #tpu.memory_space<semaphore_mem>>) src(%dma_wait3A_111 : memref<128x128xf32, #tpu.memory_space<vmem>>) dst(%dma_wait3A_117 : memref<10240x128xf32, #tpu.memory_space<vmem_shared>>)
            tpu.yield
          }) : () -> ()
        }
        %scan3A_77 = arith.constant 10 : i32
      }
      %scan3A_53 = arith.constant 16 : i32
    } else {
    }
    %eq3A_32 = arith.constant 1 : i32
    %eq3A_33 = arith.cmpi eq, %arg0, %eq3A_32 : i32
    %convert_element_type3A_34 = arith.extui %eq3A_33 : i1 to i32
    %cond3A_35 = arith.constant 0 : i32
    %cond3A_36 = arith.cmpi ne, %convert_element_type3A_34, %cond3A_35 : i32
    scf.if %cond3A_36 {
      %scan3A_48 = arith.constant 0 : i32
      %scan3A_49 = arith.constant 0 : i32
      %scan3A_50 = arith.constant 16 : i32
      %scan3A_51 = arith.addi %scan3A_49, %scan3A_50 : i32
      %scan3A_52 = arith.constant 1 : i32
      scf.for %scan3A_54 = %scan3A_49 to %scan3A_51 step %scan3A_52  : i32 {
        %mul3A_55 = arith.constant 10 : i32
        %mul3A_56 = arith.muli %scan3A_54, %mul3A_55 : i32
        %add3A_57 = arith.addi %mul3A_0, %mul3A_56 : i32
        "tpu.region"() ({
          %run_scoped3A_78 = tpu.sem_alloc : memref<!tpu.dma_semaphore, #tpu.memory_space<semaphore_mem>>
          %dma_start3A_79 = arith.constant 0 : i32
          %dma_start3A_80 = tpu.memref_slice %arg4[%add3A_57, %dma_start3A_79] : memref<2560x128xi32, #tpu.memory_space<hbm>> -> memref<10x128xi32, #tpu.memory_space<hbm>>
          %dma_start3A_81 = arith.constant 0 : i32
          %dma_start3A_82 = tpu.memref_slice %arg4[%add3A_57, %dma_start3A_81] : memref<2560x128xi32, #tpu.memory_space<hbm>> -> memref<10x128xi32, #tpu.memory_space<hbm>>
          tpu.enqueue_dma source(%dma_start3A_82 : memref<10x128xi32, #tpu.memory_space<hbm>>) target(%arg8 : memref<10x128xi32, #tpu.memory_space<vmem>>) target_semaphore(%run_scoped3A_78 : memref<!tpu.dma_semaphore, #tpu.memory_space<semaphore_mem>>)
          %dma_wait3A = arith.constant 0 : i32
          %dma_wait3A_83 = tpu.memref_slice %arg4[%add3A_57, %dma_wait3A] : memref<2560x128xi32, #tpu.memory_space<hbm>> -> memref<10x128xi32, #tpu.memory_space<hbm>>
          %dma_wait3A_84 = arith.constant 0 : i32
          %dma_wait3A_85 = tpu.memref_slice %arg4[%add3A_57, %dma_wait3A_84] : memref<2560x128xi32, #tpu.memory_space<hbm>> -> memref<10x128xi32, #tpu.memory_space<hbm>>
          tpu.wait_dma2 semaphore(%run_scoped3A_78 : memref<!tpu.dma_semaphore, #tpu.memory_space<semaphore_mem>>) src(%dma_wait3A_85 : memref<10x128xi32, #tpu.memory_space<hbm>>) dst(%arg8 : memref<10x128xi32, #tpu.memory_space<vmem>>)
          tpu.yield
        }) : () -> ()
        %mul3A_58 = arith.constant 10 : i32
        %mul3A_59 = arith.muli %scan3A_54, %mul3A_58 : i32
        %add3A_60 = arith.addi %mul3A_0, %mul3A_59 : i32
        "tpu.region"() ({
          %run_scoped3A_78 = tpu.sem_alloc : memref<!tpu.dma_semaphore, #tpu.memory_space<semaphore_mem>>
          %dma_start3A_79 = arith.constant 0 : i32
          %dma_start3A_80 = tpu.memref_slice %arg5[%add3A_60, %dma_start3A_79] : memref<2560x128xi32, #tpu.memory_space<hbm>> -> memref<10x128xi32, #tpu.memory_space<hbm>>
          %dma_start3A_81 = arith.constant 0 : i32
          %dma_start3A_82 = tpu.memref_slice %arg5[%add3A_60, %dma_start3A_81] : memref<2560x128xi32, #tpu.memory_space<hbm>> -> memref<10x128xi32, #tpu.memory_space<hbm>>
          tpu.enqueue_dma source(%dma_start3A_82 : memref<10x128xi32, #tpu.memory_space<hbm>>) target(%arg9 : memref<10x128xi32, #tpu.memory_space<vmem>>) target_semaphore(%run_scoped3A_78 : memref<!tpu.dma_semaphore, #tpu.memory_space<semaphore_mem>>)
          %dma_wait3A = arith.constant 0 : i32
          %dma_wait3A_83 = tpu.memref_slice %arg5[%add3A_60, %dma_wait3A] : memref<2560x128xi32, #tpu.memory_space<hbm>> -> memref<10x128xi32, #tpu.memory_space<hbm>>
          %dma_wait3A_84 = arith.constant 0 : i32
          %dma_wait3A_85 = tpu.memref_slice %arg5[%add3A_60, %dma_wait3A_84] : memref<2560x128xi32, #tpu.memory_space<hbm>> -> memref<10x128xi32, #tpu.memory_space<hbm>>
          tpu.wait_dma2 semaphore(%run_scoped3A_78 : memref<!tpu.dma_semaphore, #tpu.memory_space<semaphore_mem>>) src(%dma_wait3A_85 : memref<10x128xi32, #tpu.memory_space<hbm>>) dst(%arg9 : memref<10x128xi32, #tpu.memory_space<vmem>>)
          tpu.yield
        }) : () -> ()
        %dma_start3A = arith.constant 0 : i32
        %dma_start3A_61 = arith.constant 0 : i32
        %dma_start3A_62 = arith.constant 0 : i32
        %dma_start3A_63 = arith.constant 0 : i32
        %dma_start3A_64 = tpu.memref_slice %arg10[%dma_start3A_61, %dma_start3A_62, %dma_start3A_63] : memref<2x128x128xf32, #tpu.memory_space<vmem>> -> memref<1x128x128xf32, #tpu.memory_space<vmem>>
        %dma_start3A_65 = tpu.memref_squeeze %dma_start3A_64 : memref<1x128x128xf32, #tpu.memory_space<vmem>> -> memref<128x128xf32, #tpu.memory_space<vmem>>
        %dma_start3A_66 = arith.constant 0 : i32
        %dma_start3A_67 = tpu.memref_slice %arg8[%dma_start3A, %dma_start3A_66] : memref<10x128xi32, #tpu.memory_space<vmem>> -> memref<1x128xi32, #tpu.memory_space<vmem>>
        %dma_start3A_68 = tpu.memref_squeeze %dma_start3A_67 : memref<1x128xi32, #tpu.memory_space<vmem>> -> memref<128xi32, #tpu.memory_space<vmem>>
        %dma_start3A_69 = arith.constant 0 : i32
        %dma_start3A_70 = arith.constant 0 : i32
        %dma_start3A_71 = tpu.memref_slice %arg3[%dma_start3A_69, %dma_start3A_70] : memref<10240x128xf32, #tpu.memory_space<hbm>> -> memref<10240x128xf32, #tpu.memory_space<hbm>>
        tpu.enqueue_indirect_dma source(%dma_start3A_71 : memref<10240x128xf32, #tpu.memory_space<hbm>>) target(%dma_start3A_65 : memref<128x128xf32, #tpu.memory_space<vmem>>) offsets(%dma_start3A_68 : memref<128xi32, #tpu.memory_space<vmem>>) semaphore(%arg12 : memref<!tpu.dma_semaphore, #tpu.memory_space<semaphore_mem>>)
        %scan3A_72 = arith.constant 0 : i32
        %scan3A_73 = arith.constant 0 : i32
        %scan3A_74 = arith.constant 10 : i32
        %scan3A_75 = arith.addi %scan3A_73, %scan3A_74 : i32
        %scan3A_76 = arith.constant 1 : i32
        scf.for %scan3A_78 = %scan3A_73 to %scan3A_75 step %scan3A_76  : i32 {
          %rem3A = arith.constant 2 : i32
          %rem3A_79 = arith.remsi %scan3A_78, %rem3A : i32
          %add3A_80 = arith.constant 1 : i32
          %add3A_81 = arith.addi %scan3A_78, %add3A_80 : i32
          %rem3A_82 = arith.constant 2 : i32
          %rem3A_83 = arith.remsi %add3A_81, %rem3A_82 : i32
          %dma_wait3A = arith.constant 0 : i32
          %dma_wait3A_84 = arith.constant 0 : i32
          %dma_wait3A_85 = tpu.memref_slice %arg10[%rem3A_79, %dma_wait3A, %dma_wait3A_84] : memref<2x128x128xf32, #tpu.memory_space<vmem>> -> memref<1x128x128xf32, #tpu.memory_space<vmem>>
          %dma_wait3A_86 = tpu.memref_squeeze %dma_wait3A_85 : memref<1x128x128xf32, #tpu.memory_space<vmem>> -> memref<128x128xf32, #tpu.memory_space<vmem>>
          %dma_wait3A_87 = arith.constant 0 : i32
          %dma_wait3A_88 = tpu.memref_slice %arg8[%scan3A_78, %dma_wait3A_87] : memref<10x128xi32, #tpu.memory_space<vmem>> -> memref<1x128xi32, #tpu.memory_space<vmem>>
          %dma_wait3A_89 = tpu.memref_squeeze %dma_wait3A_88 : memref<1x128xi32, #tpu.memory_space<vmem>> -> memref<128xi32, #tpu.memory_space<vmem>>
          %dma_wait3A_90 = arith.constant 0 : i32
          %dma_wait3A_91 = arith.constant 0 : i32
          %dma_wait3A_92 = tpu.memref_slice %arg3[%dma_wait3A_90, %dma_wait3A_91] : memref<10240x128xf32, #tpu.memory_space<hbm>> -> memref<10240x128xf32, #tpu.memory_space<hbm>>
          tpu.wait_indirect_dma semaphore(%arg12 : memref<!tpu.dma_semaphore, #tpu.memory_space<semaphore_mem>>) src(%dma_wait3A_92 : memref<10240x128xf32, #tpu.memory_space<hbm>>) dst(%dma_wait3A_86 : memref<128x128xf32, #tpu.memory_space<vmem>>)
          %lt3A = arith.constant 9 : i32
          %lt3A_93 = arith.cmpi slt, %scan3A_78, %lt3A : i32
          %convert_element_type3A_94 = arith.extui %lt3A_93 : i1 to i32
          %cond3A_95 = arith.constant 0 : i32
          %cond3A_96 = arith.cmpi ne, %convert_element_type3A_94, %cond3A_95 : i32
          scf.if %cond3A_96 {
            %add3A_97 = arith.constant 1 : i32
            %add3A_98 = arith.addi %scan3A_78, %add3A_97 : i32
            %dma_start3A_99 = arith.constant 0 : i32
            %dma_start3A_100 = arith.constant 0 : i32
            %dma_start3A_101 = tpu.memref_slice %arg10[%rem3A_83, %dma_start3A_99, %dma_start3A_100] : memref<2x128x128xf32, #tpu.memory_space<vmem>> -> memref<1x128x128xf32, #tpu.memory_space<vmem>>
            %dma_start3A_102 = tpu.memref_squeeze %dma_start3A_101 : memref<1x128x128xf32, #tpu.memory_space<vmem>> -> memref<128x128xf32, #tpu.memory_space<vmem>>
            %dma_start3A_103 = arith.constant 0 : i32
            %dma_start3A_104 = tpu.memref_slice %arg8[%add3A_98, %dma_start3A_103] : memref<10x128xi32, #tpu.memory_space<vmem>> -> memref<1x128xi32, #tpu.memory_space<vmem>>
            %dma_start3A_105 = tpu.memref_squeeze %dma_start3A_104 : memref<1x128xi32, #tpu.memory_space<vmem>> -> memref<128xi32, #tpu.memory_space<vmem>>
            %dma_start3A_106 = arith.constant 0 : i32
            %dma_start3A_107 = arith.constant 0 : i32
            %dma_start3A_108 = tpu.memref_slice %arg3[%dma_start3A_106, %dma_start3A_107] : memref<10240x128xf32, #tpu.memory_space<hbm>> -> memref<10240x128xf32, #tpu.memory_space<hbm>>
            tpu.enqueue_indirect_dma source(%dma_start3A_108 : memref<10240x128xf32, #tpu.memory_space<hbm>>) target(%dma_start3A_102 : memref<128x128xf32, #tpu.memory_space<vmem>>) offsets(%dma_start3A_105 : memref<128xi32, #tpu.memory_space<vmem>>) semaphore(%arg12 : memref<!tpu.dma_semaphore, #tpu.memory_space<semaphore_mem>>)
          } else {
          }
          "tpu.region"() ({
            %run_scoped3A_97 = tpu.sem_alloc : memref<!tpu.dma_semaphore, #tpu.memory_space<semaphore_mem>>
            %dma_start3A_98 = arith.constant 0 : i32
            %dma_start3A_99 = arith.constant 0 : i32
            %dma_start3A_100 = tpu.memref_slice %arg10[%rem3A_79, %dma_start3A_98, %dma_start3A_99] : memref<2x128x128xf32, #tpu.memory_space<vmem>> -> memref<1x128x128xf32, #tpu.memory_space<vmem>>
            %dma_start3A_101 = tpu.memref_squeeze %dma_start3A_100 : memref<1x128x128xf32, #tpu.memory_space<vmem>> -> memref<128x128xf32, #tpu.memory_space<vmem>>
            %dma_start3A_102 = arith.constant 0 : i32
            %dma_start3A_103 = tpu.memref_slice %arg9[%scan3A_78, %dma_start3A_102] : memref<10x128xi32, #tpu.memory_space<vmem>> -> memref<1x128xi32, #tpu.memory_space<vmem>>
            %dma_start3A_104 = tpu.memref_squeeze %dma_start3A_103 : memref<1x128xi32, #tpu.memory_space<vmem>> -> memref<128xi32, #tpu.memory_space<vmem>>
            %dma_start3A_105 = arith.constant 0 : i32
            %dma_start3A_106 = arith.constant 0 : i32
            %dma_start3A_107 = tpu.memref_slice %arg11[%dma_start3A_105, %dma_start3A_106] : memref<10240x128xf32, #tpu.memory_space<vmem_shared>> -> memref<10240x128xf32, #tpu.memory_space<vmem_shared>>
            tpu.enqueue_indirect_dma source(%dma_start3A_101 : memref<128x128xf32, #tpu.memory_space<vmem>>) target(%dma_start3A_107 : memref<10240x128xf32, #tpu.memory_space<vmem_shared>>) offsets(%dma_start3A_104 : memref<128xi32, #tpu.memory_space<vmem>>) semaphore(%run_scoped3A_97 : memref<!tpu.dma_semaphore, #tpu.memory_space<semaphore_mem>>) {add = true}
            %dma_wait3A_108 = arith.constant 0 : i32
            %dma_wait3A_109 = arith.constant 0 : i32
            %dma_wait3A_110 = tpu.memref_slice %arg10[%rem3A_79, %dma_wait3A_108, %dma_wait3A_109] : memref<2x128x128xf32, #tpu.memory_space<vmem>> -> memref<1x128x128xf32, #tpu.memory_space<vmem>>
            %dma_wait3A_111 = tpu.memref_squeeze %dma_wait3A_110 : memref<1x128x128xf32, #tpu.memory_space<vmem>> -> memref<128x128xf32, #tpu.memory_space<vmem>>
            %dma_wait3A_112 = arith.constant 0 : i32
            %dma_wait3A_113 = tpu.memref_slice %arg9[%scan3A_78, %dma_wait3A_112] : memref<10x128xi32, #tpu.memory_space<vmem>> -> memref<1x128xi32, #tpu.memory_space<vmem>>
            %dma_wait3A_114 = tpu.memref_squeeze %dma_wait3A_113 : memref<1x128xi32, #tpu.memory_space<vmem>> -> memref<128xi32, #tpu.memory_space<vmem>>
            %dma_wait3A_115 = arith.constant 0 : i32
            %dma_wait3A_116 = arith.constant 0 : i32
            %dma_wait3A_117 = tpu.memref_slice %arg11[%dma_wait3A_115, %dma_wait3A_116] : memref<10240x128xf32, #tpu.memory_space<vmem_shared>> -> memref<10240x128xf32, #tpu.memory_space<vmem_shared>>
            tpu.wait_indirect_dma semaphore(%run_scoped3A_97 : memref<!tpu.dma_semaphore, #tpu.memory_space<semaphore_mem>>) src(%dma_wait3A_111 : memref<128x128xf32, #tpu.memory_space<vmem>>) dst(%dma_wait3A_117 : memref<10240x128xf32, #tpu.memory_space<vmem_shared>>)
            tpu.yield
          }) : () -> ()
        }
        %scan3A_77 = arith.constant 10 : i32
      }
      %scan3A_53 = arith.constant 16 : i32
    } else {
    }
    %barrier3A_37 = arith.constant 0 : index
    tpu.barrier barrier_id(%barrier3A_37)
    %eq3A_38 = arith.constant 0 : i32
    %eq3A_39 = arith.cmpi eq, %arg0, %eq3A_38 : i32
    %convert_element_type3A_40 = arith.extui %eq3A_39 : i1 to i32
    %cond3A_41 = arith.constant 0 : i32
    %cond3A_42 = arith.cmpi ne, %convert_element_type3A_40, %cond3A_41 : i32
    scf.if %cond3A_42 {
      %mul3A_48 = arith.constant 640 : i32
      %mul3A_49 = arith.muli %arg1, %mul3A_48 : i32
      %mul3A_50 = arith.constant 640 : i32
      %mul3A_51 = arith.muli %arg1, %mul3A_50 : i32
      "tpu.region"() ({
        %run_scoped3A_52 = tpu.sem_alloc : memref<!tpu.dma_semaphore, #tpu.memory_space<semaphore_mem>>
        %dma_start3A = arith.constant 0 : i32
        %dma_start3A_53 = tpu.memref_slice %arg6[%mul3A_51, %dma_start3A] : memref<10240x128xf32, #tpu.memory_space<hbm>> -> memref<640x128xf32, #tpu.memory_space<hbm>>
        %dma_start3A_54 = arith.constant 0 : i32
        %dma_start3A_55 = tpu.memref_slice %arg11[%mul3A_49, %dma_start3A_54] : memref<10240x128xf32, #tpu.memory_space<vmem_shared>> -> memref<640x128xf32, #tpu.memory_space<vmem_shared>>
        tpu.enqueue_dma source(%dma_start3A_55 : memref<640x128xf32, #tpu.memory_space<vmem_shared>>) target(%dma_start3A_53 : memref<640x128xf32, #tpu.memory_space<hbm>>) target_semaphore(%run_scoped3A_52 : memref<!tpu.dma_semaphore, #tpu.memory_space<semaphore_mem>>)
        %dma_wait3A = arith.constant 0 : i32
        %dma_wait3A_56 = tpu.memref_slice %arg6[%mul3A_51, %dma_wait3A] : memref<10240x128xf32, #tpu.memory_space<hbm>> -> memref<640x128xf32, #tpu.memory_space<hbm>>
        %dma_wait3A_57 = arith.constant 0 : i32
        %dma_wait3A_58 = tpu.memref_slice %arg11[%mul3A_49, %dma_wait3A_57] : memref<10240x128xf32, #tpu.memory_space<vmem_shared>> -> memref<640x128xf32, #tpu.memory_space<vmem_shared>>
        tpu.wait_dma2 semaphore(%run_scoped3A_52 : memref<!tpu.dma_semaphore, #tpu.memory_space<semaphore_mem>>) src(%dma_wait3A_58 : memref<640x128xf32, #tpu.memory_space<vmem_shared>>) dst(%dma_wait3A_56 : memref<640x128xf32, #tpu.memory_space<hbm>>)
        tpu.yield
      }) : () -> ()
    } else {
    }
    %eq3A_43 = arith.constant 1 : i32
    %eq3A_44 = arith.cmpi eq, %arg0, %eq3A_43 : i32
    %convert_element_type3A_45 = arith.extui %eq3A_44 : i1 to i32
    %cond3A_46 = arith.constant 0 : i32
    %cond3A_47 = arith.cmpi ne, %convert_element_type3A_45, %cond3A_46 : i32
    scf.if %cond3A_47 {
      %mul3A_48 = arith.constant 640 : i32
      %mul3A_49 = arith.muli %arg1, %mul3A_48 : i32
      %mul3A_50 = arith.constant 640 : i32
      %mul3A_51 = arith.muli %arg1, %mul3A_50 : i32
      "tpu.region"() ({
        %run_scoped3A_52 = tpu.sem_alloc : memref<!tpu.dma_semaphore, #tpu.memory_space<semaphore_mem>>
        %dma_start3A = arith.constant 0 : i32
        %dma_start3A_53 = tpu.memref_slice %arg7[%mul3A_51, %dma_start3A] : memref<10240x128xf32, #tpu.memory_space<hbm>> -> memref<640x128xf32, #tpu.memory_space<hbm>>
        %dma_start3A_54 = arith.constant 0 : i32
        %dma_start3A_55 = tpu.memref_slice %arg11[%mul3A_49, %dma_start3A_54] : memref<10240x128xf32, #tpu.memory_space<vmem_shared>> -> memref<640x128xf32, #tpu.memory_space<vmem_shared>>
        tpu.enqueue_dma source(%dma_start3A_55 : memref<640x128xf32, #tpu.memory_space<vmem_shared>>) target(%dma_start3A_53 : memref<640x128xf32, #tpu.memory_space<hbm>>) target_semaphore(%run_scoped3A_52 : memref<!tpu.dma_semaphore, #tpu.memory_space<semaphore_mem>>)
        %dma_wait3A = arith.constant 0 : i32
        %dma_wait3A_56 = tpu.memref_slice %arg7[%mul3A_51, %dma_wait3A] : memref<10240x128xf32, #tpu.memory_space<hbm>> -> memref<640x128xf32, #tpu.memory_space<hbm>>
        %dma_wait3A_57 = arith.constant 0 : i32
        %dma_wait3A_58 = tpu.memref_slice %arg11[%mul3A_49, %dma_wait3A_57] : memref<10240x128xf32, #tpu.memory_space<vmem_shared>> -> memref<640x128xf32, #tpu.memory_space<vmem_shared>>
        tpu.wait_dma2 semaphore(%run_scoped3A_52 : memref<!tpu.dma_semaphore, #tpu.memory_space<semaphore_mem>>) src(%dma_wait3A_58 : memref<640x128xf32, #tpu.memory_space<vmem_shared>>) dst(%dma_wait3A_56 : memref<640x128xf32, #tpu.memory_space<hbm>>)
        tpu.yield
      }) : () -> ()
    } else {
    }
    return
  }
}

module attributes {stable_mosaic.version = 14 : i64} {
  func.func @body(%arg0: i32, %arg1: memref<256x128xf32, #tpu.memory_space<vmem>>, %arg2: memref<256x128xf32, #tpu.memory_space<vmem>>, %arg3: memref<256x16xf32, #tpu.memory_space<vmem>>, %arg4: memref<256x16xf32, #tpu.memory_space<vmem>>, %arg5: memref<256x128xf32, #tpu.memory_space<vmem>>, %arg6: memref<128x256xf32, #tpu.memory_space<vmem>>, %arg7: memref<128x256xf32, #tpu.memory_space<vmem>>, %arg8: memref<1x256xf32, #tpu.memory_space<vmem>>, %arg9: memref<256x128xf32, #tpu.memory_space<vmem>>, %arg10: memref<256x128xf32, #tpu.memory_space<vmem>>, %arg11: memref<256x1xf32, #tpu.memory_space<vmem>>) attributes {dimension_semantics = [#tpu.dimension_semantics<arbitrary>], iteration_bounds = array<i64: 40>, scalar_prefetch = 0 : i64, scratch_operands = 0 : i64, tpu.core_type = #tpu.core_type<tc>, window_params = [{transform_indices = @transform_0, window_bounds = array<i64: 256, 128>}, {transform_indices = @transform_1, window_bounds = array<i64: 256, 128>}, {transform_indices = @transform_2, window_bounds = array<i64: 256, 16>}, {transform_indices = @transform_3, window_bounds = array<i64: 256, 16>}, {transform_indices = @transform_4, window_bounds = array<i64: 256, 128>}, {pipeline_mode = #tpu.pipeline_mode<synchronous>, transform_indices = @transform_5, window_bounds = array<i64: 128, 256>}, {pipeline_mode = #tpu.pipeline_mode<synchronous>, transform_indices = @transform_6, window_bounds = array<i64: 128, 256>}, {pipeline_mode = #tpu.pipeline_mode<synchronous>, transform_indices = @transform_7, window_bounds = array<i64: 1, 256>}, {transform_indices = @transform_8, window_bounds = array<i64: 256, 128>}, {transform_indices = @transform_9, window_bounds = array<i64: 256, 128>}, {transform_indices = @transform_10, window_bounds = array<i64: 256, 1>}]} {
    %get3A = arith.constant 0 : index
    %get3A_0 = arith.constant 0 : index
    %get3A_1 = vector.load %arg3[%get3A, %get3A_0] : memref<256x16xf32, #tpu.memory_space<vmem>>, vector<256x16xf32>
    %slice3A = vector.extract_strided_slice %get3A_1 {offsets = [0, 0], sizes = [256, 1], strides = [1, 1]} : vector<256x16xf32> to vector<256x1xf32>
    %get3A_2 = arith.constant 0 : index
    %get3A_3 = arith.constant 0 : index
    %get3A_4 = vector.load %arg4[%get3A_2, %get3A_3] : memref<256x16xf32, #tpu.memory_space<vmem>>, vector<256x16xf32>
    %slice3A_5 = vector.extract_strided_slice %get3A_4 {offsets = [0, 0], sizes = [256, 1], strides = [1, 1]} : vector<256x16xf32> to vector<256x1xf32>
    %add3A = arith.addf %slice3A, %slice3A_5 : vector<256x1xf32>
    %max3A = arith.constant 1.000000e+00 : f32
    %max3A_6 = vector.broadcast %max3A : f32 to vector<256x1xf32>
    %max3A_7 = arith.maximumf %add3A, %max3A_6 : vector<256x1xf32>
    %div3A = arith.constant 1.000000e+00 : f32
    %div3A_8 = vector.broadcast %div3A : f32 to vector<256x1xf32>
    %div3A_9 = arith.divf %div3A_8, %max3A_7 : vector<256x1xf32>
    %get3A_10 = arith.constant 0 : index
    %get3A_11 = arith.constant 0 : index
    %get3A_12 = vector.load %arg1[%get3A_10, %get3A_11] : memref<256x128xf32, #tpu.memory_space<vmem>>, vector<256x128xf32>
    %get3A_13 = arith.constant 0 : index
    %get3A_14 = arith.constant 0 : index
    %get3A_15 = vector.load %arg2[%get3A_13, %get3A_14] : memref<256x128xf32, #tpu.memory_space<vmem>>, vector<256x128xf32>
    %add3A_16 = arith.addf %get3A_12, %get3A_15 : vector<256x128xf32>
    %mul3A = vector.broadcast %div3A_9 : vector<256x1xf32> to vector<256x128xf32>
    %mul3A_17 = arith.mulf %add3A_16, %mul3A : vector<256x128xf32>
    %get3A_18 = arith.constant 0 : index
    %get3A_19 = arith.constant 0 : index
    %get3A_20 = vector.load %arg6[%get3A_18, %get3A_19] : memref<128x256xf32, #tpu.memory_space<vmem>>, vector<128x256xf32>
    %dot_general3A = arith.constant dense<0.000000e+00> : vector<256x256xf32>
    %dot_general3A_21 = tpu.matmul %mul3A_17, %get3A_20, %dot_general3A {dimension_numbers = #tpu.dot_dimension_numbers<[1], [0], [0], [1], [0, 0, 1, 1], [], []>, transpose_lhs_hint = false} : vector<256x128xf32>, vector<128x256xf32>, vector<256x256xf32> -> vector<256x256xf32>
    %get3A_22 = arith.constant 0 : index
    %get3A_23 = arith.constant 0 : index
    %get3A_24 = vector.load %arg5[%get3A_22, %get3A_23] : memref<256x128xf32, #tpu.memory_space<vmem>>, vector<256x128xf32>
    %get3A_25 = arith.constant 0 : index
    %get3A_26 = arith.constant 0 : index
    %get3A_27 = vector.load %arg7[%get3A_25, %get3A_26] : memref<128x256xf32, #tpu.memory_space<vmem>>, vector<128x256xf32>
    %dot_general3A_28 = arith.constant dense<0.000000e+00> : vector<256x256xf32>
    %dot_general3A_29 = tpu.matmul %get3A_24, %get3A_27, %dot_general3A_28 {dimension_numbers = #tpu.dot_dimension_numbers<[1], [0], [0], [1], [0, 0, 1, 1], [], []>, transpose_lhs_hint = false} : vector<256x128xf32>, vector<128x256xf32>, vector<256x256xf32> -> vector<256x256xf32>
    %add3A_30 = arith.addf %dot_general3A_21, %dot_general3A_29 : vector<256x256xf32>
    %get3A_31 = arith.constant 0 : index
    %get3A_32 = arith.constant 0 : index
    %get3A_33 = vector.load %arg8[%get3A_31, %get3A_32] : memref<1x256xf32, #tpu.memory_space<vmem>>, vector<1x256xf32>
    %add3A_34 = vector.broadcast %get3A_33 : vector<1x256xf32> to vector<256x256xf32>
    %add3A_35 = arith.addf %add3A_30, %add3A_34 : vector<256x256xf32>
    %max3A_36 = arith.constant 0.000000e+00 : f32
    %max3A_37 = vector.broadcast %max3A_36 : f32 to vector<256x256xf32>
    %max3A_38 = arith.maximumf %add3A_35, %max3A_37 : vector<256x256xf32>
    %slice3A_39 = vector.extract_strided_slice %max3A_38 {offsets = [0, 0], sizes = [256, 128], strides = [1, 1]} : vector<256x256xf32> to vector<256x128xf32>
    %swap3A = arith.constant 0 : index
    %swap3A_40 = arith.constant 0 : index
    %swap3A_41 = vector.load %arg9[%swap3A, %swap3A_40] : memref<256x128xf32, #tpu.memory_space<vmem>>, vector<256x128xf32>
    tpu.vector_store %arg9[%swap3A, %swap3A_40], %slice3A_39 {strides = array<i32>} : memref<256x128xf32, #tpu.memory_space<vmem>>, vector<256x128xf32>,
    %slice3A_42 = vector.extract_strided_slice %max3A_38 {offsets = [0, 128], sizes = [256, 128], strides = [1, 1]} : vector<256x256xf32> to vector<256x128xf32>
    %swap3A_43 = arith.constant 0 : index
    %swap3A_44 = arith.constant 0 : index
    %swap3A_45 = vector.load %arg10[%swap3A_43, %swap3A_44] : memref<256x128xf32, #tpu.memory_space<vmem>>, vector<256x128xf32>
    tpu.vector_store %arg10[%swap3A_43, %swap3A_44], %slice3A_42 {strides = array<i32>} : memref<256x128xf32, #tpu.memory_space<vmem>>, vector<256x128xf32>,
    %swap3A_46 = arith.constant 0 : index
    %swap3A_47 = arith.constant 0 : index
    %swap3A_48 = vector.load %arg11[%swap3A_46, %swap3A_47] : memref<256x1xf32, #tpu.memory_space<vmem>>, vector<256x1xf32>
    tpu.vector_store %arg11[%swap3A_46, %swap3A_47], %div3A_9 {strides = array<i32>} : memref<256x1xf32, #tpu.memory_space<vmem>>, vector<256x1xf32>,
    return
  }
  func.func @transform_0(%arg0: i32) -> (i32, i32) {
    %c0_i32 = arith.constant 0 : i32
    %c0_i32_0 = arith.constant 0 : i32
    return %arg0, %c0_i32 : i32, i32
  }
  func.func @transform_1(%arg0: i32) -> (i32, i32) {
    %c0_i32 = arith.constant 0 : i32
    %c0_i32_0 = arith.constant 0 : i32
    return %arg0, %c0_i32 : i32, i32
  }
  func.func @transform_2(%arg0: i32) -> (i32, i32) {
    %c0_i32 = arith.constant 0 : i32
    %c0_i32_0 = arith.constant 0 : i32
    return %arg0, %c0_i32 : i32, i32
  }
  func.func @transform_3(%arg0: i32) -> (i32, i32) {
    %c0_i32 = arith.constant 0 : i32
    %c0_i32_0 = arith.constant 0 : i32
    return %arg0, %c0_i32 : i32, i32
  }
  func.func @transform_4(%arg0: i32) -> (i32, i32) {
    %c0_i32 = arith.constant 0 : i32
    %c0_i32_0 = arith.constant 0 : i32
    return %arg0, %c0_i32 : i32, i32
  }
  func.func @transform_5(%arg0: i32) -> (i32, i32) {
    %c0_i32 = arith.constant 0 : i32
    %c0_i32_0 = arith.constant 0 : i32
    %c0_i32_1 = arith.constant 0 : i32
    return %c0_i32, %c0_i32_0 : i32, i32
  }
  func.func @transform_6(%arg0: i32) -> (i32, i32) {
    %c0_i32 = arith.constant 0 : i32
    %c0_i32_0 = arith.constant 0 : i32
    %c0_i32_1 = arith.constant 0 : i32
    return %c0_i32, %c0_i32_0 : i32, i32
  }
  func.func @transform_7(%arg0: i32) -> (i32, i32) {
    %c0_i32 = arith.constant 0 : i32
    %c0_i32_0 = arith.constant 0 : i32
    %c0_i32_1 = arith.constant 0 : i32
    return %c0_i32, %c0_i32_0 : i32, i32
  }
  func.func @transform_8(%arg0: i32) -> (i32, i32) {
    %c0_i32 = arith.constant 0 : i32
    %c0_i32_0 = arith.constant 0 : i32
    return %arg0, %c0_i32 : i32, i32
  }
  func.func @transform_9(%arg0: i32) -> (i32, i32) {
    %c0_i32 = arith.constant 0 : i32
    %c0_i32_0 = arith.constant 0 : i32
    return %arg0, %c0_i32 : i32, i32
  }
  func.func @transform_10(%arg0: i32) -> (i32, i32) {
    %c0_i32 = arith.constant 0 : i32
    %c0_i32_0 = arith.constant 0 : i32
    return %arg0, %c0_i32 : i32, i32
  }
}

module attributes {stable_mosaic.version = 14 : i64} {
  func.func @body(%arg0: i32, %arg1: memref<256x128xf32, #tpu.memory_space<vmem>>, %arg2: memref<256x128xf32, #tpu.memory_space<vmem>>, %arg3: memref<256x1xf32, #tpu.memory_space<vmem>>, %arg4: memref<256x128xf32, #tpu.memory_space<vmem>>, %arg5: memref<256x128xf32, #tpu.memory_space<vmem>>, %arg6: memref<256x256xf32, #tpu.memory_space<vmem>>, %arg7: memref<256x256xf32, #tpu.memory_space<vmem>>, %arg8: memref<1x256xf32, #tpu.memory_space<vmem>>, %arg9: memref<256x64xf32, #tpu.memory_space<vmem>>, %arg10: memref<256x64xf32, #tpu.memory_space<vmem>>, %arg11: memref<1x64xf32, #tpu.memory_space<vmem>>, %arg12: memref<256x64xf32, #tpu.memory_space<vmem>>, %arg13: memref<256x64xf32, #tpu.memory_space<vmem>>) attributes {dimension_semantics = [#tpu.dimension_semantics<arbitrary>], iteration_bounds = array<i64: 40>, scalar_prefetch = 0 : i64, scratch_operands = 0 : i64, tpu.core_type = #tpu.core_type<tc>, window_params = [{transform_indices = @transform_0, window_bounds = array<i64: 256, 128>}, {transform_indices = @transform_1, window_bounds = array<i64: 256, 128>}, {transform_indices = @transform_2, window_bounds = array<i64: 256, 1>}, {transform_indices = @transform_3, window_bounds = array<i64: 256, 128>}, {transform_indices = @transform_4, window_bounds = array<i64: 256, 128>}, {pipeline_mode = #tpu.pipeline_mode<synchronous>, transform_indices = @transform_5, window_bounds = array<i64: 256, 256>}, {pipeline_mode = #tpu.pipeline_mode<synchronous>, transform_indices = @transform_6, window_bounds = array<i64: 256, 256>}, {pipeline_mode = #tpu.pipeline_mode<synchronous>, transform_indices = @transform_7, window_bounds = array<i64: 1, 256>}, {pipeline_mode = #tpu.pipeline_mode<synchronous>, transform_indices = @transform_8, window_bounds = array<i64: 256, 64>}, {pipeline_mode = #tpu.pipeline_mode<synchronous>, transform_indices = @transform_9, window_bounds = array<i64: 256, 64>}, {pipeline_mode = #tpu.pipeline_mode<synchronous>, transform_indices = @transform_10, window_bounds = array<i64: 1, 64>}, {transform_indices = @transform_11, window_bounds = array<i64: 256, 64>}, {transform_indices = @transform_12, window_bounds = array<i64: 256, 64>}]} {
    %get3A = arith.constant 0 : index
    %get3A_0 = arith.constant 0 : index
    %get3A_1 = vector.load %arg3[%get3A, %get3A_0] : memref<256x1xf32, #tpu.memory_space<vmem>>, vector<256x1xf32>
    %get3A_2 = arith.constant 0 : index
    %get3A_3 = arith.constant 0 : index
    %get3A_4 = vector.load %arg1[%get3A_2, %get3A_3] : memref<256x128xf32, #tpu.memory_space<vmem>>, vector<256x128xf32>
    %mul3A = vector.broadcast %get3A_1 : vector<256x1xf32> to vector<256x128xf32>
    %mul3A_5 = arith.mulf %get3A_4, %mul3A : vector<256x128xf32>
    %get3A_6 = arith.constant 0 : index
    %get3A_7 = arith.constant 0 : index
    %get3A_8 = vector.load %arg2[%get3A_6, %get3A_7] : memref<256x128xf32, #tpu.memory_space<vmem>>, vector<256x128xf32>
    %mul3A_9 = vector.broadcast %get3A_1 : vector<256x1xf32> to vector<256x128xf32>
    %mul3A_10 = arith.mulf %get3A_8, %mul3A_9 : vector<256x128xf32>
    %concatenate3A = tpu.concatenate %mul3A_5, %mul3A_10 in 1 : vector<256x128xf32>, vector<256x128xf32> -> vector<256x256xf32>
    %get3A_11 = arith.constant 0 : index
    %get3A_12 = arith.constant 0 : index
    %get3A_13 = vector.load %arg4[%get3A_11, %get3A_12] : memref<256x128xf32, #tpu.memory_space<vmem>>, vector<256x128xf32>
    %get3A_14 = arith.constant 0 : index
    %get3A_15 = arith.constant 0 : index
    %get3A_16 = vector.load %arg5[%get3A_14, %get3A_15] : memref<256x128xf32, #tpu.memory_space<vmem>>, vector<256x128xf32>
    %concatenate3A_17 = tpu.concatenate %get3A_13, %get3A_16 in 1 : vector<256x128xf32>, vector<256x128xf32> -> vector<256x256xf32>
    %get3A_18 = arith.constant 0 : index
    %get3A_19 = arith.constant 0 : index
    %get3A_20 = vector.load %arg6[%get3A_18, %get3A_19] : memref<256x256xf32, #tpu.memory_space<vmem>>, vector<256x256xf32>
    %dot_general3A = arith.constant dense<0.000000e+00> : vector<256x256xf32>
    %dot_general3A_21 = tpu.matmul %concatenate3A, %get3A_20, %dot_general3A {dimension_numbers = #tpu.dot_dimension_numbers<[1], [0], [0], [1], [0, 0, 1, 1], [], []>, transpose_lhs_hint = false} : vector<256x256xf32>, vector<256x256xf32>, vector<256x256xf32> -> vector<256x256xf32>
    %get3A_22 = arith.constant 0 : index
    %get3A_23 = arith.constant 0 : index
    %get3A_24 = vector.load %arg7[%get3A_22, %get3A_23] : memref<256x256xf32, #tpu.memory_space<vmem>>, vector<256x256xf32>
    %dot_general3A_25 = arith.constant dense<0.000000e+00> : vector<256x256xf32>
    %dot_general3A_26 = tpu.matmul %concatenate3A_17, %get3A_24, %dot_general3A_25 {dimension_numbers = #tpu.dot_dimension_numbers<[1], [0], [0], [1], [0, 0, 1, 1], [], []>, transpose_lhs_hint = false} : vector<256x256xf32>, vector<256x256xf32>, vector<256x256xf32> -> vector<256x256xf32>
    %add3A = arith.addf %dot_general3A_21, %dot_general3A_26 : vector<256x256xf32>
    %get3A_27 = arith.constant 0 : index
    %get3A_28 = arith.constant 0 : index
    %get3A_29 = vector.load %arg8[%get3A_27, %get3A_28] : memref<1x256xf32, #tpu.memory_space<vmem>>, vector<1x256xf32>
    %add3A_30 = vector.broadcast %get3A_29 : vector<1x256xf32> to vector<256x256xf32>
    %add3A_31 = arith.addf %add3A, %add3A_30 : vector<256x256xf32>
    %max3A = arith.constant 0.000000e+00 : f32
    %max3A_32 = vector.broadcast %max3A : f32 to vector<256x256xf32>
    %max3A_33 = arith.maximumf %add3A_31, %max3A_32 : vector<256x256xf32>
    %get3A_34 = arith.constant 0 : index
    %get3A_35 = arith.constant 0 : index
    %get3A_36 = vector.load %arg9[%get3A_34, %get3A_35] : memref<256x64xf32, #tpu.memory_space<vmem>>, vector<256x64xf32>
    %dot_general3A_37 = arith.constant dense<0.000000e+00> : vector<256x64xf32>
    %dot_general3A_38 = tpu.matmul %max3A_33, %get3A_36, %dot_general3A_37 {dimension_numbers = #tpu.dot_dimension_numbers<[1], [0], [0], [1], [0, 0, 1, 1], [], []>, transpose_lhs_hint = false} : vector<256x256xf32>, vector<256x64xf32>, vector<256x64xf32> -> vector<256x64xf32>
    %swap3A = arith.constant 0 : index
    %swap3A_39 = arith.constant 0 : index
    %swap3A_40 = vector.load %arg12[%swap3A, %swap3A_39] : memref<256x64xf32, #tpu.memory_space<vmem>>, vector<256x64xf32>
    tpu.vector_store %arg12[%swap3A, %swap3A_39], %dot_general3A_38 {strides = array<i32>} : memref<256x64xf32, #tpu.memory_space<vmem>>, vector<256x64xf32>,
    %get3A_41 = arith.constant 0 : index
    %get3A_42 = arith.constant 0 : index
    %get3A_43 = vector.load %arg10[%get3A_41, %get3A_42] : memref<256x64xf32, #tpu.memory_space<vmem>>, vector<256x64xf32>
    %dot_general3A_44 = arith.constant dense<0.000000e+00> : vector<256x64xf32>
    %dot_general3A_45 = tpu.matmul %max3A_33, %get3A_43, %dot_general3A_44 {dimension_numbers = #tpu.dot_dimension_numbers<[1], [0], [0], [1], [0, 0, 1, 1], [], []>, transpose_lhs_hint = false} : vector<256x256xf32>, vector<256x64xf32>, vector<256x64xf32> -> vector<256x64xf32>
    %get3A_46 = arith.constant 0 : index
    %get3A_47 = arith.constant 0 : index
    %get3A_48 = vector.load %arg11[%get3A_46, %get3A_47] : memref<1x64xf32, #tpu.memory_space<vmem>>, vector<1x64xf32>
    %add3A_49 = vector.broadcast %get3A_48 : vector<1x64xf32> to vector<256x64xf32>
    %add3A_50 = arith.addf %dot_general3A_45, %add3A_49 : vector<256x64xf32>
    %swap3A_51 = arith.constant 0 : index
    %swap3A_52 = arith.constant 0 : index
    %swap3A_53 = vector.load %arg13[%swap3A_51, %swap3A_52] : memref<256x64xf32, #tpu.memory_space<vmem>>, vector<256x64xf32>
    tpu.vector_store %arg13[%swap3A_51, %swap3A_52], %add3A_50 {strides = array<i32>} : memref<256x64xf32, #tpu.memory_space<vmem>>, vector<256x64xf32>,
    return
  }
  func.func @transform_0(%arg0: i32) -> (i32, i32) {
    %c0_i32 = arith.constant 0 : i32
    %c0_i32_0 = arith.constant 0 : i32
    return %arg0, %c0_i32 : i32, i32
  }
  func.func @transform_1(%arg0: i32) -> (i32, i32) {
    %c0_i32 = arith.constant 0 : i32
    %c0_i32_0 = arith.constant 0 : i32
    return %arg0, %c0_i32 : i32, i32
  }
  func.func @transform_2(%arg0: i32) -> (i32, i32) {
    %c0_i32 = arith.constant 0 : i32
    %c0_i32_0 = arith.constant 0 : i32
    return %arg0, %c0_i32 : i32, i32
  }
  func.func @transform_3(%arg0: i32) -> (i32, i32) {
    %c0_i32 = arith.constant 0 : i32
    %c0_i32_0 = arith.constant 0 : i32
    return %arg0, %c0_i32 : i32, i32
  }
  func.func @transform_4(%arg0: i32) -> (i32, i32) {
    %c0_i32 = arith.constant 0 : i32
    %c0_i32_0 = arith.constant 0 : i32
    return %arg0, %c0_i32 : i32, i32
  }
  func.func @transform_5(%arg0: i32) -> (i32, i32) {
    %c0_i32 = arith.constant 0 : i32
    %c0_i32_0 = arith.constant 0 : i32
    %c0_i32_1 = arith.constant 0 : i32
    return %c0_i32, %c0_i32_0 : i32, i32
  }
  func.func @transform_6(%arg0: i32) -> (i32, i32) {
    %c0_i32 = arith.constant 0 : i32
    %c0_i32_0 = arith.constant 0 : i32
    %c0_i32_1 = arith.constant 0 : i32
    return %c0_i32, %c0_i32_0 : i32, i32
  }
  func.func @transform_7(%arg0: i32) -> (i32, i32) {
    %c0_i32 = arith.constant 0 : i32
    %c0_i32_0 = arith.constant 0 : i32
    %c0_i32_1 = arith.constant 0 : i32
    return %c0_i32, %c0_i32_0 : i32, i32
  }
  func.func @transform_8(%arg0: i32) -> (i32, i32) {
    %c0_i32 = arith.constant 0 : i32
    %c0_i32_0 = arith.constant 0 : i32
    %c0_i32_1 = arith.constant 0 : i32
    return %c0_i32, %c0_i32_0 : i32, i32
  }
  func.func @transform_9(%arg0: i32) -> (i32, i32) {
    %c0_i32 = arith.constant 0 : i32
    %c0_i32_0 = arith.constant 0 : i32
    %c0_i32_1 = arith.constant 0 : i32
    return %c0_i32, %c0_i32_0 : i32, i32
  }
  func.func @transform_10(%arg0: i32) -> (i32, i32) {
    %c0_i32 = arith.constant 0 : i32
    %c0_i32_0 = arith.constant 0 : i32
    %c0_i32_1 = arith.constant 0 : i32
    return %c0_i32, %c0_i32_0 : i32, i32
  }
  func.func @transform_11(%arg0: i32) -> (i32, i32) {
    %c0_i32 = arith.constant 0 : i32
    %c0_i32_0 = arith.constant 0 : i32
    return %arg0, %c0_i32 : i32, i32
  }
  func.func @transform_12(%arg0: i32) -> (i32, i32) {
    %c0_i32 = arith.constant 0 : i32
    %c0_i32_0 = arith.constant 0 : i32
    return %arg0, %c0_i32 : i32, i32
  }
}

module attributes {stable_mosaic.version = 14 : i64} {
  func.func @body(%arg0: i32, %arg1: memref<256x64xf32, #tpu.memory_space<vmem>>, %arg2: memref<256x64xf32, #tpu.memory_space<vmem>>, %arg3: memref<256x1xf32, #tpu.memory_space<vmem>>, %arg4: memref<256x64xf32, #tpu.memory_space<vmem>>, %arg5: memref<256x64xf32, #tpu.memory_space<vmem>>) attributes {dimension_semantics = [#tpu.dimension_semantics<arbitrary>], iteration_bounds = array<i64: 40>, scalar_prefetch = 0 : i64, scratch_operands = 0 : i64, tpu.core_type = #tpu.core_type<tc>, window_params = [{transform_indices = @transform_0, window_bounds = array<i64: 256, 64>}, {transform_indices = @transform_1, window_bounds = array<i64: 256, 64>}, {transform_indices = @transform_2, window_bounds = array<i64: 256, 1>}, {transform_indices = @transform_3, window_bounds = array<i64: 256, 64>}, {transform_indices = @transform_4, window_bounds = array<i64: 256, 64>}]} {
    %get3A = arith.constant 0 : index
    %get3A_0 = arith.constant 0 : index
    %get3A_1 = vector.load %arg1[%get3A, %get3A_0] : memref<256x64xf32, #tpu.memory_space<vmem>>, vector<256x64xf32>
    %get3A_2 = arith.constant 0 : index
    %get3A_3 = arith.constant 0 : index
    %get3A_4 = vector.load %arg2[%get3A_2, %get3A_3] : memref<256x64xf32, #tpu.memory_space<vmem>>, vector<256x64xf32>
    %add3A = arith.addf %get3A_1, %get3A_4 : vector<256x64xf32>
    %get3A_5 = arith.constant 0 : index
    %get3A_6 = arith.constant 0 : index
    %get3A_7 = vector.load %arg3[%get3A_5, %get3A_6] : memref<256x1xf32, #tpu.memory_space<vmem>>, vector<256x1xf32>
    %mul3A = vector.broadcast %get3A_7 : vector<256x1xf32> to vector<256x64xf32>
    %mul3A_8 = arith.mulf %add3A, %mul3A : vector<256x64xf32>
    %get3A_9 = arith.constant 0 : index
    %get3A_10 = arith.constant 0 : index
    %get3A_11 = vector.load %arg4[%get3A_9, %get3A_10] : memref<256x64xf32, #tpu.memory_space<vmem>>, vector<256x64xf32>
    %add3A_12 = arith.addf %mul3A_8, %get3A_11 : vector<256x64xf32>
    %iota3A = tpu.iota {dimensions = array<i32: 1>} : vector<256x64xi32>
    %lt3A = arith.constant 40 : i32
    %lt3A_13 = vector.broadcast %lt3A : i32 to vector<256x64xi32>
    %lt3A_14 = arith.cmpi slt, %iota3A, %lt3A_13 : vector<256x64xi32>
    %jit3A = arith.constant 0xFF800000 : f32
    %broadcast_in_dim3A = vector.broadcast %jit3A : f32 to vector<256x64xf32>
    %select_n3A = arith.select %lt3A_14, %add3A_12, %broadcast_in_dim3A : vector<256x64xi1>, vector<256x64xf32>
    %reduce_max3A = arith.constant dense<0xFF800000> : vector<256xf32>
    %reduce_max3A_15 = vector.multi_reduction <maximumf>, %select_n3A, %reduce_max3A [1] : vector<256x64xf32> to vector<256xf32>
    %broadcast_in_dim3A_16 = vector.shape_cast %reduce_max3A_15 : vector<256xf32> to vector<256x1xf32>
    %sub3A = vector.broadcast %broadcast_in_dim3A_16 : vector<256x1xf32> to vector<256x64xf32>
    %sub3A_17 = arith.subf %select_n3A, %sub3A : vector<256x64xf32>
    %exp3A = math.exp %sub3A_17 : vector<256x64xf32>
    %jit3A_18 = arith.constant 0.000000e+00 : f32
    %broadcast_in_dim3A_19 = vector.broadcast %jit3A_18 : f32 to vector<256x64xf32>
    %select_n3A_20 = arith.select %lt3A_14, %exp3A, %broadcast_in_dim3A_19 : vector<256x64xi1>, vector<256x64xf32>
    %reduce_sum3A = arith.constant dense<0.000000e+00> : vector<256xf32>
    %reduce_sum3A_21 = vector.multi_reduction <add>, %select_n3A_20, %reduce_sum3A [1] : vector<256x64xf32> to vector<256xf32>
    %broadcast_in_dim3A_22 = vector.shape_cast %reduce_sum3A_21 : vector<256xf32> to vector<256x1xf32>
    %sub3A_23 = vector.broadcast %broadcast_in_dim3A_16 : vector<256x1xf32> to vector<256x64xf32>
    %sub3A_24 = arith.subf %select_n3A, %sub3A_23 : vector<256x64xf32>
    %log3A = math.log %broadcast_in_dim3A_22 : vector<256x1xf32>
    %sub3A_25 = vector.broadcast %log3A : vector<256x1xf32> to vector<256x64xf32>
    %sub3A_26 = arith.subf %sub3A_24, %sub3A_25 : vector<256x64xf32>
    %swap3A = arith.constant 0 : index
    %swap3A_27 = arith.constant 0 : index
    %swap3A_28 = vector.load %arg5[%swap3A, %swap3A_27] : memref<256x64xf32, #tpu.memory_space<vmem>>, vector<256x64xf32>
    tpu.vector_store %arg5[%swap3A, %swap3A_27], %sub3A_26 {strides = array<i32>} : memref<256x64xf32, #tpu.memory_space<vmem>>, vector<256x64xf32>,
    return
  }
  func.func @transform_0(%arg0: i32) -> (i32, i32) {
    %c0_i32 = arith.constant 0 : i32
    %c0_i32_0 = arith.constant 0 : i32
    return %arg0, %c0_i32 : i32, i32
  }
  func.func @transform_1(%arg0: i32) -> (i32, i32) {
    %c0_i32 = arith.constant 0 : i32
    %c0_i32_0 = arith.constant 0 : i32
    return %arg0, %c0_i32 : i32, i32
  }
  func.func @transform_2(%arg0: i32) -> (i32, i32) {
    %c0_i32 = arith.constant 0 : i32
    %c0_i32_0 = arith.constant 0 : i32
    return %arg0, %c0_i32 : i32, i32
  }
  func.func @transform_3(%arg0: i32) -> (i32, i32) {
    %c0_i32 = arith.constant 0 : i32
    %c0_i32_0 = arith.constant 0 : i32
    return %arg0, %c0_i32 : i32, i32
  }
  func.func @transform_4(%arg0: i32) -> (i32, i32) {
    %c0_i32 = arith.constant 0 : i32
    %c0_i32_0 = arith.constant 0 : i32
    return %arg0, %c0_i32 : i32, i32
  }
}

</mosaic_0001>

<sc_bundles>
// kernel: kernel.11.cloned.1.call-start
scs
__scs_entry_jumppad:
0x0: {  	(pc) =	sbr.rel $0x88, $3  }
0x1: {  	(tag) =	ssettag $0x0;
	lr =	simm.s32 $0x1  }
0x2: {  	[smem:$0x3F96] =	sst lr;
	_ =	strace $0xD0000000  }
0x3: {  	_ = 	snop  }
0x4: {  	_ = 	snop  }
0x5: {  	_ = 	snop  }
0x6: {  	_ = 	snop  }
0x7: {  	_ = 	snop  }
__scs_overlays_trampoline_lowered:
0x8: {  	[smem:$0x3FA5] =	sst s0  }
0x9: {  	[smem:$0x3FA6] =	sst s1  }
0xa: {  	[smem:$0x3FA7] =	sst s2  }
0xb: {  	[smem:$0x3FA8] =	sst s3  }
0xc: {  	[smem:$0x3FA9] =	sst s4  }
0xd: {  	[smem:$0x3FAA] =	sst s5  }
0xe: {  	[smem:$0x3FAB] =	sst s6  }
0xf: {  	[smem:$0x3FAC] =	sst s7  }
0x10: {  	[smem:$0x3FAD] =	sst s8  }
0x11: {  	[smem:$0x3FAE] =	sst s9;
	s0 =	simm.s32 @!p0 $0x0  }
0x12: {  	s1 =	sld [smem:$0x3F94];
	s0 =	simm.s32 @p0 $0x1  }
0x13: {  	[smem:$0x3FAF] =	sst s0;
	s0 =	simm.s32 @!p1 $0x0  }
0x14: {  	s2 =	sld [smem:$0x3F93];
	s0 =	simm.s32 @p1 $0x1  }
0x15: {  	[smem:$0x3FB0] =	sst s0;
	s0 =	simm.s32 @!p2 $0x0  }
0x16: {  	s3 =	sld [smem:$0x3FDB];
	s0 =	simm.s32 @p2 $0x1  }
0x17: {  	s4 =	simm.s32 $0x1BF5;
	[smem:$0x3FB2] =	sst s0  }
0x18: {  	s0 =	sld [smem:$0x3F95];
	_ =	swait.ge [sflag:s4], $0x0  }
0x19: {  	s7 =	sld [smem:$0x3F96]  }
0x1a: {  	s8 =	sadd.s32 $0xFFFFE003, lr  }
0x1b: {  	s9 =	sadd.s32 $0xFFFFFEF7, lr;
	s5 =	simm.s32 $0xFFFFFFFF;
	p2 =	slt.u32 s8, $0xFFFFF086  }
0x1c: {  	p1 =	slt.u32 s9, $0xF7A;
	s5 =	simm.s32 @!p2 $0x0  }
0x1d: {  	s5 =	simm.s32 @p1 $0x1;
	p0 =	seq.s32 s7, s2  }
0x1e: {  	s7 =	smul.u32 @!p0 $0xF7A, s2;
	p2 =	seq.s32 @!p0 s5, $0x0  }
0x1f: {  	s9 =	smul.u32 $0xF7A, s1;
	s8 =	simm.s32 @!p0 $0x1BF5;
	p2 =	por !p2, p0  }
0x20: {  	[sflag:s8] =	ssyncset.s32 @!p0 $0xFFFFF086;
	s6 =	sadd.s32 @!p0 s3, s7;
	s7 =	simm.s32 @!p0 $0x108  }
0x21: {  	s3 =	sadd.s32 s3, s9;
	s6 =	sadd.s32 @!p0 $0x88, s6;
	s7 =	simm.s32 @p2 $0x1082  }
0x22: {  	[simem:s7], [sflag:s8] =	dma.local @!p0 [hbm:s6], $0xF7A  }
0x23: {  	s9 =	sor.u32 $0xD0000000, s2;
	s6 =	simm.s32 $0x108;
	_ =	swait.ge @!p0 [sflag:s8], $0x0  }
0x24: {  	s3 =	sadd.s32 $0x88, s3;
	s6 =	simm.s32 @!p1 $0x1082;
	[sflag:s4] =	ssyncset.s32 $0xFFFFF086  }
0x25: {  	[simem:s6], [sflag:s4] =	dma.local [hbm:s3], $0xF7A  }
0x26: {  	[smem:$0x3F96] =	sst s1;
	(tag) =	ssettag s2;
	_ =	strace s9  }
0x27: {  	s1 =	sld [smem:$0x3FA6]  }
0x28: {  	s2 =	sld [smem:$0x3FA7]  }
0x29: {  	s4 =	sld [smem:$0x3FA9]  }
0x2a: {  	p0 =	seq.s32 s5, $0x0;
	s5 =	sld [smem:$0x3FAA]  }
0x2b: {  	s6 =	sld [smem:$0x3FAB]  }
0x2c: {  	s7 =	sld [smem:$0x3FAC]  }
0x2d: {  	s3 =	simm.s32 $0x108;
	s8 =	sld [smem:$0x3FAD]  }
0x2e: {  	s3 =	simm.s32 @!p0 $0x1082;
	s9 =	sld [smem:$0x3FAE]  }
0x2f: {  	lr =	sadd.s32 s0, s3;
	s0 =	sld [smem:$0x3FA5]  }
0x30: {  	s3 =	sld [smem:$0x3FA8]  }
0x31: {  	[smem:$0x3FB1] =	sst s10  }
0x32: {  	s10 =	sld [smem:$0x3FAF];
	_ =	sdelay $0x3  }
0x33: {  	p0 =	seq.s32 s10, $0x1;
	s10 =	sld [smem:$0x3FB1];
	_ =	sdelay $0x3  }
0x34: {  	[smem:$0x3FB1] =	sst s10  }
0x35: {  	s10 =	sld [smem:$0x3FB0];
	_ =	sdelay $0x3  }
0x36: {  	p1 =	seq.s32 s10, $0x1;
	s10 =	sld [smem:$0x3FB1];
	_ =	sdelay $0x3  }
0x37: {  	[smem:$0x3FB1] =	sst s10  }
0x38: {  	s10 =	sld [smem:$0x3FB2]  }
0x39: {  	_ = 	snop;
	(pc) =	sbr.ind lr, $3  }
0x3a: {  	_ = 	snop  }
0x3b: {  	_ = 	snop  }
0x3c: {  	p2 =	seq.s32 s10, $0x1;
	s10 =	sld [smem:$0x3FB1]  }
0x3d: {  	_ =	shalt  }
0x3e: {  	_ =	shalt  }
0x3f: {  	_ =	shalt  }
0x40: {  	_ =	shalt  }
0x41: {  	_ =	shalt  }
0x42: {  	_ =	shalt  }
0x43: {  	_ =	shalt  }
0x44: {  	_ =	shalt  }
0x45: {  	_ =	shalt  }
0x46: {  	_ =	shalt  }
0x47: {  	_ =	shalt  }
0x48: {  	_ =	shalt  }
0x49: {  	_ =	shalt  }
0x4a: {  	_ =	shalt  }
0x4b: {  	_ =	shalt  }
0x4c: {  	_ =	shalt  }
0x4d: {  	_ =	shalt  }
0x4e: {  	_ =	shalt  }
0x4f: {  	_ =	shalt  }
0x50: {  	_ =	shalt  }
0x51: {  	_ =	shalt  }
0x52: {  	_ =	shalt  }
0x53: {  	_ =	shalt  }
0x54: {  	_ =	shalt  }
0x55: {  	_ =	shalt  }
0x56: {  	_ =	shalt  }
0x57: {  	_ =	shalt  }
0x58: {  	_ =	shalt  }
0x59: {  	_ =	shalt  }
0x5a: {  	_ =	shalt  }
0x5b: {  	_ =	shalt  }
0x5c: {  	_ =	shalt  }
0x5d: {  	_ =	shalt  }
0x5e: {  	_ =	shalt  }
0x5f: {  	_ =	shalt  }
0x60: {  	_ =	shalt  }
0x61: {  	_ =	shalt  }
0x62: {  	_ =	shalt  }
0x63: {  	_ =	shalt  }
0x64: {  	_ =	shalt  }
0x65: {  	_ =	shalt  }
0x66: {  	_ =	shalt  }
0x67: {  	_ =	shalt  }
0x68: {  	_ =	shalt  }
0x69: {  	_ =	shalt  }
0x6a: {  	_ =	shalt  }
0x6b: {  	_ =	shalt  }
0x6c: {  	_ =	shalt  }
0x6d: {  	_ =	shalt  }
0x6e: {  	_ =	shalt  }
0x6f: {  	_ =	shalt  }
0x70: {  	_ =	shalt  }
0x71: {  	_ =	shalt  }
0x72: {  	_ =	shalt  }
0x73: {  	_ =	shalt  }
0x74: {  	_ =	shalt  }
0x75: {  	_ =	shalt  }
0x76: {  	_ =	shalt  }
0x77: {  	_ =	shalt  }
0x78: {  	_ =	shalt  }
0x79: {  	_ =	shalt  }
0x7a: {  	_ =	shalt  }
0x7b: {  	_ =	shalt  }
0x7c: {  	_ =	shalt  }
0x7d: {  	_ =	shalt  }
0x7e: {  	_ =	shalt  }
0x7f: {  	_ =	shalt  }
0x80: {  	_ =	shalt  }
0x81: {  	_ =	shalt  }
0x82: {  	_ =	shalt  }
0x83: {  	_ =	shalt  }
0x84: {  	_ =	shalt  }
0x85: {  	_ =	shalt  }
0x86: {  	_ =	shalt  }
0x87: {  	_ =	shalt  }
.Lfunc_end0:
.L_simem_size_0:
called_computation.1_lowered:
.L_overlay_start_0:
0x88: {  	s2 =	sld [smem:$0x3FD9]  }
0x89: {  	s3 =	sld [smem:$0x3FFE];
	_ =	sdelay $0x1  }
0x8a: {  	s1 =	srdreg.scid  }
0x8b: {  	s0 =	sand.u32 $0x1, s1  }
0x8c: {  	s17 =	sshll.u32 s0, $0xA;
	s2 =	sadd.s32 s3, s2  }
0x8d: {  	s2 =	sadd.s32 s2, s17  }
0x8e: {  	[smem:$0x3FBD] =	sst s2  }
0x8f: {  	_ = 	snop  }
0x90: {  	s2 =	sld [smem:$0x3FD0];
	(tm) =	ssettm $0x1  }
0x91: {  	s18 =	sld [smem:$0x3FFB];
	_ =	sdelay $0x3  }
0x92: {  	_ =	strace s18  }
0x93: {  	s3 =	sld [smem:$0x3FFC];
	_ =	sdelay $0x3  }
0x94: {  	_ =	strace s3  }
0x95: {  	s3 =	sld [smem:$0x3FFD];
	_ =	sdelay $0x3  }
0x96: {  	_ =	strace s3  }
0x97: {  	_ =	strace $0x8FFFFFFF  }
0x98: {  	s19 =	sld [smem:$0x3FDB];
	_ =	sdelay $0x1  }
0x99: {  	s4 =	simm.s32 $_scs_section_size  }
0x9a: {  	s5 =	simm.s32 $_size__tile_overlayer_lowered;
	s6 =	simm.s32 $_tile_overlayer_lowered  }
0x9b: {  	s22 =	simm.s32 $0x1BFF;
	s21 =	sshll.u32 s6, $0x1;
	s3 =	sadd.s32 s4, s19  }
0x9c: {  	s7 =	simm.s32 $0x0;
	s20 =	sshll.u32 s5, $0x1;
	s5 =	sadd.s32 s21, s3  }
0x9d: {  	[timem:s7], [sflag:s22] =	dma.local [hbm:s5], s20  }
0x9e: {  	_ =	swait.ge [sflag:s22], s20  }
0x9f: {  	s4 =	ssub.s32 $0x0, s20;
	[sflag:s22] =	ssyncset.done $0x0  }
0xa0: {  	[sflag:s22] =	ssyncadd.s32 s4;
	_ =	sdelay $0x1  }
0xa1: {  	s23 =	simm.s32 $0x1B8B  }
0xa2: {  	_ =	swait.ge [sflag:s23], $0x1  }
0xa3: {  	[sflag:s23] =	ssyncset.done $0x0  }
0xa4: {  	s25 =	simm.s32 $0x1B8E;
	s24 =	sld [smem:$0x3FFE];
	[sflag:s23] =	ssyncadd.s32 $0xFFFFFFFF  }
0xa5: {  	s26 =	simm.s32 $execute0_lowered;
	[smem:$0x3FD2] =	sst s25  }
0xa6: {  	s5 =	sshll.u32 s26, $0x1;
	_ =	strace $0x80000049;
	[dreg:$0x1] =	wrdreg $0xFFFFFFFF  }
0xa7: {  	s28 =	simm.s32 $_size_execute0_lowered;
	s3 =	sadd.s32 s3, s5;
	[dreg:$0x0] =	wrdreg $0x0  }
0xa8: {  	s5 =	sshll.u32 s28, $0x1;
	[dreg:$0x2] =	wrdreg s3  }
0xa9: {  	[dreg:$0x3] =	wrdreg s5  }
0xaa: {  	[dreg:$0x4] =	wrdreg $0xC0  }
0xab: {  	_ =	task [dreg:s7], $0x5FFFF  }
0xac: {  	[dreg:$0x1] =	wrdreg $0xFFFFFFFF  }
0xad: {  	[dreg:$0x0] =	wrdreg $0x60  }
0xae: {  	[dreg:$0x2] =	wrdreg s24  }
0xaf: {  	[dreg:$0x3] =	wrdreg s2  }
0xb0: {  	[dreg:$0x4] =	wrdreg $0x8A000  }
0xb1: {  	[dreg:$0x5] =	wrdreg $0x9  }
0xb2: {  	_ =	task.clear_ibuf [dreg:s7], $0x6FFFF;
	_ =	strace $0x90000049  }
0xb3: {  	s29 =	simm.s32 $0x9;
	_ =	strace $0x8000004B  }
0xb4: {  	_ =	swait.ge [sflag:s29], $0x1  }
0xb5: {  	[sflag:s29] =	ssyncadd.s32 $0xFFFFFFFF  }
0xb6: {  	_ =	strace $0x9000004B  }
0xb7: {  	_ =	sfence  }
0xb8: {  	s30 =	sld [smem:$0x0];
	_ =	sdelay $0x2  }
0xb9: {  	s31 =	sshll.u32 s1, $0xD;
	s1 =	sshrl.u32 s1, $0x2  }
0xba: {  	s3 =	sand.u32 $0x4000, s31;
	s1 =	sadd.s32 s1, s30  }
0xbb: {  	s0 =	sor.u32 s3, s0;
	s1 =	sshll.u32 s1, $0x11  }
0xbc: {  	s0 =	sor.u32 s1, s0  }
0xbd: {  	s0 =	sadd.s32 $0x8F2B, s0  }
0xbe: {  	[sflag:s0] =	ssyncadd.remote.s32 $0x1  }
0xbf: {  	_ =	sfence.sel $0xFFFF  }
0xc0: {  	[dreg:$0x0] =	wrdreg $0xFFFFFFFF;
	(pc) =	sbr.abs _section_cstart, $3  }
0xc1: {  	[dreg:$0x1] =	wrdreg $0xFFFFFFFF  }
0xc2: {  	_ =	task.clear_ibuf [dreg:s7], $0x2FFFF;
	_ =	strace $0x9FFFFFFF  }
0xc3: {  	(tm) =	ssettm $0x7FFFFFFF  }
tec
execute0_lowered:
.L_overlay_start_1:
0x0: {  	(tag) =	ssettag $0x1  }
0x1: {  	s0 =	rddreg [dreg:$0x0]  }
0x2: {  	s1 =	rddreg [dreg:$0x1]  }
0x3: {  	s2 =	rddreg [dreg:$0x2];
	s3 =	simm.s32 $0x0  }
0x4: {  	s11 =	stileid.u32;
	s7 =	srdreg.scid;
	s17 =	simm.s32 $0xA00  }
0x5: {  	s18 =	simm.s32 $0x2;
	s19 =	simm.s32 $0x500;
	s28 =	simm.s32 $0x200  }
0x6: {  	s29 =	simm.s32 $0x680;
	s30 =	simm.s32 $0x280;
	s12 =	simm.s32 $0x480  }
0x7: {  	s13 =	simm.s32 $0x900;
	s31 =	simm.s32 $0x0;
	[smem:$0x7FF] =	sst s3  }
0x8: {  	s6 =	smul.u32 $0xA00, s11;
	s4 =	sadd.s32 $0x4400, s0;
	s5 =	sadd.s32 $0x36400, s0  }
0x9: {  	s7 =	sand.u32 $0x1, s7;
	s9 =	smul.u32 $0x50000, s11;
	s10 =	sadd.s32 $0x86400, s0  }
0xa: {  	s11 =	smul.u32 $0x14000, s11;
	_ =	strace $0x8000004A;
	[dreg:$0x4] =	wrdreg s10  }
0xb: {  	s20 =	ssub.s32 $0x2, s7;
	p0 =	sne.s32 s7, $0x0;
	s7 =	simm.s32 $0x780  }
0xc: {  	s10 =	simm.s32 $0x400;
	s8 =	sadd.s32 s6, s0;
	s0 =	sadd.s32 $0xAE400, s0  }
0xd: {  	s21 =	sshrl.u32 s20, $0x1;
	s9 =	sshrl.u32 s9, $0x2;
	s24 =	sadd.s32 s11, s2  }
0xe: {  	s26 =	sshrl.u32 s11, $0x3;
	s16 =	sadd.s32 s6, s1;
	s6 =	simm.s32 $0x300  }
0xf: {  	s1 =	simm.s32 $0x380;
	s11 =	simm.s32 $0x880;
	[dreg:$0x5] =	wrdreg s0  }
0x10: {  	s0 =	ssub.s32 s20, s21;
	s9 =	sadd.s32 s9, s2;
	[dreg:$0xb] =	wrdreg s26  }
0x11: {  	s15 =	sadd.s32 $0x2C400, s8;
	[dreg:$0x6] =	wrdreg s24;
	s22 =	sadd.s32 $0x4000, s9  }
0x12: {  	s20 =	simm.s32 $0x80;
	s23 =	sadd.s32 $0x8000, s9;
	[dreg:$0x7] =	wrdreg s22  }
.Ltmp0:
0x13: {  	s25 =	sadd.s32 $0xC000, s9;
	[dreg:$0x8] =	wrdreg s23;
	(pc) =	sbr.rel .LBB2_1-.Ltmp0, $4  }
0x14: {  	s21 =	simm.s32 $0x1;
	s9 =	sadd.s32 $0x10000, s9;
	[dreg:$0x9] =	wrdreg s25  }
0x15: {  	s26 =	simm.s32 $0x600;
	s0 =	smax.u32 s0, $0x1;
	[dreg:$0xa] =	wrdreg s9  }
0x16: {  	[dreg:$0xc] =	wrdreg s0;
	s22 =	simm.s32 $0x4A00;
	s25 =	simm.s32 $0x100  }
0x17: {  	v0 =	vimm.f32 $0.0e+00;
	s23 =	simm.s32 $0x180;
	s0 =	simm.s32 $0x700;
	s9 =	simm.s32 $0x800  }
.LBB2_9:
0x18: {  	s14 =	sadd.s32 s8, s16;
	[sflag:s18] =	ssyncadd.s32 $0xFFFFC000  }
0x19: {  	[tilespmem:s3], [sflag:$0x2] =	stream.linear.gather [hbm4b:s14+s3], $0x500, $0x38;
	[tilespmem:$0x1CA00] =	vst v63  }
0x1a: {  	_ =	swait.ge [sflag:s18], $0x500  }
0x1b: {  	[sflag:s18] =	ssyncset.done $0x0  }
0x1c: {  	s23 =	sadd.s32 s8, s15;
	[sflag:s18] =	ssyncadd.s32 $0xFFFFFB00  }
0x1d: {  	[tilespmem:s19], [sflag:$0x2] =	stream.linear.gather [hbm4b:s23+s3], $0x500, $0x38;
	[tilespmem:$0x1CA00] =	vst v63  }
0x1e: {  	_ =	swait.ge [sflag:s18], $0x500  }
0x1f: {  	[sflag:s18] =	ssyncset.done $0x0  }
0x20: {  	[sflag:s18] =	ssyncadd.s32 $0xFFFFFB00  }
0x21: {  	[tilespmem:s17], [sflag:$0x1] =	stream.indirect.gather [hbm4b:s5+s20], $0x80, s3, s20, $0xb8;
	[tilespmem:$0x1CA00] =	vst v63  }
0x22: {  	_ =	swait.ge [sflag:s21], $0x4000  }
0x23: {  	[sflag:s21] =	ssyncset.done $0x0  }
0x24: {  	[sflag:s21] =	ssyncadd.s32 $0xFFFFC000  }
0x25: {  	[tilespmem:s22], [sflag:$0x1] =	stream.indirect.gather [hbm4b:s5+s20], $0x80, s20, s20, $0xb8;
	[tilespmem:$0x1CA00] =	vst v63  }
0x26: {  	_ = 	snop  }
0x27: {  	[spmem:s2] =	stream.indirect.scatter.add.f32 [tilespmem:s17], [sflag:$0x2], $0x80, s19, s20, $0xb8;
	[tilespmem:$0x1CA00] =	vst v63  }
0x28: {  	_ =	swait.ge [sflag:s18], $0x4000  }
0x29: {  	[sflag:s18] =	ssyncset.done $0x0  }
0x2a: {  	[sflag:s18] =	ssyncadd.s32 $0xFFFFC000  }
0x2b: {  	_ =	swait.ge [sflag:s21], $0x4000  }
0x2c: {  	[sflag:s21] =	ssyncset.done $0x0  }
0x2d: {  	[sflag:s21] =	ssyncadd.s32 $0xFFFFC000  }
0x2e: {  	[tilespmem:s17], [sflag:$0x1] =	stream.indirect.gather [hbm4b:s5+s20], $0x80, s25, s20, $0xb8;
	[tilespmem:$0x1CA00] =	vst v63  }
0x2f: {  	_ = 	snop  }
0x30: {  	[spmem:s2] =	stream.indirect.scatter.add.f32 [tilespmem:s22], [sflag:$0x2], $0x80, s24, s20, $0xb8;
	[tilespmem:$0x1CA00] =	vst v63  }
0x31: {  	_ =	swait.ge [sflag:s18], $0x4000  }
0x32: {  	[sflag:s18] =	ssyncset.done $0x0  }
0x33: {  	[sflag:s18] =	ssyncadd.s32 $0xFFFFC000  }
0x34: {  	_ =	swait.ge [sflag:s21], $0x4000  }
0x35: {  	[sflag:s21] =	ssyncset.done $0x0  }
0x36: {  	[sflag:s21] =	ssyncadd.s32 $0xFFFFC000  }
0x37: {  	[tilespmem:s22], [sflag:$0x1] =	stream.indirect.gather [hbm4b:s5+s20], $0x80, s26, s20, $0xb8;
	[tilespmem:$0x1CA00] =	vst v63  }
0x38: {  	_ = 	snop  }
0x39: {  	[spmem:s2] =	stream.indirect.scatter.add.f32 [tilespmem:s17], [sflag:$0x2], $0x80, s28, s20, $0xb8;
	[tilespmem:$0x1CA00] =	vst v63  }
0x3a: {  	_ =	swait.ge [sflag:s18], $0x4000  }
0x3b: {  	[sflag:s18] =	ssyncset.done $0x0  }
0x3c: {  	[sflag:s18] =	ssyncadd.s32 $0xFFFFC000  }
0x3d: {  	_ =	swait.ge [sflag:s21], $0x4000  }
0x3e: {  	[sflag:s21] =	ssyncset.done $0x0  }
0x3f: {  	[sflag:s21] =	ssyncadd.s32 $0xFFFFC000  }
0x40: {  	[tilespmem:s17], [sflag:$0x1] =	stream.indirect.gather [hbm4b:s5+s20], $0x80, s29, s20, $0xb8;
	[tilespmem:$0x1CA00] =	vst v63  }
0x41: {  	_ = 	snop  }
0x42: {  	[spmem:s2] =	stream.indirect.scatter.add.f32 [tilespmem:s22], [sflag:$0x2], $0x80, s30, s20, $0xb8;
	[tilespmem:$0x1CA00] =	vst v63  }
0x43: {  	_ =	swait.ge [sflag:s18], $0x4000  }
0x44: {  	[sflag:s18] =	ssyncset.done $0x0  }
0x45: {  	[sflag:s18] =	ssyncadd.s32 $0xFFFFC000  }
0x46: {  	_ =	swait.ge [sflag:s21], $0x4000  }
0x47: {  	[sflag:s21] =	ssyncset.done $0x0  }
0x48: {  	[sflag:s21] =	ssyncadd.s32 $0xFFFFC000  }
0x49: {  	[tilespmem:s22], [sflag:$0x1] =	stream.indirect.gather [hbm4b:s5+s20], $0x80, s31, s20, $0xb8;
	[tilespmem:$0x1CA00] =	vst v63  }
0x4a: {  	_ = 	snop  }
0x4b: {  	[spmem:s2] =	stream.indirect.scatter.add.f32 [tilespmem:s17], [sflag:$0x2], $0x80, s0, s20, $0xb8;
	[tilespmem:$0x1CA00] =	vst v63  }
0x4c: {  	_ =	swait.ge [sflag:s18], $0x4000  }
0x4d: {  	[sflag:s18] =	ssyncset.done $0x0  }
0x4e: {  	[sflag:s18] =	ssyncadd.s32 $0xFFFFC000  }
0x4f: {  	_ =	swait.ge [sflag:s21], $0x4000  }
0x50: {  	[sflag:s21] =	ssyncset.done $0x0  }
0x51: {  	[sflag:s21] =	ssyncadd.s32 $0xFFFFC000  }
0x52: {  	[tilespmem:s17], [sflag:$0x1] =	stream.indirect.gather [hbm4b:s5+s20], $0x80, s6, s20, $0xb8;
	[tilespmem:$0x1CA00] =	vst v63  }
0x53: {  	_ = 	snop  }
0x54: {  	[spmem:s2] =	stream.indirect.scatter.add.f32 [tilespmem:s22], [sflag:$0x2], $0x80, s7, s20, $0xb8;
	[tilespmem:$0x1CA00] =	vst v63  }
0x55: {  	_ =	swait.ge [sflag:s18], $0x4000  }
0x56: {  	[sflag:s18] =	ssyncset.done $0x0  }
0x57: {  	[sflag:s18] =	ssyncadd.s32 $0xFFFFC000  }
0x58: {  	_ =	swait.ge [sflag:s21], $0x4000  }
0x59: {  	[sflag:s21] =	ssyncset.done $0x0  }
0x5a: {  	[sflag:s21] =	ssyncadd.s32 $0xFFFFC000  }
0x5b: {  	[tilespmem:s22], [sflag:$0x1] =	stream.indirect.gather [hbm4b:s5+s20], $0x80, s1, s20, $0xb8;
	[tilespmem:$0x1CA00] =	vst v63  }
0x5c: {  	_ = 	snop  }
0x5d: {  	[spmem:s2] =	stream.indirect.scatter.add.f32 [tilespmem:s17], [sflag:$0x2], $0x80, s9, s20, $0xb8;
	[tilespmem:$0x1CA00] =	vst v63  }
0x5e: {  	_ =	swait.ge [sflag:s18], $0x4000  }
0x5f: {  	[sflag:s18] =	ssyncset.done $0x0  }
0x60: {  	[sflag:s18] =	ssyncadd.s32 $0xFFFFC000  }
0x61: {  	_ =	swait.ge [sflag:s21], $0x4000  }
0x62: {  	[sflag:s21] =	ssyncset.done $0x0  }
0x63: {  	[sflag:s21] =	ssyncadd.s32 $0xFFFFC000  }
0x64: {  	[tilespmem:s17], [sflag:$0x1] =	stream.indirect.gather [hbm4b:s5+s20], $0x80, s10, s20, $0xb8;
	[tilespmem:$0x1CA00] =	vst v63  }
0x65: {  	_ = 	snop  }
0x66: {  	[spmem:s2] =	stream.indirect.scatter.add.f32 [tilespmem:s22], [sflag:$0x2], $0x80, s11, s20, $0xb8;
	[tilespmem:$0x1CA00] =	vst v63  }
0x67: {  	_ =	swait.ge [sflag:s18], $0x4000  }
0x68: {  	[sflag:s18] =	ssyncset.done $0x0  }
0x69: {  	[sflag:s18] =	ssyncadd.s32 $0xFFFFC000  }
0x6a: {  	_ =	swait.ge [sflag:s21], $0x4000  }
0x6b: {  	[sflag:s21] =	ssyncset.done $0x0  }
0x6c: {  	[sflag:s21] =	ssyncadd.s32 $0xFFFFC000  }
0x6d: {  	[tilespmem:s22], [sflag:$0x1] =	stream.indirect.gather [hbm4b:s5+s20], $0x80, s12, s20, $0xb8;
	[tilespmem:$0x1CA00] =	vst v63  }
0x6e: {  	_ = 	snop  }
0x6f: {  	[spmem:s2] =	stream.indirect.scatter.add.f32 [tilespmem:s17], [sflag:$0x2], $0x80, s13, s20, $0xb8;
	[tilespmem:$0x1CA00] =	vst v63  }
0x70: {  	_ =	swait.ge [sflag:s18], $0x4000  }
0x71: {  	s26 =	simm.s32 $0x980;
	s28 =	simm.s32 $0x200;
	[sflag:s18] =	ssyncset.done $0x0  }
0x72: {  	s29 =	simm.s32 $0x680;
	s30 =	simm.s32 $0x280;
	[sflag:s18] =	ssyncadd.s32 $0xFFFFC000  }
0x73: {  	s0 =	simm.s32 $0x700;
	s6 =	simm.s32 $0x300;
	_ =	swait.ge [sflag:s21], $0x4000  }
0x74: {  	s7 =	simm.s32 $0x780;
	s1 =	simm.s32 $0x380;
	[sflag:s21] =	ssyncset.done $0x0  }
0x75: {  	s9 =	simm.s32 $0x800;
	s10 =	simm.s32 $0x400;
	[sflag:s21] =	ssyncadd.s32 $0xFFFFC000  }
0x76: {  	[spmem:s2] =	stream.indirect.scatter.add.f32 [tilespmem:s22], [sflag:$0x2], $0x80, s26, s20, $0xb8;
	[tilespmem:$0x1CA00] =	vst v63  }
0x77: {  	s11 =	simm.s32 $0x880;
	s12 =	simm.s32 $0x480;
	_ =	swait.ge [sflag:s18], $0x4000  }
0x78: {  	s13 =	simm.s32 $0x900;
	[sflag:s18] =	ssyncset.done $0x0;
	s8 =	rddreg [dreg:$0x5]  }
0x79: {  	s26 =	simm.s32 $0x600;
	s31 =	rddreg [dreg:$0xd];
	[sflag:s18] =	ssyncadd.s32 $0xFFFFC000  }
.LBB2_10:
0x7a: {  	s14 =	rddreg [dreg:$0xb];
	s24 =	stileid.u32;
	[bflag:$0x0] =	sbarrier.arrive $0xFFFF  }
0x7b: {  	s8 =	sadd.s32 s8, s14;
	s14 =	sshll.u32 s24, $0x6;
	s24 =	rddreg [dreg:$0x6]  }
0x7c: {  	s14 =	sor.u32 $0x1C02, s14;
	s23 =	sshrl.u32 s24, $0x3  }
0x7d: {  	[hbm:s8], [sflag:s14] =	dma.local [spmem:s23], $0x2800  }
0x7e: {  	_ =	swait.ge [sflag:s18], $0x2800  }
0x7f: {  	s31 =	sadd.s32 $0x1, s31;
	s23 =	rddreg [dreg:$0xc]  }
0x80: {  	p1 =	sne.s32 s31, s23  }
.Ltmp1:
0x81: {  	_ = 	snop;
	(pc) =	sbr.rel @!p1 .LBB2_11-.Ltmp1, $3  }
0x82: {  	_ =	sdelay $0x1  }
0x83: {  	[sflag:s18] =	ssyncset.done $0x0  }
0x84: {  	[sflag:s18] =	ssyncadd.s32 $0xFFFFD800;
	s23 =	simm.s32 $0x180  }
.LBB2_1:
0x85: {  	[dreg:$0xd] =	wrdreg s31;
	s8 =	simm.s32 $0x0;
	s14 =	simm.s32 $0x200  }
.LBB2_2:
0x86: {  	p1 =	sne.s32 s14, $0xFE00;
	[tilespmem:s8+$0x4A70] =	vst v0  }
0x87: {  	[tilespmem:s8+$0xA00] =	vst v0  }
0x88: {  	[tilespmem:s8+$0xA10] =	vst v0  }
0x89: {  	[tilespmem:s8+$0xA20] =	vst v0  }
0x8a: {  	[tilespmem:s8+$0xA30] =	vst v0  }
0x8b: {  	[tilespmem:s8+$0xA40] =	vst v0  }
0x8c: {  	[tilespmem:s8+$0xA50] =	vst v0  }
0x8d: {  	[tilespmem:s8+$0xA60] =	vst v0  }
0x8e: {  	[tilespmem:s8+$0xA70] =	vst v0  }
0x8f: {  	[tilespmem:s8+$0x4A00] =	vst v0  }
0x90: {  	[tilespmem:s8+$0x4A10] =	vst v0  }
.Ltmp2:
0x91: {  	[tilespmem:s8+$0x4A20] =	vst v0;
	(pc) =	sbr.rel @p1 .LBB2_2-.Ltmp2, $4  }
0x92: {  	[tilespmem:s8+$0x4A30] =	vst v0  }
0x93: {  	[tilespmem:s8+$0x4A40] =	vst v0  }
0x94: {  	[tilespmem:s8+$0x4A50] =	vst v0  }
0x95: {  	[tilespmem:s8+$0x4A60] =	vst v0;
	s8 =	sshra.s32 s14, $0x2;
	s14 =	sadd.s32 $0x200, s14  }
0x96: {  	[tilespmem:s8+$0x4A70] =	vst v0  }
0x97: {  	[tilespmem:s8+$0xA00] =	vst v0  }
0x98: {  	[tilespmem:s8+$0xA10] =	vst v0  }
0x99: {  	[tilespmem:s8+$0xA20] =	vst v0  }
0x9a: {  	[tilespmem:s8+$0xA30] =	vst v0  }
0x9b: {  	[tilespmem:s8+$0xA40] =	vst v0  }
0x9c: {  	[tilespmem:s8+$0xA50] =	vst v0  }
0x9d: {  	[tilespmem:s8+$0xA60] =	vst v0  }
0x9e: {  	[tilespmem:s8+$0xA70] =	vst v0  }
0x9f: {  	[tilespmem:s8+$0x4A00] =	vst v0  }
0xa0: {  	[tilespmem:s8+$0x4A10] =	vst v0  }
0xa1: {  	[tilespmem:s8+$0x4A20] =	vst v0  }
0xa2: {  	[tilespmem:s8+$0x4A30] =	vst v0  }
0xa3: {  	[tilespmem:s8+$0x4A40] =	vst v0  }
0xa4: {  	[tilespmem:s8+$0x4A50] =	vst v0  }
0xa5: {  	[tilespmem:s8+$0x4A60] =	vst v0  }
0xa6: {  	[spmem:s24] =	stream.linear.scatter [tilespmem:s17], [sflag:$0x2], $0x4000, $0x38;
	[tilespmem:$0x1CA00] =	vst v63  }
0xa7: {  	_ =	swait.ge [sflag:s18], $0x4000  }
0xa8: {  	[sflag:s18] =	ssyncset.done $0x0  }
0xa9: {  	s31 =	rddreg [dreg:$0x7];
	[sflag:s18] =	ssyncadd.s32 $0xFFFFC000  }
0xaa: {  	[spmem:s31] =	stream.linear.scatter [tilespmem:s17], [sflag:$0x2], $0x4000, $0x38;
	[tilespmem:$0x1CA00] =	vst v63  }
0xab: {  	_ =	swait.ge [sflag:s18], $0x4000  }
0xac: {  	[sflag:s18] =	ssyncset.done $0x0  }
0xad: {  	s14 =	rddreg [dreg:$0x8];
	[sflag:s18] =	ssyncadd.s32 $0xFFFFC000  }
0xae: {  	[spmem:s14] =	stream.linear.scatter [tilespmem:s17], [sflag:$0x2], $0x4000, $0x38;
	[tilespmem:$0x1CA00] =	vst v63  }
0xaf: {  	_ =	swait.ge [sflag:s18], $0x4000  }
0xb0: {  	[sflag:s18] =	ssyncset.done $0x0  }
0xb1: {  	s24 =	rddreg [dreg:$0x9];
	[sflag:s18] =	ssyncadd.s32 $0xFFFFC000  }
0xb2: {  	[spmem:s24] =	stream.linear.scatter [tilespmem:s17], [sflag:$0x2], $0x4000, $0x38;
	[tilespmem:$0x1CA00] =	vst v63  }
0xb3: {  	_ =	swait.ge [sflag:s18], $0x4000  }
0xb4: {  	[sflag:s18] =	ssyncset.done $0x0  }
0xb5: {  	s31 =	rddreg [dreg:$0xa];
	[sflag:s18] =	ssyncadd.s32 $0xFFFFC000  }
0xb6: {  	[spmem:s31] =	stream.linear.scatter [tilespmem:s17], [sflag:$0x2], $0x4000, $0x38;
	[tilespmem:$0x1CA00] =	vst v63  }
.Ltmp3:
0xb7: {  	_ =	swait.ge [sflag:s18], $0x4000;
	(pc) =	sbr.rel @p0 .LBB2_7-.Ltmp3, $4  }
0xb8: {  	[sflag:s18] =	ssyncset.done $0x0  }
0xb9: {  	[sflag:s18] =	ssyncadd.s32 $0xFFFFC000  }
0xba: {  	[bflag:$0x0] =	sbarrier.arrive $0xFFFF  }
0xbb: {  	s8 =	sadd.s32 $0x0, s16  }
0xbc: {  	[tilespmem:s3], [sflag:$0x2] =	stream.linear.gather [hbm4b:s8+s3], $0x500, $0x38;
	[tilespmem:$0x1CA00] =	vst v63  }
0xbd: {  	_ =	swait.ge [sflag:s18], $0x500  }
0xbe: {  	[sflag:s18] =	ssyncset.done $0x0  }
0xbf: {  	s24 =	sadd.s32 $0x0, s15;
	[sflag:s18] =	ssyncadd.s32 $0xFFFFFB00  }
0xc0: {  	[tilespmem:s19], [sflag:$0x2] =	stream.linear.gather [hbm4b:s24+s3], $0x500, $0x38;
	[tilespmem:$0x1CA00] =	vst v63  }
0xc1: {  	_ =	swait.ge [sflag:s18], $0x500  }
0xc2: {  	[sflag:s18] =	ssyncset.done $0x0  }
0xc3: {  	[sflag:s18] =	ssyncadd.s32 $0xFFFFFB00  }
0xc4: {  	[tilespmem:s17], [sflag:$0x1] =	stream.indirect.gather [hbm4b:s4+s20], $0x80, s3, s20, $0xb8;
	[tilespmem:$0x1CA00] =	vst v63  }
0xc5: {  	_ =	swait.ge [sflag:s21], $0x4000  }
0xc6: {  	[sflag:s21] =	ssyncset.done $0x0  }
0xc7: {  	[sflag:s21] =	ssyncadd.s32 $0xFFFFC000  }
0xc8: {  	[tilespmem:s22], [sflag:$0x1] =	stream.indirect.gather [hbm4b:s4+s20], $0x80, s20, s20, $0xb8;
	[tilespmem:$0x1CA00] =	vst v63  }
0xc9: {  	_ = 	snop  }
0xca: {  	[spmem:s2] =	stream.indirect.scatter.add.f32 [tilespmem:s17], [sflag:$0x2], $0x80, s19, s20, $0xb8;
	[tilespmem:$0x1CA00] =	vst v63  }
0xcb: {  	_ =	swait.ge [sflag:s18], $0x4000  }
0xcc: {  	[sflag:s18] =	ssyncset.done $0x0  }
0xcd: {  	[sflag:s18] =	ssyncadd.s32 $0xFFFFC000  }
0xce: {  	_ =	swait.ge [sflag:s21], $0x4000  }
0xcf: {  	[sflag:s21] =	ssyncset.done $0x0  }
0xd0: {  	[sflag:s21] =	ssyncadd.s32 $0xFFFFC000  }
0xd1: {  	[tilespmem:s17], [sflag:$0x1] =	stream.indirect.gather [hbm4b:s4+s20], $0x80, s25, s20, $0xb8;
	[tilespmem:$0x1CA00] =	vst v63  }
0xd2: {  	s25 =	simm.s32 $0x580  }
0xd3: {  	[spmem:s2] =	stream.indirect.scatter.add.f32 [tilespmem:s22], [sflag:$0x2], $0x80, s25, s20, $0xb8;
	[tilespmem:$0x1CA00] =	vst v63  }
0xd4: {  	_ =	swait.ge [sflag:s18], $0x4000  }
0xd5: {  	[sflag:s18] =	ssyncset.done $0x0  }
0xd6: {  	[sflag:s18] =	ssyncadd.s32 $0xFFFFC000  }
0xd7: {  	_ =	swait.ge [sflag:s21], $0x4000  }
0xd8: {  	[sflag:s21] =	ssyncset.done $0x0  }
0xd9: {  	[sflag:s21] =	ssyncadd.s32 $0xFFFFC000  }
0xda: {  	[tilespmem:s22], [sflag:$0x1] =	stream.indirect.gather [hbm4b:s4+s20], $0x80, s23, s20, $0xb8;
	[tilespmem:$0x1CA00] =	vst v63  }
0xdb: {  	_ = 	snop  }
0xdc: {  	[spmem:s2] =	stream.indirect.scatter.add.f32 [tilespmem:s17], [sflag:$0x2], $0x80, s26, s20, $0xb8;
	[tilespmem:$0x1CA00] =	vst v63  }
0xdd: {  	_ =	swait.ge [sflag:s18], $0x4000  }
0xde: {  	[sflag:s18] =	ssyncset.done $0x0  }
0xdf: {  	[sflag:s18] =	ssyncadd.s32 $0xFFFFC000  }
0xe0: {  	_ =	swait.ge [sflag:s21], $0x4000  }
0xe1: {  	[sflag:s21] =	ssyncset.done $0x0  }
0xe2: {  	[sflag:s21] =	ssyncadd.s32 $0xFFFFC000  }
0xe3: {  	[tilespmem:s17], [sflag:$0x1] =	stream.indirect.gather [hbm4b:s4+s20], $0x80, s28, s20, $0xb8;
	[tilespmem:$0x1CA00] =	vst v63  }
0xe4: {  	_ = 	snop  }
0xe5: {  	[spmem:s2] =	stream.indirect.scatter.add.f32 [tilespmem:s22], [sflag:$0x2], $0x80, s29, s20, $0xb8;
	[tilespmem:$0x1CA00] =	vst v63  }
0xe6: {  	_ =	swait.ge [sflag:s18], $0x4000  }
0xe7: {  	[sflag:s18] =	ssyncset.done $0x0  }
0xe8: {  	[sflag:s18] =	ssyncadd.s32 $0xFFFFC000  }
0xe9: {  	_ =	swait.ge [sflag:s21], $0x4000  }
0xea: {  	[sflag:s21] =	ssyncset.done $0x0  }
0xeb: {  	[sflag:s21] =	ssyncadd.s32 $0xFFFFC000  }
0xec: {  	[tilespmem:s22], [sflag:$0x1] =	stream.indirect.gather [hbm4b:s4+s20], $0x80, s30, s20, $0xb8;
	[tilespmem:$0x1CA00] =	vst v63  }
0xed: {  	_ = 	snop  }
0xee: {  	[spmem:s2] =	stream.indirect.scatter.add.f32 [tilespmem:s17], [sflag:$0x2], $0x80, s0, s20, $0xb8;
	[tilespmem:$0x1CA00] =	vst v63  }
0xef: {  	_ =	swait.ge [sflag:s18], $0x4000  }
0xf0: {  	[sflag:s18] =	ssyncset.done $0x0  }
0xf1: {  	[sflag:s18] =	ssyncadd.s32 $0xFFFFC000  }
0xf2: {  	_ =	swait.ge [sflag:s21], $0x4000  }
0xf3: {  	[sflag:s21] =	ssyncset.done $0x0  }
0xf4: {  	[sflag:s21] =	ssyncadd.s32 $0xFFFFC000  }
0xf5: {  	[tilespmem:s17], [sflag:$0x1] =	stream.indirect.gather [hbm4b:s4+s20], $0x80, s6, s20, $0xb8;
	[tilespmem:$0x1CA00] =	vst v63  }
0xf6: {  	_ = 	snop  }
0xf7: {  	[spmem:s2] =	stream.indirect.scatter.add.f32 [tilespmem:s22], [sflag:$0x2], $0x80, s7, s20, $0xb8;
	[tilespmem:$0x1CA00] =	vst v63  }
0xf8: {  	_ =	swait.ge [sflag:s18], $0x4000  }
0xf9: {  	[sflag:s18] =	ssyncset.done $0x0  }
0xfa: {  	[sflag:s18] =	ssyncadd.s32 $0xFFFFC000  }
0xfb: {  	_ =	swait.ge [sflag:s21], $0x4000  }
0xfc: {  	[sflag:s21] =	ssyncset.done $0x0  }
0xfd: {  	[sflag:s21] =	ssyncadd.s32 $0xFFFFC000  }
0xfe: {  	[tilespmem:s22], [sflag:$0x1] =	stream.indirect.gather [hbm4b:s4+s20], $0x80, s1, s20, $0xb8;
	[tilespmem:$0x1CA00] =	vst v63  }
0xff: {  	_ = 	snop  }
0x100: {  	[spmem:s2] =	stream.indirect.scatter.add.f32 [tilespmem:s17], [sflag:$0x2], $0x80, s9, s20, $0xb8;
	[tilespmem:$0x1CA00] =	vst v63  }
0x101: {  	_ =	swait.ge [sflag:s18], $0x4000  }
0x102: {  	[sflag:s18] =	ssyncset.done $0x0  }
0x103: {  	[sflag:s18] =	ssyncadd.s32 $0xFFFFC000  }
0x104: {  	_ =	swait.ge [sflag:s21], $0x4000  }
0x105: {  	[sflag:s21] =	ssyncset.done $0x0  }
0x106: {  	[sflag:s21] =	ssyncadd.s32 $0xFFFFC000  }
0x107: {  	[tilespmem:s17], [sflag:$0x1] =	stream.indirect.gather [hbm4b:s4+s20], $0x80, s10, s20, $0xb8;
	[tilespmem:$0x1CA00] =	vst v63  }
0x108: {  	_ = 	snop  }
0x109: {  	[spmem:s2] =	stream.indirect.scatter.add.f32 [tilespmem:s22], [sflag:$0x2], $0x80, s11, s20, $0xb8;
	[tilespmem:$0x1CA00] =	vst v63  }
0x10a: {  	_ =	swait.ge [sflag:s18], $0x4000  }
0x10b: {  	[sflag:s18] =	ssyncset.done $0x0  }
0x10c: {  	[sflag:s18] =	ssyncadd.s32 $0xFFFFC000  }
0x10d: {  	_ =	swait.ge [sflag:s21], $0x4000  }
0x10e: {  	[sflag:s21] =	ssyncset.done $0x0  }
0x10f: {  	[sflag:s21] =	ssyncadd.s32 $0xFFFFC000  }
0x110: {  	[tilespmem:s22], [sflag:$0x1] =	stream.indirect.gather [hbm4b:s4+s20], $0x80, s12, s20, $0xb8;
	[tilespmem:$0x1CA00] =	vst v63  }
0x111: {  	s8 =	simm.s32 $0xA0  }
0x112: {  	[spmem:s2] =	stream.indirect.scatter.add.f32 [tilespmem:s17], [sflag:$0x2], $0x80, s13, s20, $0xb8;
	[tilespmem:$0x1CA00] =	vst v63  }
0x113: {  	s14 =	simm.s32 $0x140;
	s31 =	simm.s32 $0x280;
	_ =	swait.ge [sflag:s18], $0x4000  }
0x114: {  	s26 =	simm.s32 $0x980;
	s28 =	simm.s32 $0x600;
	[sflag:s18] =	ssyncset.done $0x0  }
0x115: {  	s29 =	simm.s32 $0x200;
	s30 =	simm.s32 $0x680;
	[sflag:s18] =	ssyncadd.s32 $0xFFFFC000  }
0x116: {  	s0 =	simm.s32 $0x700;
	s6 =	simm.s32 $0x300;
	_ =	swait.ge [sflag:s21], $0x4000  }
0x117: {  	s7 =	simm.s32 $0x780;
	s1 =	simm.s32 $0x380;
	[sflag:s21] =	ssyncset.done $0x0  }
0x118: {  	s9 =	simm.s32 $0x800;
	s10 =	simm.s32 $0x400;
	[sflag:s21] =	ssyncadd.s32 $0xFFFFC000  }
0x119: {  	[spmem:s2] =	stream.indirect.scatter.add.f32 [tilespmem:s22], [sflag:$0x2], $0x80, s26, s20, $0xb8;
	[tilespmem:$0x1CA00] =	vst v63  }
0x11a: {  	s11 =	simm.s32 $0x880;
	s12 =	simm.s32 $0x480;
	_ =	swait.ge [sflag:s18], $0x4000  }
0x11b: {  	s13 =	simm.s32 $0x900;
	s26 =	simm.s32 $0x180;
	[sflag:s18] =	ssyncset.done $0x0  }
.LBB2_5:
0x11c: {  	s24 =	sadd.s32 s8, s16  }
0x11d: {  	[sflag:s18] =	ssyncadd.s32 $0xFFFFC000;
	s25 =	smov.u32 s14;
	s23 =	sadd.s32 $0xA0, s14  }
0x11e: {  	[tilespmem:s3], [sflag:$0x2] =	stream.linear.gather [hbm4b:s24+s3], $0x500, $0x38;
	[tilespmem:$0x1CA00] =	vst v63  }
0x11f: {  	s24 =	simm.s32 $0x580  }
0x120: {  	p1 =	seq.s32 s14, $0x960;
	_ =	swait.ge [sflag:s18], $0x500  }
0x121: {  	s14 =	sadd.s32 s8, s15;
	[sflag:s18] =	ssyncset.done $0x0  }
0x122: {  	s8 =	smov.u32 s25;
	s25 =	simm.s32 $0x100;
	[sflag:s18] =	ssyncadd.s32 $0xFFFFFB00  }
0x123: {  	[tilespmem:s19], [sflag:$0x2] =	stream.linear.gather [hbm4b:s14+s3], $0x500, $0x38;
	[tilespmem:$0x1CA00] =	vst v63  }
0x124: {  	_ =	swait.ge [sflag:s18], $0x500  }
0x125: {  	[sflag:s18] =	ssyncset.done $0x0  }
0x126: {  	[sflag:s18] =	ssyncadd.s32 $0xFFFFFB00  }
0x127: {  	[tilespmem:s17], [sflag:$0x1] =	stream.indirect.gather [hbm4b:s4+s20], $0x80, s3, s20, $0xb8;
	[tilespmem:$0x1CA00] =	vst v63  }
0x128: {  	_ =	swait.ge [sflag:s21], $0x4000  }
0x129: {  	[sflag:s21] =	ssyncset.done $0x0  }
0x12a: {  	[sflag:s21] =	ssyncadd.s32 $0xFFFFC000  }
0x12b: {  	[tilespmem:s22], [sflag:$0x1] =	stream.indirect.gather [hbm4b:s4+s20], $0x80, s20, s20, $0xb8;
	[tilespmem:$0x1CA00] =	vst v63  }
0x12c: {  	_ = 	snop  }
0x12d: {  	[spmem:s2] =	stream.indirect.scatter.add.f32 [tilespmem:s17], [sflag:$0x2], $0x80, s19, s20, $0xb8;
	[tilespmem:$0x1CA00] =	vst v63  }
0x12e: {  	_ =	swait.ge [sflag:s18], $0x4000  }
0x12f: {  	[sflag:s18] =	ssyncset.done $0x0  }
0x130: {  	[sflag:s18] =	ssyncadd.s32 $0xFFFFC000  }
0x131: {  	_ =	swait.ge [sflag:s21], $0x4000  }
0x132: {  	[sflag:s21] =	ssyncset.done $0x0  }
0x133: {  	[sflag:s21] =	ssyncadd.s32 $0xFFFFC000  }
0x134: {  	[tilespmem:s17], [sflag:$0x1] =	stream.indirect.gather [hbm4b:s4+s20], $0x80, s25, s20, $0xb8;
	[tilespmem:$0x1CA00] =	vst v63  }
0x135: {  	_ = 	snop  }
0x136: {  	[spmem:s2] =	stream.indirect.scatter.add.f32 [tilespmem:s22], [sflag:$0x2], $0x80, s24, s20, $0xb8;
	[tilespmem:$0x1CA00] =	vst v63  }
0x137: {  	_ =	swait.ge [sflag:s18], $0x4000  }
0x138: {  	[sflag:s18] =	ssyncset.done $0x0  }
0x139: {  	[sflag:s18] =	ssyncadd.s32 $0xFFFFC000  }
0x13a: {  	_ =	swait.ge [sflag:s21], $0x4000  }
0x13b: {  	[sflag:s21] =	ssyncset.done $0x0  }
0x13c: {  	[sflag:s21] =	ssyncadd.s32 $0xFFFFC000  }
0x13d: {  	[tilespmem:s22], [sflag:$0x1] =	stream.indirect.gather [hbm4b:s4+s20], $0x80, s26, s20, $0xb8;
	[tilespmem:$0x1CA00] =	vst v63  }
0x13e: {  	_ = 	snop  }
0x13f: {  	[spmem:s2] =	stream.indirect.scatter.add.f32 [tilespmem:s17], [sflag:$0x2], $0x80, s28, s20, $0xb8;
	[tilespmem:$0x1CA00] =	vst v63  }
0x140: {  	_ =	swait.ge [sflag:s18], $0x4000  }
0x141: {  	[sflag:s18] =	ssyncset.done $0x0  }
0x142: {  	[sflag:s18] =	ssyncadd.s32 $0xFFFFC000  }
0x143: {  	_ =	swait.ge [sflag:s21], $0x4000  }
0x144: {  	[sflag:s21] =	ssyncset.done $0x0  }
0x145: {  	[sflag:s21] =	ssyncadd.s32 $0xFFFFC000  }
0x146: {  	[tilespmem:s17], [sflag:$0x1] =	stream.indirect.gather [hbm4b:s4+s20], $0x80, s29, s20, $0xb8;
	[tilespmem:$0x1CA00] =	vst v63  }
0x147: {  	_ = 	snop  }
0x148: {  	[spmem:s2] =	stream.indirect.scatter.add.f32 [tilespmem:s22], [sflag:$0x2], $0x80, s30, s20, $0xb8;
	[tilespmem:$0x1CA00] =	vst v63  }
0x149: {  	_ =	swait.ge [sflag:s18], $0x4000  }
0x14a: {  	[sflag:s18] =	ssyncset.done $0x0  }
0x14b: {  	[sflag:s18] =	ssyncadd.s32 $0xFFFFC000  }
0x14c: {  	_ =	swait.ge [sflag:s21], $0x4000  }
0x14d: {  	[sflag:s21] =	ssyncset.done $0x0  }
0x14e: {  	[sflag:s21] =	ssyncadd.s32 $0xFFFFC000  }
0x14f: {  	[tilespmem:s22], [sflag:$0x1] =	stream.indirect.gather [hbm4b:s4+s20], $0x80, s31, s20, $0xb8;
	[tilespmem:$0x1CA00] =	vst v63  }
0x150: {  	_ = 	snop  }
0x151: {  	[spmem:s2] =	stream.indirect.scatter.add.f32 [tilespmem:s17], [sflag:$0x2], $0x80, s0, s20, $0xb8;
	[tilespmem:$0x1CA00] =	vst v63  }
0x152: {  	_ =	swait.ge [sflag:s18], $0x4000  }
0x153: {  	[sflag:s18] =	ssyncset.done $0x0  }
0x154: {  	[sflag:s18] =	ssyncadd.s32 $0xFFFFC000  }
0x155: {  	_ =	swait.ge [sflag:s21], $0x4000  }
0x156: {  	[sflag:s21] =	ssyncset.done $0x0  }
0x157: {  	[sflag:s21] =	ssyncadd.s32 $0xFFFFC000  }
0x158: {  	[tilespmem:s17], [sflag:$0x1] =	stream.indirect.gather [hbm4b:s4+s20], $0x80, s6, s20, $0xb8;
	[tilespmem:$0x1CA00] =	vst v63  }
0x159: {  	_ = 	snop  }
0x15a: {  	[spmem:s2] =	stream.indirect.scatter.add.f32 [tilespmem:s22], [sflag:$0x2], $0x80, s7, s20, $0xb8;
	[tilespmem:$0x1CA00] =	vst v63  }
0x15b: {  	_ =	swait.ge [sflag:s18], $0x4000  }
0x15c: {  	[sflag:s18] =	ssyncset.done $0x0  }
0x15d: {  	[sflag:s18] =	ssyncadd.s32 $0xFFFFC000  }
0x15e: {  	_ =	swait.ge [sflag:s21], $0x4000  }
0x15f: {  	[sflag:s21] =	ssyncset.done $0x0  }
0x160: {  	[sflag:s21] =	ssyncadd.s32 $0xFFFFC000  }
0x161: {  	[tilespmem:s22], [sflag:$0x1] =	stream.indirect.gather [hbm4b:s4+s20], $0x80, s1, s20, $0xb8;
	[tilespmem:$0x1CA00] =	vst v63  }
0x162: {  	_ = 	snop  }
0x163: {  	[spmem:s2] =	stream.indirect.scatter.add.f32 [tilespmem:s17], [sflag:$0x2], $0x80, s9, s20, $0xb8;
	[tilespmem:$0x1CA00] =	vst v63  }
0x164: {  	_ =	swait.ge [sflag:s18], $0x4000  }
0x165: {  	[sflag:s18] =	ssyncset.done $0x0  }
0x166: {  	[sflag:s18] =	ssyncadd.s32 $0xFFFFC000  }
0x167: {  	_ =	swait.ge [sflag:s21], $0x4000  }
0x168: {  	[sflag:s21] =	ssyncset.done $0x0  }
0x169: {  	[sflag:s21] =	ssyncadd.s32 $0xFFFFC000  }
0x16a: {  	[tilespmem:s17], [sflag:$0x1] =	stream.indirect.gather [hbm4b:s4+s20], $0x80, s10, s20, $0xb8;
	[tilespmem:$0x1CA00] =	vst v63  }
0x16b: {  	_ = 	snop  }
0x16c: {  	[spmem:s2] =	stream.indirect.scatter.add.f32 [tilespmem:s22], [sflag:$0x2], $0x80, s11, s20, $0xb8;
	[tilespmem:$0x1CA00] =	vst v63  }
0x16d: {  	_ =	swait.ge [sflag:s18], $0x4000  }
0x16e: {  	[sflag:s18] =	ssyncset.done $0x0  }
0x16f: {  	[sflag:s18] =	ssyncadd.s32 $0xFFFFC000  }
0x170: {  	_ =	swait.ge [sflag:s21], $0x4000  }
0x171: {  	[sflag:s21] =	ssyncset.done $0x0  }
0x172: {  	[sflag:s21] =	ssyncadd.s32 $0xFFFFC000  }
0x173: {  	[tilespmem:s22], [sflag:$0x1] =	stream.indirect.gather [hbm4b:s4+s20], $0x80, s12, s20, $0xb8;
	[tilespmem:$0x1CA00] =	vst v63  }
0x174: {  	_ = 	snop  }
0x175: {  	[spmem:s2] =	stream.indirect.scatter.add.f32 [tilespmem:s17], [sflag:$0x2], $0x80, s13, s20, $0xb8;
	[tilespmem:$0x1CA00] =	vst v63  }
0x176: {  	_ =	swait.ge [sflag:s18], $0x4000  }
0x177: {  	[sflag:s18] =	ssyncset.done $0x0  }
0x178: {  	[sflag:s18] =	ssyncadd.s32 $0xFFFFC000  }
0x179: {  	_ =	swait.ge [sflag:s21], $0x4000  }
.Ltmp4:
0x17a: {  	[sflag:s21] =	ssyncset.done $0x0;
	(pc) =	sbr.rel @!p1 .LBB2_5-.Ltmp4, $4  }
0x17b: {  	s14 =	simm.s32 $0x980;
	[sflag:s21] =	ssyncadd.s32 $0xFFFFC000  }
0x17c: {  	[spmem:s2] =	stream.indirect.scatter.add.f32 [tilespmem:s22], [sflag:$0x2], $0x80, s14, s20, $0xb8;
	[tilespmem:$0x1CA00] =	vst v63  }
0x17d: {  	_ =	swait.ge [sflag:s18], $0x4000  }
0x17e: {  	s14 =	smov.u32 s23;
	[sflag:s18] =	ssyncset.done $0x0  }
0x17f: {  	s14 =	sadd.s32 s8, s16;
	[sflag:s18] =	ssyncadd.s32 $0xFFFFC000  }
0x180: {  	[tilespmem:s3], [sflag:$0x2] =	stream.linear.gather [hbm4b:s14+s3], $0x500, $0x38;
	[tilespmem:$0x1CA00] =	vst v63  }
0x181: {  	_ =	swait.ge [sflag:s18], $0x500  }
0x182: {  	[sflag:s18] =	ssyncset.done $0x0  }
0x183: {  	s23 =	sadd.s32 s8, s15;
	[sflag:s18] =	ssyncadd.s32 $0xFFFFFB00  }
0x184: {  	[tilespmem:s19], [sflag:$0x2] =	stream.linear.gather [hbm4b:s23+s3], $0x500, $0x38;
	[tilespmem:$0x1CA00] =	vst v63  }
0x185: {  	_ =	swait.ge [sflag:s18], $0x500  }
0x186: {  	[sflag:s18] =	ssyncset.done $0x0  }
0x187: {  	[sflag:s18] =	ssyncadd.s32 $0xFFFFFB00  }
0x188: {  	[tilespmem:s17], [sflag:$0x1] =	stream.indirect.gather [hbm4b:s4+s20], $0x80, s3, s20, $0xb8;
	[tilespmem:$0x1CA00] =	vst v63  }
0x189: {  	_ =	swait.ge [sflag:s21], $0x4000  }
0x18a: {  	[sflag:s21] =	ssyncset.done $0x0  }
0x18b: {  	[sflag:s21] =	ssyncadd.s32 $0xFFFFC000  }
0x18c: {  	[tilespmem:s22], [sflag:$0x1] =	stream.indirect.gather [hbm4b:s4+s20], $0x80, s20, s20, $0xb8;
	[tilespmem:$0x1CA00] =	vst v63  }
0x18d: {  	_ = 	snop  }
0x18e: {  	[spmem:s2] =	stream.indirect.scatter.add.f32 [tilespmem:s17], [sflag:$0x2], $0x80, s19, s20, $0xb8;
	[tilespmem:$0x1CA00] =	vst v63  }
0x18f: {  	_ =	swait.ge [sflag:s18], $0x4000  }
0x190: {  	[sflag:s18] =	ssyncset.done $0x0  }
0x191: {  	[sflag:s18] =	ssyncadd.s32 $0xFFFFC000  }
0x192: {  	_ =	swait.ge [sflag:s21], $0x4000  }
0x193: {  	[sflag:s21] =	ssyncset.done $0x0  }
0x194: {  	[sflag:s21] =	ssyncadd.s32 $0xFFFFC000  }
0x195: {  	[tilespmem:s17], [sflag:$0x1] =	stream.indirect.gather [hbm4b:s4+s20], $0x80, s25, s20, $0xb8;
	[tilespmem:$0x1CA00] =	vst v63  }
0x196: {  	_ = 	snop  }
0x197: {  	[spmem:s2] =	stream.indirect.scatter.add.f32 [tilespmem:s22], [sflag:$0x2], $0x80, s24, s20, $0xb8;
	[tilespmem:$0x1CA00] =	vst v63  }
0x198: {  	_ =	swait.ge [sflag:s18], $0x4000  }
0x199: {  	[sflag:s18] =	ssyncset.done $0x0  }
0x19a: {  	[sflag:s18] =	ssyncadd.s32 $0xFFFFC000  }
0x19b: {  	_ =	swait.ge [sflag:s21], $0x4000  }
0x19c: {  	[sflag:s21] =	ssyncset.done $0x0  }
0x19d: {  	[sflag:s21] =	ssyncadd.s32 $0xFFFFC000  }
0x19e: {  	[tilespmem:s22], [sflag:$0x1] =	stream.indirect.gather [hbm4b:s4+s20], $0x80, s26, s20, $0xb8;
	[tilespmem:$0x1CA00] =	vst v63  }
0x19f: {  	_ = 	snop  }
0x1a0: {  	[spmem:s2] =	stream.indirect.scatter.add.f32 [tilespmem:s17], [sflag:$0x2], $0x80, s28, s20, $0xb8;
	[tilespmem:$0x1CA00] =	vst v63  }
0x1a1: {  	_ =	swait.ge [sflag:s18], $0x4000  }
0x1a2: {  	[sflag:s18] =	ssyncset.done $0x0  }
0x1a3: {  	[sflag:s18] =	ssyncadd.s32 $0xFFFFC000  }
0x1a4: {  	_ =	swait.ge [sflag:s21], $0x4000  }
0x1a5: {  	[sflag:s21] =	ssyncset.done $0x0  }
0x1a6: {  	[sflag:s21] =	ssyncadd.s32 $0xFFFFC000  }
0x1a7: {  	[tilespmem:s17], [sflag:$0x1] =	stream.indirect.gather [hbm4b:s4+s20], $0x80, s29, s20, $0xb8;
	[tilespmem:$0x1CA00] =	vst v63  }
0x1a8: {  	_ = 	snop  }
0x1a9: {  	[spmem:s2] =	stream.indirect.scatter.add.f32 [tilespmem:s22], [sflag:$0x2], $0x80, s30, s20, $0xb8;
	[tilespmem:$0x1CA00] =	vst v63  }
0x1aa: {  	_ =	swait.ge [sflag:s18], $0x4000  }
0x1ab: {  	[sflag:s18] =	ssyncset.done $0x0  }
0x1ac: {  	[sflag:s18] =	ssyncadd.s32 $0xFFFFC000  }
0x1ad: {  	_ =	swait.ge [sflag:s21], $0x4000  }
0x1ae: {  	[sflag:s21] =	ssyncset.done $0x0  }
0x1af: {  	[sflag:s21] =	ssyncadd.s32 $0xFFFFC000  }
0x1b0: {  	[tilespmem:s22], [sflag:$0x1] =	stream.indirect.gather [hbm4b:s4+s20], $0x80, s31, s20, $0xb8;
	[tilespmem:$0x1CA00] =	vst v63  }
0x1b1: {  	_ = 	snop  }
0x1b2: {  	[spmem:s2] =	stream.indirect.scatter.add.f32 [tilespmem:s17], [sflag:$0x2], $0x80, s0, s20, $0xb8;
	[tilespmem:$0x1CA00] =	vst v63  }
0x1b3: {  	_ =	swait.ge [sflag:s18], $0x4000  }
0x1b4: {  	[sflag:s18] =	ssyncset.done $0x0  }
0x1b5: {  	[sflag:s18] =	ssyncadd.s32 $0xFFFFC000  }
0x1b6: {  	_ =	swait.ge [sflag:s21], $0x4000  }
0x1b7: {  	[sflag:s21] =	ssyncset.done $0x0  }
0x1b8: {  	[sflag:s21] =	ssyncadd.s32 $0xFFFFC000  }
0x1b9: {  	[tilespmem:s17], [sflag:$0x1] =	stream.indirect.gather [hbm4b:s4+s20], $0x80, s6, s20, $0xb8;
	[tilespmem:$0x1CA00] =	vst v63  }
0x1ba: {  	_ = 	snop  }
0x1bb: {  	[spmem:s2] =	stream.indirect.scatter.add.f32 [tilespmem:s22], [sflag:$0x2], $0x80, s7, s20, $0xb8;
	[tilespmem:$0x1CA00] =	vst v63  }
0x1bc: {  	_ =	swait.ge [sflag:s18], $0x4000  }
0x1bd: {  	[sflag:s18] =	ssyncset.done $0x0  }
0x1be: {  	[sflag:s18] =	ssyncadd.s32 $0xFFFFC000  }
0x1bf: {  	_ =	swait.ge [sflag:s21], $0x4000  }
0x1c0: {  	[sflag:s21] =	ssyncset.done $0x0  }
0x1c1: {  	[sflag:s21] =	ssyncadd.s32 $0xFFFFC000  }
0x1c2: {  	[tilespmem:s22], [sflag:$0x1] =	stream.indirect.gather [hbm4b:s4+s20], $0x80, s1, s20, $0xb8;
	[tilespmem:$0x1CA00] =	vst v63  }
0x1c3: {  	_ = 	snop  }
0x1c4: {  	[spmem:s2] =	stream.indirect.scatter.add.f32 [tilespmem:s17], [sflag:$0x2], $0x80, s9, s20, $0xb8;
	[tilespmem:$0x1CA00] =	vst v63  }
0x1c5: {  	_ =	swait.ge [sflag:s18], $0x4000  }
0x1c6: {  	[sflag:s18] =	ssyncset.done $0x0  }
0x1c7: {  	[sflag:s18] =	ssyncadd.s32 $0xFFFFC000  }
0x1c8: {  	_ =	swait.ge [sflag:s21], $0x4000  }
0x1c9: {  	[sflag:s21] =	ssyncset.done $0x0  }
0x1ca: {  	[sflag:s21] =	ssyncadd.s32 $0xFFFFC000  }
0x1cb: {  	[tilespmem:s17], [sflag:$0x1] =	stream.indirect.gather [hbm4b:s4+s20], $0x80, s10, s20, $0xb8;
	[tilespmem:$0x1CA00] =	vst v63  }
0x1cc: {  	_ = 	snop  }
0x1cd: {  	[spmem:s2] =	stream.indirect.scatter.add.f32 [tilespmem:s22], [sflag:$0x2], $0x80, s11, s20, $0xb8;
	[tilespmem:$0x1CA00] =	vst v63  }
0x1ce: {  	_ =	swait.ge [sflag:s18], $0x4000  }
0x1cf: {  	[sflag:s18] =	ssyncset.done $0x0  }
0x1d0: {  	[sflag:s18] =	ssyncadd.s32 $0xFFFFC000  }
0x1d1: {  	_ =	swait.ge [sflag:s21], $0x4000  }
0x1d2: {  	[sflag:s21] =	ssyncset.done $0x0  }
0x1d3: {  	[sflag:s21] =	ssyncadd.s32 $0xFFFFC000  }
0x1d4: {  	[tilespmem:s22], [sflag:$0x1] =	stream.indirect.gather [hbm4b:s4+s20], $0x80, s12, s20, $0xb8;
	[tilespmem:$0x1CA00] =	vst v63  }
0x1d5: {  	_ = 	snop  }
0x1d6: {  	[spmem:s2] =	stream.indirect.scatter.add.f32 [tilespmem:s17], [sflag:$0x2], $0x80, s13, s20, $0xb8;
	[tilespmem:$0x1CA00] =	vst v63  }
0x1d7: {  	s26 =	simm.s32 $0x980;
	_ =	swait.ge [sflag:s18], $0x4000  }
0x1d8: {  	s28 =	simm.s32 $0x200;
	s29 =	simm.s32 $0x680;
	[sflag:s18] =	ssyncset.done $0x0  }
0x1d9: {  	s30 =	simm.s32 $0x280;
	s0 =	simm.s32 $0x700;
	[sflag:s18] =	ssyncadd.s32 $0xFFFFC000  }
0x1da: {  	s6 =	simm.s32 $0x300;
	s7 =	simm.s32 $0x780;
	_ =	swait.ge [sflag:s21], $0x4000  }
0x1db: {  	s1 =	simm.s32 $0x380;
	s9 =	simm.s32 $0x800;
	[sflag:s21] =	ssyncset.done $0x0  }
.Ltmp5:
0x1dc: {  	s10 =	simm.s32 $0x400;
	[sflag:s21] =	ssyncadd.s32 $0xFFFFC000;
	(pc) =	sbr.rel .LBB2_10-.Ltmp5, $4  }
0x1dd: {  	[spmem:s2] =	stream.indirect.scatter.add.f32 [tilespmem:s22], [sflag:$0x2], $0x80, s26, s20, $0xb8;
	[tilespmem:$0x1CA00] =	vst v63  }
0x1de: {  	s11 =	simm.s32 $0x880;
	s12 =	simm.s32 $0x480;
	_ =	swait.ge [sflag:s18], $0x4000  }
0x1df: {  	s13 =	simm.s32 $0x900;
	[sflag:s18] =	ssyncset.done $0x0;
	s8 =	rddreg [dreg:$0x4]  }
0x1e0: {  	s26 =	simm.s32 $0x600;
	s31 =	rddreg [dreg:$0xd];
	[sflag:s18] =	ssyncadd.s32 $0xFFFFC000  }
.LBB2_7:
0x1e1: {  	[tilespmem:s3], [sflag:$0x2] =	stream.linear.gather [hbm4b:s8+s3], $0x500, $0x38;
	[tilespmem:$0x1CA00] =	vst v63  }
0x1e2: {  	_ =	swait.ge [sflag:s18], $0x500  }
0x1e3: {  	[sflag:s18] =	ssyncset.done $0x0  }
0x1e4: {  	s24 =	sadd.s32 $0x0, s15;
	[sflag:s18] =	ssyncadd.s32 $0xFFFFFB00  }
0x1e5: {  	[tilespmem:s19], [sflag:$0x2] =	stream.linear.gather [hbm4b:s24+s3], $0x500, $0x38;
	[tilespmem:$0x1CA00] =	vst v63  }
0x1e6: {  	_ =	swait.ge [sflag:s18], $0x500  }
0x1e7: {  	[sflag:s18] =	ssyncset.done $0x0  }
0x1e8: {  	[sflag:s18] =	ssyncadd.s32 $0xFFFFFB00  }
0x1e9: {  	[tilespmem:s17], [sflag:$0x1] =	stream.indirect.gather [hbm4b:s5+s20], $0x80, s3, s20, $0xb8;
	[tilespmem:$0x1CA00] =	vst v63  }
0x1ea: {  	_ =	swait.ge [sflag:s21], $0x4000  }
0x1eb: {  	[sflag:s21] =	ssyncset.done $0x0  }
0x1ec: {  	[sflag:s21] =	ssyncadd.s32 $0xFFFFC000  }
0x1ed: {  	[tilespmem:s22], [sflag:$0x1] =	stream.indirect.gather [hbm4b:s5+s20], $0x80, s20, s20, $0xb8;
	[tilespmem:$0x1CA00] =	vst v63  }
0x1ee: {  	_ = 	snop  }
0x1ef: {  	[spmem:s2] =	stream.indirect.scatter.add.f32 [tilespmem:s17], [sflag:$0x2], $0x80, s19, s20, $0xb8;
	[tilespmem:$0x1CA00] =	vst v63  }
0x1f0: {  	_ =	swait.ge [sflag:s18], $0x4000  }
0x1f1: {  	[sflag:s18] =	ssyncset.done $0x0  }
0x1f2: {  	[sflag:s18] =	ssyncadd.s32 $0xFFFFC000  }
0x1f3: {  	_ =	swait.ge [sflag:s21], $0x4000  }
0x1f4: {  	[sflag:s21] =	ssyncset.done $0x0  }
0x1f5: {  	[sflag:s21] =	ssyncadd.s32 $0xFFFFC000  }
0x1f6: {  	[tilespmem:s17], [sflag:$0x1] =	stream.indirect.gather [hbm4b:s5+s20], $0x80, s25, s20, $0xb8;
	[tilespmem:$0x1CA00] =	vst v63  }
0x1f7: {  	s25 =	simm.s32 $0x580  }
0x1f8: {  	[spmem:s2] =	stream.indirect.scatter.add.f32 [tilespmem:s22], [sflag:$0x2], $0x80, s25, s20, $0xb8;
	[tilespmem:$0x1CA00] =	vst v63  }
0x1f9: {  	_ =	swait.ge [sflag:s18], $0x4000  }
0x1fa: {  	[sflag:s18] =	ssyncset.done $0x0  }
0x1fb: {  	[sflag:s18] =	ssyncadd.s32 $0xFFFFC000  }
0x1fc: {  	_ =	swait.ge [sflag:s21], $0x4000  }
0x1fd: {  	[sflag:s21] =	ssyncset.done $0x0  }
0x1fe: {  	[sflag:s21] =	ssyncadd.s32 $0xFFFFC000  }
0x1ff: {  	[tilespmem:s22], [sflag:$0x1] =	stream.indirect.gather [hbm4b:s5+s20], $0x80, s23, s20, $0xb8;
	[tilespmem:$0x1CA00] =	vst v63  }
0x200: {  	_ = 	snop  }
0x201: {  	[spmem:s2] =	stream.indirect.scatter.add.f32 [tilespmem:s17], [sflag:$0x2], $0x80, s26, s20, $0xb8;
	[tilespmem:$0x1CA00] =	vst v63  }
0x202: {  	_ =	swait.ge [sflag:s18], $0x4000  }
0x203: {  	[sflag:s18] =	ssyncset.done $0x0  }
0x204: {  	[sflag:s18] =	ssyncadd.s32 $0xFFFFC000  }
0x205: {  	_ =	swait.ge [sflag:s21], $0x4000  }
0x206: {  	[sflag:s21] =	ssyncset.done $0x0  }
0x207: {  	[sflag:s21] =	ssyncadd.s32 $0xFFFFC000  }
0x208: {  	[tilespmem:s17], [sflag:$0x1] =	stream.indirect.gather [hbm4b:s5+s20], $0x80, s28, s20, $0xb8;
	[tilespmem:$0x1CA00] =	vst v63  }
0x209: {  	_ = 	snop  }
0x20a: {  	[spmem:s2] =	stream.indirect.scatter.add.f32 [tilespmem:s22], [sflag:$0x2], $0x80, s29, s20, $0xb8;
	[tilespmem:$0x1CA00] =	vst v63  }
0x20b: {  	_ =	swait.ge [sflag:s18], $0x4000  }
0x20c: {  	[sflag:s18] =	ssyncset.done $0x0  }
0x20d: {  	[sflag:s18] =	ssyncadd.s32 $0xFFFFC000  }
0x20e: {  	_ =	swait.ge [sflag:s21], $0x4000  }
0x20f: {  	[sflag:s21] =	ssyncset.done $0x0  }
0x210: {  	[sflag:s21] =	ssyncadd.s32 $0xFFFFC000  }
0x211: {  	[tilespmem:s22], [sflag:$0x1] =	stream.indirect.gather [hbm4b:s5+s20], $0x80, s30, s20, $0xb8;
	[tilespmem:$0x1CA00] =	vst v63  }
0x212: {  	_ = 	snop  }
0x213: {  	[spmem:s2] =	stream.indirect.scatter.add.f32 [tilespmem:s17], [sflag:$0x2], $0x80, s0, s20, $0xb8;
	[tilespmem:$0x1CA00] =	vst v63  }
0x214: {  	_ =	swait.ge [sflag:s18], $0x4000  }
0x215: {  	[sflag:s18] =	ssyncset.done $0x0  }
0x216: {  	[sflag:s18] =	ssyncadd.s32 $0xFFFFC000  }
0x217: {  	_ =	swait.ge [sflag:s21], $0x4000  }
0x218: {  	[sflag:s21] =	ssyncset.done $0x0  }
0x219: {  	[sflag:s21] =	ssyncadd.s32 $0xFFFFC000  }
0x21a: {  	[tilespmem:s17], [sflag:$0x1] =	stream.indirect.gather [hbm4b:s5+s20], $0x80, s6, s20, $0xb8;
	[tilespmem:$0x1CA00] =	vst v63  }
0x21b: {  	_ = 	snop  }
0x21c: {  	[spmem:s2] =	stream.indirect.scatter.add.f32 [tilespmem:s22], [sflag:$0x2], $0x80, s7, s20, $0xb8;
	[tilespmem:$0x1CA00] =	vst v63  }
0x21d: {  	_ =	swait.ge [sflag:s18], $0x4000  }
0x21e: {  	[sflag:s18] =	ssyncset.done $0x0  }
0x21f: {  	[sflag:s18] =	ssyncadd.s32 $0xFFFFC000  }
0x220: {  	_ =	swait.ge [sflag:s21], $0x4000  }
0x221: {  	[sflag:s21] =	ssyncset.done $0x0  }
0x222: {  	[sflag:s21] =	ssyncadd.s32 $0xFFFFC000  }
0x223: {  	[tilespmem:s22], [sflag:$0x1] =	stream.indirect.gather [hbm4b:s5+s20], $0x80, s1, s20, $0xb8;
	[tilespmem:$0x1CA00] =	vst v63  }
0x224: {  	_ = 	snop  }
0x225: {  	[spmem:s2] =	stream.indirect.scatter.add.f32 [tilespmem:s17], [sflag:$0x2], $0x80, s9, s20, $0xb8;
	[tilespmem:$0x1CA00] =	vst v63  }
0x226: {  	_ =	swait.ge [sflag:s18], $0x4000  }
0x227: {  	[sflag:s18] =	ssyncset.done $0x0  }
0x228: {  	[sflag:s18] =	ssyncadd.s32 $0xFFFFC000  }
0x229: {  	_ =	swait.ge [sflag:s21], $0x4000  }
0x22a: {  	[sflag:s21] =	ssyncset.done $0x0  }
0x22b: {  	[sflag:s21] =	ssyncadd.s32 $0xFFFFC000  }
0x22c: {  	[tilespmem:s17], [sflag:$0x1] =	stream.indirect.gather [hbm4b:s5+s20], $0x80, s10, s20, $0xb8;
	[tilespmem:$0x1CA00] =	vst v63  }
0x22d: {  	_ = 	snop  }
0x22e: {  	[spmem:s2] =	stream.indirect.scatter.add.f32 [tilespmem:s22], [sflag:$0x2], $0x80, s11, s20, $0xb8;
	[tilespmem:$0x1CA00] =	vst v63  }
0x22f: {  	_ =	swait.ge [sflag:s18], $0x4000  }
0x230: {  	[sflag:s18] =	ssyncset.done $0x0  }
0x231: {  	[sflag:s18] =	ssyncadd.s32 $0xFFFFC000  }
0x232: {  	_ =	swait.ge [sflag:s21], $0x4000  }
0x233: {  	[sflag:s21] =	ssyncset.done $0x0  }
0x234: {  	[sflag:s21] =	ssyncadd.s32 $0xFFFFC000  }
0x235: {  	[tilespmem:s22], [sflag:$0x1] =	stream.indirect.gather [hbm4b:s5+s20], $0x80, s12, s20, $0xb8;
	[tilespmem:$0x1CA00] =	vst v63  }
0x236: {  	s8 =	simm.s32 $0xA0  }
0x237: {  	[spmem:s2] =	stream.indirect.scatter.add.f32 [tilespmem:s17], [sflag:$0x2], $0x80, s13, s20, $0xb8;
	[tilespmem:$0x1CA00] =	vst v63  }
0x238: {  	s31 =	simm.s32 $0x280;
	s23 =	simm.s32 $0x140;
	_ =	swait.ge [sflag:s18], $0x4000  }
0x239: {  	s26 =	simm.s32 $0x980;
	s28 =	simm.s32 $0x600;
	[sflag:s18] =	ssyncset.done $0x0  }
0x23a: {  	s29 =	simm.s32 $0x200;
	s30 =	simm.s32 $0x680;
	[sflag:s18] =	ssyncadd.s32 $0xFFFFC000  }
0x23b: {  	s0 =	simm.s32 $0x700;
	s6 =	simm.s32 $0x300;
	_ =	swait.ge [sflag:s21], $0x4000  }
0x23c: {  	s7 =	simm.s32 $0x780;
	s1 =	simm.s32 $0x380;
	[sflag:s21] =	ssyncset.done $0x0  }
0x23d: {  	s9 =	simm.s32 $0x800;
	s10 =	simm.s32 $0x400;
	[sflag:s21] =	ssyncadd.s32 $0xFFFFC000  }
0x23e: {  	[spmem:s2] =	stream.indirect.scatter.add.f32 [tilespmem:s22], [sflag:$0x2], $0x80, s26, s20, $0xb8;
	[tilespmem:$0x1CA00] =	vst v63  }
0x23f: {  	s11 =	simm.s32 $0x880;
	s12 =	simm.s32 $0x480;
	_ =	swait.ge [sflag:s18], $0x4000  }
0x240: {  	s13 =	simm.s32 $0x900;
	s26 =	simm.s32 $0x180;
	[sflag:s18] =	ssyncset.done $0x0  }
.LBB2_8:
0x241: {  	s24 =	sadd.s32 s8, s16  }
0x242: {  	[sflag:s18] =	ssyncadd.s32 $0xFFFFC000;
	s25 =	smov.u32 s23;
	s14 =	sadd.s32 $0xA0, s23  }
0x243: {  	[tilespmem:s3], [sflag:$0x2] =	stream.linear.gather [hbm4b:s24+s3], $0x500, $0x38;
	[tilespmem:$0x1CA00] =	vst v63  }
0x244: {  	s24 =	simm.s32 $0x580  }
0x245: {  	p1 =	sne.s32 s23, $0x960;
	_ =	swait.ge [sflag:s18], $0x500  }
0x246: {  	s23 =	sadd.s32 s8, s15;
	[sflag:s18] =	ssyncset.done $0x0  }
0x247: {  	s8 =	smov.u32 s25;
	s25 =	simm.s32 $0x100;
	[sflag:s18] =	ssyncadd.s32 $0xFFFFFB00  }
0x248: {  	[tilespmem:s19], [sflag:$0x2] =	stream.linear.gather [hbm4b:s23+s3], $0x500, $0x38;
	[tilespmem:$0x1CA00] =	vst v63  }
0x249: {  	_ =	swait.ge [sflag:s18], $0x500  }
0x24a: {  	[sflag:s18] =	ssyncset.done $0x0  }
0x24b: {  	[sflag:s18] =	ssyncadd.s32 $0xFFFFFB00  }
0x24c: {  	[tilespmem:s17], [sflag:$0x1] =	stream.indirect.gather [hbm4b:s5+s20], $0x80, s3, s20, $0xb8;
	[tilespmem:$0x1CA00] =	vst v63  }
0x24d: {  	_ =	swait.ge [sflag:s21], $0x4000  }
0x24e: {  	[sflag:s21] =	ssyncset.done $0x0  }
0x24f: {  	[sflag:s21] =	ssyncadd.s32 $0xFFFFC000  }
0x250: {  	[tilespmem:s22], [sflag:$0x1] =	stream.indirect.gather [hbm4b:s5+s20], $0x80, s20, s20, $0xb8;
	[tilespmem:$0x1CA00] =	vst v63  }
0x251: {  	_ = 	snop  }
0x252: {  	[spmem:s2] =	stream.indirect.scatter.add.f32 [tilespmem:s17], [sflag:$0x2], $0x80, s19, s20, $0xb8;
	[tilespmem:$0x1CA00] =	vst v63  }
0x253: {  	_ =	swait.ge [sflag:s18], $0x4000  }
0x254: {  	[sflag:s18] =	ssyncset.done $0x0  }
0x255: {  	[sflag:s18] =	ssyncadd.s32 $0xFFFFC000  }
0x256: {  	_ =	swait.ge [sflag:s21], $0x4000  }
0x257: {  	[sflag:s21] =	ssyncset.done $0x0  }
0x258: {  	[sflag:s21] =	ssyncadd.s32 $0xFFFFC000  }
0x259: {  	[tilespmem:s17], [sflag:$0x1] =	stream.indirect.gather [hbm4b:s5+s20], $0x80, s25, s20, $0xb8;
	[tilespmem:$0x1CA00] =	vst v63  }
0x25a: {  	_ = 	snop  }
0x25b: {  	[spmem:s2] =	stream.indirect.scatter.add.f32 [tilespmem:s22], [sflag:$0x2], $0x80, s24, s20, $0xb8;
	[tilespmem:$0x1CA00] =	vst v63  }
0x25c: {  	_ =	swait.ge [sflag:s18], $0x4000  }
0x25d: {  	[sflag:s18] =	ssyncset.done $0x0  }
0x25e: {  	[sflag:s18] =	ssyncadd.s32 $0xFFFFC000  }
0x25f: {  	_ =	swait.ge [sflag:s21], $0x4000  }
0x260: {  	[sflag:s21] =	ssyncset.done $0x0  }
0x261: {  	[sflag:s21] =	ssyncadd.s32 $0xFFFFC000  }
0x262: {  	[tilespmem:s22], [sflag:$0x1] =	stream.indirect.gather [hbm4b:s5+s20], $0x80, s26, s20, $0xb8;
	[tilespmem:$0x1CA00] =	vst v63  }
0x263: {  	_ = 	snop  }
0x264: {  	[spmem:s2] =	stream.indirect.scatter.add.f32 [tilespmem:s17], [sflag:$0x2], $0x80, s28, s20, $0xb8;
	[tilespmem:$0x1CA00] =	vst v63  }
0x265: {  	_ =	swait.ge [sflag:s18], $0x4000  }
0x266: {  	[sflag:s18] =	ssyncset.done $0x0  }
0x267: {  	[sflag:s18] =	ssyncadd.s32 $0xFFFFC000  }
0x268: {  	_ =	swait.ge [sflag:s21], $0x4000  }
0x269: {  	[sflag:s21] =	ssyncset.done $0x0  }
0x26a: {  	[sflag:s21] =	ssyncadd.s32 $0xFFFFC000  }
0x26b: {  	[tilespmem:s17], [sflag:$0x1] =	stream.indirect.gather [hbm4b:s5+s20], $0x80, s29, s20, $0xb8;
	[tilespmem:$0x1CA00] =	vst v63  }
0x26c: {  	_ = 	snop  }
0x26d: {  	[spmem:s2] =	stream.indirect.scatter.add.f32 [tilespmem:s22], [sflag:$0x2], $0x80, s30, s20, $0xb8;
	[tilespmem:$0x1CA00] =	vst v63  }
0x26e: {  	_ =	swait.ge [sflag:s18], $0x4000  }
0x26f: {  	[sflag:s18] =	ssyncset.done $0x0  }
0x270: {  	[sflag:s18] =	ssyncadd.s32 $0xFFFFC000  }
0x271: {  	_ =	swait.ge [sflag:s21], $0x4000  }
0x272: {  	[sflag:s21] =	ssyncset.done $0x0  }
0x273: {  	[sflag:s21] =	ssyncadd.s32 $0xFFFFC000  }
0x274: {  	[tilespmem:s22], [sflag:$0x1] =	stream.indirect.gather [hbm4b:s5+s20], $0x80, s31, s20, $0xb8;
	[tilespmem:$0x1CA00] =	vst v63  }
0x275: {  	_ = 	snop  }
0x276: {  	[spmem:s2] =	stream.indirect.scatter.add.f32 [tilespmem:s17], [sflag:$0x2], $0x80, s0, s20, $0xb8;
	[tilespmem:$0x1CA00] =	vst v63  }
0x277: {  	_ =	swait.ge [sflag:s18], $0x4000  }
0x278: {  	[sflag:s18] =	ssyncset.done $0x0  }
0x279: {  	[sflag:s18] =	ssyncadd.s32 $0xFFFFC000  }
0x27a: {  	_ =	swait.ge [sflag:s21], $0x4000  }
0x27b: {  	[sflag:s21] =	ssyncset.done $0x0  }
0x27c: {  	[sflag:s21] =	ssyncadd.s32 $0xFFFFC000  }
0x27d: {  	[tilespmem:s17], [sflag:$0x1] =	stream.indirect.gather [hbm4b:s5+s20], $0x80, s6, s20, $0xb8;
	[tilespmem:$0x1CA00] =	vst v63  }
0x27e: {  	_ = 	snop  }
0x27f: {  	[spmem:s2] =	stream.indirect.scatter.add.f32 [tilespmem:s22], [sflag:$0x2], $0x80, s7, s20, $0xb8;
	[tilespmem:$0x1CA00] =	vst v63  }
0x280: {  	_ =	swait.ge [sflag:s18], $0x4000  }
0x281: {  	[sflag:s18] =	ssyncset.done $0x0  }
0x282: {  	[sflag:s18] =	ssyncadd.s32 $0xFFFFC000  }
0x283: {  	_ =	swait.ge [sflag:s21], $0x4000  }
0x284: {  	[sflag:s21] =	ssyncset.done $0x0  }
0x285: {  	[sflag:s21] =	ssyncadd.s32 $0xFFFFC000  }
0x286: {  	[tilespmem:s22], [sflag:$0x1] =	stream.indirect.gather [hbm4b:s5+s20], $0x80, s1, s20, $0xb8;
	[tilespmem:$0x1CA00] =	vst v63  }
0x287: {  	_ = 	snop  }
0x288: {  	[spmem:s2] =	stream.indirect.scatter.add.f32 [tilespmem:s17], [sflag:$0x2], $0x80, s9, s20, $0xb8;
	[tilespmem:$0x1CA00] =	vst v63  }
0x289: {  	_ =	swait.ge [sflag:s18], $0x4000  }
0x28a: {  	[sflag:s18] =	ssyncset.done $0x0  }
0x28b: {  	[sflag:s18] =	ssyncadd.s32 $0xFFFFC000  }
0x28c: {  	_ =	swait.ge [sflag:s21], $0x4000  }
0x28d: {  	[sflag:s21] =	ssyncset.done $0x0  }
0x28e: {  	[sflag:s21] =	ssyncadd.s32 $0xFFFFC000  }
0x28f: {  	[tilespmem:s17], [sflag:$0x1] =	stream.indirect.gather [hbm4b:s5+s20], $0x80, s10, s20, $0xb8;
	[tilespmem:$0x1CA00] =	vst v63  }
0x290: {  	_ = 	snop  }
0x291: {  	[spmem:s2] =	stream.indirect.scatter.add.f32 [tilespmem:s22], [sflag:$0x2], $0x80, s11, s20, $0xb8;
	[tilespmem:$0x1CA00] =	vst v63  }
0x292: {  	_ =	swait.ge [sflag:s18], $0x4000  }
0x293: {  	[sflag:s18] =	ssyncset.done $0x0  }
0x294: {  	[sflag:s18] =	ssyncadd.s32 $0xFFFFC000  }
0x295: {  	_ =	swait.ge [sflag:s21], $0x4000  }
0x296: {  	[sflag:s21] =	ssyncset.done $0x0  }
0x297: {  	[sflag:s21] =	ssyncadd.s32 $0xFFFFC000  }
0x298: {  	[tilespmem:s22], [sflag:$0x1] =	stream.indirect.gather [hbm4b:s5+s20], $0x80, s12, s20, $0xb8;
	[tilespmem:$0x1CA00] =	vst v63  }
0x299: {  	_ = 	snop  }
0x29a: {  	[spmem:s2] =	stream.indirect.scatter.add.f32 [tilespmem:s17], [sflag:$0x2], $0x80, s13, s20, $0xb8;
	[tilespmem:$0x1CA00] =	vst v63  }
0x29b: {  	_ =	swait.ge [sflag:s18], $0x4000  }
0x29c: {  	[sflag:s18] =	ssyncset.done $0x0  }
0x29d: {  	[sflag:s18] =	ssyncadd.s32 $0xFFFFC000  }
0x29e: {  	_ =	swait.ge [sflag:s21], $0x4000  }
.Ltmp6:
0x29f: {  	[sflag:s21] =	ssyncset.done $0x0;
	(pc) =	sbr.rel @p1 .LBB2_8-.Ltmp6, $4  }
0x2a0: {  	s23 =	simm.s32 $0x980;
	[sflag:s21] =	ssyncadd.s32 $0xFFFFC000  }
0x2a1: {  	[spmem:s2] =	stream.indirect.scatter.add.f32 [tilespmem:s22], [sflag:$0x2], $0x80, s23, s20, $0xb8;
	[tilespmem:$0x1CA00] =	vst v63  }
0x2a2: {  	_ =	swait.ge [sflag:s18], $0x4000  }
0x2a3: {  	s23 =	smov.u32 s14;
	[sflag:s18] =	ssyncset.done $0x0  }
.Ltmp7:
0x2a4: {  	_ = 	snop;
	(pc) =	sbr.rel .LBB2_9-.Ltmp7, $1  }
0x2a5: {  	_ =	sdelay $0x3  }
.LBB2_11:
0x2a6: {  	_ =	sfence.sel $0x180000  }
0x2a7: {  	[bflag:$0x0] =	sbarrier.arrive $0xFFFF  }
0x2a8: {  	_ =	strace $0x9000004A  }
0x2a9: {  	s0 =	stileid.u32;
	[bflag:$0x2] =	sbarrier.arrive $0xFFFF  }
0x2aa: {  	p0 =	sne.s32 s0, $0x0;
	s0 =	rddreg [dreg:$0x3]  }
0x2ab: {  	s0 =	sadd.s32 @!p0 $0x100000, s0  }
0x2ac: {  	[sflag:s0] =	ssyncadd.tile.s32 @!p0 $0x1;
	_ =	shalt  }
.Lfunc_end2:
_tile_overlayer_lowered:
.L_overlay_start_2:
0x2ad: {  	(tag) =	ssettag $0x2  }
0x2ae: {  	s0 =	rddreg [dreg:$0x0];
	s2 =	stileid.u32  }
0x2af: {  	s1 =	rddreg [dreg:$0x1];
	p0 =	sne.s32 s2, $0x0  }
0x2b0: {  	s3 =	rddreg [dreg:$0x2];
	[bflag:$0x3] =	sbarrier.arrive $0xFFFF;
	s2 =	simm.s32 @!p0 $0x1C02  }
0x2b1: {  	[timem:s3], [sflag:s2] =	dma.local @!p0 [hbm:s0], s1  }
0x2b2: {  	s0 =	simm.s32 @!p0 $0x2  }
0x2b3: {  	_ =	swait.ge @!p0 [sflag:s0], s1  }
0x2b4: {  	s1 =	ssub.s32 @!p0 $0x0, s1;
	[sflag:s0] =	ssyncset.done @!p0 $0x0  }
0x2b5: {  	[sflag:s0] =	ssyncadd.s32 @!p0 s1  }
0x2b6: {  	[bflag:$0x3] =	sbarrier.arrive $0xFFFF  }
0x2b7: {  	_ =	shalt  }

// kernel: kernel.14.cloned.1.call-start
scs
__scs_entry_jumppad:
0x0: {  	(pc) =	sbr.rel $0x88, $3  }
0x1: {  	(tag) =	ssettag $0x0;
	lr =	simm.s32 $0x1  }
0x2: {  	[smem:$0x3F96] =	sst lr;
	_ =	strace $0xD0000000  }
0x3: {  	_ = 	snop  }
0x4: {  	_ = 	snop  }
0x5: {  	_ = 	snop  }
0x6: {  	_ = 	snop  }
0x7: {  	_ = 	snop  }
__scs_overlays_trampoline_lowered:
0x8: {  	[smem:$0x3FA5] =	sst s0  }
0x9: {  	[smem:$0x3FA6] =	sst s1  }
0xa: {  	[smem:$0x3FA7] =	sst s2  }
0xb: {  	[smem:$0x3FA8] =	sst s3  }
0xc: {  	[smem:$0x3FA9] =	sst s4  }
0xd: {  	[smem:$0x3FAA] =	sst s5  }
0xe: {  	[smem:$0x3FAB] =	sst s6  }
0xf: {  	[smem:$0x3FAC] =	sst s7  }
0x10: {  	[smem:$0x3FAD] =	sst s8  }
0x11: {  	[smem:$0x3FAE] =	sst s9;
	s0 =	simm.s32 @!p0 $0x0  }
0x12: {  	s1 =	sld [smem:$0x3F94];
	s0 =	simm.s32 @p0 $0x1  }
0x13: {  	[smem:$0x3FAF] =	sst s0;
	s0 =	simm.s32 @!p1 $0x0  }
0x14: {  	s2 =	sld [smem:$0x3F93];
	s0 =	simm.s32 @p1 $0x1  }
0x15: {  	[smem:$0x3FB0] =	sst s0;
	s0 =	simm.s32 @!p2 $0x0  }
0x16: {  	s3 =	sld [smem:$0x3FDB];
	s0 =	simm.s32 @p2 $0x1  }
0x17: {  	s4 =	simm.s32 $0x1BF5;
	[smem:$0x3FB2] =	sst s0  }
0x18: {  	s0 =	sld [smem:$0x3F95];
	_ =	swait.ge [sflag:s4], $0x0  }
0x19: {  	s7 =	sld [smem:$0x3F96]  }
0x1a: {  	s8 =	sadd.s32 $0xFFFFE003, lr  }
0x1b: {  	s9 =	sadd.s32 $0xFFFFFEF7, lr;
	s5 =	simm.s32 $0xFFFFFFFF;
	p2 =	slt.u32 s8, $0xFFFFF086  }
0x1c: {  	p1 =	slt.u32 s9, $0xF7A;
	s5 =	simm.s32 @!p2 $0x0  }
0x1d: {  	s5 =	simm.s32 @p1 $0x1;
	p0 =	seq.s32 s7, s2  }
0x1e: {  	s7 =	smul.u32 @!p0 $0xF7A, s2;
	p2 =	seq.s32 @!p0 s5, $0x0  }
0x1f: {  	s9 =	smul.u32 $0xF7A, s1;
	s8 =	simm.s32 @!p0 $0x1BF5;
	p2 =	por !p2, p0  }
0x20: {  	[sflag:s8] =	ssyncset.s32 @!p0 $0xFFFFF086;
	s6 =	sadd.s32 @!p0 s3, s7;
	s7 =	simm.s32 @!p0 $0x108  }
0x21: {  	s3 =	sadd.s32 s3, s9;
	s6 =	sadd.s32 @!p0 $0x88, s6;
	s7 =	simm.s32 @p2 $0x1082  }
0x22: {  	[simem:s7], [sflag:s8] =	dma.local @!p0 [hbm:s6], $0xF7A  }
0x23: {  	s9 =	sor.u32 $0xD0000000, s2;
	s6 =	simm.s32 $0x108;
	_ =	swait.ge @!p0 [sflag:s8], $0x0  }
0x24: {  	s3 =	sadd.s32 $0x88, s3;
	s6 =	simm.s32 @!p1 $0x1082;
	[sflag:s4] =	ssyncset.s32 $0xFFFFF086  }
0x25: {  	[simem:s6], [sflag:s4] =	dma.local [hbm:s3], $0xF7A  }
0x26: {  	[smem:$0x3F96] =	sst s1;
	(tag) =	ssettag s2;
	_ =	strace s9  }
0x27: {  	s1 =	sld [smem:$0x3FA6]  }
0x28: {  	s2 =	sld [smem:$0x3FA7]  }
0x29: {  	s4 =	sld [smem:$0x3FA9]  }
0x2a: {  	p0 =	seq.s32 s5, $0x0;
	s5 =	sld [smem:$0x3FAA]  }
0x2b: {  	s6 =	sld [smem:$0x3FAB]  }
0x2c: {  	s7 =	sld [smem:$0x3FAC]  }
0x2d: {  	s3 =	simm.s32 $0x108;
	s8 =	sld [smem:$0x3FAD]  }
0x2e: {  	s3 =	simm.s32 @!p0 $0x1082;
	s9 =	sld [smem:$0x3FAE]  }
0x2f: {  	lr =	sadd.s32 s0, s3;
	s0 =	sld [smem:$0x3FA5]  }
0x30: {  	s3 =	sld [smem:$0x3FA8]  }
0x31: {  	[smem:$0x3FB1] =	sst s10  }
0x32: {  	s10 =	sld [smem:$0x3FAF];
	_ =	sdelay $0x3  }
0x33: {  	p0 =	seq.s32 s10, $0x1;
	s10 =	sld [smem:$0x3FB1];
	_ =	sdelay $0x3  }
0x34: {  	[smem:$0x3FB1] =	sst s10  }
0x35: {  	s10 =	sld [smem:$0x3FB0];
	_ =	sdelay $0x3  }
0x36: {  	p1 =	seq.s32 s10, $0x1;
	s10 =	sld [smem:$0x3FB1];
	_ =	sdelay $0x3  }
0x37: {  	[smem:$0x3FB1] =	sst s10  }
0x38: {  	s10 =	sld [smem:$0x3FB2]  }
0x39: {  	_ = 	snop;
	(pc) =	sbr.ind lr, $3  }
0x3a: {  	_ = 	snop  }
0x3b: {  	_ = 	snop  }
0x3c: {  	p2 =	seq.s32 s10, $0x1;
	s10 =	sld [smem:$0x3FB1]  }
0x3d: {  	_ =	shalt  }
0x3e: {  	_ =	shalt  }
0x3f: {  	_ =	shalt  }
0x40: {  	_ =	shalt  }
0x41: {  	_ =	shalt  }
0x42: {  	_ =	shalt  }
0x43: {  	_ =	shalt  }
0x44: {  	_ =	shalt  }
0x45: {  	_ =	shalt  }
0x46: {  	_ =	shalt  }
0x47: {  	_ =	shalt  }
0x48: {  	_ =	shalt  }
0x49: {  	_ =	shalt  }
0x4a: {  	_ =	shalt  }
0x4b: {  	_ =	shalt  }
0x4c: {  	_ =	shalt  }
0x4d: {  	_ =	shalt  }
0x4e: {  	_ =	shalt  }
0x4f: {  	_ =	shalt  }
0x50: {  	_ =	shalt  }
0x51: {  	_ =	shalt  }
0x52: {  	_ =	shalt  }
0x53: {  	_ =	shalt  }
0x54: {  	_ =	shalt  }
0x55: {  	_ =	shalt  }
0x56: {  	_ =	shalt  }
0x57: {  	_ =	shalt  }
0x58: {  	_ =	shalt  }
0x59: {  	_ =	shalt  }
0x5a: {  	_ =	shalt  }
0x5b: {  	_ =	shalt  }
0x5c: {  	_ =	shalt  }
0x5d: {  	_ =	shalt  }
0x5e: {  	_ =	shalt  }
0x5f: {  	_ =	shalt  }
0x60: {  	_ =	shalt  }
0x61: {  	_ =	shalt  }
0x62: {  	_ =	shalt  }
0x63: {  	_ =	shalt  }
0x64: {  	_ =	shalt  }
0x65: {  	_ =	shalt  }
0x66: {  	_ =	shalt  }
0x67: {  	_ =	shalt  }
0x68: {  	_ =	shalt  }
0x69: {  	_ =	shalt  }
0x6a: {  	_ =	shalt  }
0x6b: {  	_ =	shalt  }
0x6c: {  	_ =	shalt  }
0x6d: {  	_ =	shalt  }
0x6e: {  	_ =	shalt  }
0x6f: {  	_ =	shalt  }
0x70: {  	_ =	shalt  }
0x71: {  	_ =	shalt  }
0x72: {  	_ =	shalt  }
0x73: {  	_ =	shalt  }
0x74: {  	_ =	shalt  }
0x75: {  	_ =	shalt  }
0x76: {  	_ =	shalt  }
0x77: {  	_ =	shalt  }
0x78: {  	_ =	shalt  }
0x79: {  	_ =	shalt  }
0x7a: {  	_ =	shalt  }
0x7b: {  	_ =	shalt  }
0x7c: {  	_ =	shalt  }
0x7d: {  	_ =	shalt  }
0x7e: {  	_ =	shalt  }
0x7f: {  	_ =	shalt  }
0x80: {  	_ =	shalt  }
0x81: {  	_ =	shalt  }
0x82: {  	_ =	shalt  }
0x83: {  	_ =	shalt  }
0x84: {  	_ =	shalt  }
0x85: {  	_ =	shalt  }
0x86: {  	_ =	shalt  }
0x87: {  	_ =	shalt  }
.Lfunc_end0:
.L_simem_size_0:
called_computation.2_lowered:
.L_overlay_start_0:
0x88: {  	s2 =	sld [smem:$0x3FD9]  }
0x89: {  	s3 =	sld [smem:$0x3FFE];
	_ =	sdelay $0x1  }
0x8a: {  	s1 =	srdreg.scid  }
0x8b: {  	s0 =	sand.u32 $0x1, s1  }
0x8c: {  	s17 =	sshll.u32 s0, $0xA;
	s2 =	sadd.s32 s3, s2  }
0x8d: {  	s2 =	sadd.s32 s2, s17  }
0x8e: {  	[smem:$0x3FBD] =	sst s2  }
0x8f: {  	_ = 	snop  }
0x90: {  	s2 =	sld [smem:$0x3FD0];
	(tm) =	ssettm $0x1  }
0x91: {  	s18 =	sld [smem:$0x3FFB];
	_ =	sdelay $0x3  }
0x92: {  	_ =	strace s18  }
0x93: {  	s3 =	sld [smem:$0x3FFC];
	_ =	sdelay $0x3  }
0x94: {  	_ =	strace s3  }
0x95: {  	s3 =	sld [smem:$0x3FFD];
	_ =	sdelay $0x3  }
0x96: {  	_ =	strace s3  }
0x97: {  	_ =	strace $0x8FFFFFFF  }
0x98: {  	s19 =	sld [smem:$0x3FDB];
	_ =	sdelay $0x1  }
0x99: {  	s4 =	simm.s32 $_scs_section_size  }
0x9a: {  	s5 =	simm.s32 $_size__tile_overlayer_lowered;
	s6 =	simm.s32 $_tile_overlayer_lowered  }
0x9b: {  	s22 =	simm.s32 $0x1BFF;
	s21 =	sshll.u32 s6, $0x1;
	s3 =	sadd.s32 s4, s19  }
0x9c: {  	s7 =	simm.s32 $0x0;
	s20 =	sshll.u32 s5, $0x1;
	s5 =	sadd.s32 s21, s3  }
0x9d: {  	[timem:s7], [sflag:s22] =	dma.local [hbm:s5], s20  }
0x9e: {  	_ =	swait.ge [sflag:s22], s20  }
0x9f: {  	s4 =	ssub.s32 $0x0, s20;
	[sflag:s22] =	ssyncset.done $0x0  }
0xa0: {  	[sflag:s22] =	ssyncadd.s32 s4;
	_ =	sdelay $0x1  }
0xa1: {  	s23 =	simm.s32 $0x1B8B  }
0xa2: {  	_ =	swait.ge [sflag:s23], $0x1  }
0xa3: {  	[sflag:s23] =	ssyncset.done $0x0  }
0xa4: {  	s25 =	simm.s32 $0x1B8E;
	s24 =	sld [smem:$0x3FFE];
	[sflag:s23] =	ssyncadd.s32 $0xFFFFFFFF  }
0xa5: {  	s26 =	simm.s32 $execute0_lowered;
	[smem:$0x3FD2] =	sst s25  }
0xa6: {  	s5 =	sshll.u32 s26, $0x1;
	_ =	strace $0x8000004C;
	[dreg:$0x1] =	wrdreg $0xFFFFFFFF  }
0xa7: {  	s28 =	simm.s32 $_size_execute0_lowered;
	s3 =	sadd.s32 s3, s5;
	[dreg:$0x0] =	wrdreg $0x0  }
0xa8: {  	s5 =	sshll.u32 s28, $0x1;
	[dreg:$0x2] =	wrdreg s3  }
0xa9: {  	[dreg:$0x3] =	wrdreg s5  }
0xaa: {  	[dreg:$0x4] =	wrdreg $0xC0  }
0xab: {  	_ =	task [dreg:s7], $0x5FFFF  }
0xac: {  	[dreg:$0x1] =	wrdreg $0xFFFFFFFF  }
0xad: {  	[dreg:$0x0] =	wrdreg $0x60  }
0xae: {  	[dreg:$0x2] =	wrdreg s24  }
0xaf: {  	[dreg:$0x3] =	wrdreg s2  }
0xb0: {  	[dreg:$0x4] =	wrdreg $0x4A000  }
0xb1: {  	[dreg:$0x5] =	wrdreg $0x9  }
0xb2: {  	_ =	task.clear_ibuf [dreg:s7], $0x6FFFF;
	_ =	strace $0x9000004C  }
0xb3: {  	s29 =	simm.s32 $0x9;
	_ =	strace $0x8000004E  }
0xb4: {  	_ =	swait.ge [sflag:s29], $0x1  }
0xb5: {  	[sflag:s29] =	ssyncadd.s32 $0xFFFFFFFF  }
0xb6: {  	_ =	strace $0x9000004E  }
0xb7: {  	_ =	sfence  }
0xb8: {  	s30 =	sld [smem:$0x0];
	_ =	sdelay $0x2  }
0xb9: {  	s31 =	sshll.u32 s1, $0xD;
	s1 =	sshrl.u32 s1, $0x2  }
0xba: {  	s3 =	sand.u32 $0x4000, s31;
	s1 =	sadd.s32 s1, s30  }
0xbb: {  	s0 =	sor.u32 s3, s0;
	s1 =	sshll.u32 s1, $0x11  }
0xbc: {  	s0 =	sor.u32 s1, s0  }
0xbd: {  	s0 =	sadd.s32 $0x8F2B, s0  }
0xbe: {  	[sflag:s0] =	ssyncadd.remote.s32 $0x1  }
0xbf: {  	_ =	sfence.sel $0xFFFF  }
0xc0: {  	[dreg:$0x0] =	wrdreg $0xFFFFFFFF;
	(pc) =	sbr.abs _section_cstart, $3  }
0xc1: {  	[dreg:$0x1] =	wrdreg $0xFFFFFFFF  }
0xc2: {  	_ =	task.clear_ibuf [dreg:s7], $0x2FFFF;
	_ =	strace $0x9FFFFFFF  }
0xc3: {  	(tm) =	ssettm $0x7FFFFFFF  }
tec
execute0_lowered:
.L_overlay_start_1:
0x0: {  	(tag) =	ssettag $0x1  }
0x1: {  	s0 =	rddreg [dreg:$0x0]  }
0x2: {  	s2 =	rddreg [dreg:$0x1]  }
0x3: {  	s1 =	rddreg [dreg:$0x2];
	s3 =	simm.s32 $0x0  }
0x4: {  	s4 =	srdreg.scid;
	s12 =	stileid.u32;
	s13 =	simm.s32 $0xA00  }
0x5: {  	s14 =	simm.s32 $0x2;
	s15 =	simm.s32 $0x500;
	s16 =	simm.s32 $0x80  }
0x6: {  	s17 =	simm.s32 $0x1;
	s18 =	simm.s32 $0x2A00;
	s20 =	simm.s32 $0x580  }
0x7: {  	s28 =	simm.s32 $0x300;
	s29 =	simm.s32 $0x780;
	s30 =	simm.s32 $0x380  }
0x8: {  	s31 =	simm.s32 $0x800;
	[smem:$0x7FF] =	sst s3;
	s6 =	smul.u32 $0x28000, s12  }
0x9: {  	s5 =	sand.u32 $0x1, s4;
	s4 =	sadd.s32 $0x36400, s0;
	s10 =	smul.u32 $0xA000, s12  }
0xa: {  	s24 =	smul.u32 $0x500, s12;
	_ =	strace $0x8000004D;
	s8 =	ssub.s32 $0x2, s5  }
0xb: {  	s7 =	smul.u32 $0x5000, s5;
	p0 =	seq.s32 s5, $0x1;
	s9 =	sshrl.u32 s8, $0x1  }
0xc: {  	s6 =	sshrl.u32 s6, $0x2;
	s19 =	sadd.s32 s10, s1;
	s25 =	sshrl.u32 s10, $0x3  }
0xd: {  	s11 =	sadd.s32 s7, s0;
	s8 =	ssub.s32 s8, s9;
	s6 =	sadd.s32 s6, s1  }
0xe: {  	s9 =	simm.s32 $0x4A400;
	s2 =	sadd.s32 s7, s2;
	s7 =	simm.s32 $0x900  }
0xf: {  	[dreg:$0x5] =	wrdreg s19;
	s21 =	sadd.s32 $0x2000, s6;
	s22 =	sadd.s32 $0x4000, s6  }
0x10: {  	s23 =	sadd.s32 $0x6000, s6;
	s6 =	sadd.s32 $0x8000, s6;
	[dreg:$0x6] =	wrdreg s21  }
0x11: {  	s8 =	smax.u32 s8, $0x1;
	s9 =	simm.s32 @!p0 $0x86400;
	[dreg:$0x7] =	wrdreg s22  }
0x12: {  	s26 =	sadd.s32 s24, s11;
	s12 =	sadd.s32 s24, s2;
	[dreg:$0x8] =	wrdreg s23  }
0x13: {  	s24 =	simm.s32 $0x680;
	s2 =	simm.s32 $0x880;
	[dreg:$0x9] =	wrdreg s6  }
0x14: {  	[dreg:$0xa] =	wrdreg s8;
	s0 =	sadd.s32 s9, s0;
	s8 =	sadd.s32 $0x2C400, s26  }
0x15: {  	s21 =	simm.s32 $0x180;
	s22 =	simm.s32 $0x600;
	s23 =	simm.s32 $0x200  }
0x16: {  	s26 =	simm.s32 $0x700;
	s6 =	simm.s32 $0x480;
	s9 =	simm.s32 $0x0  }
0x17: {  	s0 =	sadd.s32 s0, s25;
	[dreg:$0x4] =	wrdreg s8;
	s25 =	simm.s32 $0x280  }
0x18: {  	v0 =	vimm.f32 $0.0e+00;
	s8 =	simm.s32 $0x980;
	[dreg:$0xb] =	wrdreg s0;
	s0 =	simm.s32 $0x400  }
.LBB2_1:
0x19: {  	[dreg:$0xc] =	wrdreg s9;
	s10 =	simm.s32 $0x20;
	s11 =	simm.s32 $0x180  }
.LBB2_2:
0x1a: {  	p0 =	sne.s32 s11, $0x7F80;
	[tilespmem:s10+$0x2A10] =	vst v0  }
0x1b: {  	[tilespmem:s10+$0x9E0] =	vst v0  }
0x1c: {  	[tilespmem:s10+$0x9F0] =	vst v0  }
.Ltmp0:
0x1d: {  	[tilespmem:s10+$0xA00] =	vst v0;
	(pc) =	sbr.rel @p0 .LBB2_2-.Ltmp0, $4  }
0x1e: {  	[tilespmem:s10+$0xA10] =	vst v0  }
0x1f: {  	[tilespmem:s10+$0x29E0] =	vst v0  }
0x20: {  	[tilespmem:s10+$0x29F0] =	vst v0  }
0x21: {  	[tilespmem:s10+$0x2A00] =	vst v0;
	s10 =	sshra.s32 s11, $0x2;
	s11 =	sadd.s32 $0x100, s11  }
0x22: {  	[tilespmem:s10+$0x2A10] =	vst v0  }
0x23: {  	[tilespmem:s10+$0x9E0] =	vst v0  }
0x24: {  	[tilespmem:s10+$0x9F0] =	vst v0  }
0x25: {  	[tilespmem:s10+$0xA00] =	vst v0  }
0x26: {  	[tilespmem:s10+$0xA10] =	vst v0  }
0x27: {  	[tilespmem:s10+$0x29E0] =	vst v0  }
0x28: {  	[tilespmem:s10+$0x29F0] =	vst v0  }
0x29: {  	[tilespmem:s10+$0x2A00] =	vst v0  }
0x2a: {  	[spmem:s19] =	stream.linear.scatter [tilespmem:s13], [sflag:$0x2], $0x2000, $0x38;
	[tilespmem:$0xEA00] =	vst v63  }
0x2b: {  	_ =	swait.ge [sflag:s14], $0x2000  }
0x2c: {  	[sflag:s14] =	ssyncset.done $0x0  }
0x2d: {  	s5 =	rddreg [dreg:$0x6];
	[sflag:s14] =	ssyncadd.s32 $0xFFFFE000  }
0x2e: {  	[spmem:s5] =	stream.linear.scatter [tilespmem:s13], [sflag:$0x2], $0x2000, $0x38;
	[tilespmem:$0xEA00] =	vst v63  }
0x2f: {  	_ =	swait.ge [sflag:s14], $0x2000  }
0x30: {  	[sflag:s14] =	ssyncset.done $0x0  }
0x31: {  	s11 =	rddreg [dreg:$0x7];
	[sflag:s14] =	ssyncadd.s32 $0xFFFFE000  }
0x32: {  	[spmem:s11] =	stream.linear.scatter [tilespmem:s13], [sflag:$0x2], $0x2000, $0x38;
	[tilespmem:$0xEA00] =	vst v63  }
0x33: {  	_ =	swait.ge [sflag:s14], $0x2000  }
0x34: {  	[sflag:s14] =	ssyncset.done $0x0  }
0x35: {  	s19 =	rddreg [dreg:$0x8];
	[sflag:s14] =	ssyncadd.s32 $0xFFFFE000  }
0x36: {  	[spmem:s19] =	stream.linear.scatter [tilespmem:s13], [sflag:$0x2], $0x2000, $0x38;
	[tilespmem:$0xEA00] =	vst v63  }
0x37: {  	_ =	swait.ge [sflag:s14], $0x2000  }
0x38: {  	[sflag:s14] =	ssyncset.done $0x0  }
0x39: {  	s9 =	rddreg [dreg:$0x9];
	[sflag:s14] =	ssyncadd.s32 $0xFFFFE000  }
0x3a: {  	[spmem:s9] =	stream.linear.scatter [tilespmem:s13], [sflag:$0x2], $0x2000, $0x38;
	[tilespmem:$0xEA00] =	vst v63  }
0x3b: {  	_ =	swait.ge [sflag:s14], $0x2000  }
0x3c: {  	[sflag:s14] =	ssyncset.done $0x0  }
0x3d: {  	[sflag:s14] =	ssyncadd.s32 $0xFFFFE000  }
0x3e: {  	s10 =	sadd.s32 $0x0, s12;
	[bflag:$0x0] =	sbarrier.arrive $0xFFFF  }
0x3f: {  	[tilespmem:s3], [sflag:$0x2] =	stream.linear.gather [hbm4b:s10+s3], $0x500, $0x38;
	[tilespmem:$0xEA00] =	vst v63  }
0x40: {  	_ =	swait.ge [sflag:s14], $0x500  }
0x41: {  	s11 =	rddreg [dreg:$0x4];
	[sflag:s14] =	ssyncset.done $0x0  }
0x42: {  	[sflag:s14] =	ssyncadd.s32 $0xFFFFFB00;
	s5 =	sadd.s32 $0x0, s11  }
0x43: {  	[tilespmem:s15], [sflag:$0x2] =	stream.linear.gather [hbm4b:s5+s3], $0x500, $0x38;
	[tilespmem:$0xEA00] =	vst v63  }
0x44: {  	_ =	swait.ge [sflag:s14], $0x500  }
0x45: {  	[sflag:s14] =	ssyncset.done $0x0  }
0x46: {  	[sflag:s14] =	ssyncadd.s32 $0xFFFFFB00  }
0x47: {  	[tilespmem:s13], [sflag:$0x1] =	stream.indirect.gather [hbm4b:s4+s16], $0x40, s3, s16, $0xb8;
	[tilespmem:$0xEA00] =	vst v63  }
0x48: {  	_ =	swait.ge [sflag:s17], $0x2000  }
0x49: {  	[sflag:s17] =	ssyncset.done $0x0  }
0x4a: {  	[sflag:s17] =	ssyncadd.s32 $0xFFFFE000  }
0x4b: {  	[tilespmem:s18], [sflag:$0x1] =	stream.indirect.gather [hbm4b:s4+s16], $0x40, s16, s16, $0xb8;
	[tilespmem:$0xEA00] =	vst v63  }
0x4c: {  	_ = 	snop  }
0x4d: {  	[spmem:s1] =	stream.indirect.scatter.add.f32 [tilespmem:s13], [sflag:$0x2], $0x40, s15, s16, $0xb8;
	[tilespmem:$0xEA00] =	vst v63  }
0x4e: {  	_ =	swait.ge [sflag:s14], $0x2000  }
0x4f: {  	[sflag:s14] =	ssyncset.done $0x0  }
0x50: {  	[sflag:s14] =	ssyncadd.s32 $0xFFFFE000  }
0x51: {  	_ =	swait.ge [sflag:s17], $0x2000  }
0x52: {  	[sflag:s17] =	ssyncset.done $0x0  }
0x53: {  	s19 =	simm.s32 $0x100;
	[sflag:s17] =	ssyncadd.s32 $0xFFFFE000  }
0x54: {  	[tilespmem:s13], [sflag:$0x1] =	stream.indirect.gather [hbm4b:s4+s16], $0x40, s19, s16, $0xb8;
	[tilespmem:$0xEA00] =	vst v63  }
0x55: {  	_ = 	snop  }
0x56: {  	[spmem:s1] =	stream.indirect.scatter.add.f32 [tilespmem:s18], [sflag:$0x2], $0x40, s20, s16, $0xb8;
	[tilespmem:$0xEA00] =	vst v63  }
0x57: {  	_ =	swait.ge [sflag:s14], $0x2000  }
0x58: {  	[sflag:s14] =	ssyncset.done $0x0  }
0x59: {  	[sflag:s14] =	ssyncadd.s32 $0xFFFFE000  }
0x5a: {  	_ =	swait.ge [sflag:s17], $0x2000  }
0x5b: {  	[sflag:s17] =	ssyncset.done $0x0  }
0x5c: {  	[sflag:s17] =	ssyncadd.s32 $0xFFFFE000  }
0x5d: {  	[tilespmem:s18], [sflag:$0x1] =	stream.indirect.gather [hbm4b:s4+s16], $0x40, s21, s16, $0xb8;
	[tilespmem:$0xEA00] =	vst v63  }
0x5e: {  	_ = 	snop  }
0x5f: {  	[spmem:s1] =	stream.indirect.scatter.add.f32 [tilespmem:s13], [sflag:$0x2], $0x40, s22, s16, $0xb8;
	[tilespmem:$0xEA00] =	vst v63  }
0x60: {  	_ =	swait.ge [sflag:s14], $0x2000  }
0x61: {  	[sflag:s14] =	ssyncset.done $0x0  }
0x62: {  	[sflag:s14] =	ssyncadd.s32 $0xFFFFE000  }
0x63: {  	_ =	swait.ge [sflag:s17], $0x2000  }
0x64: {  	[sflag:s17] =	ssyncset.done $0x0  }
0x65: {  	[sflag:s17] =	ssyncadd.s32 $0xFFFFE000  }
0x66: {  	[tilespmem:s13], [sflag:$0x1] =	stream.indirect.gather [hbm4b:s4+s16], $0x40, s23, s16, $0xb8;
	[tilespmem:$0xEA00] =	vst v63  }
0x67: {  	_ = 	snop  }
0x68: {  	[spmem:s1] =	stream.indirect.scatter.add.f32 [tilespmem:s18], [sflag:$0x2], $0x40, s24, s16, $0xb8;
	[tilespmem:$0xEA00] =	vst v63  }
0x69: {  	_ =	swait.ge [sflag:s14], $0x2000  }
0x6a: {  	[sflag:s14] =	ssyncset.done $0x0  }
0x6b: {  	[sflag:s14] =	ssyncadd.s32 $0xFFFFE000  }
0x6c: {  	_ =	swait.ge [sflag:s17], $0x2000  }
0x6d: {  	[sflag:s17] =	ssyncset.done $0x0  }
0x6e: {  	[sflag:s17] =	ssyncadd.s32 $0xFFFFE000  }
0x6f: {  	[tilespmem:s18], [sflag:$0x1] =	stream.indirect.gather [hbm4b:s4+s16], $0x40, s25, s16, $0xb8;
	[tilespmem:$0xEA00] =	vst v63  }
0x70: {  	_ = 	snop  }
0x71: {  	[spmem:s1] =	stream.indirect.scatter.add.f32 [tilespmem:s13], [sflag:$0x2], $0x40, s26, s16, $0xb8;
	[tilespmem:$0xEA00] =	vst v63  }
0x72: {  	_ =	swait.ge [sflag:s14], $0x2000  }
0x73: {  	[sflag:s14] =	ssyncset.done $0x0  }
0x74: {  	[sflag:s14] =	ssyncadd.s32 $0xFFFFE000  }
0x75: {  	_ =	swait.ge [sflag:s17], $0x2000  }
0x76: {  	[sflag:s17] =	ssyncset.done $0x0  }
0x77: {  	[sflag:s17] =	ssyncadd.s32 $0xFFFFE000  }
0x78: {  	[tilespmem:s13], [sflag:$0x1] =	stream.indirect.gather [hbm4b:s4+s16], $0x40, s28, s16, $0xb8;
	[tilespmem:$0xEA00] =	vst v63  }
0x79: {  	_ = 	snop  }
0x7a: {  	[spmem:s1] =	stream.indirect.scatter.add.f32 [tilespmem:s18], [sflag:$0x2], $0x40, s29, s16, $0xb8;
	[tilespmem:$0xEA00] =	vst v63  }
0x7b: {  	_ =	swait.ge [sflag:s14], $0x2000  }
0x7c: {  	[sflag:s14] =	ssyncset.done $0x0  }
0x7d: {  	[sflag:s14] =	ssyncadd.s32 $0xFFFFE000  }
0x7e: {  	_ =	swait.ge [sflag:s17], $0x2000  }
0x7f: {  	[sflag:s17] =	ssyncset.done $0x0  }
0x80: {  	[sflag:s17] =	ssyncadd.s32 $0xFFFFE000  }
0x81: {  	[tilespmem:s18], [sflag:$0x1] =	stream.indirect.gather [hbm4b:s4+s16], $0x40, s30, s16, $0xb8;
	[tilespmem:$0xEA00] =	vst v63  }
0x82: {  	_ = 	snop  }
0x83: {  	[spmem:s1] =	stream.indirect.scatter.add.f32 [tilespmem:s13], [sflag:$0x2], $0x40, s31, s16, $0xb8;
	[tilespmem:$0xEA00] =	vst v63  }
0x84: {  	_ =	swait.ge [sflag:s14], $0x2000  }
0x85: {  	[sflag:s14] =	ssyncset.done $0x0  }
0x86: {  	[sflag:s14] =	ssyncadd.s32 $0xFFFFE000  }
0x87: {  	_ =	swait.ge [sflag:s17], $0x2000  }
0x88: {  	[sflag:s17] =	ssyncset.done $0x0  }
0x89: {  	[sflag:s17] =	ssyncadd.s32 $0xFFFFE000  }
0x8a: {  	[tilespmem:s13], [sflag:$0x1] =	stream.indirect.gather [hbm4b:s4+s16], $0x40, s0, s16, $0xb8;
	[tilespmem:$0xEA00] =	vst v63  }
0x8b: {  	_ = 	snop  }
0x8c: {  	[spmem:s1] =	stream.indirect.scatter.add.f32 [tilespmem:s18], [sflag:$0x2], $0x40, s2, s16, $0xb8;
	[tilespmem:$0xEA00] =	vst v63  }
0x8d: {  	_ =	swait.ge [sflag:s14], $0x2000  }
0x8e: {  	[sflag:s14] =	ssyncset.done $0x0  }
0x8f: {  	[sflag:s14] =	ssyncadd.s32 $0xFFFFE000  }
0x90: {  	_ =	swait.ge [sflag:s17], $0x2000  }
0x91: {  	[sflag:s17] =	ssyncset.done $0x0  }
0x92: {  	[sflag:s17] =	ssyncadd.s32 $0xFFFFE000  }
0x93: {  	[tilespmem:s18], [sflag:$0x1] =	stream.indirect.gather [hbm4b:s4+s16], $0x40, s6, s16, $0xb8;
	[tilespmem:$0xEA00] =	vst v63  }
0x94: {  	_ = 	snop  }
0x95: {  	[spmem:s1] =	stream.indirect.scatter.add.f32 [tilespmem:s13], [sflag:$0x2], $0x40, s7, s16, $0xb8;
	[tilespmem:$0xEA00] =	vst v63  }
0x96: {  	_ =	swait.ge [sflag:s14], $0x2000  }
0x97: {  	[sflag:s14] =	ssyncset.done $0x0  }
0x98: {  	[sflag:s14] =	ssyncadd.s32 $0xFFFFE000  }
0x99: {  	_ =	swait.ge [sflag:s17], $0x2000  }
0x9a: {  	[sflag:s17] =	ssyncset.done $0x0  }
0x9b: {  	[sflag:s17] =	ssyncadd.s32 $0xFFFFE000  }
0x9c: {  	[spmem:s1] =	stream.indirect.scatter.add.f32 [tilespmem:s18], [sflag:$0x2], $0x40, s8, s16, $0xb8;
	[tilespmem:$0xEA00] =	vst v63  }
0x9d: {  	_ =	swait.ge [sflag:s14], $0x2000  }
0x9e: {  	s10 =	simm.s32 $0xA0;
	s11 =	simm.s32 $0x140;
	[sflag:s14] =	ssyncset.done $0x0  }
.LBB2_4:
0x9f: {  	s9 =	sadd.s32 s10, s12;
	[sflag:s14] =	ssyncadd.s32 $0xFFFFE000  }
0xa0: {  	[tilespmem:s3], [sflag:$0x2] =	stream.linear.gather [hbm4b:s9+s3], $0x500, $0x38;
	[tilespmem:$0xEA00] =	vst v63  }
0xa1: {  	s19 =	smov.u32 s11;
	s5 =	sadd.s32 $0xA0, s11;
	_ =	swait.ge [sflag:s14], $0x500  }
0xa2: {  	p0 =	sne.s32 s11, $0x460;
	s11 =	rddreg [dreg:$0x4];
	[sflag:s14] =	ssyncset.done $0x0  }
0xa3: {  	[sflag:s14] =	ssyncadd.s32 $0xFFFFFB00;
	s9 =	sadd.s32 s10, s11  }
0xa4: {  	[tilespmem:s15], [sflag:$0x2] =	stream.linear.gather [hbm4b:s9+s3], $0x500, $0x38;
	[tilespmem:$0xEA00] =	vst v63  }
0xa5: {  	_ =	swait.ge [sflag:s14], $0x500  }
0xa6: {  	[sflag:s14] =	ssyncset.done $0x0  }
0xa7: {  	[sflag:s14] =	ssyncadd.s32 $0xFFFFFB00  }
0xa8: {  	[tilespmem:s13], [sflag:$0x1] =	stream.indirect.gather [hbm4b:s4+s16], $0x40, s3, s16, $0xb8;
	[tilespmem:$0xEA00] =	vst v63  }
0xa9: {  	_ =	swait.ge [sflag:s17], $0x2000  }
0xaa: {  	[sflag:s17] =	ssyncset.done $0x0  }
0xab: {  	[sflag:s17] =	ssyncadd.s32 $0xFFFFE000  }
0xac: {  	[tilespmem:s18], [sflag:$0x1] =	stream.indirect.gather [hbm4b:s4+s16], $0x40, s16, s16, $0xb8;
	[tilespmem:$0xEA00] =	vst v63  }
0xad: {  	_ = 	snop  }
0xae: {  	[spmem:s1] =	stream.indirect.scatter.add.f32 [tilespmem:s13], [sflag:$0x2], $0x40, s15, s16, $0xb8;
	[tilespmem:$0xEA00] =	vst v63  }
0xaf: {  	_ =	swait.ge [sflag:s14], $0x2000  }
0xb0: {  	[sflag:s14] =	ssyncset.done $0x0  }
0xb1: {  	[sflag:s14] =	ssyncadd.s32 $0xFFFFE000  }
0xb2: {  	_ =	swait.ge [sflag:s17], $0x2000  }
0xb3: {  	[sflag:s17] =	ssyncset.done $0x0  }
0xb4: {  	s9 =	simm.s32 $0x100;
	[sflag:s17] =	ssyncadd.s32 $0xFFFFE000  }
0xb5: {  	[tilespmem:s13], [sflag:$0x1] =	stream.indirect.gather [hbm4b:s4+s16], $0x40, s9, s16, $0xb8;
	[tilespmem:$0xEA00] =	vst v63  }
0xb6: {  	_ = 	snop  }
0xb7: {  	[spmem:s1] =	stream.indirect.scatter.add.f32 [tilespmem:s18], [sflag:$0x2], $0x40, s20, s16, $0xb8;
	[tilespmem:$0xEA00] =	vst v63  }
0xb8: {  	_ =	swait.ge [sflag:s14], $0x2000  }
0xb9: {  	[sflag:s14] =	ssyncset.done $0x0  }
0xba: {  	[sflag:s14] =	ssyncadd.s32 $0xFFFFE000  }
0xbb: {  	_ =	swait.ge [sflag:s17], $0x2000  }
0xbc: {  	[sflag:s17] =	ssyncset.done $0x0  }
0xbd: {  	[sflag:s17] =	ssyncadd.s32 $0xFFFFE000  }
0xbe: {  	[tilespmem:s18], [sflag:$0x1] =	stream.indirect.gather [hbm4b:s4+s16], $0x40, s21, s16, $0xb8;
	[tilespmem:$0xEA00] =	vst v63  }
0xbf: {  	_ = 	snop  }
0xc0: {  	[spmem:s1] =	stream.indirect.scatter.add.f32 [tilespmem:s13], [sflag:$0x2], $0x40, s22, s16, $0xb8;
	[tilespmem:$0xEA00] =	vst v63  }
0xc1: {  	_ =	swait.ge [sflag:s14], $0x2000  }
0xc2: {  	[sflag:s14] =	ssyncset.done $0x0  }
0xc3: {  	[sflag:s14] =	ssyncadd.s32 $0xFFFFE000  }
0xc4: {  	_ =	swait.ge [sflag:s17], $0x2000  }
0xc5: {  	[sflag:s17] =	ssyncset.done $0x0  }
0xc6: {  	[sflag:s17] =	ssyncadd.s32 $0xFFFFE000  }
0xc7: {  	[tilespmem:s13], [sflag:$0x1] =	stream.indirect.gather [hbm4b:s4+s16], $0x40, s23, s16, $0xb8;
	[tilespmem:$0xEA00] =	vst v63  }
0xc8: {  	_ = 	snop  }
0xc9: {  	[spmem:s1] =	stream.indirect.scatter.add.f32 [tilespmem:s18], [sflag:$0x2], $0x40, s24, s16, $0xb8;
	[tilespmem:$0xEA00] =	vst v63  }
0xca: {  	_ =	swait.ge [sflag:s14], $0x2000  }
0xcb: {  	[sflag:s14] =	ssyncset.done $0x0  }
0xcc: {  	[sflag:s14] =	ssyncadd.s32 $0xFFFFE000  }
0xcd: {  	_ =	swait.ge [sflag:s17], $0x2000  }
0xce: {  	[sflag:s17] =	ssyncset.done $0x0  }
0xcf: {  	[sflag:s17] =	ssyncadd.s32 $0xFFFFE000  }
0xd0: {  	[tilespmem:s18], [sflag:$0x1] =	stream.indirect.gather [hbm4b:s4+s16], $0x40, s25, s16, $0xb8;
	[tilespmem:$0xEA00] =	vst v63  }
0xd1: {  	_ = 	snop  }
0xd2: {  	[spmem:s1] =	stream.indirect.scatter.add.f32 [tilespmem:s13], [sflag:$0x2], $0x40, s26, s16, $0xb8;
	[tilespmem:$0xEA00] =	vst v63  }
0xd3: {  	_ =	swait.ge [sflag:s14], $0x2000  }
0xd4: {  	[sflag:s14] =	ssyncset.done $0x0  }
0xd5: {  	[sflag:s14] =	ssyncadd.s32 $0xFFFFE000  }
0xd6: {  	_ =	swait.ge [sflag:s17], $0x2000  }
0xd7: {  	[sflag:s17] =	ssyncset.done $0x0  }
0xd8: {  	[sflag:s17] =	ssyncadd.s32 $0xFFFFE000  }
0xd9: {  	[tilespmem:s13], [sflag:$0x1] =	stream.indirect.gather [hbm4b:s4+s16], $0x40, s28, s16, $0xb8;
	[tilespmem:$0xEA00] =	vst v63  }
0xda: {  	_ = 	snop  }
0xdb: {  	[spmem:s1] =	stream.indirect.scatter.add.f32 [tilespmem:s18], [sflag:$0x2], $0x40, s29, s16, $0xb8;
	[tilespmem:$0xEA00] =	vst v63  }
0xdc: {  	_ =	swait.ge [sflag:s14], $0x2000  }
0xdd: {  	[sflag:s14] =	ssyncset.done $0x0  }
0xde: {  	[sflag:s14] =	ssyncadd.s32 $0xFFFFE000  }
0xdf: {  	_ =	swait.ge [sflag:s17], $0x2000  }
0xe0: {  	[sflag:s17] =	ssyncset.done $0x0  }
0xe1: {  	[sflag:s17] =	ssyncadd.s32 $0xFFFFE000  }
0xe2: {  	[tilespmem:s18], [sflag:$0x1] =	stream.indirect.gather [hbm4b:s4+s16], $0x40, s30, s16, $0xb8;
	[tilespmem:$0xEA00] =	vst v63  }
0xe3: {  	_ = 	snop  }
0xe4: {  	[spmem:s1] =	stream.indirect.scatter.add.f32 [tilespmem:s13], [sflag:$0x2], $0x40, s31, s16, $0xb8;
	[tilespmem:$0xEA00] =	vst v63  }
0xe5: {  	_ =	swait.ge [sflag:s14], $0x2000  }
0xe6: {  	[sflag:s14] =	ssyncset.done $0x0  }
0xe7: {  	[sflag:s14] =	ssyncadd.s32 $0xFFFFE000  }
0xe8: {  	_ =	swait.ge [sflag:s17], $0x2000  }
0xe9: {  	[sflag:s17] =	ssyncset.done $0x0  }
0xea: {  	[sflag:s17] =	ssyncadd.s32 $0xFFFFE000  }
0xeb: {  	[tilespmem:s13], [sflag:$0x1] =	stream.indirect.gather [hbm4b:s4+s16], $0x40, s0, s16, $0xb8;
	[tilespmem:$0xEA00] =	vst v63  }
0xec: {  	_ = 	snop  }
0xed: {  	[spmem:s1] =	stream.indirect.scatter.add.f32 [tilespmem:s18], [sflag:$0x2], $0x40, s2, s16, $0xb8;
	[tilespmem:$0xEA00] =	vst v63  }
0xee: {  	_ =	swait.ge [sflag:s14], $0x2000  }
0xef: {  	[sflag:s14] =	ssyncset.done $0x0  }
0xf0: {  	[sflag:s14] =	ssyncadd.s32 $0xFFFFE000  }
0xf1: {  	_ =	swait.ge [sflag:s17], $0x2000  }
0xf2: {  	[sflag:s17] =	ssyncset.done $0x0  }
0xf3: {  	[sflag:s17] =	ssyncadd.s32 $0xFFFFE000  }
0xf4: {  	[tilespmem:s18], [sflag:$0x1] =	stream.indirect.gather [hbm4b:s4+s16], $0x40, s6, s16, $0xb8;
	[tilespmem:$0xEA00] =	vst v63  }
0xf5: {  	_ = 	snop  }
0xf6: {  	[spmem:s1] =	stream.indirect.scatter.add.f32 [tilespmem:s13], [sflag:$0x2], $0x40, s7, s16, $0xb8;
	[tilespmem:$0xEA00] =	vst v63  }
0xf7: {  	_ =	swait.ge [sflag:s14], $0x2000  }
0xf8: {  	[sflag:s14] =	ssyncset.done $0x0  }
0xf9: {  	[sflag:s14] =	ssyncadd.s32 $0xFFFFE000  }
0xfa: {  	_ =	swait.ge [sflag:s17], $0x2000  }
.Ltmp1:
0xfb: {  	[sflag:s17] =	ssyncset.done $0x0;
	(pc) =	sbr.rel @p0 .LBB2_4-.Ltmp1, $4  }
0xfc: {  	[sflag:s17] =	ssyncadd.s32 $0xFFFFE000  }
0xfd: {  	[spmem:s1] =	stream.indirect.scatter.add.f32 [tilespmem:s18], [sflag:$0x2], $0x40, s8, s16, $0xb8;
	[tilespmem:$0xEA00] =	vst v63  }
0xfe: {  	_ =	swait.ge [sflag:s14], $0x2000  }
0xff: {  	s10 =	smov.u32 s19;
	s11 =	smov.u32 s5;
	[sflag:s14] =	ssyncset.done $0x0  }
0x100: {  	s5 =	sadd.s32 s10, s12;
	[sflag:s14] =	ssyncadd.s32 $0xFFFFE000  }
0x101: {  	[tilespmem:s3], [sflag:$0x2] =	stream.linear.gather [hbm4b:s5+s3], $0x500, $0x38;
	[tilespmem:$0xEA00] =	vst v63  }
0x102: {  	_ =	swait.ge [sflag:s14], $0x500  }
0x103: {  	s19 =	rddreg [dreg:$0x4];
	[sflag:s14] =	ssyncset.done $0x0  }
0x104: {  	[sflag:s14] =	ssyncadd.s32 $0xFFFFFB00;
	s5 =	sadd.s32 s10, s19  }
0x105: {  	[tilespmem:s15], [sflag:$0x2] =	stream.linear.gather [hbm4b:s5+s3], $0x500, $0x38;
	[tilespmem:$0xEA00] =	vst v63  }
0x106: {  	_ =	swait.ge [sflag:s14], $0x500  }
0x107: {  	[sflag:s14] =	ssyncset.done $0x0  }
0x108: {  	[sflag:s14] =	ssyncadd.s32 $0xFFFFFB00  }
0x109: {  	[tilespmem:s13], [sflag:$0x1] =	stream.indirect.gather [hbm4b:s4+s16], $0x40, s3, s16, $0xb8;
	[tilespmem:$0xEA00] =	vst v63  }
0x10a: {  	_ =	swait.ge [sflag:s17], $0x2000  }
0x10b: {  	[sflag:s17] =	ssyncset.done $0x0  }
0x10c: {  	[sflag:s17] =	ssyncadd.s32 $0xFFFFE000  }
0x10d: {  	[tilespmem:s18], [sflag:$0x1] =	stream.indirect.gather [hbm4b:s4+s16], $0x40, s16, s16, $0xb8;
	[tilespmem:$0xEA00] =	vst v63  }
0x10e: {  	_ = 	snop  }
0x10f: {  	[spmem:s1] =	stream.indirect.scatter.add.f32 [tilespmem:s13], [sflag:$0x2], $0x40, s15, s16, $0xb8;
	[tilespmem:$0xEA00] =	vst v63  }
0x110: {  	_ =	swait.ge [sflag:s14], $0x2000  }
0x111: {  	[sflag:s14] =	ssyncset.done $0x0  }
0x112: {  	[sflag:s14] =	ssyncadd.s32 $0xFFFFE000  }
0x113: {  	_ =	swait.ge [sflag:s17], $0x2000  }
0x114: {  	[sflag:s17] =	ssyncset.done $0x0  }
0x115: {  	[sflag:s17] =	ssyncadd.s32 $0xFFFFE000  }
0x116: {  	[tilespmem:s13], [sflag:$0x1] =	stream.indirect.gather [hbm4b:s4+s16], $0x40, s9, s16, $0xb8;
	[tilespmem:$0xEA00] =	vst v63  }
0x117: {  	_ = 	snop  }
0x118: {  	[spmem:s1] =	stream.indirect.scatter.add.f32 [tilespmem:s18], [sflag:$0x2], $0x40, s20, s16, $0xb8;
	[tilespmem:$0xEA00] =	vst v63  }
0x119: {  	_ =	swait.ge [sflag:s14], $0x2000  }
0x11a: {  	[sflag:s14] =	ssyncset.done $0x0  }
0x11b: {  	[sflag:s14] =	ssyncadd.s32 $0xFFFFE000  }
0x11c: {  	_ =	swait.ge [sflag:s17], $0x2000  }
0x11d: {  	[sflag:s17] =	ssyncset.done $0x0  }
0x11e: {  	[sflag:s17] =	ssyncadd.s32 $0xFFFFE000  }
0x11f: {  	[tilespmem:s18], [sflag:$0x1] =	stream.indirect.gather [hbm4b:s4+s16], $0x40, s21, s16, $0xb8;
	[tilespmem:$0xEA00] =	vst v63  }
0x120: {  	_ = 	snop  }
0x121: {  	[spmem:s1] =	stream.indirect.scatter.add.f32 [tilespmem:s13], [sflag:$0x2], $0x40, s22, s16, $0xb8;
	[tilespmem:$0xEA00] =	vst v63  }
0x122: {  	_ =	swait.ge [sflag:s14], $0x2000  }
0x123: {  	[sflag:s14] =	ssyncset.done $0x0  }
0x124: {  	[sflag:s14] =	ssyncadd.s32 $0xFFFFE000  }
0x125: {  	_ =	swait.ge [sflag:s17], $0x2000  }
0x126: {  	[sflag:s17] =	ssyncset.done $0x0  }
0x127: {  	[sflag:s17] =	ssyncadd.s32 $0xFFFFE000  }
0x128: {  	[tilespmem:s13], [sflag:$0x1] =	stream.indirect.gather [hbm4b:s4+s16], $0x40, s23, s16, $0xb8;
	[tilespmem:$0xEA00] =	vst v63  }
0x129: {  	_ = 	snop  }
0x12a: {  	[spmem:s1] =	stream.indirect.scatter.add.f32 [tilespmem:s18], [sflag:$0x2], $0x40, s24, s16, $0xb8;
	[tilespmem:$0xEA00] =	vst v63  }
0x12b: {  	_ =	swait.ge [sflag:s14], $0x2000  }
0x12c: {  	[sflag:s14] =	ssyncset.done $0x0  }
0x12d: {  	[sflag:s14] =	ssyncadd.s32 $0xFFFFE000  }
0x12e: {  	_ =	swait.ge [sflag:s17], $0x2000  }
0x12f: {  	[sflag:s17] =	ssyncset.done $0x0  }
0x130: {  	[sflag:s17] =	ssyncadd.s32 $0xFFFFE000  }
0x131: {  	[tilespmem:s18], [sflag:$0x1] =	stream.indirect.gather [hbm4b:s4+s16], $0x40, s25, s16, $0xb8;
	[tilespmem:$0xEA00] =	vst v63  }
0x132: {  	_ = 	snop  }
0x133: {  	[spmem:s1] =	stream.indirect.scatter.add.f32 [tilespmem:s13], [sflag:$0x2], $0x40, s26, s16, $0xb8;
	[tilespmem:$0xEA00] =	vst v63  }
0x134: {  	_ =	swait.ge [sflag:s14], $0x2000  }
0x135: {  	[sflag:s14] =	ssyncset.done $0x0  }
0x136: {  	[sflag:s14] =	ssyncadd.s32 $0xFFFFE000  }
0x137: {  	_ =	swait.ge [sflag:s17], $0x2000  }
0x138: {  	[sflag:s17] =	ssyncset.done $0x0  }
0x139: {  	[sflag:s17] =	ssyncadd.s32 $0xFFFFE000  }
0x13a: {  	[tilespmem:s13], [sflag:$0x1] =	stream.indirect.gather [hbm4b:s4+s16], $0x40, s28, s16, $0xb8;
	[tilespmem:$0xEA00] =	vst v63  }
0x13b: {  	_ = 	snop  }
0x13c: {  	[spmem:s1] =	stream.indirect.scatter.add.f32 [tilespmem:s18], [sflag:$0x2], $0x40, s29, s16, $0xb8;
	[tilespmem:$0xEA00] =	vst v63  }
0x13d: {  	_ =	swait.ge [sflag:s14], $0x2000  }
0x13e: {  	[sflag:s14] =	ssyncset.done $0x0  }
0x13f: {  	[sflag:s14] =	ssyncadd.s32 $0xFFFFE000  }
0x140: {  	_ =	swait.ge [sflag:s17], $0x2000  }
0x141: {  	[sflag:s17] =	ssyncset.done $0x0  }
0x142: {  	[sflag:s17] =	ssyncadd.s32 $0xFFFFE000  }
0x143: {  	[tilespmem:s18], [sflag:$0x1] =	stream.indirect.gather [hbm4b:s4+s16], $0x40, s30, s16, $0xb8;
	[tilespmem:$0xEA00] =	vst v63  }
0x144: {  	_ = 	snop  }
0x145: {  	[spmem:s1] =	stream.indirect.scatter.add.f32 [tilespmem:s13], [sflag:$0x2], $0x40, s31, s16, $0xb8;
	[tilespmem:$0xEA00] =	vst v63  }
0x146: {  	_ =	swait.ge [sflag:s14], $0x2000  }
0x147: {  	[sflag:s14] =	ssyncset.done $0x0  }
0x148: {  	[sflag:s14] =	ssyncadd.s32 $0xFFFFE000  }
0x149: {  	_ =	swait.ge [sflag:s17], $0x2000  }
0x14a: {  	[sflag:s17] =	ssyncset.done $0x0  }
0x14b: {  	[sflag:s17] =	ssyncadd.s32 $0xFFFFE000  }
0x14c: {  	[tilespmem:s13], [sflag:$0x1] =	stream.indirect.gather [hbm4b:s4+s16], $0x40, s0, s16, $0xb8;
	[tilespmem:$0xEA00] =	vst v63  }
0x14d: {  	_ = 	snop  }
0x14e: {  	[spmem:s1] =	stream.indirect.scatter.add.f32 [tilespmem:s18], [sflag:$0x2], $0x40, s2, s16, $0xb8;
	[tilespmem:$0xEA00] =	vst v63  }
0x14f: {  	_ =	swait.ge [sflag:s14], $0x2000  }
0x150: {  	[sflag:s14] =	ssyncset.done $0x0  }
0x151: {  	[sflag:s14] =	ssyncadd.s32 $0xFFFFE000  }
0x152: {  	_ =	swait.ge [sflag:s17], $0x2000  }
0x153: {  	[sflag:s17] =	ssyncset.done $0x0  }
0x154: {  	[sflag:s17] =	ssyncadd.s32 $0xFFFFE000  }
0x155: {  	[tilespmem:s18], [sflag:$0x1] =	stream.indirect.gather [hbm4b:s4+s16], $0x40, s6, s16, $0xb8;
	[tilespmem:$0xEA00] =	vst v63  }
0x156: {  	_ = 	snop  }
0x157: {  	[spmem:s1] =	stream.indirect.scatter.add.f32 [tilespmem:s13], [sflag:$0x2], $0x40, s7, s16, $0xb8;
	[tilespmem:$0xEA00] =	vst v63  }
0x158: {  	_ =	swait.ge [sflag:s14], $0x2000  }
0x159: {  	[sflag:s14] =	ssyncset.done $0x0  }
0x15a: {  	[sflag:s14] =	ssyncadd.s32 $0xFFFFE000  }
0x15b: {  	_ =	swait.ge [sflag:s17], $0x2000  }
0x15c: {  	[sflag:s17] =	ssyncset.done $0x0  }
0x15d: {  	[sflag:s17] =	ssyncadd.s32 $0xFFFFE000  }
0x15e: {  	[spmem:s1] =	stream.indirect.scatter.add.f32 [tilespmem:s18], [sflag:$0x2], $0x40, s8, s16, $0xb8;
	[tilespmem:$0xEA00] =	vst v63  }
0x15f: {  	_ =	swait.ge [sflag:s14], $0x2000  }
0x160: {  	[sflag:s14] =	ssyncset.done $0x0  }
0x161: {  	[sflag:s14] =	ssyncadd.s32 $0xFFFFE000  }
0x162: {  	s9 =	stileid.u32;
	[bflag:$0x0] =	sbarrier.arrive $0xFFFF  }
0x163: {  	s5 =	sshll.u32 s9, $0x6;
	s19 =	rddreg [dreg:$0x5]  }
0x164: {  	s5 =	sor.u32 $0x1C02, s5;
	s11 =	rddreg [dreg:$0xb];
	s10 =	sshrl.u32 s19, $0x3  }
0x165: {  	[hbm:s11], [sflag:s5] =	dma.local [spmem:s10], $0x1400  }
0x166: {  	_ =	swait.ge [sflag:s14], $0x1400  }
0x167: {  	s10 =	rddreg [dreg:$0xc]  }
0x168: {  	s11 =	rddreg [dreg:$0xa];
	s9 =	sadd.s32 $0x1, s10  }
0x169: {  	p0 =	sne.s32 s9, s11  }
.Ltmp2:
0x16a: {  	_ = 	snop;
	(pc) =	sbr.rel @p0 .LBB2_1-.Ltmp2, $3  }
0x16b: {  	_ =	sdelay $0x1  }
0x16c: {  	[sflag:s14] =	ssyncset.done $0x0  }
0x16d: {  	[sflag:s14] =	ssyncadd.s32 $0xFFFFEC00  }
0x16e: {  	_ =	sfence.sel $0x180000  }
0x16f: {  	[bflag:$0x0] =	sbarrier.arrive $0xFFFF  }
0x170: {  	_ =	strace $0x9000004D  }
0x171: {  	s0 =	stileid.u32;
	[bflag:$0x2] =	sbarrier.arrive $0xFFFF  }
0x172: {  	p0 =	sne.s32 s0, $0x0;
	s0 =	rddreg [dreg:$0x3]  }
0x173: {  	s0 =	sadd.s32 @!p0 $0x100000, s0  }
0x174: {  	[sflag:s0] =	ssyncadd.tile.s32 @!p0 $0x1;
	_ =	shalt  }
.Lfunc_end2:
_tile_overlayer_lowered:
.L_overlay_start_2:
0x175: {  	(tag) =	ssettag $0x2  }
0x176: {  	s0 =	rddreg [dreg:$0x0];
	s2 =	stileid.u32  }
0x177: {  	s1 =	rddreg [dreg:$0x1];
	p0 =	sne.s32 s2, $0x0  }
0x178: {  	s3 =	rddreg [dreg:$0x2];
	[bflag:$0x3] =	sbarrier.arrive $0xFFFF;
	s2 =	simm.s32 @!p0 $0x1C02  }
0x179: {  	[timem:s3], [sflag:s2] =	dma.local @!p0 [hbm:s0], s1  }
0x17a: {  	s0 =	simm.s32 @!p0 $0x2  }
0x17b: {  	_ =	swait.ge @!p0 [sflag:s0], s1  }
0x17c: {  	s1 =	ssub.s32 @!p0 $0x0, s1;
	[sflag:s0] =	ssyncset.done @!p0 $0x0  }
0x17d: {  	[sflag:s0] =	ssyncadd.s32 @!p0 s1  }
0x17e: {  	[bflag:$0x3] =	sbarrier.arrive $0xFFFF  }
0x17f: {  	_ =	shalt  }

// kernel: kernel.8.cloned.1.call-start
scs
__scs_entry_jumppad:
0x0: {  	(pc) =	sbr.rel $0x88, $3  }
0x1: {  	(tag) =	ssettag $0x0;
	lr =	simm.s32 $0x1  }
0x2: {  	[smem:$0x3F96] =	sst lr;
	_ =	strace $0xD0000000  }
0x3: {  	_ = 	snop  }
0x4: {  	_ = 	snop  }
0x5: {  	_ = 	snop  }
0x6: {  	_ = 	snop  }
0x7: {  	_ = 	snop  }
__scs_overlays_trampoline_lowered:
0x8: {  	[smem:$0x3FA5] =	sst s0  }
0x9: {  	[smem:$0x3FA6] =	sst s1  }
0xa: {  	[smem:$0x3FA7] =	sst s2  }
0xb: {  	[smem:$0x3FA8] =	sst s3  }
0xc: {  	[smem:$0x3FA9] =	sst s4  }
0xd: {  	[smem:$0x3FAA] =	sst s5  }
0xe: {  	[smem:$0x3FAB] =	sst s6  }
0xf: {  	[smem:$0x3FAC] =	sst s7  }
0x10: {  	[smem:$0x3FAD] =	sst s8  }
0x11: {  	[smem:$0x3FAE] =	sst s9;
	s0 =	simm.s32 @!p0 $0x0  }
0x12: {  	s1 =	sld [smem:$0x3F94];
	s0 =	simm.s32 @p0 $0x1  }
0x13: {  	[smem:$0x3FAF] =	sst s0;
	s0 =	simm.s32 @!p1 $0x0  }
0x14: {  	s2 =	sld [smem:$0x3F93];
	s0 =	simm.s32 @p1 $0x1  }
0x15: {  	[smem:$0x3FB0] =	sst s0;
	s0 =	simm.s32 @!p2 $0x0  }
0x16: {  	s3 =	sld [smem:$0x3FDB];
	s0 =	simm.s32 @p2 $0x1  }
0x17: {  	s4 =	simm.s32 $0x1BF5;
	[smem:$0x3FB2] =	sst s0  }
0x18: {  	s0 =	sld [smem:$0x3F95];
	_ =	swait.ge [sflag:s4], $0x0  }
0x19: {  	s7 =	sld [smem:$0x3F96]  }
0x1a: {  	s8 =	sadd.s32 $0xFFFFE003, lr  }
0x1b: {  	s9 =	sadd.s32 $0xFFFFFEF7, lr;
	s5 =	simm.s32 $0xFFFFFFFF;
	p2 =	slt.u32 s8, $0xFFFFF086  }
0x1c: {  	p1 =	slt.u32 s9, $0xF7A;
	s5 =	simm.s32 @!p2 $0x0  }
0x1d: {  	s5 =	simm.s32 @p1 $0x1;
	p0 =	seq.s32 s7, s2  }
0x1e: {  	s7 =	smul.u32 @!p0 $0xF7A, s2;
	p2 =	seq.s32 @!p0 s5, $0x0  }
0x1f: {  	s9 =	smul.u32 $0xF7A, s1;
	s8 =	simm.s32 @!p0 $0x1BF5;
	p2 =	por !p2, p0  }
0x20: {  	[sflag:s8] =	ssyncset.s32 @!p0 $0xFFFFF086;
	s6 =	sadd.s32 @!p0 s3, s7;
	s7 =	simm.s32 @!p0 $0x108  }
0x21: {  	s3 =	sadd.s32 s3, s9;
	s6 =	sadd.s32 @!p0 $0x88, s6;
	s7 =	simm.s32 @p2 $0x1082  }
0x22: {  	[simem:s7], [sflag:s8] =	dma.local @!p0 [hbm:s6], $0xF7A  }
0x23: {  	s9 =	sor.u32 $0xD0000000, s2;
	s6 =	simm.s32 $0x108;
	_ =	swait.ge @!p0 [sflag:s8], $0x0  }
0x24: {  	s3 =	sadd.s32 $0x88, s3;
	s6 =	simm.s32 @!p1 $0x1082;
	[sflag:s4] =	ssyncset.s32 $0xFFFFF086  }
0x25: {  	[simem:s6], [sflag:s4] =	dma.local [hbm:s3], $0xF7A  }
0x26: {  	[smem:$0x3F96] =	sst s1;
	(tag) =	ssettag s2;
	_ =	strace s9  }
0x27: {  	s1 =	sld [smem:$0x3FA6]  }
0x28: {  	s2 =	sld [smem:$0x3FA7]  }
0x29: {  	s4 =	sld [smem:$0x3FA9]  }
0x2a: {  	p0 =	seq.s32 s5, $0x0;
	s5 =	sld [smem:$0x3FAA]  }
0x2b: {  	s6 =	sld [smem:$0x3FAB]  }
0x2c: {  	s7 =	sld [smem:$0x3FAC]  }
0x2d: {  	s3 =	simm.s32 $0x108;
	s8 =	sld [smem:$0x3FAD]  }
0x2e: {  	s3 =	simm.s32 @!p0 $0x1082;
	s9 =	sld [smem:$0x3FAE]  }
0x2f: {  	lr =	sadd.s32 s0, s3;
	s0 =	sld [smem:$0x3FA5]  }
0x30: {  	s3 =	sld [smem:$0x3FA8]  }
0x31: {  	[smem:$0x3FB1] =	sst s10  }
0x32: {  	s10 =	sld [smem:$0x3FAF];
	_ =	sdelay $0x3  }
0x33: {  	p0 =	seq.s32 s10, $0x1;
	s10 =	sld [smem:$0x3FB1];
	_ =	sdelay $0x3  }
0x34: {  	[smem:$0x3FB1] =	sst s10  }
0x35: {  	s10 =	sld [smem:$0x3FB0];
	_ =	sdelay $0x3  }
0x36: {  	p1 =	seq.s32 s10, $0x1;
	s10 =	sld [smem:$0x3FB1];
	_ =	sdelay $0x3  }
0x37: {  	[smem:$0x3FB1] =	sst s10  }
0x38: {  	s10 =	sld [smem:$0x3FB2]  }
0x39: {  	_ = 	snop;
	(pc) =	sbr.ind lr, $3  }
0x3a: {  	_ = 	snop  }
0x3b: {  	_ = 	snop  }
0x3c: {  	p2 =	seq.s32 s10, $0x1;
	s10 =	sld [smem:$0x3FB1]  }
0x3d: {  	_ =	shalt  }
0x3e: {  	_ =	shalt  }
0x3f: {  	_ =	shalt  }
0x40: {  	_ =	shalt  }
0x41: {  	_ =	shalt  }
0x42: {  	_ =	shalt  }
0x43: {  	_ =	shalt  }
0x44: {  	_ =	shalt  }
0x45: {  	_ =	shalt  }
0x46: {  	_ =	shalt  }
0x47: {  	_ =	shalt  }
0x48: {  	_ =	shalt  }
0x49: {  	_ =	shalt  }
0x4a: {  	_ =	shalt  }
0x4b: {  	_ =	shalt  }
0x4c: {  	_ =	shalt  }
0x4d: {  	_ =	shalt  }
0x4e: {  	_ =	shalt  }
0x4f: {  	_ =	shalt  }
0x50: {  	_ =	shalt  }
0x51: {  	_ =	shalt  }
0x52: {  	_ =	shalt  }
0x53: {  	_ =	shalt  }
0x54: {  	_ =	shalt  }
0x55: {  	_ =	shalt  }
0x56: {  	_ =	shalt  }
0x57: {  	_ =	shalt  }
0x58: {  	_ =	shalt  }
0x59: {  	_ =	shalt  }
0x5a: {  	_ =	shalt  }
0x5b: {  	_ =	shalt  }
0x5c: {  	_ =	shalt  }
0x5d: {  	_ =	shalt  }
0x5e: {  	_ =	shalt  }
0x5f: {  	_ =	shalt  }
0x60: {  	_ =	shalt  }
0x61: {  	_ =	shalt  }
0x62: {  	_ =	shalt  }
0x63: {  	_ =	shalt  }
0x64: {  	_ =	shalt  }
0x65: {  	_ =	shalt  }
0x66: {  	_ =	shalt  }
0x67: {  	_ =	shalt  }
0x68: {  	_ =	shalt  }
0x69: {  	_ =	shalt  }
0x6a: {  	_ =	shalt  }
0x6b: {  	_ =	shalt  }
0x6c: {  	_ =	shalt  }
0x6d: {  	_ =	shalt  }
0x6e: {  	_ =	shalt  }
0x6f: {  	_ =	shalt  }
0x70: {  	_ =	shalt  }
0x71: {  	_ =	shalt  }
0x72: {  	_ =	shalt  }
0x73: {  	_ =	shalt  }
0x74: {  	_ =	shalt  }
0x75: {  	_ =	shalt  }
0x76: {  	_ =	shalt  }
0x77: {  	_ =	shalt  }
0x78: {  	_ =	shalt  }
0x79: {  	_ =	shalt  }
0x7a: {  	_ =	shalt  }
0x7b: {  	_ =	shalt  }
0x7c: {  	_ =	shalt  }
0x7d: {  	_ =	shalt  }
0x7e: {  	_ =	shalt  }
0x7f: {  	_ =	shalt  }
0x80: {  	_ =	shalt  }
0x81: {  	_ =	shalt  }
0x82: {  	_ =	shalt  }
0x83: {  	_ =	shalt  }
0x84: {  	_ =	shalt  }
0x85: {  	_ =	shalt  }
0x86: {  	_ =	shalt  }
0x87: {  	_ =	shalt  }
.Lfunc_end0:
.L_simem_size_0:
called_computation_lowered:
.L_overlay_start_0:
0x88: {  	s2 =	sld [smem:$0x3FD9]  }
0x89: {  	s3 =	sld [smem:$0x3FFE];
	_ =	sdelay $0x1  }
0x8a: {  	s1 =	srdreg.scid  }
0x8b: {  	s0 =	sand.u32 $0x1, s1  }
0x8c: {  	s17 =	sshll.u32 s0, $0xA;
	s2 =	sadd.s32 s3, s2  }
0x8d: {  	s2 =	sadd.s32 s2, s17  }
0x8e: {  	[smem:$0x3FBD] =	sst s2  }
0x8f: {  	_ = 	snop  }
0x90: {  	s2 =	sld [smem:$0x3FD0];
	(tm) =	ssettm $0x1  }
0x91: {  	s18 =	sld [smem:$0x3FFB];
	_ =	sdelay $0x3  }
0x92: {  	_ =	strace s18  }
0x93: {  	s3 =	sld [smem:$0x3FFC];
	_ =	sdelay $0x3  }
0x94: {  	_ =	strace s3  }
0x95: {  	s3 =	sld [smem:$0x3FFD];
	_ =	sdelay $0x3  }
0x96: {  	_ =	strace s3  }
0x97: {  	_ =	strace $0x8FFFFFFF  }
0x98: {  	s19 =	sld [smem:$0x3FDB];
	_ =	sdelay $0x1  }
0x99: {  	s4 =	simm.s32 $_scs_section_size  }
0x9a: {  	s5 =	simm.s32 $_size__tile_overlayer_lowered;
	s6 =	simm.s32 $_tile_overlayer_lowered  }
0x9b: {  	s22 =	simm.s32 $0x1BFF;
	s21 =	sshll.u32 s6, $0x1;
	s3 =	sadd.s32 s4, s19  }
0x9c: {  	s7 =	simm.s32 $0x0;
	s20 =	sshll.u32 s5, $0x1;
	s5 =	sadd.s32 s21, s3  }
0x9d: {  	[timem:s7], [sflag:s22] =	dma.local [hbm:s5], s20  }
0x9e: {  	_ =	swait.ge [sflag:s22], s20  }
0x9f: {  	s4 =	ssub.s32 $0x0, s20;
	[sflag:s22] =	ssyncset.done $0x0  }
0xa0: {  	[sflag:s22] =	ssyncadd.s32 s4;
	_ =	sdelay $0x1  }
0xa1: {  	s23 =	simm.s32 $0x1B8B  }
0xa2: {  	_ =	swait.ge [sflag:s23], $0x1  }
0xa3: {  	[sflag:s23] =	ssyncset.done $0x0  }
0xa4: {  	s25 =	simm.s32 $0x1B8E;
	s24 =	sld [smem:$0x3FFE];
	[sflag:s23] =	ssyncadd.s32 $0xFFFFFFFF  }
0xa5: {  	s26 =	simm.s32 $execute0_lowered;
	[smem:$0x3FD2] =	sst s25  }
0xa6: {  	s5 =	sshll.u32 s26, $0x1;
	_ =	strace $0x80000046;
	[dreg:$0x1] =	wrdreg $0xFFFFFFFF  }
0xa7: {  	s28 =	simm.s32 $_size_execute0_lowered;
	s3 =	sadd.s32 s3, s5;
	[dreg:$0x0] =	wrdreg $0x0  }
0xa8: {  	s5 =	sshll.u32 s28, $0x1;
	[dreg:$0x2] =	wrdreg s3  }
0xa9: {  	[dreg:$0x3] =	wrdreg s5  }
0xaa: {  	[dreg:$0x4] =	wrdreg $0xC0  }
0xab: {  	_ =	task [dreg:s7], $0x5FFFF  }
0xac: {  	[dreg:$0x1] =	wrdreg $0xFFFFFFFF  }
0xad: {  	[dreg:$0x0] =	wrdreg $0x60  }
0xae: {  	[dreg:$0x2] =	wrdreg s24  }
0xaf: {  	[dreg:$0x3] =	wrdreg s2  }
0xb0: {  	[dreg:$0x4] =	wrdreg $0x8A000  }
0xb1: {  	[dreg:$0x5] =	wrdreg $0x1D2000  }
0xb2: {  	[dreg:$0x6] =	wrdreg $0x9  }
0xb3: {  	_ =	task.clear_ibuf [dreg:s7], $0x7FFFF;
	_ =	strace $0x90000046  }
0xb4: {  	s29 =	simm.s32 $0x9;
	_ =	strace $0x80000048  }
0xb5: {  	_ =	swait.ge [sflag:s29], $0x1  }
0xb6: {  	[sflag:s29] =	ssyncadd.s32 $0xFFFFFFFF  }
0xb7: {  	_ =	strace $0x90000048  }
0xb8: {  	_ =	sfence  }
0xb9: {  	s30 =	sld [smem:$0x0];
	_ =	sdelay $0x2  }
0xba: {  	s31 =	sshll.u32 s1, $0xD;
	s1 =	sshrl.u32 s1, $0x2  }
0xbb: {  	s3 =	sand.u32 $0x4000, s31;
	s1 =	sadd.s32 s1, s30  }
0xbc: {  	s0 =	sor.u32 s3, s0;
	s1 =	sshll.u32 s1, $0x11  }
0xbd: {  	s0 =	sor.u32 s1, s0  }
0xbe: {  	s0 =	sadd.s32 $0x8F2B, s0  }
0xbf: {  	[sflag:s0] =	ssyncadd.remote.s32 $0x1  }
0xc0: {  	_ =	sfence.sel $0xFFFF  }
0xc1: {  	[dreg:$0x0] =	wrdreg $0xFFFFFFFF;
	(pc) =	sbr.abs _section_cstart, $3  }
0xc2: {  	[dreg:$0x1] =	wrdreg $0xFFFFFFFF  }
0xc3: {  	_ =	task.clear_ibuf [dreg:s7], $0x2FFFF;
	_ =	strace $0x9FFFFFFF  }
0xc4: {  	(tm) =	ssettm $0x7FFFFFFF  }
0xc5: {  	_ =	shalt  }
tec
execute0_lowered:
.L_overlay_start_1:
0x0: {  	(tag) =	ssettag $0x1  }
0x1: {  	s0 =	rddreg [dreg:$0x0]  }
0x2: {  	s4 =	rddreg [dreg:$0x1]  }
0x3: {  	s1 =	rddreg [dreg:$0x2]  }
0x4: {  	s2 =	rddreg [dreg:$0x3];
	s5 =	srdreg.scid;
	s3 =	simm.s32 $0x0  }
0x5: {  	s21 =	stileid.u32;
	s28 =	simm.s32 $0x180;
	s29 =	simm.s32 $0x600  }
0x6: {  	s30 =	simm.s32 $0x200;
	s31 =	simm.s32 $0x680;
	s12 =	smul.u32 $0x280, s21  }
0x7: {  	s6 =	sand.u32 $0x1, s5;
	[smem:$0x7FF] =	sst s3;
	s15 =	smul.u32 $0x14000, s21  }
0x8: {  	s5 =	sadd.s32 $0x4400, s0;
	s9 =	sadd.s32 $0x40400, s0;
	s20 =	smul.u32 $0x2800, s21  }
0x9: {  	s10 =	sadd.s32 $0x68400, s0;
	s13 =	sadd.s32 $0x3B400, s0;
	s7 =	smul.u32 $0x5000, s6  }
0xa: {  	_ =	strace $0x80000047;
	s11 =	ssub.s32 $0x2, s6;
	p0 =	seq.s32 s6, $0x1  }
0xb: {  	s14 =	sshrl.u32 s11, $0x1;
	s16 =	sadd.s32 $0x80, s12;
	s24 =	sadd.s32 s15, s1  }
0xc: {  	s17 =	sadd.s32 $0x100, s12;
	s18 =	sadd.s32 $0x180, s12;
	s12 =	sadd.s32 $0x200, s12  }
0xd: {  	s23 =	sadd.s32 s20, s2;
	s9 =	smov.u32 @p0 s10;
	s20 =	sshrl.u32 s20, $0x3  }
0xe: {  	s10 =	simm.s32 $0x800;
	s8 =	sadd.s32 s7, s0;
	s0 =	sadd.s32 $0x36400, s0  }
0xf: {  	s14 =	ssub.s32 s11, s14;
	[dreg:$0x8] =	wrdreg s24;
	s25 =	sshll.u32 s16, $0x7  }
0x10: {  	s26 =	sshll.u32 s17, $0x7;
	s19 =	sshll.u32 s18, $0x7;
	s22 =	sshll.u32 s12, $0x7  }
0x11: {  	[dreg:$0xd] =	wrdreg s23;
	s24 =	sshll.u32 s16, $0x4;
	s4 =	sadd.s32 s7, s4  }
0x12: {  	s7 =	simm.s32 $0x300;
	s11 =	sadd.s32 s25, s1;
	s19 =	sadd.s32 s19, s1  }
0x13: {  	s25 =	sshll.u32 s17, $0x4;
	s6 =	sadd.s32 s24, s2;
	s17 =	sshll.u32 s12, $0x4  }
0x14: {  	s13 =	smov.u32 @p0 s0;
	s0 =	simm.s32 $0x280;
	[dreg:$0x9] =	wrdreg s11  }
0x15: {  	s12 =	simm.s32 $0x400;
	s11 =	sadd.s32 s26, s1;
	[dreg:$0xb] =	wrdreg s19  }
0x16: {  	s26 =	sshll.u32 s18, $0x4;
	[dreg:$0xe] =	wrdreg s6;
	s18 =	smul.u32 $0x500, s21  }
0x17: {  	s6 =	sadd.s32 s17, s2;
	s19 =	sshrl.u32 s15, $0x3;
	s21 =	smax.u32 s14, $0x1  }
0x18: {  	s24 =	sadd.s32 s13, s20;
	s20 =	simm.s32 $0x2;
	s13 =	simm.s32 $0x880  }
0x19: {  	s14 =	simm.s32 $0x480;
	s15 =	simm.s32 $0x900;
	[dreg:$0xa] =	wrdreg s11  }
0x1a: {  	s17 =	simm.s32 $0x0;
	s11 =	sadd.s32 s22, s1;
	[dreg:$0x11] =	wrdreg s6  }
0x1b: {  	s16 =	sadd.s32 s26, s2;
	[dreg:$0x12] =	wrdreg s21;
	s6 =	sadd.s32 s9, s19  }
0x1c: {  	[dreg:$0x14] =	wrdreg s24;
	s19 =	simm.s32 $0xA00;
	s21 =	simm.s32 $0x1CA00  }
0x1d: {  	s26 =	simm.s32 $0x100;
	s24 =	simm.s32 $0x1;
	[dreg:$0xc] =	wrdreg s11  }
0x1e: {  	s9 =	simm.s32 $0x380;
	s11 =	sadd.s32 s25, s2;
	[dreg:$0x10] =	wrdreg s16  }
0x1f: {  	[dreg:$0x13] =	wrdreg s6;
	s22 =	sadd.s32 s18, s8;
	s25 =	sadd.s32 s18, s4  }
0x20: {  	[dreg:$0x7] =	wrdreg s26;
	s26 =	simm.s32 $0x580;
	s4 =	simm.s32 $0x700  }
0x21: {  	s8 =	simm.s32 $0x780;
	s16 =	simm.s32 $0x980;
	[dreg:$0xf] =	wrdreg s11  }
0x22: {  	s23 =	sadd.s32 $0x2C400, s22;
	[dreg:$0x6] =	wrdreg s25;
	s22 =	simm.s32 $0x500  }
0x23: {  	v0 =	vimm.f32 $0.0e+00;
	v1 =	vimm.f32 $1.000000000e+00;
	s25 =	simm.s32 $0x4A00;
	[dreg:$0x5] =	wrdreg s23;
	s23 =	simm.s32 $0x80  }
.LBB2_1:
0x24: {  	s18 =	simm.s32 $0x0;
	s6 =	simm.s32 $0x200  }
.LBB2_2:
0x25: {  	p0 =	sne.s32 s6, $0xFE00;
	[tilespmem:s18+$0x4A70] =	vst v0  }
0x26: {  	[tilespmem:s18+$0xA00] =	vst v0  }
0x27: {  	[tilespmem:s18+$0xA10] =	vst v0  }
0x28: {  	[tilespmem:s18+$0xA20] =	vst v0  }
0x29: {  	[tilespmem:s18+$0xA30] =	vst v0  }
0x2a: {  	[tilespmem:s18+$0xA40] =	vst v0  }
0x2b: {  	[tilespmem:s18+$0xA50] =	vst v0  }
0x2c: {  	[tilespmem:s18+$0xA60] =	vst v0  }
0x2d: {  	[tilespmem:s18+$0xA70] =	vst v0  }
0x2e: {  	[tilespmem:s18+$0x4A00] =	vst v0  }
0x2f: {  	[tilespmem:s18+$0x4A10] =	vst v0  }
.Ltmp0:
0x30: {  	[tilespmem:s18+$0x4A20] =	vst v0;
	(pc) =	sbr.rel @p0 .LBB2_2-.Ltmp0, $4  }
0x31: {  	[tilespmem:s18+$0x4A30] =	vst v0  }
0x32: {  	[tilespmem:s18+$0x4A40] =	vst v0  }
0x33: {  	[tilespmem:s18+$0x4A50] =	vst v0  }
0x34: {  	[tilespmem:s18+$0x4A60] =	vst v0;
	s18 =	sshra.s32 s6, $0x2;
	s6 =	sadd.s32 $0x200, s6  }
0x35: {  	[tilespmem:s18+$0x4A70] =	vst v0  }
0x36: {  	[tilespmem:s18+$0xA00] =	vst v0  }
0x37: {  	[tilespmem:s18+$0xA10] =	vst v0  }
0x38: {  	[tilespmem:s18+$0xA20] =	vst v0  }
0x39: {  	[tilespmem:s18+$0xA30] =	vst v0  }
0x3a: {  	[tilespmem:s18+$0xA40] =	vst v0  }
0x3b: {  	[tilespmem:s18+$0xA50] =	vst v0  }
0x3c: {  	[tilespmem:s18+$0xA60] =	vst v0  }
0x3d: {  	[tilespmem:s18+$0xA70] =	vst v0  }
0x3e: {  	[tilespmem:s18+$0x4A00] =	vst v0  }
0x3f: {  	[tilespmem:s18+$0x4A10] =	vst v0  }
0x40: {  	[tilespmem:s18+$0x4A20] =	vst v0  }
0x41: {  	[tilespmem:s18+$0x4A30] =	vst v0  }
0x42: {  	[tilespmem:s18+$0x4A40] =	vst v0  }
0x43: {  	[tilespmem:s18+$0x4A50] =	vst v0  }
0x44: {  	[tilespmem:s18+$0x4A60] =	vst v0;
	s6 =	rddreg [dreg:$0x8]  }
0x45: {  	[spmem:s6] =	stream.linear.scatter [tilespmem:s19], [sflag:$0x2], $0x4000, $0x38;
	[tilespmem:$0x1FA00] =	vst v63  }
0x46: {  	_ =	swait.ge [sflag:s20], $0x4000  }
0x47: {  	[sflag:s20] =	ssyncset.done $0x0  }
0x48: {  	s11 =	rddreg [dreg:$0x9];
	[sflag:s20] =	ssyncadd.s32 $0xFFFFC000  }
0x49: {  	[spmem:s11] =	stream.linear.scatter [tilespmem:s19], [sflag:$0x2], $0x4000, $0x38;
	[tilespmem:$0x1FA00] =	vst v63  }
0x4a: {  	_ =	swait.ge [sflag:s20], $0x4000  }
0x4b: {  	[sflag:s20] =	ssyncset.done $0x0  }
0x4c: {  	s18 =	rddreg [dreg:$0xa];
	[sflag:s20] =	ssyncadd.s32 $0xFFFFC000  }
0x4d: {  	[spmem:s18] =	stream.linear.scatter [tilespmem:s19], [sflag:$0x2], $0x4000, $0x38;
	[tilespmem:$0x1FA00] =	vst v63  }
0x4e: {  	_ =	swait.ge [sflag:s20], $0x4000  }
0x4f: {  	[sflag:s20] =	ssyncset.done $0x0  }
0x50: {  	s11 =	rddreg [dreg:$0xb];
	[sflag:s20] =	ssyncadd.s32 $0xFFFFC000  }
0x51: {  	[spmem:s11] =	stream.linear.scatter [tilespmem:s19], [sflag:$0x2], $0x4000, $0x38;
	[tilespmem:$0x1FA00] =	vst v63  }
0x52: {  	_ =	swait.ge [sflag:s20], $0x4000  }
0x53: {  	[sflag:s20] =	ssyncset.done $0x0  }
0x54: {  	s18 =	rddreg [dreg:$0xc];
	[sflag:s20] =	ssyncadd.s32 $0xFFFFC000  }
0x55: {  	[spmem:s18] =	stream.linear.scatter [tilespmem:s19], [sflag:$0x2], $0x4000, $0x38;
	[tilespmem:$0x1FA00] =	vst v63  }
0x56: {  	_ =	swait.ge [sflag:s20], $0x4000  }
0x57: {  	[sflag:s20] =	ssyncset.done $0x0  }
0x58: {  	s6 =	simm.s32 $0x40;
	s18 =	simm.s32 $0x0;
	[sflag:s20] =	ssyncadd.s32 $0xFFFFC000  }
.LBB2_4:
0x59: {  	p0 =	sne.s32 s6, $0x1FC0;
	[tilespmem:s18+$0x1CA00] =	vst v0;
	s18 =	smov.u32 s6;
	s6 =	sadd.s32 $0x40, s6  }
.Ltmp1:
0x5a: {  	(pc) =	sbr.rel @p0 .LBB2_4-.Ltmp1, $2  }
0x5b: {  	_ =	sdelay $0x2  }
0x5c: {  	s18 =	sshra.s32 s18, $0x2  }
0x5d: {  	[tilespmem:s18+$0x1CA00] =	vst v0;
	s6 =	rddreg [dreg:$0xd]  }
0x5e: {  	[spmem:s6] =	stream.linear.scatter [tilespmem:s21], [sflag:$0x2], $0x800, $0x38;
	[tilespmem:$0x1FA00] =	vst v63  }
0x5f: {  	_ =	swait.ge [sflag:s20], $0x800  }
0x60: {  	[sflag:s20] =	ssyncset.done $0x0  }
0x61: {  	s11 =	rddreg [dreg:$0xe];
	[sflag:s20] =	ssyncadd.s32 $0xFFFFF800  }
0x62: {  	[spmem:s11] =	stream.linear.scatter [tilespmem:s21], [sflag:$0x2], $0x800, $0x38;
	[tilespmem:$0x1FA00] =	vst v63  }
0x63: {  	_ =	swait.ge [sflag:s20], $0x800  }
0x64: {  	[sflag:s20] =	ssyncset.done $0x0  }
0x65: {  	s18 =	rddreg [dreg:$0xf];
	[sflag:s20] =	ssyncadd.s32 $0xFFFFF800  }
0x66: {  	[spmem:s18] =	stream.linear.scatter [tilespmem:s21], [sflag:$0x2], $0x800, $0x38;
	[tilespmem:$0x1FA00] =	vst v63  }
0x67: {  	_ =	swait.ge [sflag:s20], $0x800  }
0x68: {  	[sflag:s20] =	ssyncset.done $0x0  }
0x69: {  	s11 =	rddreg [dreg:$0x10];
	[sflag:s20] =	ssyncadd.s32 $0xFFFFF800  }
0x6a: {  	[spmem:s11] =	stream.linear.scatter [tilespmem:s21], [sflag:$0x2], $0x800, $0x38;
	[tilespmem:$0x1FA00] =	vst v63  }
0x6b: {  	_ =	swait.ge [sflag:s20], $0x800  }
0x6c: {  	[sflag:s20] =	ssyncset.done $0x0  }
0x6d: {  	s18 =	rddreg [dreg:$0x11];
	[sflag:s20] =	ssyncadd.s32 $0xFFFFF800  }
0x6e: {  	[spmem:s18] =	stream.linear.scatter [tilespmem:s21], [sflag:$0x2], $0x800, $0x38;
	[tilespmem:$0x1FA00] =	vst v63  }
0x6f: {  	_ =	swait.ge [sflag:s20], $0x800  }
0x70: {  	[sflag:s20] =	ssyncset.done $0x0  }
0x71: {  	s6 =	simm.s32 $0x40;
	s18 =	simm.s32 $0x0;
	[sflag:s20] =	ssyncadd.s32 $0xFFFFF800  }
.LBB2_6:
0x72: {  	p0 =	sne.s32 s6, $0x1FC0;
	[tilespmem:s18+$0x1CA00] =	vst v1;
	s18 =	smov.u32 s6;
	s6 =	sadd.s32 $0x40, s6  }
.Ltmp2:
0x73: {  	(pc) =	sbr.rel @p0 .LBB2_6-.Ltmp2, $2  }
0x74: {  	_ =	sdelay $0x2  }
0x75: {  	s18 =	sshra.s32 s18, $0x2  }
0x76: {  	[tilespmem:s18+$0x1CA00] =	vst v1  }
0x77: {  	[bflag:$0x0] =	sbarrier.arrive $0xFFFF  }
0x78: {  	s6 =	rddreg [dreg:$0x6]  }
0x79: {  	s6 =	sadd.s32 $0x0, s6  }
0x7a: {  	[tilespmem:s3], [sflag:$0x2] =	stream.linear.gather [hbm4b:s6+s3], $0x500, $0x38;
	[tilespmem:$0x1FA00] =	vst v63  }
0x7b: {  	_ =	swait.ge [sflag:s20], $0x500  }
0x7c: {  	s11 =	rddreg [dreg:$0x5];
	[sflag:s20] =	ssyncset.done $0x0  }
0x7d: {  	[sflag:s20] =	ssyncadd.s32 $0xFFFFFB00;
	s6 =	sadd.s32 $0x0, s11  }
0x7e: {  	[tilespmem:s22], [sflag:$0x2] =	stream.linear.gather [hbm4b:s6+s3], $0x500, $0x38;
	[tilespmem:$0x1FA00] =	vst v63  }
0x7f: {  	_ =	swait.ge [sflag:s20], $0x500  }
0x80: {  	[sflag:s20] =	ssyncset.done $0x0  }
0x81: {  	[sflag:s20] =	ssyncadd.s32 $0xFFFFFB00  }
0x82: {  	[tilespmem:s19], [sflag:$0x1] =	stream.indirect.gather [hbm4b:s5+s23], $0x80, s3, s23, $0xb8;
	[tilespmem:$0x1FA00] =	vst v63  }
0x83: {  	_ =	swait.ge [sflag:s24], $0x4000  }
0x84: {  	[sflag:s24] =	ssyncset.done $0x0  }
0x85: {  	[sflag:s24] =	ssyncadd.s32 $0xFFFFC000  }
0x86: {  	[tilespmem:s25], [sflag:$0x1] =	stream.indirect.gather [hbm4b:s5+s23], $0x80, s23, s23, $0xb8;
	[tilespmem:$0x1FA00] =	vst v63  }
0x87: {  	_ = 	snop  }
0x88: {  	[spmem:s1] =	stream.indirect.scatter.add.f32 [tilespmem:s19], [sflag:$0x2], $0x80, s22, s23, $0xb8;
	[tilespmem:$0x1FA00] =	vst v63  }
0x89: {  	_ =	swait.ge [sflag:s20], $0x4000  }
0x8a: {  	[sflag:s20] =	ssyncset.done $0x0  }
0x8b: {  	[sflag:s20] =	ssyncadd.s32 $0xFFFFC000  }
0x8c: {  	[spmem:s2] =	stream.indirect.scatter.add.f32 [tilespmem:s21], [sflag:$0x2], $0x10, s22, s23, $0xb8;
	[tilespmem:$0x1FA00] =	vst v63  }
0x8d: {  	_ =	swait.ge [sflag:s20], $0x800  }
0x8e: {  	[sflag:s20] =	ssyncset.done $0x0  }
0x8f: {  	[sflag:s20] =	ssyncadd.s32 $0xFFFFF800  }
0x90: {  	_ =	swait.ge [sflag:s24], $0x4000  }
0x91: {  	[sflag:s24] =	ssyncset.done $0x0  }
0x92: {  	s18 =	rddreg [dreg:$0x7];
	[sflag:s24] =	ssyncadd.s32 $0xFFFFC000  }
0x93: {  	[tilespmem:s19], [sflag:$0x1] =	stream.indirect.gather [hbm4b:s5+s23], $0x80, s18, s23, $0xb8;
	[tilespmem:$0x1FA00] =	vst v63  }
0x94: {  	_ = 	snop  }
0x95: {  	[spmem:s1] =	stream.indirect.scatter.add.f32 [tilespmem:s25], [sflag:$0x2], $0x80, s26, s23, $0xb8;
	[tilespmem:$0x1FA00] =	vst v63  }
0x96: {  	_ =	swait.ge [sflag:s20], $0x4000  }
0x97: {  	[sflag:s20] =	ssyncset.done $0x0  }
0x98: {  	[sflag:s20] =	ssyncadd.s32 $0xFFFFC000  }
0x99: {  	[spmem:s2] =	stream.indirect.scatter.add.f32 [tilespmem:s21], [sflag:$0x2], $0x10, s26, s23, $0xb8;
	[tilespmem:$0x1FA00] =	vst v63  }
0x9a: {  	_ =	swait.ge [sflag:s20], $0x800  }
0x9b: {  	[sflag:s20] =	ssyncset.done $0x0  }
0x9c: {  	[sflag:s20] =	ssyncadd.s32 $0xFFFFF800  }
0x9d: {  	_ =	swait.ge [sflag:s24], $0x4000  }
0x9e: {  	[sflag:s24] =	ssyncset.done $0x0  }
0x9f: {  	[sflag:s24] =	ssyncadd.s32 $0xFFFFC000  }
0xa0: {  	[tilespmem:s25], [sflag:$0x1] =	stream.indirect.gather [hbm4b:s5+s23], $0x80, s28, s23, $0xb8;
	[tilespmem:$0x1FA00] =	vst v63  }
0xa1: {  	_ = 	snop  }
0xa2: {  	[spmem:s1] =	stream.indirect.scatter.add.f32 [tilespmem:s19], [sflag:$0x2], $0x80, s29, s23, $0xb8;
	[tilespmem:$0x1FA00] =	vst v63  }
0xa3: {  	_ =	swait.ge [sflag:s20], $0x4000  }
0xa4: {  	[sflag:s20] =	ssyncset.done $0x0  }
0xa5: {  	[sflag:s20] =	ssyncadd.s32 $0xFFFFC000  }
0xa6: {  	[spmem:s2] =	stream.indirect.scatter.add.f32 [tilespmem:s21], [sflag:$0x2], $0x10, s29, s23, $0xb8;
	[tilespmem:$0x1FA00] =	vst v63  }
0xa7: {  	_ =	swait.ge [sflag:s20], $0x800  }
0xa8: {  	[sflag:s20] =	ssyncset.done $0x0  }
0xa9: {  	[sflag:s20] =	ssyncadd.s32 $0xFFFFF800  }
0xaa: {  	_ =	swait.ge [sflag:s24], $0x4000  }
0xab: {  	[sflag:s24] =	ssyncset.done $0x0  }
0xac: {  	[sflag:s24] =	ssyncadd.s32 $0xFFFFC000  }
0xad: {  	[tilespmem:s19], [sflag:$0x1] =	stream.indirect.gather [hbm4b:s5+s23], $0x80, s30, s23, $0xb8;
	[tilespmem:$0x1FA00] =	vst v63  }
0xae: {  	_ = 	snop  }
0xaf: {  	[spmem:s1] =	stream.indirect.scatter.add.f32 [tilespmem:s25], [sflag:$0x2], $0x80, s31, s23, $0xb8;
	[tilespmem:$0x1FA00] =	vst v63  }
0xb0: {  	_ =	swait.ge [sflag:s20], $0x4000  }
0xb1: {  	[sflag:s20] =	ssyncset.done $0x0  }
0xb2: {  	[sflag:s20] =	ssyncadd.s32 $0xFFFFC000  }
0xb3: {  	[spmem:s2] =	stream.indirect.scatter.add.f32 [tilespmem:s21], [sflag:$0x2], $0x10, s31, s23, $0xb8;
	[tilespmem:$0x1FA00] =	vst v63  }
0xb4: {  	_ =	swait.ge [sflag:s20], $0x800  }
0xb5: {  	[sflag:s20] =	ssyncset.done $0x0  }
0xb6: {  	[sflag:s20] =	ssyncadd.s32 $0xFFFFF800  }
0xb7: {  	_ =	swait.ge [sflag:s24], $0x4000  }
0xb8: {  	[sflag:s24] =	ssyncset.done $0x0  }
0xb9: {  	[sflag:s24] =	ssyncadd.s32 $0xFFFFC000  }
0xba: {  	[tilespmem:s25], [sflag:$0x1] =	stream.indirect.gather [hbm4b:s5+s23], $0x80, s0, s23, $0xb8;
	[tilespmem:$0x1FA00] =	vst v63  }
0xbb: {  	_ = 	snop  }
0xbc: {  	[spmem:s1] =	stream.indirect.scatter.add.f32 [tilespmem:s19], [sflag:$0x2], $0x80, s4, s23, $0xb8;
	[tilespmem:$0x1FA00] =	vst v63  }
0xbd: {  	_ =	swait.ge [sflag:s20], $0x4000  }
0xbe: {  	[sflag:s20] =	ssyncset.done $0x0  }
0xbf: {  	[sflag:s20] =	ssyncadd.s32 $0xFFFFC000  }
0xc0: {  	[spmem:s2] =	stream.indirect.scatter.add.f32 [tilespmem:s21], [sflag:$0x2], $0x10, s4, s23, $0xb8;
	[tilespmem:$0x1FA00] =	vst v63  }
0xc1: {  	_ =	swait.ge [sflag:s20], $0x800  }
0xc2: {  	[sflag:s20] =	ssyncset.done $0x0  }
0xc3: {  	[sflag:s20] =	ssyncadd.s32 $0xFFFFF800  }
0xc4: {  	_ =	swait.ge [sflag:s24], $0x4000  }
0xc5: {  	[sflag:s24] =	ssyncset.done $0x0  }
0xc6: {  	[sflag:s24] =	ssyncadd.s32 $0xFFFFC000  }
0xc7: {  	[tilespmem:s19], [sflag:$0x1] =	stream.indirect.gather [hbm4b:s5+s23], $0x80, s7, s23, $0xb8;
	[tilespmem:$0x1FA00] =	vst v63  }
0xc8: {  	_ = 	snop  }
0xc9: {  	[spmem:s1] =	stream.indirect.scatter.add.f32 [tilespmem:s25], [sflag:$0x2], $0x80, s8, s23, $0xb8;
	[tilespmem:$0x1FA00] =	vst v63  }
0xca: {  	_ =	swait.ge [sflag:s20], $0x4000  }
0xcb: {  	[sflag:s20] =	ssyncset.done $0x0  }
0xcc: {  	[sflag:s20] =	ssyncadd.s32 $0xFFFFC000  }
0xcd: {  	[spmem:s2] =	stream.indirect.scatter.add.f32 [tilespmem:s21], [sflag:$0x2], $0x10, s8, s23, $0xb8;
	[tilespmem:$0x1FA00] =	vst v63  }
0xce: {  	_ =	swait.ge [sflag:s20], $0x800  }
0xcf: {  	[sflag:s20] =	ssyncset.done $0x0  }
0xd0: {  	[sflag:s20] =	ssyncadd.s32 $0xFFFFF800  }
0xd1: {  	_ =	swait.ge [sflag:s24], $0x4000  }
0xd2: {  	[sflag:s24] =	ssyncset.done $0x0  }
0xd3: {  	[sflag:s24] =	ssyncadd.s32 $0xFFFFC000  }
0xd4: {  	[tilespmem:s25], [sflag:$0x1] =	stream.indirect.gather [hbm4b:s5+s23], $0x80, s9, s23, $0xb8;
	[tilespmem:$0x1FA00] =	vst v63  }
0xd5: {  	_ = 	snop  }
0xd6: {  	[spmem:s1] =	stream.indirect.scatter.add.f32 [tilespmem:s19], [sflag:$0x2], $0x80, s10, s23, $0xb8;
	[tilespmem:$0x1FA00] =	vst v63  }
0xd7: {  	_ =	swait.ge [sflag:s20], $0x4000  }
0xd8: {  	[sflag:s20] =	ssyncset.done $0x0  }
0xd9: {  	[sflag:s20] =	ssyncadd.s32 $0xFFFFC000  }
0xda: {  	[spmem:s2] =	stream.indirect.scatter.add.f32 [tilespmem:s21], [sflag:$0x2], $0x10, s10, s23, $0xb8;
	[tilespmem:$0x1FA00] =	vst v63  }
0xdb: {  	_ =	swait.ge [sflag:s20], $0x800  }
0xdc: {  	[sflag:s20] =	ssyncset.done $0x0  }
0xdd: {  	[sflag:s20] =	ssyncadd.s32 $0xFFFFF800  }
0xde: {  	_ =	swait.ge [sflag:s24], $0x4000  }
0xdf: {  	[sflag:s24] =	ssyncset.done $0x0  }
0xe0: {  	[sflag:s24] =	ssyncadd.s32 $0xFFFFC000  }
0xe1: {  	[tilespmem:s19], [sflag:$0x1] =	stream.indirect.gather [hbm4b:s5+s23], $0x80, s12, s23, $0xb8;
	[tilespmem:$0x1FA00] =	vst v63  }
0xe2: {  	_ = 	snop  }
0xe3: {  	[spmem:s1] =	stream.indirect.scatter.add.f32 [tilespmem:s25], [sflag:$0x2], $0x80, s13, s23, $0xb8;
	[tilespmem:$0x1FA00] =	vst v63  }
0xe4: {  	_ =	swait.ge [sflag:s20], $0x4000  }
0xe5: {  	[sflag:s20] =	ssyncset.done $0x0  }
0xe6: {  	[sflag:s20] =	ssyncadd.s32 $0xFFFFC000  }
0xe7: {  	[spmem:s2] =	stream.indirect.scatter.add.f32 [tilespmem:s21], [sflag:$0x2], $0x10, s13, s23, $0xb8;
	[tilespmem:$0x1FA00] =	vst v63  }
0xe8: {  	_ =	swait.ge [sflag:s20], $0x800  }
0xe9: {  	[sflag:s20] =	ssyncset.done $0x0  }
0xea: {  	[sflag:s20] =	ssyncadd.s32 $0xFFFFF800  }
0xeb: {  	_ =	swait.ge [sflag:s24], $0x4000  }
0xec: {  	[sflag:s24] =	ssyncset.done $0x0  }
0xed: {  	[sflag:s24] =	ssyncadd.s32 $0xFFFFC000  }
0xee: {  	[tilespmem:s25], [sflag:$0x1] =	stream.indirect.gather [hbm4b:s5+s23], $0x80, s14, s23, $0xb8;
	[tilespmem:$0x1FA00] =	vst v63  }
0xef: {  	_ = 	snop  }
0xf0: {  	[spmem:s1] =	stream.indirect.scatter.add.f32 [tilespmem:s19], [sflag:$0x2], $0x80, s15, s23, $0xb8;
	[tilespmem:$0x1FA00] =	vst v63  }
0xf1: {  	_ =	swait.ge [sflag:s20], $0x4000  }
0xf2: {  	[sflag:s20] =	ssyncset.done $0x0  }
0xf3: {  	[sflag:s20] =	ssyncadd.s32 $0xFFFFC000  }
0xf4: {  	[spmem:s2] =	stream.indirect.scatter.add.f32 [tilespmem:s21], [sflag:$0x2], $0x10, s15, s23, $0xb8;
	[tilespmem:$0x1FA00] =	vst v63  }
0xf5: {  	_ =	swait.ge [sflag:s20], $0x800  }
0xf6: {  	[sflag:s20] =	ssyncset.done $0x0  }
0xf7: {  	[sflag:s20] =	ssyncadd.s32 $0xFFFFF800  }
0xf8: {  	_ =	swait.ge [sflag:s24], $0x4000  }
0xf9: {  	[sflag:s24] =	ssyncset.done $0x0  }
0xfa: {  	[sflag:s24] =	ssyncadd.s32 $0xFFFFC000  }
0xfb: {  	[spmem:s1] =	stream.indirect.scatter.add.f32 [tilespmem:s25], [sflag:$0x2], $0x80, s16, s23, $0xb8;
	[tilespmem:$0x1FA00] =	vst v63  }
0xfc: {  	_ =	swait.ge [sflag:s20], $0x4000  }
0xfd: {  	[sflag:s20] =	ssyncset.done $0x0  }
0xfe: {  	[sflag:s20] =	ssyncadd.s32 $0xFFFFC000  }
0xff: {  	[spmem:s2] =	stream.indirect.scatter.add.f32 [tilespmem:s21], [sflag:$0x2], $0x10, s16, s23, $0xb8;
	[tilespmem:$0x1FA00] =	vst v63  }
0x100: {  	s18 =	simm.s32 $0xA0;
	_ =	swait.ge [sflag:s20], $0x800  }
.LBB2_8:
0x101: {  	s6 =	rddreg [dreg:$0x6];
	s11 =	smov.u32 s18;
	[sflag:s20] =	ssyncset.done $0x0  }
0x102: {  	s6 =	sadd.s32 s11, s6;
	[sflag:s20] =	ssyncadd.s32 $0xFFFFF800  }
0x103: {  	[tilespmem:s3], [sflag:$0x2] =	stream.linear.gather [hbm4b:s6+s3], $0x500, $0x38;
	[tilespmem:$0x1FA00] =	vst v63  }
0x104: {  	_ =	swait.ge [sflag:s20], $0x500  }
0x105: {  	s6 =	rddreg [dreg:$0x5];
	[sflag:s20] =	ssyncset.done $0x0  }
0x106: {  	[sflag:s20] =	ssyncadd.s32 $0xFFFFFB00;
	s6 =	sadd.s32 s11, s6  }
0x107: {  	[tilespmem:s22], [sflag:$0x2] =	stream.linear.gather [hbm4b:s6+s3], $0x500, $0x38;
	[tilespmem:$0x1FA00] =	vst v63  }
0x108: {  	_ =	swait.ge [sflag:s20], $0x500  }
0x109: {  	[sflag:s20] =	ssyncset.done $0x0  }
0x10a: {  	[sflag:s20] =	ssyncadd.s32 $0xFFFFFB00  }
0x10b: {  	[tilespmem:s19], [sflag:$0x1] =	stream.indirect.gather [hbm4b:s5+s23], $0x80, s3, s23, $0xb8;
	[tilespmem:$0x1FA00] =	vst v63  }
0x10c: {  	_ =	swait.ge [sflag:s24], $0x4000  }
0x10d: {  	[sflag:s24] =	ssyncset.done $0x0  }
0x10e: {  	[sflag:s24] =	ssyncadd.s32 $0xFFFFC000  }
0x10f: {  	[tilespmem:s25], [sflag:$0x1] =	stream.indirect.gather [hbm4b:s5+s23], $0x80, s23, s23, $0xb8;
	[tilespmem:$0x1FA00] =	vst v63  }
0x110: {  	_ = 	snop  }
0x111: {  	[spmem:s1] =	stream.indirect.scatter.add.f32 [tilespmem:s19], [sflag:$0x2], $0x80, s22, s23, $0xb8;
	[tilespmem:$0x1FA00] =	vst v63  }
0x112: {  	_ =	swait.ge [sflag:s20], $0x4000  }
0x113: {  	[sflag:s20] =	ssyncset.done $0x0  }
0x114: {  	[sflag:s20] =	ssyncadd.s32 $0xFFFFC000  }
0x115: {  	[spmem:s2] =	stream.indirect.scatter.add.f32 [tilespmem:s21], [sflag:$0x2], $0x10, s22, s23, $0xb8;
	[tilespmem:$0x1FA00] =	vst v63  }
0x116: {  	_ =	swait.ge [sflag:s20], $0x800  }
0x117: {  	[sflag:s20] =	ssyncset.done $0x0  }
0x118: {  	[sflag:s20] =	ssyncadd.s32 $0xFFFFF800  }
0x119: {  	_ =	swait.ge [sflag:s24], $0x4000  }
0x11a: {  	[sflag:s24] =	ssyncset.done $0x0  }
0x11b: {  	s11 =	rddreg [dreg:$0x7];
	[sflag:s24] =	ssyncadd.s32 $0xFFFFC000  }
0x11c: {  	[tilespmem:s19], [sflag:$0x1] =	stream.indirect.gather [hbm4b:s5+s23], $0x80, s11, s23, $0xb8;
	[tilespmem:$0x1FA00] =	vst v63  }
0x11d: {  	_ = 	snop  }
0x11e: {  	[spmem:s1] =	stream.indirect.scatter.add.f32 [tilespmem:s25], [sflag:$0x2], $0x80, s26, s23, $0xb8;
	[tilespmem:$0x1FA00] =	vst v63  }
0x11f: {  	_ =	swait.ge [sflag:s20], $0x4000  }
0x120: {  	[sflag:s20] =	ssyncset.done $0x0  }
0x121: {  	[sflag:s20] =	ssyncadd.s32 $0xFFFFC000  }
0x122: {  	[spmem:s2] =	stream.indirect.scatter.add.f32 [tilespmem:s21], [sflag:$0x2], $0x10, s26, s23, $0xb8;
	[tilespmem:$0x1FA00] =	vst v63  }
0x123: {  	_ =	swait.ge [sflag:s20], $0x800  }
0x124: {  	[sflag:s20] =	ssyncset.done $0x0  }
0x125: {  	[sflag:s20] =	ssyncadd.s32 $0xFFFFF800  }
0x126: {  	_ =	swait.ge [sflag:s24], $0x4000  }
0x127: {  	[sflag:s24] =	ssyncset.done $0x0  }
0x128: {  	[sflag:s24] =	ssyncadd.s32 $0xFFFFC000  }
0x129: {  	[tilespmem:s25], [sflag:$0x1] =	stream.indirect.gather [hbm4b:s5+s23], $0x80, s28, s23, $0xb8;
	[tilespmem:$0x1FA00] =	vst v63  }
0x12a: {  	_ = 	snop  }
0x12b: {  	[spmem:s1] =	stream.indirect.scatter.add.f32 [tilespmem:s19], [sflag:$0x2], $0x80, s29, s23, $0xb8;
	[tilespmem:$0x1FA00] =	vst v63  }
0x12c: {  	_ =	swait.ge [sflag:s20], $0x4000  }
0x12d: {  	[sflag:s20] =	ssyncset.done $0x0  }
0x12e: {  	[sflag:s20] =	ssyncadd.s32 $0xFFFFC000  }
0x12f: {  	[spmem:s2] =	stream.indirect.scatter.add.f32 [tilespmem:s21], [sflag:$0x2], $0x10, s29, s23, $0xb8;
	[tilespmem:$0x1FA00] =	vst v63  }
0x130: {  	_ =	swait.ge [sflag:s20], $0x800  }
0x131: {  	[sflag:s20] =	ssyncset.done $0x0  }
0x132: {  	[sflag:s20] =	ssyncadd.s32 $0xFFFFF800  }
0x133: {  	_ =	swait.ge [sflag:s24], $0x4000  }
0x134: {  	[sflag:s24] =	ssyncset.done $0x0  }
0x135: {  	[sflag:s24] =	ssyncadd.s32 $0xFFFFC000  }
0x136: {  	[tilespmem:s19], [sflag:$0x1] =	stream.indirect.gather [hbm4b:s5+s23], $0x80, s30, s23, $0xb8;
	[tilespmem:$0x1FA00] =	vst v63  }
0x137: {  	_ = 	snop  }
0x138: {  	[spmem:s1] =	stream.indirect.scatter.add.f32 [tilespmem:s25], [sflag:$0x2], $0x80, s31, s23, $0xb8;
	[tilespmem:$0x1FA00] =	vst v63  }
0x139: {  	_ =	swait.ge [sflag:s20], $0x4000  }
0x13a: {  	[sflag:s20] =	ssyncset.done $0x0  }
0x13b: {  	[sflag:s20] =	ssyncadd.s32 $0xFFFFC000  }
0x13c: {  	[spmem:s2] =	stream.indirect.scatter.add.f32 [tilespmem:s21], [sflag:$0x2], $0x10, s31, s23, $0xb8;
	[tilespmem:$0x1FA00] =	vst v63  }
0x13d: {  	_ =	swait.ge [sflag:s20], $0x800  }
0x13e: {  	[sflag:s20] =	ssyncset.done $0x0  }
0x13f: {  	[sflag:s20] =	ssyncadd.s32 $0xFFFFF800  }
0x140: {  	_ =	swait.ge [sflag:s24], $0x4000  }
0x141: {  	[sflag:s24] =	ssyncset.done $0x0  }
0x142: {  	[sflag:s24] =	ssyncadd.s32 $0xFFFFC000  }
0x143: {  	[tilespmem:s25], [sflag:$0x1] =	stream.indirect.gather [hbm4b:s5+s23], $0x80, s0, s23, $0xb8;
	[tilespmem:$0x1FA00] =	vst v63  }
0x144: {  	_ = 	snop  }
0x145: {  	[spmem:s1] =	stream.indirect.scatter.add.f32 [tilespmem:s19], [sflag:$0x2], $0x80, s4, s23, $0xb8;
	[tilespmem:$0x1FA00] =	vst v63  }
0x146: {  	_ =	swait.ge [sflag:s20], $0x4000  }
0x147: {  	[sflag:s20] =	ssyncset.done $0x0  }
0x148: {  	[sflag:s20] =	ssyncadd.s32 $0xFFFFC000  }
0x149: {  	[spmem:s2] =	stream.indirect.scatter.add.f32 [tilespmem:s21], [sflag:$0x2], $0x10, s4, s23, $0xb8;
	[tilespmem:$0x1FA00] =	vst v63  }
0x14a: {  	_ =	swait.ge [sflag:s20], $0x800  }
0x14b: {  	[sflag:s20] =	ssyncset.done $0x0  }
0x14c: {  	[sflag:s20] =	ssyncadd.s32 $0xFFFFF800  }
0x14d: {  	_ =	swait.ge [sflag:s24], $0x4000  }
0x14e: {  	[sflag:s24] =	ssyncset.done $0x0  }
0x14f: {  	[sflag:s24] =	ssyncadd.s32 $0xFFFFC000  }
0x150: {  	[tilespmem:s19], [sflag:$0x1] =	stream.indirect.gather [hbm4b:s5+s23], $0x80, s7, s23, $0xb8;
	[tilespmem:$0x1FA00] =	vst v63  }
0x151: {  	_ = 	snop  }
0x152: {  	[spmem:s1] =	stream.indirect.scatter.add.f32 [tilespmem:s25], [sflag:$0x2], $0x80, s8, s23, $0xb8;
	[tilespmem:$0x1FA00] =	vst v63  }
0x153: {  	_ =	swait.ge [sflag:s20], $0x4000  }
0x154: {  	[sflag:s20] =	ssyncset.done $0x0  }
0x155: {  	[sflag:s20] =	ssyncadd.s32 $0xFFFFC000  }
0x156: {  	[spmem:s2] =	stream.indirect.scatter.add.f32 [tilespmem:s21], [sflag:$0x2], $0x10, s8, s23, $0xb8;
	[tilespmem:$0x1FA00] =	vst v63  }
0x157: {  	_ =	swait.ge [sflag:s20], $0x800  }
0x158: {  	[sflag:s20] =	ssyncset.done $0x0  }
0x159: {  	[sflag:s20] =	ssyncadd.s32 $0xFFFFF800  }
0x15a: {  	_ =	swait.ge [sflag:s24], $0x4000  }
0x15b: {  	[sflag:s24] =	ssyncset.done $0x0  }
0x15c: {  	[sflag:s24] =	ssyncadd.s32 $0xFFFFC000  }
0x15d: {  	[tilespmem:s25], [sflag:$0x1] =	stream.indirect.gather [hbm4b:s5+s23], $0x80, s9, s23, $0xb8;
	[tilespmem:$0x1FA00] =	vst v63  }
0x15e: {  	_ = 	snop  }
0x15f: {  	[spmem:s1] =	stream.indirect.scatter.add.f32 [tilespmem:s19], [sflag:$0x2], $0x80, s10, s23, $0xb8;
	[tilespmem:$0x1FA00] =	vst v63  }
0x160: {  	_ =	swait.ge [sflag:s20], $0x4000  }
0x161: {  	[sflag:s20] =	ssyncset.done $0x0  }
0x162: {  	[sflag:s20] =	ssyncadd.s32 $0xFFFFC000  }
0x163: {  	[spmem:s2] =	stream.indirect.scatter.add.f32 [tilespmem:s21], [sflag:$0x2], $0x10, s10, s23, $0xb8;
	[tilespmem:$0x1FA00] =	vst v63  }
0x164: {  	_ =	swait.ge [sflag:s20], $0x800  }
0x165: {  	[sflag:s20] =	ssyncset.done $0x0  }
0x166: {  	[sflag:s20] =	ssyncadd.s32 $0xFFFFF800  }
0x167: {  	_ =	swait.ge [sflag:s24], $0x4000  }
0x168: {  	[sflag:s24] =	ssyncset.done $0x0  }
0x169: {  	[sflag:s24] =	ssyncadd.s32 $0xFFFFC000  }
0x16a: {  	[tilespmem:s19], [sflag:$0x1] =	stream.indirect.gather [hbm4b:s5+s23], $0x80, s12, s23, $0xb8;
	[tilespmem:$0x1FA00] =	vst v63  }
0x16b: {  	_ = 	snop  }
0x16c: {  	[spmem:s1] =	stream.indirect.scatter.add.f32 [tilespmem:s25], [sflag:$0x2], $0x80, s13, s23, $0xb8;
	[tilespmem:$0x1FA00] =	vst v63  }
0x16d: {  	_ =	swait.ge [sflag:s20], $0x4000  }
0x16e: {  	[sflag:s20] =	ssyncset.done $0x0  }
0x16f: {  	[sflag:s20] =	ssyncadd.s32 $0xFFFFC000  }
0x170: {  	[spmem:s2] =	stream.indirect.scatter.add.f32 [tilespmem:s21], [sflag:$0x2], $0x10, s13, s23, $0xb8;
	[tilespmem:$0x1FA00] =	vst v63  }
0x171: {  	_ =	swait.ge [sflag:s20], $0x800  }
0x172: {  	[sflag:s20] =	ssyncset.done $0x0  }
0x173: {  	[sflag:s20] =	ssyncadd.s32 $0xFFFFF800  }
0x174: {  	_ =	swait.ge [sflag:s24], $0x4000  }
0x175: {  	[sflag:s24] =	ssyncset.done $0x0  }
0x176: {  	[sflag:s24] =	ssyncadd.s32 $0xFFFFC000  }
0x177: {  	[tilespmem:s25], [sflag:$0x1] =	stream.indirect.gather [hbm4b:s5+s23], $0x80, s14, s23, $0xb8;
	[tilespmem:$0x1FA00] =	vst v63  }
0x178: {  	_ = 	snop  }
0x179: {  	[spmem:s1] =	stream.indirect.scatter.add.f32 [tilespmem:s19], [sflag:$0x2], $0x80, s15, s23, $0xb8;
	[tilespmem:$0x1FA00] =	vst v63  }
0x17a: {  	_ =	swait.ge [sflag:s20], $0x4000  }
0x17b: {  	[sflag:s20] =	ssyncset.done $0x0  }
0x17c: {  	[sflag:s20] =	ssyncadd.s32 $0xFFFFC000  }
0x17d: {  	[spmem:s2] =	stream.indirect.scatter.add.f32 [tilespmem:s21], [sflag:$0x2], $0x10, s15, s23, $0xb8;
	[tilespmem:$0x1FA00] =	vst v63  }
0x17e: {  	_ =	swait.ge [sflag:s20], $0x800  }
0x17f: {  	[sflag:s20] =	ssyncset.done $0x0  }
0x180: {  	[sflag:s20] =	ssyncadd.s32 $0xFFFFF800  }
0x181: {  	_ =	swait.ge [sflag:s24], $0x4000  }
0x182: {  	[sflag:s24] =	ssyncset.done $0x0  }
0x183: {  	p0 =	sne.s32 s18, $0x460;
	[sflag:s24] =	ssyncadd.s32 $0xFFFFC000  }
0x184: {  	[spmem:s1] =	stream.indirect.scatter.add.f32 [tilespmem:s25], [sflag:$0x2], $0x80, s16, s23, $0xb8;
	[tilespmem:$0x1FA00] =	vst v63  }
.Ltmp3:
0x185: {  	_ =	swait.ge [sflag:s20], $0x4000;
	(pc) =	sbr.rel @p0 .LBB2_8-.Ltmp3, $4  }
0x186: {  	[sflag:s20] =	ssyncset.done $0x0  }
0x187: {  	[sflag:s20] =	ssyncadd.s32 $0xFFFFC000  }
0x188: {  	[spmem:s2] =	stream.indirect.scatter.add.f32 [tilespmem:s21], [sflag:$0x2], $0x10, s16, s23, $0xb8;
	[tilespmem:$0x1FA00] =	vst v63  }
0x189: {  	s18 =	sadd.s32 $0xA0, s18;
	_ =	swait.ge [sflag:s20], $0x800  }
0x18a: {  	[sflag:s20] =	ssyncset.done $0x0  }
0x18b: {  	[sflag:s20] =	ssyncadd.s32 $0xFFFFF800  }
0x18c: {  	s6 =	stileid.u32;
	[bflag:$0x0] =	sbarrier.arrive $0xFFFF  }
0x18d: {  	s6 =	sshll.u32 s6, $0x6;
	s11 =	rddreg [dreg:$0x8]  }
0x18e: {  	s6 =	sor.u32 $0x1C02, s6;
	s18 =	rddreg [dreg:$0x13];
	s11 =	sshrl.u32 s11, $0x3  }
0x18f: {  	[hbm:s18], [sflag:s6] =	dma.local [spmem:s11], $0x2800  }
0x190: {  	_ =	swait.ge [sflag:s20], $0x2800  }
0x191: {  	[sflag:s20] =	ssyncset.done $0x0;
	s18 =	rddreg [dreg:$0xd]  }
0x192: {  	[sflag:s20] =	ssyncadd.s32 $0xFFFFD800;
	s11 =	sshrl.u32 s18, $0x3;
	s18 =	rddreg [dreg:$0x14]  }
0x193: {  	[hbm:s18], [sflag:s6] =	dma.local [spmem:s11], $0x500  }
0x194: {  	_ =	swait.ge [sflag:s20], $0x500  }
0x195: {  	s17 =	sadd.s32 $0x1, s17;
	s18 =	rddreg [dreg:$0x12]  }
0x196: {  	p0 =	sne.s32 s17, s18  }
.Ltmp4:
0x197: {  	_ = 	snop;
	(pc) =	sbr.rel @p0 .LBB2_1-.Ltmp4, $3  }
0x198: {  	_ =	sdelay $0x1  }
0x199: {  	[sflag:s20] =	ssyncset.done $0x0  }
0x19a: {  	[sflag:s20] =	ssyncadd.s32 $0xFFFFFB00  }
0x19b: {  	_ =	sfence.sel $0x180000  }
0x19c: {  	[bflag:$0x0] =	sbarrier.arrive $0xFFFF  }
0x19d: {  	_ =	strace $0x90000047  }
0x19e: {  	s0 =	stileid.u32;
	[bflag:$0x2] =	sbarrier.arrive $0xFFFF  }
0x19f: {  	p0 =	sne.s32 s0, $0x0;
	s0 =	rddreg [dreg:$0x4]  }
0x1a0: {  	s0 =	sadd.s32 @!p0 $0x100000, s0  }
0x1a1: {  	[sflag:s0] =	ssyncadd.tile.s32 @!p0 $0x1;
	_ =	shalt  }
.Lfunc_end2:
_tile_overlayer_lowered:
.L_overlay_start_2:
0x1a2: {  	(tag) =	ssettag $0x2  }
0x1a3: {  	s0 =	rddreg [dreg:$0x0];
	s2 =	stileid.u32  }
0x1a4: {  	s1 =	rddreg [dreg:$0x1];
	p0 =	sne.s32 s2, $0x0  }
0x1a5: {  	s3 =	rddreg [dreg:$0x2];
	[bflag:$0x3] =	sbarrier.arrive $0xFFFF;
	s2 =	simm.s32 @!p0 $0x1C02  }
0x1a6: {  	[timem:s3], [sflag:s2] =	dma.local @!p0 [hbm:s0], s1  }
0x1a7: {  	s0 =	simm.s32 @!p0 $0x2  }
0x1a8: {  	_ =	swait.ge @!p0 [sflag:s0], s1  }
0x1a9: {  	s1 =	ssub.s32 @!p0 $0x0, s1;
	[sflag:s0] =	ssyncset.done @!p0 $0x0  }
0x1aa: {  	[sflag:s0] =	ssyncadd.s32 @!p0 s1  }
0x1ab: {  	[bflag:$0x3] =	sbarrier.arrive $0xFFFF  }
0x1ac: {  	_ =	shalt  }

</sc_bundles>
